<compile_context>
chip_gen: v7x
topology: tpu7x:2x2x1
jax: 0.10.2.dev20260603
libtpu: 0.0.44.dev20260713+nightly
codegen_flags: <defaults>
</compile_context>

<pallas_src>
import functools

import jax
import jax.numpy as jnp
from jax import lax
from jax.experimental import pallas as pl
from jax.experimental.pallas import tpu as pltpu
from jax.experimental.pallas import tpu_sc as plsc

N = 10000
E = 160000
D = 256
H = 256
C = 40
Q = 64

NC, NS = 2, 16
NW = NC * NS
NPAD = 10240
RPT = NPAD // NS
B = 128
CH12 = 80
CH3 = 40
BR = 2000

_SC_PARAMS = pltpu.CompilerParams(needs_layout_passes=False,
                                  use_tc_tiling_on_sc=False)


def _sc_mesh():
    return plsc.VectorSubcoreMesh(core_axis_name="c", subcore_axis_name="s")


@functools.partial(
    pl.kernel,
    out_type=jax.ShapeDtypeStruct((NC * NPAD,), jnp.float32),
    mesh=_sc_mesh(),
    compiler_params=_SC_PARAMS,
    scratch_types=[
        pltpu.VMEM((CH3, B), jnp.int32),
        pltpu.VMEM((NPAD,), jnp.float32),
        pltpu.VMEM((RPT,), jnp.float32),
        pltpu.VMEM((RPT,), jnp.float32),
        pltpu.VMEM_SHARED((NS * NPAD,), jnp.float32),
    ],
)
def _deg_kernel(dst_hbm, deg_out, slab, deg_v, tmp_v, acc_v, parts):
    c = lax.axis_index("c")
    s = lax.axis_index("s")
    w = c * NS + s
    zero16 = jnp.zeros((16,), jnp.float32)

    def zbody(i, _):
        deg_v[pl.ds(i * 16, 16)] = zero16
        return 0
    lax.fori_loop(0, NPAD // 16, zbody, 0)

    pltpu.sync_copy(dst_hbm.at[w], slab)
    ones = jnp.ones((16,), jnp.float32)

    def body(i, _):
        for k in range(B // 16):
            idx = slab[i, pl.ds(k * 16, 16)]
            plsc.addupdate_scatter(deg_v, [idx], ones)
        return 0
    lax.fori_loop(0, CH3, body, 0)

    pltpu.sync_copy(deg_v, parts.at[pl.ds(s * NPAD, NPAD)])
    plsc.subcore_barrier()

    def zbody2(i, _):
        acc_v[pl.ds(i * 16, 16)] = zero16
        return 0
    lax.fori_loop(0, RPT // 16, zbody2, 0)

    def rbody(j, _):
        pltpu.sync_copy(parts.at[pl.ds(j * NPAD + s * RPT, RPT)], tmp_v)

        def abody(k, _):
            acc_v[pl.ds(k * 16, 16)] = acc_v[pl.ds(k * 16, 16)] + tmp_v[pl.ds(k * 16, 16)]
            return 0
        lax.fori_loop(0, RPT // 16, abody, 0)
        return 0
    lax.fori_loop(0, NS, rbody, 0)

    pltpu.sync_copy(acc_v, deg_out.at[pl.ds(c * NPAD + s * RPT, RPT)])


def _make_agg(CH, npass):

    @functools.partial(
        pl.kernel,
        out_type=jax.ShapeDtypeStruct((2 * npass * NPAD, Q), jnp.float32),
        mesh=_sc_mesh(),
        compiler_params=_SC_PARAMS,
        scratch_types=[
            [pltpu.VMEM((CH, B), jnp.int32) for _ in range(npass)],
            pltpu.VMEM((CH, B), jnp.int32),
            [pltpu.VMEM((B, Q), jnp.float32) for _ in range(4)],
            pltpu.VMEM((B, Q), jnp.float32),
            pltpu.VMEM_SHARED((NPAD, Q), jnp.float32),
            [pltpu.SemaphoreType.DMA for _ in range(4)],
            [pltpu.SemaphoreType.DMA for _ in range(4)],
        ],
    )
    def agg(p_hbm, *args):
        src_hbms = args[:npass]
        dst_hbm = args[npass]
        out_hbm = args[npass + 1]
        src_vs = args[npass + 2]
        dst_v, rows, zb, acc, gsem, ssem = args[npass + 3:npass + 9]
        c = lax.axis_index("c")
        s = lax.axis_index("s")
        w = c * NS + s
        dw = w if npass == 1 else s
        zero16 = jnp.zeros((16,), jnp.float32)

        def zrow(i, _):
            for k in range(Q // 16):
                zb[i, pl.ds(k * 16, 16)] = zero16
            return 0
        lax.fori_loop(0, B, zrow, 0)

        for k in range(npass):
            pltpu.sync_copy(src_hbms[k].at[w], src_vs[k])
        pltpu.sync_copy(dst_hbm.at[dw], dst_v)

        for k in range(npass):
            src_v = src_vs[k]

            def zacc(j, _):
                pltpu.sync_copy(zb, acc.at[pl.ds(s * RPT + j * B, B)])
                return 0
            lax.fori_loop(0, RPT // B, zacc, 0)
            plsc.subcore_barrier()

            G = CH // 4
            for b in range(4):
                pltpu.async_copy(p_hbm.at[src_v.at[b]], rows[b], gsem[b])

            def step(g, _):
                ch = 4 * g
                for b in range(4):
                    pltpu.make_async_copy(p_hbm.at[src_v.at[ch + b]],
                                          rows[b], gsem[b]).wait()
                    pltpu.async_copy(rows[b], acc.at[dst_v.at[ch + b]],
                                     ssem[b], add=True)

                @pl.when(g < G - 1)
                def _():
                    for b in range(4):
                        pltpu.make_async_copy(rows[b],
                                              acc.at[dst_v.at[ch + b]],
                                              ssem[b]).wait()
                        pltpu.async_copy(p_hbm.at[src_v.at[ch + 4 + b]],
                                         rows[b], gsem[b])
                return 0
            lax.fori_loop(0, G, step, 0)

            for b in range(4):
                pltpu.make_async_copy(rows[b], acc.at[dst_v.at[CH - 4 + b]],
                                      ssem[b]).wait()

            plsc.subcore_barrier()
            qidx = (2 * k + c) if npass > 1 else c
            pltpu.sync_copy(
                acc.at[pl.ds(s * RPT, RPT)],
                out_hbm.at[pl.ds(qidx * NPAD + s * RPT, RPT)])
            if k + 1 < npass:
                plsc.subcore_barrier()
    return agg


_agg12 = _make_agg(CH12, 2)
_agg3 = _make_agg(CH3, 1)


def _store_quarters(o_ref, p):
    for q in range(4):
        o_ref[q, :, :] = p[:, q * Q:(q + 1) * Q]


def _cat_quarters(s_ref):
    return jnp.concatenate([s_ref[q] for q in range(4)], axis=1)


def _tc1_body(x_ref, w_ref, da_ref, db_ref, dinv_ref, p_ref):
    d = lax.rsqrt(da_ref[...] + db_ref[...] + 1.0)
    dinv_ref[...] = d
    h = jnp.dot(x_ref[...], w_ref[...], preferred_element_type=jnp.float32)
    _store_quarters(p_ref, h * d)


def _tc1(x, W1, degA, degB):
    return pl.pallas_call(
        _tc1_body,
        grid=(N // BR,),
        in_specs=[
            pl.BlockSpec((BR, D), lambda r: (r, 0)),
            pl.BlockSpec((D, H), lambda r: (0, 0)),
            pl.BlockSpec((BR, 1), lambda r: (r, 0)),
            pl.BlockSpec((BR, 1), lambda r: (r, 0)),
        ],
        out_specs=[
            pl.BlockSpec((BR, 1), lambda r: (r, 0)),
            pl.BlockSpec((4, BR, Q), lambda r: (0, r, 0)),
        ],
        out_shape=[
            jax.ShapeDtypeStruct((N, 1), jnp.float32),
            jax.ShapeDtypeStruct((4, N, Q), jnp.float32),
        ],
    )(x, W1, degA, degB)


def _tc_mid_body(s_ref, p_ref, dinv_ref, b_ref, gs_ref, be_ref,
                 w_ref, o_ref):
    sc = _cat_quarters(s_ref)
    pc = jnp.concatenate([p_ref[q] for q in range(4)], axis=1)
    d = dinv_ref[...]
    x2 = jnp.maximum((d * (sc + pc) + b_ref[...]) * gs_ref[...] + be_ref[...], 0.0)
    h = jnp.dot(x2, w_ref[...], preferred_element_type=jnp.float32)
    _store_quarters(o_ref, h * d)


def _tc_mid(s1, p1, dinv, b, gs, be, W):
    return pl.pallas_call(
        _tc_mid_body,
        grid=(N // BR,),
        in_specs=[
            pl.BlockSpec((4, BR, Q), lambda r: (0, r, 0)),
            pl.BlockSpec((4, BR, Q), lambda r: (0, r, 0)),
            pl.BlockSpec((BR, 1), lambda r: (r, 0)),
            pl.BlockSpec((1, H), lambda r: (0, 0)),
            pl.BlockSpec((1, H), lambda r: (0, 0)),
            pl.BlockSpec((1, H), lambda r: (0, 0)),
            pl.BlockSpec((H, H), lambda r: (0, 0)),
        ],
        out_specs=pl.BlockSpec((4, BR, Q), lambda r: (0, r, 0)),
        out_shape=jax.ShapeDtypeStruct((4, N, Q), jnp.float32),
    )(s1, p1, dinv, b, gs, be, W)


def _tc3_body(s_ref, p_ref, dinv_ref, b_ref, gs_ref, be_ref,
              w_ref, o_ref):
    sc = _cat_quarters(s_ref)
    pc = jnp.concatenate([p_ref[q] for q in range(4)], axis=1)
    d = dinv_ref[...]
    x3 = jnp.maximum((d * (sc + pc) + b_ref[...]) * gs_ref[...] + be_ref[...], 0.0)
    h = jnp.dot(x3, w_ref[...], preferred_element_type=jnp.float32)
    o_ref[...] = h * d


def _tc3(s2, p2, dinv, b, gs, be, Wp):
    return pl.pallas_call(
        _tc3_body,
        grid=(N // BR,),
        in_specs=[
            pl.BlockSpec((4, BR, Q), lambda r: (0, r, 0)),
            pl.BlockSpec((4, BR, Q), lambda r: (0, r, 0)),
            pl.BlockSpec((BR, 1), lambda r: (r, 0)),
            pl.BlockSpec((1, H), lambda r: (0, 0)),
            pl.BlockSpec((1, H), lambda r: (0, 0)),
            pl.BlockSpec((1, H), lambda r: (0, 0)),
            pl.BlockSpec((H, Q), lambda r: (0, 0)),
        ],
        out_specs=pl.BlockSpec((BR, Q), lambda r: (r, 0)),
        out_shape=jax.ShapeDtypeStruct((N, Q), jnp.float32),
    )(s2, p2, dinv, b, gs, be, Wp)


def _tc4_body(s_ref, p_ref, dinv_ref, b_ref, o_ref):
    d = dinv_ref[...]
    l = d * (s_ref[0] + s_ref[1] + p_ref[...]) + b_ref[...]
    col = lax.broadcasted_iota(jnp.int32, (BR, Q), 1)
    valid = col < C
    lm = jnp.where(valid, l, jnp.float32(-1e30))
    m = jnp.max(lm, axis=1, keepdims=True)
    e = jnp.where(valid, jnp.exp(l - m), 0.0)
    lse = jnp.log(jnp.sum(e, axis=1, keepdims=True))
    o_ref[...] = (l - m - lse)[:, :C]


def _tc4(s3, p3, dinv, b3p):
    return pl.pallas_call(
        _tc4_body,
        grid=(N // BR,),
        in_specs=[
            pl.BlockSpec((2, BR, Q), lambda r: (0, r, 0)),
            pl.BlockSpec((BR, Q), lambda r: (r, 0)),
            pl.BlockSpec((BR, 1), lambda r: (r, 0)),
            pl.BlockSpec((1, Q), lambda r: (0, 0)),
        ],
        out_specs=pl.BlockSpec((BR, C), lambda r: (r, 0)),
        out_shape=jax.ShapeDtypeStruct((N, C), jnp.float32),
    )(s3, p3, dinv, b3p)


def kernel(x, edge_index, W1, b1, g1, be1, W2, b2, g2, be2, W3, b3):
    src = edge_index[0]
    dst = edge_index[1]
    scale = jnp.float32(1.0) / jnp.sqrt(jnp.float32(1.0 + 1e-5))
    gs1 = (g1 * scale).reshape(1, H)
    gs2 = (g2 * scale).reshape(1, H)
    b1r = b1.reshape(1, H)
    b2r = b2.reshape(1, H)
    be1r = be1.reshape(1, H)
    be2r = be2.reshape(1, H)
    W3p = jnp.pad(W3, ((0, 0), (0, Q - C)))
    b3p = jnp.pad(b3, (0, Q - C)).reshape(1, Q)

    s16 = jnp.pad(src.reshape(NS, E // NS), ((0, 0), (0, CH12 * B - E // NS))
                  ).reshape(NS, CH12, B)
    d16 = jnp.pad(dst.reshape(NS, E // NS), ((0, 0), (0, CH12 * B - E // NS)),
                  constant_values=N).reshape(NS, CH12, B)
    srcQ = [jnp.concatenate([s16 + (2 * k) * N, s16 + (2 * k + 1) * N], axis=0)
            for k in range(2)]
    src3 = s16.reshape(NW, CH3, B)
    dst3 = d16.reshape(NW, CH3, B)

    deg = _deg_kernel(dst3)
    degA = deg[:N].reshape(N, 1)
    degB = deg[NPAD:NPAD + N].reshape(N, 1)

    dinv, p1 = _tc1(x, W1, degA, degB)
    p1f = p1.reshape(4 * N, Q)
    s1 = _agg12(p1f, srcQ[0], srcQ[1], d16).reshape(4, NPAD, Q)
    p2 = _tc_mid(s1, p1, dinv, b1r, gs1, be1r, W2)
    p2f = p2.reshape(4 * N, Q)
    s2 = _agg12(p2f, srcQ[0], srcQ[1], d16).reshape(4, NPAD, Q)
    p3 = _tc3(s2, p2, dinv, b2r, gs2, be2r, W3p)
    s3 = _agg3(p3, src3, dst3).reshape(2, NPAD, Q)
    return _tc4(s3, p3, dinv, b3p)

# --- scband reference (transcript-rebuilt; emitter-appended) ---
"""Pipeline reference for scband-net-68848325755464 (READ-ONLY COPY).

The authoritative reference and input builder live on the scoring server;
editing this copy changes nothing except your own understanding.
"""

import jax, jax.numpy as jnp
import numpy as np

N = 10000
E = 160000
D = 256
H = 256
C = 40


def setup_inputs(seed: int = 0) -> dict:
    key = jax.random.key(seed)
    ks = jax.random.split(key, 14)
    x = jax.random.normal(ks[0], (N, D), dtype=jnp.float32)
    edge_index = jax.random.randint(ks[1], (2, E), 0, N, dtype=jnp.int32)
    def glorot(k, fan_in, fan_out):
        lim = jnp.sqrt(6.0 / (fan_in + fan_out))
        return jax.random.uniform(k, (fan_in, fan_out), dtype=jnp.float32, minval=-lim, maxval=lim)
    W1 = glorot(ks[2], D, H)
    b1 = jnp.zeros((H,), dtype=jnp.float32)
    g1 = jnp.ones((H,), dtype=jnp.float32)
    be1 = jnp.zeros((H,), dtype=jnp.float32)
    W2 = glorot(ks[3], H, H)
    b2 = jnp.zeros((H,), dtype=jnp.float32)
    g2 = jnp.ones((H,), dtype=jnp.float32)
    be2 = jnp.zeros((H,), dtype=jnp.float32)
    W3 = glorot(ks[4], H, C)
    b3 = jnp.zeros((C,), dtype=jnp.float32)
    return {"x": x, "edge_index": edge_index, "W1": W1, "b1": b1, "g1": g1, "be1": be1,
            "W2": W2, "b2": b2, "g2": g2, "be2": be2, "W3": W3, "b3": b3}


def _gcn_conv(x, src, dst, W, b):
    # PyG GCNConv with add_self_loops=True and symmetric normalization
    n = x.shape[0]
    loop = jnp.arange(n, dtype=src.dtype)
    s = jnp.concatenate([src, loop])
    d = jnp.concatenate([dst, loop])
    deg = jnp.zeros((n,), dtype=x.dtype).at[d].add(1.0)
    dinv = jnp.where(deg > 0, 1.0 / jnp.sqrt(deg), 0.0)
    norm = dinv[s] * dinv[d]
    h = x @ W
    out = jnp.zeros((n, W.shape[1]), dtype=x.dtype).at[d].add(norm[:, None] * h[s])
    return out + b


def _bn_eval(x, g, be, eps=1e-5):
    # BatchNorm1d in inference mode with running_mean=0, running_var=1
    return (x - 0.0) / jnp.sqrt(1.0 + eps) * g + be


def reference(x, edge_index, W1, b1, g1, be1, W2, b2, g2, be2, W3, b3):
    src = edge_index[0]
    dst = edge_index[1]
    h = _gcn_conv(x, src, dst, W1, b1)
    h = _bn_eval(h, g1, be1)
    h = jax.nn.relu(h)
    # dropout disabled (eval mode)
    h = _gcn_conv(h, src, dst, W2, b2)
    h = _bn_eval(h, g2, be2)
    h = jax.nn.relu(h)
    h = _gcn_conv(h, src, dst, W3, b3)
    return jax.nn.log_softmax(h, axis=-1)

if __name__ == "__main__":
    import jax
    _d = setup_inputs()
    print(jax.jit(kernel)(*tuple(_d.values())))

</pallas_src>

<mosaic_0001>
#map = affine_map<(d0, d1) -> (0, 0)>
#map1 = affine_map<(d0, d1) -> (0, 0, 0)>
module attributes {stable_mosaic.version = 14 : i64} {
  func.func @agg(%arg0: i32, %arg1: i32, %arg2: memref<40000x64xf32, #tpu.memory_space<hbm>>, %arg3: memref<32x80x128xi32, #tpu.memory_space<hbm>>, %arg4: memref<32x80x128xi32, #tpu.memory_space<hbm>>, %arg5: memref<16x80x128xi32, #tpu.memory_space<hbm>>, %arg6: memref<40960x64xf32, #tpu.memory_space<hbm>>, %arg7: memref<80x128xi32, #tpu.memory_space<vmem>>, %arg8: memref<80x128xi32, #tpu.memory_space<vmem>>, %arg9: memref<80x128xi32, #tpu.memory_space<vmem>>, %arg10: memref<128x64xf32, #tpu.memory_space<vmem>>, %arg11: memref<128x64xf32, #tpu.memory_space<vmem>>, %arg12: memref<128x64xf32, #tpu.memory_space<vmem>>, %arg13: memref<128x64xf32, #tpu.memory_space<vmem>>, %arg14: memref<128x64xf32, #tpu.memory_space<vmem>>, %arg15: memref<10240x64xf32, #tpu.memory_space<vmem_shared>>, %arg16: memref<!tpu.dma_semaphore, #tpu.memory_space<semaphore_mem>>, %arg17: memref<!tpu.dma_semaphore, #tpu.memory_space<semaphore_mem>>, %arg18: memref<!tpu.dma_semaphore, #tpu.memory_space<semaphore_mem>>, %arg19: memref<!tpu.dma_semaphore, #tpu.memory_space<semaphore_mem>>, %arg20: memref<!tpu.dma_semaphore, #tpu.memory_space<semaphore_mem>>, %arg21: memref<!tpu.dma_semaphore, #tpu.memory_space<semaphore_mem>>, %arg22: memref<!tpu.dma_semaphore, #tpu.memory_space<semaphore_mem>>, %arg23: memref<!tpu.dma_semaphore, #tpu.memory_space<semaphore_mem>>) attributes {dimension_semantics = [#tpu.dimension_semantics<core_parallel>, #tpu.dimension_semantics<subcore_parallel>], iteration_bounds = array<i64: 2, 16>, scalar_prefetch = 0 : i64, scratch_operands = 17 : i64, tpu.core_type = #tpu.core_type<sc_vector_subcore>, window_params = [{transform_indices = #map}, {transform_indices = #map1}, {transform_indices = #map1}, {transform_indices = #map1}, {transform_indices = #map}]} {
    %mul3A = arith.constant 16 : i32
    %mul3A_0 = arith.muli %arg0, %mul3A : i32
    %add3A = arith.addi %mul3A_0, %arg1 : i32
    %broadcast_in_dim3A = arith.constant 0.000000e+00 : f32
    %broadcast_in_dim3A_1 = vector.broadcast %broadcast_in_dim3A : f32 to vector<16xf32>
    %scan3A = arith.constant 0 : i32
    %scan3A_2 = arith.constant 0 : i32
    %scan3A_3 = arith.constant 128 : i32
    %scan3A_4 = arith.addi %scan3A_2, %scan3A_3 : i32
    %scan3A_5 = arith.constant 1 : i32
    %scan3A_6 = scf.for %scan3A_168 = %scan3A_2 to %scan3A_4 step %scan3A_5 iter_args(%scan3A_169 = %scan3A) -> (i32)  : i32 {
      %swap3A = arith.index_cast %scan3A_168 : i32 to index
      %swap3A_170 = arith.constant 0 : index
      %swap3A_171 = tpu.vector_load %arg14[%swap3A, %swap3A_170] {strides = array<i32>} : memref<128x64xf32, #tpu.memory_space<vmem>>, vector<16xf32>,
      tpu.vector_store %arg14[%swap3A, %swap3A_170], %broadcast_in_dim3A_1 {strides = array<i32>} : memref<128x64xf32, #tpu.memory_space<vmem>>, vector<16xf32>,
      %swap3A_172 = arith.index_cast %scan3A_168 : i32 to index
      %swap3A_173 = arith.constant 16 : index
      %swap3A_174 = tpu.vector_load %arg14[%swap3A_172, %swap3A_173] {strides = array<i32>} : memref<128x64xf32, #tpu.memory_space<vmem>>, vector<16xf32>,
      tpu.vector_store %arg14[%swap3A_172, %swap3A_173], %broadcast_in_dim3A_1 {strides = array<i32>} : memref<128x64xf32, #tpu.memory_space<vmem>>, vector<16xf32>,
      %swap3A_175 = arith.index_cast %scan3A_168 : i32 to index
      %swap3A_176 = arith.constant 32 : index
      %swap3A_177 = tpu.vector_load %arg14[%swap3A_175, %swap3A_176] {strides = array<i32>} : memref<128x64xf32, #tpu.memory_space<vmem>>, vector<16xf32>,
      tpu.vector_store %arg14[%swap3A_175, %swap3A_176], %broadcast_in_dim3A_1 {strides = array<i32>} : memref<128x64xf32, #tpu.memory_space<vmem>>, vector<16xf32>,
      %swap3A_178 = arith.index_cast %scan3A_168 : i32 to index
      %swap3A_179 = arith.constant 48 : index
      %swap3A_180 = tpu.vector_load %arg14[%swap3A_178, %swap3A_179] {strides = array<i32>} : memref<128x64xf32, #tpu.memory_space<vmem>>, vector<16xf32>,
      tpu.vector_store %arg14[%swap3A_178, %swap3A_179], %broadcast_in_dim3A_1 {strides = array<i32>} : memref<128x64xf32, #tpu.memory_space<vmem>>, vector<16xf32>,
      %scan3A_181 = arith.constant 0 : i32
      scf.yield %scan3A_181 : i32
    }
    %scan3A_7 = arith.constant 128 : i32
    "tpu.region"() ({
      %run_scoped3A = tpu.sem_alloc : memref<!tpu.dma_semaphore, #tpu.memory_space<semaphore_mem>>
      %dma_start3A_168 = arith.constant 0 : i32
      %dma_start3A_169 = arith.constant 0 : i32
      %dma_start3A_170 = tpu.memref_slice %arg3[%add3A, %dma_start3A_168, %dma_start3A_169] : memref<32x80x128xi32, #tpu.memory_space<hbm>> -> memref<1x80x128xi32, #tpu.memory_space<hbm>>
      %dma_start3A_171 = tpu.memref_squeeze %dma_start3A_170 : memref<1x80x128xi32, #tpu.memory_space<hbm>> -> memref<80x128xi32, #tpu.memory_space<hbm>>
      %dma_start3A_172 = arith.constant 0 : i32
      %dma_start3A_173 = arith.constant 0 : i32
      %dma_start3A_174 = tpu.memref_slice %arg3[%add3A, %dma_start3A_172, %dma_start3A_173] : memref<32x80x128xi32, #tpu.memory_space<hbm>> -> memref<1x80x128xi32, #tpu.memory_space<hbm>>
      %dma_start3A_175 = tpu.memref_squeeze %dma_start3A_174 : memref<1x80x128xi32, #tpu.memory_space<hbm>> -> memref<80x128xi32, #tpu.memory_space<hbm>>
      tpu.enqueue_dma source(%dma_start3A_175 : memref<80x128xi32, #tpu.memory_space<hbm>>) target(%arg7 : memref<80x128xi32, #tpu.memory_space<vmem>>) target_semaphore(%run_scoped3A : memref<!tpu.dma_semaphore, #tpu.memory_space<semaphore_mem>>)
      %dma_wait3A_176 = arith.constant 0 : i32
      %dma_wait3A_177 = arith.constant 0 : i32
      %dma_wait3A_178 = tpu.memref_slice %arg3[%add3A, %dma_wait3A_176, %dma_wait3A_177] : memref<32x80x128xi32, #tpu.memory_space<hbm>> -> memref<1x80x128xi32, #tpu.memory_space<hbm>>
      %dma_wait3A_179 = tpu.memref_squeeze %dma_wait3A_178 : memref<1x80x128xi32, #tpu.memory_space<hbm>> -> memref<80x128xi32, #tpu.memory_space<hbm>>
      %dma_wait3A_180 = arith.constant 0 : i32
      %dma_wait3A_181 = arith.constant 0 : i32
      %dma_wait3A_182 = tpu.memref_slice %arg3[%add3A, %dma_wait3A_180, %dma_wait3A_181] : memref<32x80x128xi32, #tpu.memory_space<hbm>> -> memref<1x80x128xi32, #tpu.memory_space<hbm>>
      %dma_wait3A_183 = tpu.memref_squeeze %dma_wait3A_182 : memref<1x80x128xi32, #tpu.memory_space<hbm>> -> memref<80x128xi32, #tpu.memory_space<hbm>>
      tpu.wait_dma2 semaphore(%run_scoped3A : memref<!tpu.dma_semaphore, #tpu.memory_space<semaphore_mem>>) src(%dma_wait3A_183 : memref<80x128xi32, #tpu.memory_space<hbm>>) dst(%arg7 : memref<80x128xi32, #tpu.memory_space<vmem>>)
      tpu.yield
    }) : () -> ()
    "tpu.region"() ({
      %run_scoped3A = tpu.sem_alloc : memref<!tpu.dma_semaphore, #tpu.memory_space<semaphore_mem>>
      %dma_start3A_168 = arith.constant 0 : i32
      %dma_start3A_169 = arith.constant 0 : i32
      %dma_start3A_170 = tpu.memref_slice %arg4[%add3A, %dma_start3A_168, %dma_start3A_169] : memref<32x80x128xi32, #tpu.memory_space<hbm>> -> memref<1x80x128xi32, #tpu.memory_space<hbm>>
      %dma_start3A_171 = tpu.memref_squeeze %dma_start3A_170 : memref<1x80x128xi32, #tpu.memory_space<hbm>> -> memref<80x128xi32, #tpu.memory_space<hbm>>
      %dma_start3A_172 = arith.constant 0 : i32
      %dma_start3A_173 = arith.constant 0 : i32
      %dma_start3A_174 = tpu.memref_slice %arg4[%add3A, %dma_start3A_172, %dma_start3A_173] : memref<32x80x128xi32, #tpu.memory_space<hbm>> -> memref<1x80x128xi32, #tpu.memory_space<hbm>>
      %dma_start3A_175 = tpu.memref_squeeze %dma_start3A_174 : memref<1x80x128xi32, #tpu.memory_space<hbm>> -> memref<80x128xi32, #tpu.memory_space<hbm>>
      tpu.enqueue_dma source(%dma_start3A_175 : memref<80x128xi32, #tpu.memory_space<hbm>>) target(%arg8 : memref<80x128xi32, #tpu.memory_space<vmem>>) target_semaphore(%run_scoped3A : memref<!tpu.dma_semaphore, #tpu.memory_space<semaphore_mem>>)
      %dma_wait3A_176 = arith.constant 0 : i32
      %dma_wait3A_177 = arith.constant 0 : i32
      %dma_wait3A_178 = tpu.memref_slice %arg4[%add3A, %dma_wait3A_176, %dma_wait3A_177] : memref<32x80x128xi32, #tpu.memory_space<hbm>> -> memref<1x80x128xi32, #tpu.memory_space<hbm>>
      %dma_wait3A_179 = tpu.memref_squeeze %dma_wait3A_178 : memref<1x80x128xi32, #tpu.memory_space<hbm>> -> memref<80x128xi32, #tpu.memory_space<hbm>>
      %dma_wait3A_180 = arith.constant 0 : i32
      %dma_wait3A_181 = arith.constant 0 : i32
      %dma_wait3A_182 = tpu.memref_slice %arg4[%add3A, %dma_wait3A_180, %dma_wait3A_181] : memref<32x80x128xi32, #tpu.memory_space<hbm>> -> memref<1x80x128xi32, #tpu.memory_space<hbm>>
      %dma_wait3A_183 = tpu.memref_squeeze %dma_wait3A_182 : memref<1x80x128xi32, #tpu.memory_space<hbm>> -> memref<80x128xi32, #tpu.memory_space<hbm>>
      tpu.wait_dma2 semaphore(%run_scoped3A : memref<!tpu.dma_semaphore, #tpu.memory_space<semaphore_mem>>) src(%dma_wait3A_183 : memref<80x128xi32, #tpu.memory_space<hbm>>) dst(%arg8 : memref<80x128xi32, #tpu.memory_space<vmem>>)
      tpu.yield
    }) : () -> ()
    "tpu.region"() ({
      %run_scoped3A = tpu.sem_alloc : memref<!tpu.dma_semaphore, #tpu.memory_space<semaphore_mem>>
      %dma_start3A_168 = arith.constant 0 : i32
      %dma_start3A_169 = arith.constant 0 : i32
      %dma_start3A_170 = tpu.memref_slice %arg5[%arg1, %dma_start3A_168, %dma_start3A_169] : memref<16x80x128xi32, #tpu.memory_space<hbm>> -> memref<1x80x128xi32, #tpu.memory_space<hbm>>
      %dma_start3A_171 = tpu.memref_squeeze %dma_start3A_170 : memref<1x80x128xi32, #tpu.memory_space<hbm>> -> memref<80x128xi32, #tpu.memory_space<hbm>>
      %dma_start3A_172 = arith.constant 0 : i32
      %dma_start3A_173 = arith.constant 0 : i32
      %dma_start3A_174 = tpu.memref_slice %arg5[%arg1, %dma_start3A_172, %dma_start3A_173] : memref<16x80x128xi32, #tpu.memory_space<hbm>> -> memref<1x80x128xi32, #tpu.memory_space<hbm>>
      %dma_start3A_175 = tpu.memref_squeeze %dma_start3A_174 : memref<1x80x128xi32, #tpu.memory_space<hbm>> -> memref<80x128xi32, #tpu.memory_space<hbm>>
      tpu.enqueue_dma source(%dma_start3A_175 : memref<80x128xi32, #tpu.memory_space<hbm>>) target(%arg9 : memref<80x128xi32, #tpu.memory_space<vmem>>) target_semaphore(%run_scoped3A : memref<!tpu.dma_semaphore, #tpu.memory_space<semaphore_mem>>)
      %dma_wait3A_176 = arith.constant 0 : i32
      %dma_wait3A_177 = arith.constant 0 : i32
      %dma_wait3A_178 = tpu.memref_slice %arg5[%arg1, %dma_wait3A_176, %dma_wait3A_177] : memref<16x80x128xi32, #tpu.memory_space<hbm>> -> memref<1x80x128xi32, #tpu.memory_space<hbm>>
      %dma_wait3A_179 = tpu.memref_squeeze %dma_wait3A_178 : memref<1x80x128xi32, #tpu.memory_space<hbm>> -> memref<80x128xi32, #tpu.memory_space<hbm>>
      %dma_wait3A_180 = arith.constant 0 : i32
      %dma_wait3A_181 = arith.constant 0 : i32
      %dma_wait3A_182 = tpu.memref_slice %arg5[%arg1, %dma_wait3A_180, %dma_wait3A_181] : memref<16x80x128xi32, #tpu.memory_space<hbm>> -> memref<1x80x128xi32, #tpu.memory_space<hbm>>
      %dma_wait3A_183 = tpu.memref_squeeze %dma_wait3A_182 : memref<1x80x128xi32, #tpu.memory_space<hbm>> -> memref<80x128xi32, #tpu.memory_space<hbm>>
      tpu.wait_dma2 semaphore(%run_scoped3A : memref<!tpu.dma_semaphore, #tpu.memory_space<semaphore_mem>>) src(%dma_wait3A_183 : memref<80x128xi32, #tpu.memory_space<hbm>>) dst(%arg9 : memref<80x128xi32, #tpu.memory_space<vmem>>)
      tpu.yield
    }) : () -> ()
    %scan3A_8 = arith.constant 0 : i32
    %scan3A_9 = arith.constant 0 : i32
    %scan3A_10 = arith.constant 5 : i32
    %scan3A_11 = arith.addi %scan3A_9, %scan3A_10 : i32
    %scan3A_12 = arith.constant 1 : i32
    %scan3A_13 = scf.for %scan3A_168 = %scan3A_9 to %scan3A_11 step %scan3A_12 iter_args(%scan3A_169 = %scan3A_8) -> (i32)  : i32 {
      %mul3A_170 = arith.constant 640 : i32
      %mul3A_171 = arith.muli %arg1, %mul3A_170 : i32
      %mul3A_172 = arith.constant 128 : i32
      %mul3A_173 = arith.muli %scan3A_168, %mul3A_172 : i32
      %add3A_174 = arith.addi %mul3A_171, %mul3A_173 : i32
      "tpu.region"() ({
        %run_scoped3A = tpu.sem_alloc : memref<!tpu.dma_semaphore, #tpu.memory_space<semaphore_mem>>
        %dma_start3A_176 = arith.constant 0 : i32
        %dma_start3A_177 = tpu.memref_slice %arg15[%add3A_174, %dma_start3A_176] : memref<10240x64xf32, #tpu.memory_space<vmem_shared>> -> memref<128x64xf32, #tpu.memory_space<vmem_shared>>
        %dma_start3A_178 = arith.constant 0 : i32
        %dma_start3A_179 = tpu.memref_slice %arg15[%add3A_174, %dma_start3A_178] : memref<10240x64xf32, #tpu.memory_space<vmem_shared>> -> memref<128x64xf32, #tpu.memory_space<vmem_shared>>
        tpu.enqueue_dma source(%arg14 : memref<128x64xf32, #tpu.memory_space<vmem>>) target(%dma_start3A_179 : memref<128x64xf32, #tpu.memory_space<vmem_shared>>) target_semaphore(%run_scoped3A : memref<!tpu.dma_semaphore, #tpu.memory_space<semaphore_mem>>)
        %dma_wait3A_180 = arith.constant 0 : i32
        %dma_wait3A_181 = tpu.memref_slice %arg15[%add3A_174, %dma_wait3A_180] : memref<10240x64xf32, #tpu.memory_space<vmem_shared>> -> memref<128x64xf32, #tpu.memory_space<vmem_shared>>
        %dma_wait3A_182 = arith.constant 0 : i32
        %dma_wait3A_183 = tpu.memref_slice %arg15[%add3A_174, %dma_wait3A_182] : memref<10240x64xf32, #tpu.memory_space<vmem_shared>> -> memref<128x64xf32, #tpu.memory_space<vmem_shared>>
        tpu.wait_dma2 semaphore(%run_scoped3A : memref<!tpu.dma_semaphore, #tpu.memory_space<semaphore_mem>>) src(%arg14 : memref<128x64xf32, #tpu.memory_space<vmem>>) dst(%dma_wait3A_183 : memref<128x64xf32, #tpu.memory_space<vmem_shared>>)
        tpu.yield
      }) : () -> ()
      %scan3A_175 = arith.constant 0 : i32
      scf.yield %scan3A_175 : i32
    }
    %scan3A_14 = arith.constant 5 : i32
    %barrier3A = arith.constant 0 : index
    tpu.barrier barrier_id(%barrier3A)
    %dma_start3A = arith.constant 0 : i32
    %dma_start3A_15 = arith.constant 0 : i32
    %dma_start3A_16 = tpu.memref_slice %arg7[%dma_start3A, %dma_start3A_15] : memref<80x128xi32, #tpu.memory_space<vmem>> -> memref<1x128xi32, #tpu.memory_space<vmem>>
    %dma_start3A_17 = tpu.memref_squeeze %dma_start3A_16 : memref<1x128xi32, #tpu.memory_space<vmem>> -> memref<128xi32, #tpu.memory_space<vmem>>
    %dma_start3A_18 = arith.constant 0 : i32
    %dma_start3A_19 = arith.constant 0 : i32
    %dma_start3A_20 = tpu.memref_slice %arg2[%dma_start3A_18, %dma_start3A_19] : memref<40000x64xf32, #tpu.memory_space<hbm>> -> memref<40000x64xf32, #tpu.memory_space<hbm>>
    tpu.enqueue_indirect_dma source(%dma_start3A_20 : memref<40000x64xf32, #tpu.memory_space<hbm>>) target(%arg10 : memref<128x64xf32, #tpu.memory_space<vmem>>) offsets(%dma_start3A_17 : memref<128xi32, #tpu.memory_space<vmem>>) semaphore(%arg16 : memref<!tpu.dma_semaphore, #tpu.memory_space<semaphore_mem>>)
    %dma_start3A_21 = arith.constant 1 : i32
    %dma_start3A_22 = arith.constant 0 : i32
    %dma_start3A_23 = tpu.memref_slice %arg7[%dma_start3A_21, %dma_start3A_22] : memref<80x128xi32, #tpu.memory_space<vmem>> -> memref<1x128xi32, #tpu.memory_space<vmem>>
    %dma_start3A_24 = tpu.memref_squeeze %dma_start3A_23 : memref<1x128xi32, #tpu.memory_space<vmem>> -> memref<128xi32, #tpu.memory_space<vmem>>
    %dma_start3A_25 = arith.constant 0 : i32
    %dma_start3A_26 = arith.constant 0 : i32
    %dma_start3A_27 = tpu.memref_slice %arg2[%dma_start3A_25, %dma_start3A_26] : memref<40000x64xf32, #tpu.memory_space<hbm>> -> memref<40000x64xf32, #tpu.memory_space<hbm>>
    tpu.enqueue_indirect_dma source(%dma_start3A_27 : memref<40000x64xf32, #tpu.memory_space<hbm>>) target(%arg11 : memref<128x64xf32, #tpu.memory_space<vmem>>) offsets(%dma_start3A_24 : memref<128xi32, #tpu.memory_space<vmem>>) semaphore(%arg17 : memref<!tpu.dma_semaphore, #tpu.memory_space<semaphore_mem>>)
    %dma_start3A_28 = arith.constant 2 : i32
    %dma_start3A_29 = arith.constant 0 : i32
    %dma_start3A_30 = tpu.memref_slice %arg7[%dma_start3A_28, %dma_start3A_29] : memref<80x128xi32, #tpu.memory_space<vmem>> -> memref<1x128xi32, #tpu.memory_space<vmem>>
    %dma_start3A_31 = tpu.memref_squeeze %dma_start3A_30 : memref<1x128xi32, #tpu.memory_space<vmem>> -> memref<128xi32, #tpu.memory_space<vmem>>
    %dma_start3A_32 = arith.constant 0 : i32
    %dma_start3A_33 = arith.constant 0 : i32
    %dma_start3A_34 = tpu.memref_slice %arg2[%dma_start3A_32, %dma_start3A_33] : memref<40000x64xf32, #tpu.memory_space<hbm>> -> memref<40000x64xf32, #tpu.memory_space<hbm>>
    tpu.enqueue_indirect_dma source(%dma_start3A_34 : memref<40000x64xf32, #tpu.memory_space<hbm>>) target(%arg12 : memref<128x64xf32, #tpu.memory_space<vmem>>) offsets(%dma_start3A_31 : memref<128xi32, #tpu.memory_space<vmem>>) semaphore(%arg18 : memref<!tpu.dma_semaphore, #tpu.memory_space<semaphore_mem>>)
    %dma_start3A_35 = arith.constant 3 : i32
    %dma_start3A_36 = arith.constant 0 : i32
    %dma_start3A_37 = tpu.memref_slice %arg7[%dma_start3A_35, %dma_start3A_36] : memref<80x128xi32, #tpu.memory_space<vmem>> -> memref<1x128xi32, #tpu.memory_space<vmem>>
    %dma_start3A_38 = tpu.memref_squeeze %dma_start3A_37 : memref<1x128xi32, #tpu.memory_space<vmem>> -> memref<128xi32, #tpu.memory_space<vmem>>
    %dma_start3A_39 = arith.constant 0 : i32
    %dma_start3A_40 = arith.constant 0 : i32
    %dma_start3A_41 = tpu.memref_slice %arg2[%dma_start3A_39, %dma_start3A_40] : memref<40000x64xf32, #tpu.memory_space<hbm>> -> memref<40000x64xf32, #tpu.memory_space<hbm>>
    tpu.enqueue_indirect_dma source(%dma_start3A_41 : memref<40000x64xf32, #tpu.memory_space<hbm>>) target(%arg13 : memref<128x64xf32, #tpu.memory_space<vmem>>) offsets(%dma_start3A_38 : memref<128xi32, #tpu.memory_space<vmem>>) semaphore(%arg19 : memref<!tpu.dma_semaphore, #tpu.memory_space<semaphore_mem>>)
    %scan3A_42 = arith.constant 0 : i32
    %scan3A_43 = arith.constant 0 : i32
    %scan3A_44 = arith.constant 20 : i32
    %scan3A_45 = arith.addi %scan3A_43, %scan3A_44 : i32
    %scan3A_46 = arith.constant 1 : i32
    %scan3A_47 = scf.for %scan3A_168 = %scan3A_43 to %scan3A_45 step %scan3A_46 iter_args(%scan3A_169 = %scan3A_42) -> (i32)  : i32 {
      %mul3A_170 = arith.constant 4 : i32
      %mul3A_171 = arith.muli %mul3A_170, %scan3A_168 : i32
      %add3A_172 = arith.constant 0 : i32
      %add3A_173 = arith.addi %mul3A_171, %add3A_172 : i32
      %dma_wait3A_174 = arith.constant 0 : i32
      %dma_wait3A_175 = tpu.memref_slice %arg7[%add3A_173, %dma_wait3A_174] : memref<80x128xi32, #tpu.memory_space<vmem>> -> memref<1x128xi32, #tpu.memory_space<vmem>>
      %dma_wait3A_176 = tpu.memref_squeeze %dma_wait3A_175 : memref<1x128xi32, #tpu.memory_space<vmem>> -> memref<128xi32, #tpu.memory_space<vmem>>
      %dma_wait3A_177 = arith.constant 0 : i32
      %dma_wait3A_178 = arith.constant 0 : i32
      %dma_wait3A_179 = tpu.memref_slice %arg2[%dma_wait3A_177, %dma_wait3A_178] : memref<40000x64xf32, #tpu.memory_space<hbm>> -> memref<40000x64xf32, #tpu.memory_space<hbm>>
      tpu.wait_indirect_dma semaphore(%arg16 : memref<!tpu.dma_semaphore, #tpu.memory_space<semaphore_mem>>) src(%dma_wait3A_179 : memref<40000x64xf32, #tpu.memory_space<hbm>>) dst(%arg10 : memref<128x64xf32, #tpu.memory_space<vmem>>)
      %add3A_180 = arith.constant 0 : i32
      %add3A_181 = arith.addi %mul3A_171, %add3A_180 : i32
      %dma_start3A_182 = arith.constant 0 : i32
      %dma_start3A_183 = tpu.memref_slice %arg9[%add3A_181, %dma_start3A_182] : memref<80x128xi32, #tpu.memory_space<vmem>> -> memref<1x128xi32, #tpu.memory_space<vmem>>
      %dma_start3A_184 = tpu.memref_squeeze %dma_start3A_183 : memref<1x128xi32, #tpu.memory_space<vmem>> -> memref<128xi32, #tpu.memory_space<vmem>>
      %dma_start3A_185 = arith.constant 0 : i32
      %dma_start3A_186 = arith.constant 0 : i32
      %dma_start3A_187 = tpu.memref_slice %arg15[%dma_start3A_185, %dma_start3A_186] : memref<10240x64xf32, #tpu.memory_space<vmem_shared>> -> memref<10240x64xf32, #tpu.memory_space<vmem_shared>>
      tpu.enqueue_indirect_dma source(%arg10 : memref<128x64xf32, #tpu.memory_space<vmem>>) target(%dma_start3A_187 : memref<10240x64xf32, #tpu.memory_space<vmem_shared>>) offsets(%dma_start3A_184 : memref<128xi32, #tpu.memory_space<vmem>>) semaphore(%arg20 : memref<!tpu.dma_semaphore, #tpu.memory_space<semaphore_mem>>) {add = true}
      %add3A_188 = arith.constant 1 : i32
      %add3A_189 = arith.addi %mul3A_171, %add3A_188 : i32
      %dma_wait3A_190 = arith.constant 0 : i32
      %dma_wait3A_191 = tpu.memref_slice %arg7[%add3A_189, %dma_wait3A_190] : memref<80x128xi32, #tpu.memory_space<vmem>> -> memref<1x128xi32, #tpu.memory_space<vmem>>
      %dma_wait3A_192 = tpu.memref_squeeze %dma_wait3A_191 : memref<1x128xi32, #tpu.memory_space<vmem>> -> memref<128xi32, #tpu.memory_space<vmem>>
      %dma_wait3A_193 = arith.constant 0 : i32
      %dma_wait3A_194 = arith.constant 0 : i32
      %dma_wait3A_195 = tpu.memref_slice %arg2[%dma_wait3A_193, %dma_wait3A_194] : memref<40000x64xf32, #tpu.memory_space<hbm>> -> memref<40000x64xf32, #tpu.memory_space<hbm>>
      tpu.wait_indirect_dma semaphore(%arg17 : memref<!tpu.dma_semaphore, #tpu.memory_space<semaphore_mem>>) src(%dma_wait3A_195 : memref<40000x64xf32, #tpu.memory_space<hbm>>) dst(%arg11 : memref<128x64xf32, #tpu.memory_space<vmem>>)
      %add3A_196 = arith.constant 1 : i32
      %add3A_197 = arith.addi %mul3A_171, %add3A_196 : i32
      %dma_start3A_198 = arith.constant 0 : i32
      %dma_start3A_199 = tpu.memref_slice %arg9[%add3A_197, %dma_start3A_198] : memref<80x128xi32, #tpu.memory_space<vmem>> -> memref<1x128xi32, #tpu.memory_space<vmem>>
      %dma_start3A_200 = tpu.memref_squeeze %dma_start3A_199 : memref<1x128xi32, #tpu.memory_space<vmem>> -> memref<128xi32, #tpu.memory_space<vmem>>
      %dma_start3A_201 = arith.constant 0 : i32
      %dma_start3A_202 = arith.constant 0 : i32
      %dma_start3A_203 = tpu.memref_slice %arg15[%dma_start3A_201, %dma_start3A_202] : memref<10240x64xf32, #tpu.memory_space<vmem_shared>> -> memref<10240x64xf32, #tpu.memory_space<vmem_shared>>
      tpu.enqueue_indirect_dma source(%arg11 : memref<128x64xf32, #tpu.memory_space<vmem>>) target(%dma_start3A_203 : memref<10240x64xf32, #tpu.memory_space<vmem_shared>>) offsets(%dma_start3A_200 : memref<128xi32, #tpu.memory_space<vmem>>) semaphore(%arg21 : memref<!tpu.dma_semaphore, #tpu.memory_space<semaphore_mem>>) {add = true}
      %add3A_204 = arith.constant 2 : i32
      %add3A_205 = arith.addi %mul3A_171, %add3A_204 : i32
      %dma_wait3A_206 = arith.constant 0 : i32
      %dma_wait3A_207 = tpu.memref_slice %arg7[%add3A_205, %dma_wait3A_206] : memref<80x128xi32, #tpu.memory_space<vmem>> -> memref<1x128xi32, #tpu.memory_space<vmem>>
      %dma_wait3A_208 = tpu.memref_squeeze %dma_wait3A_207 : memref<1x128xi32, #tpu.memory_space<vmem>> -> memref<128xi32, #tpu.memory_space<vmem>>
      %dma_wait3A_209 = arith.constant 0 : i32
      %dma_wait3A_210 = arith.constant 0 : i32
      %dma_wait3A_211 = tpu.memref_slice %arg2[%dma_wait3A_209, %dma_wait3A_210] : memref<40000x64xf32, #tpu.memory_space<hbm>> -> memref<40000x64xf32, #tpu.memory_space<hbm>>
      tpu.wait_indirect_dma semaphore(%arg18 : memref<!tpu.dma_semaphore, #tpu.memory_space<semaphore_mem>>) src(%dma_wait3A_211 : memref<40000x64xf32, #tpu.memory_space<hbm>>) dst(%arg12 : memref<128x64xf32, #tpu.memory_space<vmem>>)
      %add3A_212 = arith.constant 2 : i32
      %add3A_213 = arith.addi %mul3A_171, %add3A_212 : i32
      %dma_start3A_214 = arith.constant 0 : i32
      %dma_start3A_215 = tpu.memref_slice %arg9[%add3A_213, %dma_start3A_214] : memref<80x128xi32, #tpu.memory_space<vmem>> -> memref<1x128xi32, #tpu.memory_space<vmem>>
      %dma_start3A_216 = tpu.memref_squeeze %dma_start3A_215 : memref<1x128xi32, #tpu.memory_space<vmem>> -> memref<128xi32, #tpu.memory_space<vmem>>
      %dma_start3A_217 = arith.constant 0 : i32
      %dma_start3A_218 = arith.constant 0 : i32
      %dma_start3A_219 = tpu.memref_slice %arg15[%dma_start3A_217, %dma_start3A_218] : memref<10240x64xf32, #tpu.memory_space<vmem_shared>> -> memref<10240x64xf32, #tpu.memory_space<vmem_shared>>
      tpu.enqueue_indirect_dma source(%arg12 : memref<128x64xf32, #tpu.memory_space<vmem>>) target(%dma_start3A_219 : memref<10240x64xf32, #tpu.memory_space<vmem_shared>>) offsets(%dma_start3A_216 : memref<128xi32, #tpu.memory_space<vmem>>) semaphore(%arg22 : memref<!tpu.dma_semaphore, #tpu.memory_space<semaphore_mem>>) {add = true}
      %add3A_220 = arith.constant 3 : i32
      %add3A_221 = arith.addi %mul3A_171, %add3A_220 : i32
      %dma_wait3A_222 = arith.constant 0 : i32
      %dma_wait3A_223 = tpu.memref_slice %arg7[%add3A_221, %dma_wait3A_222] : memref<80x128xi32, #tpu.memory_space<vmem>> -> memref<1x128xi32, #tpu.memory_space<vmem>>
      %dma_wait3A_224 = tpu.memref_squeeze %dma_wait3A_223 : memref<1x128xi32, #tpu.memory_space<vmem>> -> memref<128xi32, #tpu.memory_space<vmem>>
      %dma_wait3A_225 = arith.constant 0 : i32
      %dma_wait3A_226 = arith.constant 0 : i32
      %dma_wait3A_227 = tpu.memref_slice %arg2[%dma_wait3A_225, %dma_wait3A_226] : memref<40000x64xf32, #tpu.memory_space<hbm>> -> memref<40000x64xf32, #tpu.memory_space<hbm>>
      tpu.wait_indirect_dma semaphore(%arg19 : memref<!tpu.dma_semaphore, #tpu.memory_space<semaphore_mem>>) src(%dma_wait3A_227 : memref<40000x64xf32, #tpu.memory_space<hbm>>) dst(%arg13 : memref<128x64xf32, #tpu.memory_space<vmem>>)
      %add3A_228 = arith.constant 3 : i32
      %add3A_229 = arith.addi %mul3A_171, %add3A_228 : i32
      %dma_start3A_230 = arith.constant 0 : i32
      %dma_start3A_231 = tpu.memref_slice %arg9[%add3A_229, %dma_start3A_230] : memref<80x128xi32, #tpu.memory_space<vmem>> -> memref<1x128xi32, #tpu.memory_space<vmem>>
      %dma_start3A_232 = tpu.memref_squeeze %dma_start3A_231 : memref<1x128xi32, #tpu.memory_space<vmem>> -> memref<128xi32, #tpu.memory_space<vmem>>
      %dma_start3A_233 = arith.constant 0 : i32
      %dma_start3A_234 = arith.constant 0 : i32
      %dma_start3A_235 = tpu.memref_slice %arg15[%dma_start3A_233, %dma_start3A_234] : memref<10240x64xf32, #tpu.memory_space<vmem_shared>> -> memref<10240x64xf32, #tpu.memory_space<vmem_shared>>
      tpu.enqueue_indirect_dma source(%arg13 : memref<128x64xf32, #tpu.memory_space<vmem>>) target(%dma_start3A_235 : memref<10240x64xf32, #tpu.memory_space<vmem_shared>>) offsets(%dma_start3A_232 : memref<128xi32, #tpu.memory_space<vmem>>) semaphore(%arg23 : memref<!tpu.dma_semaphore, #tpu.memory_space<semaphore_mem>>) {add = true}
      %lt3A = arith.constant 19 : i32
      %lt3A_236 = arith.cmpi slt, %scan3A_168, %lt3A : i32
      %convert_element_type3A = arith.extui %lt3A_236 : i1 to i32
      %cond3A = arith.constant 0 : i32
      %cond3A_237 = arith.cmpi ne, %convert_element_type3A, %cond3A : i32
      scf.if %cond3A_237 {
        %add3A_239 = arith.constant 0 : i32
        %add3A_240 = arith.addi %mul3A_171, %add3A_239 : i32
        %dma_wait3A_241 = arith.constant 0 : i32
        %dma_wait3A_242 = tpu.memref_slice %arg9[%add3A_240, %dma_wait3A_241] : memref<80x128xi32, #tpu.memory_space<vmem>> -> memref<1x128xi32, #tpu.memory_space<vmem>>
        %dma_wait3A_243 = tpu.memref_squeeze %dma_wait3A_242 : memref<1x128xi32, #tpu.memory_space<vmem>> -> memref<128xi32, #tpu.memory_space<vmem>>
        %dma_wait3A_244 = arith.constant 0 : i32
        %dma_wait3A_245 = arith.constant 0 : i32
        %dma_wait3A_246 = tpu.memref_slice %arg15[%dma_wait3A_244, %dma_wait3A_245] : memref<10240x64xf32, #tpu.memory_space<vmem_shared>> -> memref<10240x64xf32, #tpu.memory_space<vmem_shared>>
        tpu.wait_indirect_dma semaphore(%arg20 : memref<!tpu.dma_semaphore, #tpu.memory_space<semaphore_mem>>) src(%arg10 : memref<128x64xf32, #tpu.memory_space<vmem>>) dst(%dma_wait3A_246 : memref<10240x64xf32, #tpu.memory_space<vmem_shared>>)
        %add3A_247 = arith.constant 4 : i32
        %add3A_248 = arith.addi %mul3A_171, %add3A_247 : i32
        %add3A_249 = arith.constant 0 : i32
        %add3A_250 = arith.addi %add3A_248, %add3A_249 : i32
        %dma_start3A_251 = arith.constant 0 : i32
        %dma_start3A_252 = tpu.memref_slice %arg7[%add3A_250, %dma_start3A_251] : memref<80x128xi32, #tpu.memory_space<vmem>> -> memref<1x128xi32, #tpu.memory_space<vmem>>
        %dma_start3A_253 = tpu.memref_squeeze %dma_start3A_252 : memref<1x128xi32, #tpu.memory_space<vmem>> -> memref<128xi32, #tpu.memory_space<vmem>>
        %dma_start3A_254 = arith.constant 0 : i32
        %dma_start3A_255 = arith.constant 0 : i32
        %dma_start3A_256 = tpu.memref_slice %arg2[%dma_start3A_254, %dma_start3A_255] : memref<40000x64xf32, #tpu.memory_space<hbm>> -> memref<40000x64xf32, #tpu.memory_space<hbm>>
        tpu.enqueue_indirect_dma source(%dma_start3A_256 : memref<40000x64xf32, #tpu.memory_space<hbm>>) target(%arg10 : memref<128x64xf32, #tpu.memory_space<vmem>>) offsets(%dma_start3A_253 : memref<128xi32, #tpu.memory_space<vmem>>) semaphore(%arg16 : memref<!tpu.dma_semaphore, #tpu.memory_space<semaphore_mem>>)
        %add3A_257 = arith.constant 1 : i32
        %add3A_258 = arith.addi %mul3A_171, %add3A_257 : i32
        %dma_wait3A_259 = arith.constant 0 : i32
        %dma_wait3A_260 = tpu.memref_slice %arg9[%add3A_258, %dma_wait3A_259] : memref<80x128xi32, #tpu.memory_space<vmem>> -> memref<1x128xi32, #tpu.memory_space<vmem>>
        %dma_wait3A_261 = tpu.memref_squeeze %dma_wait3A_260 : memref<1x128xi32, #tpu.memory_space<vmem>> -> memref<128xi32, #tpu.memory_space<vmem>>
        %dma_wait3A_262 = arith.constant 0 : i32
        %dma_wait3A_263 = arith.constant 0 : i32
        %dma_wait3A_264 = tpu.memref_slice %arg15[%dma_wait3A_262, %dma_wait3A_263] : memref<10240x64xf32, #tpu.memory_space<vmem_shared>> -> memref<10240x64xf32, #tpu.memory_space<vmem_shared>>
        tpu.wait_indirect_dma semaphore(%arg21 : memref<!tpu.dma_semaphore, #tpu.memory_space<semaphore_mem>>) src(%arg11 : memref<128x64xf32, #tpu.memory_space<vmem>>) dst(%dma_wait3A_264 : memref<10240x64xf32, #tpu.memory_space<vmem_shared>>)
        %add3A_265 = arith.constant 4 : i32
        %add3A_266 = arith.addi %mul3A_171, %add3A_265 : i32
        %add3A_267 = arith.constant 1 : i32
        %add3A_268 = arith.addi %add3A_266, %add3A_267 : i32
        %dma_start3A_269 = arith.constant 0 : i32
        %dma_start3A_270 = tpu.memref_slice %arg7[%add3A_268, %dma_start3A_269] : memref<80x128xi32, #tpu.memory_space<vmem>> -> memref<1x128xi32, #tpu.memory_space<vmem>>
        %dma_start3A_271 = tpu.memref_squeeze %dma_start3A_270 : memref<1x128xi32, #tpu.memory_space<vmem>> -> memref<128xi32, #tpu.memory_space<vmem>>
        %dma_start3A_272 = arith.constant 0 : i32
        %dma_start3A_273 = arith.constant 0 : i32
        %dma_start3A_274 = tpu.memref_slice %arg2[%dma_start3A_272, %dma_start3A_273] : memref<40000x64xf32, #tpu.memory_space<hbm>> -> memref<40000x64xf32, #tpu.memory_space<hbm>>
        tpu.enqueue_indirect_dma source(%dma_start3A_274 : memref<40000x64xf32, #tpu.memory_space<hbm>>) target(%arg11 : memref<128x64xf32, #tpu.memory_space<vmem>>) offsets(%dma_start3A_271 : memref<128xi32, #tpu.memory_space<vmem>>) semaphore(%arg17 : memref<!tpu.dma_semaphore, #tpu.memory_space<semaphore_mem>>)
        %add3A_275 = arith.constant 2 : i32
        %add3A_276 = arith.addi %mul3A_171, %add3A_275 : i32
        %dma_wait3A_277 = arith.constant 0 : i32
        %dma_wait3A_278 = tpu.memref_slice %arg9[%add3A_276, %dma_wait3A_277] : memref<80x128xi32, #tpu.memory_space<vmem>> -> memref<1x128xi32, #tpu.memory_space<vmem>>
        %dma_wait3A_279 = tpu.memref_squeeze %dma_wait3A_278 : memref<1x128xi32, #tpu.memory_space<vmem>> -> memref<128xi32, #tpu.memory_space<vmem>>
        %dma_wait3A_280 = arith.constant 0 : i32
        %dma_wait3A_281 = arith.constant 0 : i32
        %dma_wait3A_282 = tpu.memref_slice %arg15[%dma_wait3A_280, %dma_wait3A_281] : memref<10240x64xf32, #tpu.memory_space<vmem_shared>> -> memref<10240x64xf32, #tpu.memory_space<vmem_shared>>
        tpu.wait_indirect_dma semaphore(%arg22 : memref<!tpu.dma_semaphore, #tpu.memory_space<semaphore_mem>>) src(%arg12 : memref<128x64xf32, #tpu.memory_space<vmem>>) dst(%dma_wait3A_282 : memref<10240x64xf32, #tpu.memory_space<vmem_shared>>)
        %add3A_283 = arith.constant 4 : i32
        %add3A_284 = arith.addi %mul3A_171, %add3A_283 : i32
        %add3A_285 = arith.constant 2 : i32
        %add3A_286 = arith.addi %add3A_284, %add3A_285 : i32
        %dma_start3A_287 = arith.constant 0 : i32
        %dma_start3A_288 = tpu.memref_slice %arg7[%add3A_286, %dma_start3A_287] : memref<80x128xi32, #tpu.memory_space<vmem>> -> memref<1x128xi32, #tpu.memory_space<vmem>>
        %dma_start3A_289 = tpu.memref_squeeze %dma_start3A_288 : memref<1x128xi32, #tpu.memory_space<vmem>> -> memref<128xi32, #tpu.memory_space<vmem>>
        %dma_start3A_290 = arith.constant 0 : i32
        %dma_start3A_291 = arith.constant 0 : i32
        %dma_start3A_292 = tpu.memref_slice %arg2[%dma_start3A_290, %dma_start3A_291] : memref<40000x64xf32, #tpu.memory_space<hbm>> -> memref<40000x64xf32, #tpu.memory_space<hbm>>
        tpu.enqueue_indirect_dma source(%dma_start3A_292 : memref<40000x64xf32, #tpu.memory_space<hbm>>) target(%arg12 : memref<128x64xf32, #tpu.memory_space<vmem>>) offsets(%dma_start3A_289 : memref<128xi32, #tpu.memory_space<vmem>>) semaphore(%arg18 : memref<!tpu.dma_semaphore, #tpu.memory_space<semaphore_mem>>)
        %add3A_293 = arith.constant 3 : i32
        %add3A_294 = arith.addi %mul3A_171, %add3A_293 : i32
        %dma_wait3A_295 = arith.constant 0 : i32
        %dma_wait3A_296 = tpu.memref_slice %arg9[%add3A_294, %dma_wait3A_295] : memref<80x128xi32, #tpu.memory_space<vmem>> -> memref<1x128xi32, #tpu.memory_space<vmem>>
        %dma_wait3A_297 = tpu.memref_squeeze %dma_wait3A_296 : memref<1x128xi32, #tpu.memory_space<vmem>> -> memref<128xi32, #tpu.memory_space<vmem>>
        %dma_wait3A_298 = arith.constant 0 : i32
        %dma_wait3A_299 = arith.constant 0 : i32
        %dma_wait3A_300 = tpu.memref_slice %arg15[%dma_wait3A_298, %dma_wait3A_299] : memref<10240x64xf32, #tpu.memory_space<vmem_shared>> -> memref<10240x64xf32, #tpu.memory_space<vmem_shared>>
        tpu.wait_indirect_dma semaphore(%arg23 : memref<!tpu.dma_semaphore, #tpu.memory_space<semaphore_mem>>) src(%arg13 : memref<128x64xf32, #tpu.memory_space<vmem>>) dst(%dma_wait3A_300 : memref<10240x64xf32, #tpu.memory_space<vmem_shared>>)
        %add3A_301 = arith.constant 4 : i32
        %add3A_302 = arith.addi %mul3A_171, %add3A_301 : i32
        %add3A_303 = arith.constant 3 : i32
        %add3A_304 = arith.addi %add3A_302, %add3A_303 : i32
        %dma_start3A_305 = arith.constant 0 : i32
        %dma_start3A_306 = tpu.memref_slice %arg7[%add3A_304, %dma_start3A_305] : memref<80x128xi32, #tpu.memory_space<vmem>> -> memref<1x128xi32, #tpu.memory_space<vmem>>
        %dma_start3A_307 = tpu.memref_squeeze %dma_start3A_306 : memref<1x128xi32, #tpu.memory_space<vmem>> -> memref<128xi32, #tpu.memory_space<vmem>>
        %dma_start3A_308 = arith.constant 0 : i32
        %dma_start3A_309 = arith.constant 0 : i32
        %dma_start3A_310 = tpu.memref_slice %arg2[%dma_start3A_308, %dma_start3A_309] : memref<40000x64xf32, #tpu.memory_space<hbm>> -> memref<40000x64xf32, #tpu.memory_space<hbm>>
        tpu.enqueue_indirect_dma source(%dma_start3A_310 : memref<40000x64xf32, #tpu.memory_space<hbm>>) target(%arg13 : memref<128x64xf32, #tpu.memory_space<vmem>>) offsets(%dma_start3A_307 : memref<128xi32, #tpu.memory_space<vmem>>) semaphore(%arg19 : memref<!tpu.dma_semaphore, #tpu.memory_space<semaphore_mem>>)
      } else {
      }
      %scan3A_238 = arith.constant 0 : i32
      scf.yield %scan3A_238 : i32
    }
    %scan3A_48 = arith.constant 20 : i32
    %dma_wait3A = arith.constant 76 : i32
    %dma_wait3A_49 = arith.constant 0 : i32
    %dma_wait3A_50 = tpu.memref_slice %arg9[%dma_wait3A, %dma_wait3A_49] : memref<80x128xi32, #tpu.memory_space<vmem>> -> memref<1x128xi32, #tpu.memory_space<vmem>>
    %dma_wait3A_51 = tpu.memref_squeeze %dma_wait3A_50 : memref<1x128xi32, #tpu.memory_space<vmem>> -> memref<128xi32, #tpu.memory_space<vmem>>
    %dma_wait3A_52 = arith.constant 0 : i32
    %dma_wait3A_53 = arith.constant 0 : i32
    %dma_wait3A_54 = tpu.memref_slice %arg15[%dma_wait3A_52, %dma_wait3A_53] : memref<10240x64xf32, #tpu.memory_space<vmem_shared>> -> memref<10240x64xf32, #tpu.memory_space<vmem_shared>>
    tpu.wait_indirect_dma semaphore(%arg20 : memref<!tpu.dma_semaphore, #tpu.memory_space<semaphore_mem>>) src(%arg10 : memref<128x64xf32, #tpu.memory_space<vmem>>) dst(%dma_wait3A_54 : memref<10240x64xf32, #tpu.memory_space<vmem_shared>>)
    %dma_wait3A_55 = arith.constant 77 : i32
    %dma_wait3A_56 = arith.constant 0 : i32
    %dma_wait3A_57 = tpu.memref_slice %arg9[%dma_wait3A_55, %dma_wait3A_56] : memref<80x128xi32, #tpu.memory_space<vmem>> -> memref<1x128xi32, #tpu.memory_space<vmem>>
    %dma_wait3A_58 = tpu.memref_squeeze %dma_wait3A_57 : memref<1x128xi32, #tpu.memory_space<vmem>> -> memref<128xi32, #tpu.memory_space<vmem>>
    %dma_wait3A_59 = arith.constant 0 : i32
    %dma_wait3A_60 = arith.constant 0 : i32
    %dma_wait3A_61 = tpu.memref_slice %arg15[%dma_wait3A_59, %dma_wait3A_60] : memref<10240x64xf32, #tpu.memory_space<vmem_shared>> -> memref<10240x64xf32, #tpu.memory_space<vmem_shared>>
    tpu.wait_indirect_dma semaphore(%arg21 : memref<!tpu.dma_semaphore, #tpu.memory_space<semaphore_mem>>) src(%arg11 : memref<128x64xf32, #tpu.memory_space<vmem>>) dst(%dma_wait3A_61 : memref<10240x64xf32, #tpu.memory_space<vmem_shared>>)
    %dma_wait3A_62 = arith.constant 78 : i32
    %dma_wait3A_63 = arith.constant 0 : i32
    %dma_wait3A_64 = tpu.memref_slice %arg9[%dma_wait3A_62, %dma_wait3A_63] : memref<80x128xi32, #tpu.memory_space<vmem>> -> memref<1x128xi32, #tpu.memory_space<vmem>>
    %dma_wait3A_65 = tpu.memref_squeeze %dma_wait3A_64 : memref<1x128xi32, #tpu.memory_space<vmem>> -> memref<128xi32, #tpu.memory_space<vmem>>
    %dma_wait3A_66 = arith.constant 0 : i32
    %dma_wait3A_67 = arith.constant 0 : i32
    %dma_wait3A_68 = tpu.memref_slice %arg15[%dma_wait3A_66, %dma_wait3A_67] : memref<10240x64xf32, #tpu.memory_space<vmem_shared>> -> memref<10240x64xf32, #tpu.memory_space<vmem_shared>>
    tpu.wait_indirect_dma semaphore(%arg22 : memref<!tpu.dma_semaphore, #tpu.memory_space<semaphore_mem>>) src(%arg12 : memref<128x64xf32, #tpu.memory_space<vmem>>) dst(%dma_wait3A_68 : memref<10240x64xf32, #tpu.memory_space<vmem_shared>>)
    %dma_wait3A_69 = arith.constant 79 : i32
    %dma_wait3A_70 = arith.constant 0 : i32
    %dma_wait3A_71 = tpu.memref_slice %arg9[%dma_wait3A_69, %dma_wait3A_70] : memref<80x128xi32, #tpu.memory_space<vmem>> -> memref<1x128xi32, #tpu.memory_space<vmem>>
    %dma_wait3A_72 = tpu.memref_squeeze %dma_wait3A_71 : memref<1x128xi32, #tpu.memory_space<vmem>> -> memref<128xi32, #tpu.memory_space<vmem>>
    %dma_wait3A_73 = arith.constant 0 : i32
    %dma_wait3A_74 = arith.constant 0 : i32
    %dma_wait3A_75 = tpu.memref_slice %arg15[%dma_wait3A_73, %dma_wait3A_74] : memref<10240x64xf32, #tpu.memory_space<vmem_shared>> -> memref<10240x64xf32, #tpu.memory_space<vmem_shared>>
    tpu.wait_indirect_dma semaphore(%arg23 : memref<!tpu.dma_semaphore, #tpu.memory_space<semaphore_mem>>) src(%arg13 : memref<128x64xf32, #tpu.memory_space<vmem>>) dst(%dma_wait3A_75 : memref<10240x64xf32, #tpu.memory_space<vmem_shared>>)
    %barrier3A_76 = arith.constant 0 : index
    tpu.barrier barrier_id(%barrier3A_76)
    %add3A_77 = arith.constant 0 : i32
    %add3A_78 = arith.addi %add3A_77, %arg0 : i32
    %mul3A_79 = arith.constant 640 : i32
    %mul3A_80 = arith.muli %arg1, %mul3A_79 : i32
    %mul3A_81 = arith.constant 10240 : i32
    %mul3A_82 = arith.muli %add3A_78, %mul3A_81 : i32
    %mul3A_83 = arith.constant 640 : i32
    %mul3A_84 = arith.muli %arg1, %mul3A_83 : i32
    %add3A_85 = arith.addi %mul3A_82, %mul3A_84 : i32
    "tpu.region"() ({
      %run_scoped3A = tpu.sem_alloc : memref<!tpu.dma_semaphore, #tpu.memory_space<semaphore_mem>>
      %dma_start3A_168 = arith.constant 0 : i32
      %dma_start3A_169 = tpu.memref_slice %arg6[%add3A_85, %dma_start3A_168] : memref<40960x64xf32, #tpu.memory_space<hbm>> -> memref<640x64xf32, #tpu.memory_space<hbm>>
      %dma_start3A_170 = arith.constant 0 : i32
      %dma_start3A_171 = tpu.memref_slice %arg15[%mul3A_80, %dma_start3A_170] : memref<10240x64xf32, #tpu.memory_space<vmem_shared>> -> memref<640x64xf32, #tpu.memory_space<vmem_shared>>
      tpu.enqueue_dma source(%dma_start3A_171 : memref<640x64xf32, #tpu.memory_space<vmem_shared>>) target(%dma_start3A_169 : memref<640x64xf32, #tpu.memory_space<hbm>>) target_semaphore(%run_scoped3A : memref<!tpu.dma_semaphore, #tpu.memory_space<semaphore_mem>>)
      %dma_wait3A_172 = arith.constant 0 : i32
      %dma_wait3A_173 = tpu.memref_slice %arg6[%add3A_85, %dma_wait3A_172] : memref<40960x64xf32, #tpu.memory_space<hbm>> -> memref<640x64xf32, #tpu.memory_space<hbm>>
      %dma_wait3A_174 = arith.constant 0 : i32
      %dma_wait3A_175 = tpu.memref_slice %arg15[%mul3A_80, %dma_wait3A_174] : memref<10240x64xf32, #tpu.memory_space<vmem_shared>> -> memref<640x64xf32, #tpu.memory_space<vmem_shared>>
      tpu.wait_dma2 semaphore(%run_scoped3A : memref<!tpu.dma_semaphore, #tpu.memory_space<semaphore_mem>>) src(%dma_wait3A_175 : memref<640x64xf32, #tpu.memory_space<vmem_shared>>) dst(%dma_wait3A_173 : memref<640x64xf32, #tpu.memory_space<hbm>>)
      tpu.yield
    }) : () -> ()
    %barrier3A_86 = arith.constant 0 : index
    tpu.barrier barrier_id(%barrier3A_86)
    %scan3A_87 = arith.constant 0 : i32
    %scan3A_88 = arith.constant 0 : i32
    %scan3A_89 = arith.constant 5 : i32
    %scan3A_90 = arith.addi %scan3A_88, %scan3A_89 : i32
    %scan3A_91 = arith.constant 1 : i32
    %scan3A_92 = scf.for %scan3A_168 = %scan3A_88 to %scan3A_90 step %scan3A_91 iter_args(%scan3A_169 = %scan3A_87) -> (i32)  : i32 {
      %mul3A_170 = arith.constant 640 : i32
      %mul3A_171 = arith.muli %arg1, %mul3A_170 : i32
      %mul3A_172 = arith.constant 128 : i32
      %mul3A_173 = arith.muli %scan3A_168, %mul3A_172 : i32
      %add3A_174 = arith.addi %mul3A_171, %mul3A_173 : i32
      "tpu.region"() ({
        %run_scoped3A = tpu.sem_alloc : memref<!tpu.dma_semaphore, #tpu.memory_space<semaphore_mem>>
        %dma_start3A_176 = arith.constant 0 : i32
        %dma_start3A_177 = tpu.memref_slice %arg15[%add3A_174, %dma_start3A_176] : memref<10240x64xf32, #tpu.memory_space<vmem_shared>> -> memref<128x64xf32, #tpu.memory_space<vmem_shared>>
        %dma_start3A_178 = arith.constant 0 : i32
        %dma_start3A_179 = tpu.memref_slice %arg15[%add3A_174, %dma_start3A_178] : memref<10240x64xf32, #tpu.memory_space<vmem_shared>> -> memref<128x64xf32, #tpu.memory_space<vmem_shared>>
        tpu.enqueue_dma source(%arg14 : memref<128x64xf32, #tpu.memory_space<vmem>>) target(%dma_start3A_179 : memref<128x64xf32, #tpu.memory_space<vmem_shared>>) target_semaphore(%run_scoped3A : memref<!tpu.dma_semaphore, #tpu.memory_space<semaphore_mem>>)
        %dma_wait3A_180 = arith.constant 0 : i32
        %dma_wait3A_181 = tpu.memref_slice %arg15[%add3A_174, %dma_wait3A_180] : memref<10240x64xf32, #tpu.memory_space<vmem_shared>> -> memref<128x64xf32, #tpu.memory_space<vmem_shared>>
        %dma_wait3A_182 = arith.constant 0 : i32
        %dma_wait3A_183 = tpu.memref_slice %arg15[%add3A_174, %dma_wait3A_182] : memref<10240x64xf32, #tpu.memory_space<vmem_shared>> -> memref<128x64xf32, #tpu.memory_space<vmem_shared>>
        tpu.wait_dma2 semaphore(%run_scoped3A : memref<!tpu.dma_semaphore, #tpu.memory_space<semaphore_mem>>) src(%arg14 : memref<128x64xf32, #tpu.memory_space<vmem>>) dst(%dma_wait3A_183 : memref<128x64xf32, #tpu.memory_space<vmem_shared>>)
        tpu.yield
      }) : () -> ()
      %scan3A_175 = arith.constant 0 : i32
      scf.yield %scan3A_175 : i32
    }
    %scan3A_93 = arith.constant 5 : i32
    %barrier3A_94 = arith.constant 0 : index
    tpu.barrier barrier_id(%barrier3A_94)
    %dma_start3A_95 = arith.constant 0 : i32
    %dma_start3A_96 = arith.constant 0 : i32
    %dma_start3A_97 = tpu.memref_slice %arg8[%dma_start3A_95, %dma_start3A_96] : memref<80x128xi32, #tpu.memory_space<vmem>> -> memref<1x128xi32, #tpu.memory_space<vmem>>
    %dma_start3A_98 = tpu.memref_squeeze %dma_start3A_97 : memref<1x128xi32, #tpu.memory_space<vmem>> -> memref<128xi32, #tpu.memory_space<vmem>>
    %dma_start3A_99 = arith.constant 0 : i32
    %dma_start3A_100 = arith.constant 0 : i32
    %dma_start3A_101 = tpu.memref_slice %arg2[%dma_start3A_99, %dma_start3A_100] : memref<40000x64xf32, #tpu.memory_space<hbm>> -> memref<40000x64xf32, #tpu.memory_space<hbm>>
    tpu.enqueue_indirect_dma source(%dma_start3A_101 : memref<40000x64xf32, #tpu.memory_space<hbm>>) target(%arg10 : memref<128x64xf32, #tpu.memory_space<vmem>>) offsets(%dma_start3A_98 : memref<128xi32, #tpu.memory_space<vmem>>) semaphore(%arg16 : memref<!tpu.dma_semaphore, #tpu.memory_space<semaphore_mem>>)
    %dma_start3A_102 = arith.constant 1 : i32
    %dma_start3A_103 = arith.constant 0 : i32
    %dma_start3A_104 = tpu.memref_slice %arg8[%dma_start3A_102, %dma_start3A_103] : memref<80x128xi32, #tpu.memory_space<vmem>> -> memref<1x128xi32, #tpu.memory_space<vmem>>
    %dma_start3A_105 = tpu.memref_squeeze %dma_start3A_104 : memref<1x128xi32, #tpu.memory_space<vmem>> -> memref<128xi32, #tpu.memory_space<vmem>>
    %dma_start3A_106 = arith.constant 0 : i32
    %dma_start3A_107 = arith.constant 0 : i32
    %dma_start3A_108 = tpu.memref_slice %arg2[%dma_start3A_106, %dma_start3A_107] : memref<40000x64xf32, #tpu.memory_space<hbm>> -> memref<40000x64xf32, #tpu.memory_space<hbm>>
    tpu.enqueue_indirect_dma source(%dma_start3A_108 : memref<40000x64xf32, #tpu.memory_space<hbm>>) target(%arg11 : memref<128x64xf32, #tpu.memory_space<vmem>>) offsets(%dma_start3A_105 : memref<128xi32, #tpu.memory_space<vmem>>) semaphore(%arg17 : memref<!tpu.dma_semaphore, #tpu.memory_space<semaphore_mem>>)
    %dma_start3A_109 = arith.constant 2 : i32
    %dma_start3A_110 = arith.constant 0 : i32
    %dma_start3A_111 = tpu.memref_slice %arg8[%dma_start3A_109, %dma_start3A_110] : memref<80x128xi32, #tpu.memory_space<vmem>> -> memref<1x128xi32, #tpu.memory_space<vmem>>
    %dma_start3A_112 = tpu.memref_squeeze %dma_start3A_111 : memref<1x128xi32, #tpu.memory_space<vmem>> -> memref<128xi32, #tpu.memory_space<vmem>>
    %dma_start3A_113 = arith.constant 0 : i32
    %dma_start3A_114 = arith.constant 0 : i32
    %dma_start3A_115 = tpu.memref_slice %arg2[%dma_start3A_113, %dma_start3A_114] : memref<40000x64xf32, #tpu.memory_space<hbm>> -> memref<40000x64xf32, #tpu.memory_space<hbm>>
    tpu.enqueue_indirect_dma source(%dma_start3A_115 : memref<40000x64xf32, #tpu.memory_space<hbm>>) target(%arg12 : memref<128x64xf32, #tpu.memory_space<vmem>>) offsets(%dma_start3A_112 : memref<128xi32, #tpu.memory_space<vmem>>) semaphore(%arg18 : memref<!tpu.dma_semaphore, #tpu.memory_space<semaphore_mem>>)
    %dma_start3A_116 = arith.constant 3 : i32
    %dma_start3A_117 = arith.constant 0 : i32
    %dma_start3A_118 = tpu.memref_slice %arg8[%dma_start3A_116, %dma_start3A_117] : memref<80x128xi32, #tpu.memory_space<vmem>> -> memref<1x128xi32, #tpu.memory_space<vmem>>
    %dma_start3A_119 = tpu.memref_squeeze %dma_start3A_118 : memref<1x128xi32, #tpu.memory_space<vmem>> -> memref<128xi32, #tpu.memory_space<vmem>>
    %dma_start3A_120 = arith.constant 0 : i32
    %dma_start3A_121 = arith.constant 0 : i32
    %dma_start3A_122 = tpu.memref_slice %arg2[%dma_start3A_120, %dma_start3A_121] : memref<40000x64xf32, #tpu.memory_space<hbm>> -> memref<40000x64xf32, #tpu.memory_space<hbm>>
    tpu.enqueue_indirect_dma source(%dma_start3A_122 : memref<40000x64xf32, #tpu.memory_space<hbm>>) target(%arg13 : memref<128x64xf32, #tpu.memory_space<vmem>>) offsets(%dma_start3A_119 : memref<128xi32, #tpu.memory_space<vmem>>) semaphore(%arg19 : memref<!tpu.dma_semaphore, #tpu.memory_space<semaphore_mem>>)
    %scan3A_123 = arith.constant 0 : i32
    %scan3A_124 = arith.constant 0 : i32
    %scan3A_125 = arith.constant 20 : i32
    %scan3A_126 = arith.addi %scan3A_124, %scan3A_125 : i32
    %scan3A_127 = arith.constant 1 : i32
    %scan3A_128 = scf.for %scan3A_168 = %scan3A_124 to %scan3A_126 step %scan3A_127 iter_args(%scan3A_169 = %scan3A_123) -> (i32)  : i32 {
      %mul3A_170 = arith.constant 4 : i32
      %mul3A_171 = arith.muli %mul3A_170, %scan3A_168 : i32
      %add3A_172 = arith.constant 0 : i32
      %add3A_173 = arith.addi %mul3A_171, %add3A_172 : i32
      %dma_wait3A_174 = arith.constant 0 : i32
      %dma_wait3A_175 = tpu.memref_slice %arg8[%add3A_173, %dma_wait3A_174] : memref<80x128xi32, #tpu.memory_space<vmem>> -> memref<1x128xi32, #tpu.memory_space<vmem>>
      %dma_wait3A_176 = tpu.memref_squeeze %dma_wait3A_175 : memref<1x128xi32, #tpu.memory_space<vmem>> -> memref<128xi32, #tpu.memory_space<vmem>>
      %dma_wait3A_177 = arith.constant 0 : i32
      %dma_wait3A_178 = arith.constant 0 : i32
      %dma_wait3A_179 = tpu.memref_slice %arg2[%dma_wait3A_177, %dma_wait3A_178] : memref<40000x64xf32, #tpu.memory_space<hbm>> -> memref<40000x64xf32, #tpu.memory_space<hbm>>
      tpu.wait_indirect_dma semaphore(%arg16 : memref<!tpu.dma_semaphore, #tpu.memory_space<semaphore_mem>>) src(%dma_wait3A_179 : memref<40000x64xf32, #tpu.memory_space<hbm>>) dst(%arg10 : memref<128x64xf32, #tpu.memory_space<vmem>>)
      %add3A_180 = arith.constant 0 : i32
      %add3A_181 = arith.addi %mul3A_171, %add3A_180 : i32
      %dma_start3A_182 = arith.constant 0 : i32
      %dma_start3A_183 = tpu.memref_slice %arg9[%add3A_181, %dma_start3A_182] : memref<80x128xi32, #tpu.memory_space<vmem>> -> memref<1x128xi32, #tpu.memory_space<vmem>>
      %dma_start3A_184 = tpu.memref_squeeze %dma_start3A_183 : memref<1x128xi32, #tpu.memory_space<vmem>> -> memref<128xi32, #tpu.memory_space<vmem>>
      %dma_start3A_185 = arith.constant 0 : i32
      %dma_start3A_186 = arith.constant 0 : i32
      %dma_start3A_187 = tpu.memref_slice %arg15[%dma_start3A_185, %dma_start3A_186] : memref<10240x64xf32, #tpu.memory_space<vmem_shared>> -> memref<10240x64xf32, #tpu.memory_space<vmem_shared>>
      tpu.enqueue_indirect_dma source(%arg10 : memref<128x64xf32, #tpu.memory_space<vmem>>) target(%dma_start3A_187 : memref<10240x64xf32, #tpu.memory_space<vmem_shared>>) offsets(%dma_start3A_184 : memref<128xi32, #tpu.memory_space<vmem>>) semaphore(%arg20 : memref<!tpu.dma_semaphore, #tpu.memory_space<semaphore_mem>>) {add = true}
      %add3A_188 = arith.constant 1 : i32
      %add3A_189 = arith.addi %mul3A_171, %add3A_188 : i32
      %dma_wait3A_190 = arith.constant 0 : i32
      %dma_wait3A_191 = tpu.memref_slice %arg8[%add3A_189, %dma_wait3A_190] : memref<80x128xi32, #tpu.memory_space<vmem>> -> memref<1x128xi32, #tpu.memory_space<vmem>>
      %dma_wait3A_192 = tpu.memref_squeeze %dma_wait3A_191 : memref<1x128xi32, #tpu.memory_space<vmem>> -> memref<128xi32, #tpu.memory_space<vmem>>
      %dma_wait3A_193 = arith.constant 0 : i32
      %dma_wait3A_194 = arith.constant 0 : i32
      %dma_wait3A_195 = tpu.memref_slice %arg2[%dma_wait3A_193, %dma_wait3A_194] : memref<40000x64xf32, #tpu.memory_space<hbm>> -> memref<40000x64xf32, #tpu.memory_space<hbm>>
      tpu.wait_indirect_dma semaphore(%arg17 : memref<!tpu.dma_semaphore, #tpu.memory_space<semaphore_mem>>) src(%dma_wait3A_195 : memref<40000x64xf32, #tpu.memory_space<hbm>>) dst(%arg11 : memref<128x64xf32, #tpu.memory_space<vmem>>)
      %add3A_196 = arith.constant 1 : i32
      %add3A_197 = arith.addi %mul3A_171, %add3A_196 : i32
      %dma_start3A_198 = arith.constant 0 : i32
      %dma_start3A_199 = tpu.memref_slice %arg9[%add3A_197, %dma_start3A_198] : memref<80x128xi32, #tpu.memory_space<vmem>> -> memref<1x128xi32, #tpu.memory_space<vmem>>
      %dma_start3A_200 = tpu.memref_squeeze %dma_start3A_199 : memref<1x128xi32, #tpu.memory_space<vmem>> -> memref<128xi32, #tpu.memory_space<vmem>>
      %dma_start3A_201 = arith.constant 0 : i32
      %dma_start3A_202 = arith.constant 0 : i32
      %dma_start3A_203 = tpu.memref_slice %arg15[%dma_start3A_201, %dma_start3A_202] : memref<10240x64xf32, #tpu.memory_space<vmem_shared>> -> memref<10240x64xf32, #tpu.memory_space<vmem_shared>>
      tpu.enqueue_indirect_dma source(%arg11 : memref<128x64xf32, #tpu.memory_space<vmem>>) target(%dma_start3A_203 : memref<10240x64xf32, #tpu.memory_space<vmem_shared>>) offsets(%dma_start3A_200 : memref<128xi32, #tpu.memory_space<vmem>>) semaphore(%arg21 : memref<!tpu.dma_semaphore, #tpu.memory_space<semaphore_mem>>) {add = true}
      %add3A_204 = arith.constant 2 : i32
      %add3A_205 = arith.addi %mul3A_171, %add3A_204 : i32
      %dma_wait3A_206 = arith.constant 0 : i32
      %dma_wait3A_207 = tpu.memref_slice %arg8[%add3A_205, %dma_wait3A_206] : memref<80x128xi32, #tpu.memory_space<vmem>> -> memref<1x128xi32, #tpu.memory_space<vmem>>
      %dma_wait3A_208 = tpu.memref_squeeze %dma_wait3A_207 : memref<1x128xi32, #tpu.memory_space<vmem>> -> memref<128xi32, #tpu.memory_space<vmem>>
      %dma_wait3A_209 = arith.constant 0 : i32
      %dma_wait3A_210 = arith.constant 0 : i32
      %dma_wait3A_211 = tpu.memref_slice %arg2[%dma_wait3A_209, %dma_wait3A_210] : memref<40000x64xf32, #tpu.memory_space<hbm>> -> memref<40000x64xf32, #tpu.memory_space<hbm>>
      tpu.wait_indirect_dma semaphore(%arg18 : memref<!tpu.dma_semaphore, #tpu.memory_space<semaphore_mem>>) src(%dma_wait3A_211 : memref<40000x64xf32, #tpu.memory_space<hbm>>) dst(%arg12 : memref<128x64xf32, #tpu.memory_space<vmem>>)
      %add3A_212 = arith.constant 2 : i32
      %add3A_213 = arith.addi %mul3A_171, %add3A_212 : i32
      %dma_start3A_214 = arith.constant 0 : i32
      %dma_start3A_215 = tpu.memref_slice %arg9[%add3A_213, %dma_start3A_214] : memref<80x128xi32, #tpu.memory_space<vmem>> -> memref<1x128xi32, #tpu.memory_space<vmem>>
      %dma_start3A_216 = tpu.memref_squeeze %dma_start3A_215 : memref<1x128xi32, #tpu.memory_space<vmem>> -> memref<128xi32, #tpu.memory_space<vmem>>
      %dma_start3A_217 = arith.constant 0 : i32
      %dma_start3A_218 = arith.constant 0 : i32
      %dma_start3A_219 = tpu.memref_slice %arg15[%dma_start3A_217, %dma_start3A_218] : memref<10240x64xf32, #tpu.memory_space<vmem_shared>> -> memref<10240x64xf32, #tpu.memory_space<vmem_shared>>
      tpu.enqueue_indirect_dma source(%arg12 : memref<128x64xf32, #tpu.memory_space<vmem>>) target(%dma_start3A_219 : memref<10240x64xf32, #tpu.memory_space<vmem_shared>>) offsets(%dma_start3A_216 : memref<128xi32, #tpu.memory_space<vmem>>) semaphore(%arg22 : memref<!tpu.dma_semaphore, #tpu.memory_space<semaphore_mem>>) {add = true}
      %add3A_220 = arith.constant 3 : i32
      %add3A_221 = arith.addi %mul3A_171, %add3A_220 : i32
      %dma_wait3A_222 = arith.constant 0 : i32
      %dma_wait3A_223 = tpu.memref_slice %arg8[%add3A_221, %dma_wait3A_222] : memref<80x128xi32, #tpu.memory_space<vmem>> -> memref<1x128xi32, #tpu.memory_space<vmem>>
      %dma_wait3A_224 = tpu.memref_squeeze %dma_wait3A_223 : memref<1x128xi32, #tpu.memory_space<vmem>> -> memref<128xi32, #tpu.memory_space<vmem>>
      %dma_wait3A_225 = arith.constant 0 : i32
      %dma_wait3A_226 = arith.constant 0 : i32
      %dma_wait3A_227 = tpu.memref_slice %arg2[%dma_wait3A_225, %dma_wait3A_226] : memref<40000x64xf32, #tpu.memory_space<hbm>> -> memref<40000x64xf32, #tpu.memory_space<hbm>>
      tpu.wait_indirect_dma semaphore(%arg19 : memref<!tpu.dma_semaphore, #tpu.memory_space<semaphore_mem>>) src(%dma_wait3A_227 : memref<40000x64xf32, #tpu.memory_space<hbm>>) dst(%arg13 : memref<128x64xf32, #tpu.memory_space<vmem>>)
      %add3A_228 = arith.constant 3 : i32
      %add3A_229 = arith.addi %mul3A_171, %add3A_228 : i32
      %dma_start3A_230 = arith.constant 0 : i32
      %dma_start3A_231 = tpu.memref_slice %arg9[%add3A_229, %dma_start3A_230] : memref<80x128xi32, #tpu.memory_space<vmem>> -> memref<1x128xi32, #tpu.memory_space<vmem>>
      %dma_start3A_232 = tpu.memref_squeeze %dma_start3A_231 : memref<1x128xi32, #tpu.memory_space<vmem>> -> memref<128xi32, #tpu.memory_space<vmem>>
      %dma_start3A_233 = arith.constant 0 : i32
      %dma_start3A_234 = arith.constant 0 : i32
      %dma_start3A_235 = tpu.memref_slice %arg15[%dma_start3A_233, %dma_start3A_234] : memref<10240x64xf32, #tpu.memory_space<vmem_shared>> -> memref<10240x64xf32, #tpu.memory_space<vmem_shared>>
      tpu.enqueue_indirect_dma source(%arg13 : memref<128x64xf32, #tpu.memory_space<vmem>>) target(%dma_start3A_235 : memref<10240x64xf32, #tpu.memory_space<vmem_shared>>) offsets(%dma_start3A_232 : memref<128xi32, #tpu.memory_space<vmem>>) semaphore(%arg23 : memref<!tpu.dma_semaphore, #tpu.memory_space<semaphore_mem>>) {add = true}
      %lt3A = arith.constant 19 : i32
      %lt3A_236 = arith.cmpi slt, %scan3A_168, %lt3A : i32
      %convert_element_type3A = arith.extui %lt3A_236 : i1 to i32
      %cond3A = arith.constant 0 : i32
      %cond3A_237 = arith.cmpi ne, %convert_element_type3A, %cond3A : i32
      scf.if %cond3A_237 {
        %add3A_239 = arith.constant 0 : i32
        %add3A_240 = arith.addi %mul3A_171, %add3A_239 : i32
        %dma_wait3A_241 = arith.constant 0 : i32
        %dma_wait3A_242 = tpu.memref_slice %arg9[%add3A_240, %dma_wait3A_241] : memref<80x128xi32, #tpu.memory_space<vmem>> -> memref<1x128xi32, #tpu.memory_space<vmem>>
        %dma_wait3A_243 = tpu.memref_squeeze %dma_wait3A_242 : memref<1x128xi32, #tpu.memory_space<vmem>> -> memref<128xi32, #tpu.memory_space<vmem>>
        %dma_wait3A_244 = arith.constant 0 : i32
        %dma_wait3A_245 = arith.constant 0 : i32
        %dma_wait3A_246 = tpu.memref_slice %arg15[%dma_wait3A_244, %dma_wait3A_245] : memref<10240x64xf32, #tpu.memory_space<vmem_shared>> -> memref<10240x64xf32, #tpu.memory_space<vmem_shared>>
        tpu.wait_indirect_dma semaphore(%arg20 : memref<!tpu.dma_semaphore, #tpu.memory_space<semaphore_mem>>) src(%arg10 : memref<128x64xf32, #tpu.memory_space<vmem>>) dst(%dma_wait3A_246 : memref<10240x64xf32, #tpu.memory_space<vmem_shared>>)
        %add3A_247 = arith.constant 4 : i32
        %add3A_248 = arith.addi %mul3A_171, %add3A_247 : i32
        %add3A_249 = arith.constant 0 : i32
        %add3A_250 = arith.addi %add3A_248, %add3A_249 : i32
        %dma_start3A_251 = arith.constant 0 : i32
        %dma_start3A_252 = tpu.memref_slice %arg8[%add3A_250, %dma_start3A_251] : memref<80x128xi32, #tpu.memory_space<vmem>> -> memref<1x128xi32, #tpu.memory_space<vmem>>
        %dma_start3A_253 = tpu.memref_squeeze %dma_start3A_252 : memref<1x128xi32, #tpu.memory_space<vmem>> -> memref<128xi32, #tpu.memory_space<vmem>>
        %dma_start3A_254 = arith.constant 0 : i32
        %dma_start3A_255 = arith.constant 0 : i32
        %dma_start3A_256 = tpu.memref_slice %arg2[%dma_start3A_254, %dma_start3A_255] : memref<40000x64xf32, #tpu.memory_space<hbm>> -> memref<40000x64xf32, #tpu.memory_space<hbm>>
        tpu.enqueue_indirect_dma source(%dma_start3A_256 : memref<40000x64xf32, #tpu.memory_space<hbm>>) target(%arg10 : memref<128x64xf32, #tpu.memory_space<vmem>>) offsets(%dma_start3A_253 : memref<128xi32, #tpu.memory_space<vmem>>) semaphore(%arg16 : memref<!tpu.dma_semaphore, #tpu.memory_space<semaphore_mem>>)
        %add3A_257 = arith.constant 1 : i32
        %add3A_258 = arith.addi %mul3A_171, %add3A_257 : i32
        %dma_wait3A_259 = arith.constant 0 : i32
        %dma_wait3A_260 = tpu.memref_slice %arg9[%add3A_258, %dma_wait3A_259] : memref<80x128xi32, #tpu.memory_space<vmem>> -> memref<1x128xi32, #tpu.memory_space<vmem>>
        %dma_wait3A_261 = tpu.memref_squeeze %dma_wait3A_260 : memref<1x128xi32, #tpu.memory_space<vmem>> -> memref<128xi32, #tpu.memory_space<vmem>>
        %dma_wait3A_262 = arith.constant 0 : i32
        %dma_wait3A_263 = arith.constant 0 : i32
        %dma_wait3A_264 = tpu.memref_slice %arg15[%dma_wait3A_262, %dma_wait3A_263] : memref<10240x64xf32, #tpu.memory_space<vmem_shared>> -> memref<10240x64xf32, #tpu.memory_space<vmem_shared>>
        tpu.wait_indirect_dma semaphore(%arg21 : memref<!tpu.dma_semaphore, #tpu.memory_space<semaphore_mem>>) src(%arg11 : memref<128x64xf32, #tpu.memory_space<vmem>>) dst(%dma_wait3A_264 : memref<10240x64xf32, #tpu.memory_space<vmem_shared>>)
        %add3A_265 = arith.constant 4 : i32
        %add3A_266 = arith.addi %mul3A_171, %add3A_265 : i32
        %add3A_267 = arith.constant 1 : i32
        %add3A_268 = arith.addi %add3A_266, %add3A_267 : i32
        %dma_start3A_269 = arith.constant 0 : i32
        %dma_start3A_270 = tpu.memref_slice %arg8[%add3A_268, %dma_start3A_269] : memref<80x128xi32, #tpu.memory_space<vmem>> -> memref<1x128xi32, #tpu.memory_space<vmem>>
        %dma_start3A_271 = tpu.memref_squeeze %dma_start3A_270 : memref<1x128xi32, #tpu.memory_space<vmem>> -> memref<128xi32, #tpu.memory_space<vmem>>
        %dma_start3A_272 = arith.constant 0 : i32
        %dma_start3A_273 = arith.constant 0 : i32
        %dma_start3A_274 = tpu.memref_slice %arg2[%dma_start3A_272, %dma_start3A_273] : memref<40000x64xf32, #tpu.memory_space<hbm>> -> memref<40000x64xf32, #tpu.memory_space<hbm>>
        tpu.enqueue_indirect_dma source(%dma_start3A_274 : memref<40000x64xf32, #tpu.memory_space<hbm>>) target(%arg11 : memref<128x64xf32, #tpu.memory_space<vmem>>) offsets(%dma_start3A_271 : memref<128xi32, #tpu.memory_space<vmem>>) semaphore(%arg17 : memref<!tpu.dma_semaphore, #tpu.memory_space<semaphore_mem>>)
        %add3A_275 = arith.constant 2 : i32
        %add3A_276 = arith.addi %mul3A_171, %add3A_275 : i32
        %dma_wait3A_277 = arith.constant 0 : i32
        %dma_wait3A_278 = tpu.memref_slice %arg9[%add3A_276, %dma_wait3A_277] : memref<80x128xi32, #tpu.memory_space<vmem>> -> memref<1x128xi32, #tpu.memory_space<vmem>>
        %dma_wait3A_279 = tpu.memref_squeeze %dma_wait3A_278 : memref<1x128xi32, #tpu.memory_space<vmem>> -> memref<128xi32, #tpu.memory_space<vmem>>
        %dma_wait3A_280 = arith.constant 0 : i32
        %dma_wait3A_281 = arith.constant 0 : i32
        %dma_wait3A_282 = tpu.memref_slice %arg15[%dma_wait3A_280, %dma_wait3A_281] : memref<10240x64xf32, #tpu.memory_space<vmem_shared>> -> memref<10240x64xf32, #tpu.memory_space<vmem_shared>>
        tpu.wait_indirect_dma semaphore(%arg22 : memref<!tpu.dma_semaphore, #tpu.memory_space<semaphore_mem>>) src(%arg12 : memref<128x64xf32, #tpu.memory_space<vmem>>) dst(%dma_wait3A_282 : memref<10240x64xf32, #tpu.memory_space<vmem_shared>>)
        %add3A_283 = arith.constant 4 : i32
        %add3A_284 = arith.addi %mul3A_171, %add3A_283 : i32
        %add3A_285 = arith.constant 2 : i32
        %add3A_286 = arith.addi %add3A_284, %add3A_285 : i32
        %dma_start3A_287 = arith.constant 0 : i32
        %dma_start3A_288 = tpu.memref_slice %arg8[%add3A_286, %dma_start3A_287] : memref<80x128xi32, #tpu.memory_space<vmem>> -> memref<1x128xi32, #tpu.memory_space<vmem>>
        %dma_start3A_289 = tpu.memref_squeeze %dma_start3A_288 : memref<1x128xi32, #tpu.memory_space<vmem>> -> memref<128xi32, #tpu.memory_space<vmem>>
        %dma_start3A_290 = arith.constant 0 : i32
        %dma_start3A_291 = arith.constant 0 : i32
        %dma_start3A_292 = tpu.memref_slice %arg2[%dma_start3A_290, %dma_start3A_291] : memref<40000x64xf32, #tpu.memory_space<hbm>> -> memref<40000x64xf32, #tpu.memory_space<hbm>>
        tpu.enqueue_indirect_dma source(%dma_start3A_292 : memref<40000x64xf32, #tpu.memory_space<hbm>>) target(%arg12 : memref<128x64xf32, #tpu.memory_space<vmem>>) offsets(%dma_start3A_289 : memref<128xi32, #tpu.memory_space<vmem>>) semaphore(%arg18 : memref<!tpu.dma_semaphore, #tpu.memory_space<semaphore_mem>>)
        %add3A_293 = arith.constant 3 : i32
        %add3A_294 = arith.addi %mul3A_171, %add3A_293 : i32
        %dma_wait3A_295 = arith.constant 0 : i32
        %dma_wait3A_296 = tpu.memref_slice %arg9[%add3A_294, %dma_wait3A_295] : memref<80x128xi32, #tpu.memory_space<vmem>> -> memref<1x128xi32, #tpu.memory_space<vmem>>
        %dma_wait3A_297 = tpu.memref_squeeze %dma_wait3A_296 : memref<1x128xi32, #tpu.memory_space<vmem>> -> memref<128xi32, #tpu.memory_space<vmem>>
        %dma_wait3A_298 = arith.constant 0 : i32
        %dma_wait3A_299 = arith.constant 0 : i32
        %dma_wait3A_300 = tpu.memref_slice %arg15[%dma_wait3A_298, %dma_wait3A_299] : memref<10240x64xf32, #tpu.memory_space<vmem_shared>> -> memref<10240x64xf32, #tpu.memory_space<vmem_shared>>
        tpu.wait_indirect_dma semaphore(%arg23 : memref<!tpu.dma_semaphore, #tpu.memory_space<semaphore_mem>>) src(%arg13 : memref<128x64xf32, #tpu.memory_space<vmem>>) dst(%dma_wait3A_300 : memref<10240x64xf32, #tpu.memory_space<vmem_shared>>)
        %add3A_301 = arith.constant 4 : i32
        %add3A_302 = arith.addi %mul3A_171, %add3A_301 : i32
        %add3A_303 = arith.constant 3 : i32
        %add3A_304 = arith.addi %add3A_302, %add3A_303 : i32
        %dma_start3A_305 = arith.constant 0 : i32
        %dma_start3A_306 = tpu.memref_slice %arg8[%add3A_304, %dma_start3A_305] : memref<80x128xi32, #tpu.memory_space<vmem>> -> memref<1x128xi32, #tpu.memory_space<vmem>>
        %dma_start3A_307 = tpu.memref_squeeze %dma_start3A_306 : memref<1x128xi32, #tpu.memory_space<vmem>> -> memref<128xi32, #tpu.memory_space<vmem>>
        %dma_start3A_308 = arith.constant 0 : i32
        %dma_start3A_309 = arith.constant 0 : i32
        %dma_start3A_310 = tpu.memref_slice %arg2[%dma_start3A_308, %dma_start3A_309] : memref<40000x64xf32, #tpu.memory_space<hbm>> -> memref<40000x64xf32, #tpu.memory_space<hbm>>
        tpu.enqueue_indirect_dma source(%dma_start3A_310 : memref<40000x64xf32, #tpu.memory_space<hbm>>) target(%arg13 : memref<128x64xf32, #tpu.memory_space<vmem>>) offsets(%dma_start3A_307 : memref<128xi32, #tpu.memory_space<vmem>>) semaphore(%arg19 : memref<!tpu.dma_semaphore, #tpu.memory_space<semaphore_mem>>)
      } else {
      }
      %scan3A_238 = arith.constant 0 : i32
      scf.yield %scan3A_238 : i32
    }
    %scan3A_129 = arith.constant 20 : i32
    %dma_wait3A_130 = arith.constant 76 : i32
    %dma_wait3A_131 = arith.constant 0 : i32
    %dma_wait3A_132 = tpu.memref_slice %arg9[%dma_wait3A_130, %dma_wait3A_131] : memref<80x128xi32, #tpu.memory_space<vmem>> -> memref<1x128xi32, #tpu.memory_space<vmem>>
    %dma_wait3A_133 = tpu.memref_squeeze %dma_wait3A_132 : memref<1x128xi32, #tpu.memory_space<vmem>> -> memref<128xi32, #tpu.memory_space<vmem>>
    %dma_wait3A_134 = arith.constant 0 : i32
    %dma_wait3A_135 = arith.constant 0 : i32
    %dma_wait3A_136 = tpu.memref_slice %arg15[%dma_wait3A_134, %dma_wait3A_135] : memref<10240x64xf32, #tpu.memory_space<vmem_shared>> -> memref<10240x64xf32, #tpu.memory_space<vmem_shared>>
    tpu.wait_indirect_dma semaphore(%arg20 : memref<!tpu.dma_semaphore, #tpu.memory_space<semaphore_mem>>) src(%arg10 : memref<128x64xf32, #tpu.memory_space<vmem>>) dst(%dma_wait3A_136 : memref<10240x64xf32, #tpu.memory_space<vmem_shared>>)
    %dma_wait3A_137 = arith.constant 77 : i32
    %dma_wait3A_138 = arith.constant 0 : i32
    %dma_wait3A_139 = tpu.memref_slice %arg9[%dma_wait3A_137, %dma_wait3A_138] : memref<80x128xi32, #tpu.memory_space<vmem>> -> memref<1x128xi32, #tpu.memory_space<vmem>>
    %dma_wait3A_140 = tpu.memref_squeeze %dma_wait3A_139 : memref<1x128xi32, #tpu.memory_space<vmem>> -> memref<128xi32, #tpu.memory_space<vmem>>
    %dma_wait3A_141 = arith.constant 0 : i32
    %dma_wait3A_142 = arith.constant 0 : i32
    %dma_wait3A_143 = tpu.memref_slice %arg15[%dma_wait3A_141, %dma_wait3A_142] : memref<10240x64xf32, #tpu.memory_space<vmem_shared>> -> memref<10240x64xf32, #tpu.memory_space<vmem_shared>>
    tpu.wait_indirect_dma semaphore(%arg21 : memref<!tpu.dma_semaphore, #tpu.memory_space<semaphore_mem>>) src(%arg11 : memref<128x64xf32, #tpu.memory_space<vmem>>) dst(%dma_wait3A_143 : memref<10240x64xf32, #tpu.memory_space<vmem_shared>>)
    %dma_wait3A_144 = arith.constant 78 : i32
    %dma_wait3A_145 = arith.constant 0 : i32
    %dma_wait3A_146 = tpu.memref_slice %arg9[%dma_wait3A_144, %dma_wait3A_145] : memref<80x128xi32, #tpu.memory_space<vmem>> -> memref<1x128xi32, #tpu.memory_space<vmem>>
    %dma_wait3A_147 = tpu.memref_squeeze %dma_wait3A_146 : memref<1x128xi32, #tpu.memory_space<vmem>> -> memref<128xi32, #tpu.memory_space<vmem>>
    %dma_wait3A_148 = arith.constant 0 : i32
    %dma_wait3A_149 = arith.constant 0 : i32
    %dma_wait3A_150 = tpu.memref_slice %arg15[%dma_wait3A_148, %dma_wait3A_149] : memref<10240x64xf32, #tpu.memory_space<vmem_shared>> -> memref<10240x64xf32, #tpu.memory_space<vmem_shared>>
    tpu.wait_indirect_dma semaphore(%arg22 : memref<!tpu.dma_semaphore, #tpu.memory_space<semaphore_mem>>) src(%arg12 : memref<128x64xf32, #tpu.memory_space<vmem>>) dst(%dma_wait3A_150 : memref<10240x64xf32, #tpu.memory_space<vmem_shared>>)
    %dma_wait3A_151 = arith.constant 79 : i32
    %dma_wait3A_152 = arith.constant 0 : i32
    %dma_wait3A_153 = tpu.memref_slice %arg9[%dma_wait3A_151, %dma_wait3A_152] : memref<80x128xi32, #tpu.memory_space<vmem>> -> memref<1x128xi32, #tpu.memory_space<vmem>>
    %dma_wait3A_154 = tpu.memref_squeeze %dma_wait3A_153 : memref<1x128xi32, #tpu.memory_space<vmem>> -> memref<128xi32, #tpu.memory_space<vmem>>
    %dma_wait3A_155 = arith.constant 0 : i32
    %dma_wait3A_156 = arith.constant 0 : i32
    %dma_wait3A_157 = tpu.memref_slice %arg15[%dma_wait3A_155, %dma_wait3A_156] : memref<10240x64xf32, #tpu.memory_space<vmem_shared>> -> memref<10240x64xf32, #tpu.memory_space<vmem_shared>>
    tpu.wait_indirect_dma semaphore(%arg23 : memref<!tpu.dma_semaphore, #tpu.memory_space<semaphore_mem>>) src(%arg13 : memref<128x64xf32, #tpu.memory_space<vmem>>) dst(%dma_wait3A_157 : memref<10240x64xf32, #tpu.memory_space<vmem_shared>>)
    %barrier3A_158 = arith.constant 0 : index
    tpu.barrier barrier_id(%barrier3A_158)
    %add3A_159 = arith.constant 2 : i32
    %add3A_160 = arith.addi %add3A_159, %arg0 : i32
    %mul3A_161 = arith.constant 640 : i32
    %mul3A_162 = arith.muli %arg1, %mul3A_161 : i32
    %mul3A_163 = arith.constant 10240 : i32
    %mul3A_164 = arith.muli %add3A_160, %mul3A_163 : i32
    %mul3A_165 = arith.constant 640 : i32
    %mul3A_166 = arith.muli %arg1, %mul3A_165 : i32
    %add3A_167 = arith.addi %mul3A_164, %mul3A_166 : i32
    "tpu.region"() ({
      %run_scoped3A = tpu.sem_alloc : memref<!tpu.dma_semaphore, #tpu.memory_space<semaphore_mem>>
      %dma_start3A_168 = arith.constant 0 : i32
      %dma_start3A_169 = tpu.memref_slice %arg6[%add3A_167, %dma_start3A_168] : memref<40960x64xf32, #tpu.memory_space<hbm>> -> memref<640x64xf32, #tpu.memory_space<hbm>>
      %dma_start3A_170 = arith.constant 0 : i32
      %dma_start3A_171 = tpu.memref_slice %arg15[%mul3A_162, %dma_start3A_170] : memref<10240x64xf32, #tpu.memory_space<vmem_shared>> -> memref<640x64xf32, #tpu.memory_space<vmem_shared>>
      tpu.enqueue_dma source(%dma_start3A_171 : memref<640x64xf32, #tpu.memory_space<vmem_shared>>) target(%dma_start3A_169 : memref<640x64xf32, #tpu.memory_space<hbm>>) target_semaphore(%run_scoped3A : memref<!tpu.dma_semaphore, #tpu.memory_space<semaphore_mem>>)
      %dma_wait3A_172 = arith.constant 0 : i32
      %dma_wait3A_173 = tpu.memref_slice %arg6[%add3A_167, %dma_wait3A_172] : memref<40960x64xf32, #tpu.memory_space<hbm>> -> memref<640x64xf32, #tpu.memory_space<hbm>>
      %dma_wait3A_174 = arith.constant 0 : i32
      %dma_wait3A_175 = tpu.memref_slice %arg15[%mul3A_162, %dma_wait3A_174] : memref<10240x64xf32, #tpu.memory_space<vmem_shared>> -> memref<640x64xf32, #tpu.memory_space<vmem_shared>>
      tpu.wait_dma2 semaphore(%run_scoped3A : memref<!tpu.dma_semaphore, #tpu.memory_space<semaphore_mem>>) src(%dma_wait3A_175 : memref<640x64xf32, #tpu.memory_space<vmem_shared>>) dst(%dma_wait3A_173 : memref<640x64xf32, #tpu.memory_space<hbm>>)
      tpu.yield
    }) : () -> ()
    return
  }
}

#map = affine_map<(d0, d1) -> (0, 0, 0)>
#map1 = affine_map<(d0, d1) -> (0)>
module attributes {stable_mosaic.version = 14 : i64} {
  func.func @_deg_kernel(%arg0: i32, %arg1: i32, %arg2: memref<32x40x128xi32, #tpu.memory_space<hbm>>, %arg3: memref<20480xf32, #tpu.memory_space<hbm>>, %arg4: memref<40x128xi32, #tpu.memory_space<vmem>>, %arg5: memref<10240xf32, #tpu.memory_space<vmem>>, %arg6: memref<640xf32, #tpu.memory_space<vmem>>, %arg7: memref<640xf32, #tpu.memory_space<vmem>>, %arg8: memref<163840xf32, #tpu.memory_space<vmem_shared>>) attributes {dimension_semantics = [#tpu.dimension_semantics<core_parallel>, #tpu.dimension_semantics<subcore_parallel>], iteration_bounds = array<i64: 2, 16>, scalar_prefetch = 0 : i64, scratch_operands = 5 : i64, tpu.core_type = #tpu.core_type<sc_vector_subcore>, window_params = [{transform_indices = #map}, {transform_indices = #map1}]} {
    %mul3A = arith.constant 16 : i32
    %mul3A_0 = arith.muli %arg0, %mul3A : i32
    %add3A = arith.addi %mul3A_0, %arg1 : i32
    %broadcast_in_dim3A = arith.constant 0.000000e+00 : f32
    %broadcast_in_dim3A_1 = vector.broadcast %broadcast_in_dim3A : f32 to vector<16xf32>
    %scan3A = arith.constant 0 : i32
    %scan3A_2 = arith.constant 0 : i32
    %scan3A_3 = arith.constant 640 : i32
    %scan3A_4 = arith.addi %scan3A_2, %scan3A_3 : i32
    %scan3A_5 = arith.constant 1 : i32
    %scan3A_6 = scf.for %scan3A_38 = %scan3A_2 to %scan3A_4 step %scan3A_5 iter_args(%scan3A_39 = %scan3A) -> (i32)  : i32 {
      %mul3A_40 = arith.constant 16 : i32
      %mul3A_41 = arith.muli %scan3A_38, %mul3A_40 : i32
      %swap3A = arith.index_cast %mul3A_41 : i32 to index
      %swap3A_42 = tpu.vector_load %arg5[%swap3A] {strides = array<i32>} : memref<10240xf32, #tpu.memory_space<vmem>>, vector<16xf32>,
      tpu.vector_store %arg5[%swap3A], %broadcast_in_dim3A_1 {strides = array<i32>} : memref<10240xf32, #tpu.memory_space<vmem>>, vector<16xf32>,
      %scan3A_43 = arith.constant 0 : i32
      scf.yield %scan3A_43 : i32
    }
    %scan3A_7 = arith.constant 640 : i32
    "tpu.region"() ({
      %run_scoped3A = tpu.sem_alloc : memref<!tpu.dma_semaphore, #tpu.memory_space<semaphore_mem>>
      %dma_start3A = arith.constant 0 : i32
      %dma_start3A_38 = arith.constant 0 : i32
      %dma_start3A_39 = tpu.memref_slice %arg2[%add3A, %dma_start3A, %dma_start3A_38] : memref<32x40x128xi32, #tpu.memory_space<hbm>> -> memref<1x40x128xi32, #tpu.memory_space<hbm>>
      %dma_start3A_40 = tpu.memref_squeeze %dma_start3A_39 : memref<1x40x128xi32, #tpu.memory_space<hbm>> -> memref<40x128xi32, #tpu.memory_space<hbm>>
      %dma_start3A_41 = arith.constant 0 : i32
      %dma_start3A_42 = arith.constant 0 : i32
      %dma_start3A_43 = tpu.memref_slice %arg2[%add3A, %dma_start3A_41, %dma_start3A_42] : memref<32x40x128xi32, #tpu.memory_space<hbm>> -> memref<1x40x128xi32, #tpu.memory_space<hbm>>
      %dma_start3A_44 = tpu.memref_squeeze %dma_start3A_43 : memref<1x40x128xi32, #tpu.memory_space<hbm>> -> memref<40x128xi32, #tpu.memory_space<hbm>>
      tpu.enqueue_dma source(%dma_start3A_44 : memref<40x128xi32, #tpu.memory_space<hbm>>) target(%arg4 : memref<40x128xi32, #tpu.memory_space<vmem>>) target_semaphore(%run_scoped3A : memref<!tpu.dma_semaphore, #tpu.memory_space<semaphore_mem>>)
      %dma_wait3A = arith.constant 0 : i32
      %dma_wait3A_45 = arith.constant 0 : i32
      %dma_wait3A_46 = tpu.memref_slice %arg2[%add3A, %dma_wait3A, %dma_wait3A_45] : memref<32x40x128xi32, #tpu.memory_space<hbm>> -> memref<1x40x128xi32, #tpu.memory_space<hbm>>
      %dma_wait3A_47 = tpu.memref_squeeze %dma_wait3A_46 : memref<1x40x128xi32, #tpu.memory_space<hbm>> -> memref<40x128xi32, #tpu.memory_space<hbm>>
      %dma_wait3A_48 = arith.constant 0 : i32
      %dma_wait3A_49 = arith.constant 0 : i32
      %dma_wait3A_50 = tpu.memref_slice %arg2[%add3A, %dma_wait3A_48, %dma_wait3A_49] : memref<32x40x128xi32, #tpu.memory_space<hbm>> -> memref<1x40x128xi32, #tpu.memory_space<hbm>>
      %dma_wait3A_51 = tpu.memref_squeeze %dma_wait3A_50 : memref<1x40x128xi32, #tpu.memory_space<hbm>> -> memref<40x128xi32, #tpu.memory_space<hbm>>
      tpu.wait_dma2 semaphore(%run_scoped3A : memref<!tpu.dma_semaphore, #tpu.memory_space<semaphore_mem>>) src(%dma_wait3A_51 : memref<40x128xi32, #tpu.memory_space<hbm>>) dst(%arg4 : memref<40x128xi32, #tpu.memory_space<vmem>>)
      tpu.yield
    }) : () -> ()
    %broadcast_in_dim3A_8 = arith.constant 1.000000e+00 : f32
    %broadcast_in_dim3A_9 = vector.broadcast %broadcast_in_dim3A_8 : f32 to vector<16xf32>
    %scan3A_10 = arith.constant 0 : i32
    %scan3A_11 = arith.constant 0 : i32
    %scan3A_12 = arith.constant 40 : i32
    %scan3A_13 = arith.addi %scan3A_11, %scan3A_12 : i32
    %scan3A_14 = arith.constant 1 : i32
    %scan3A_15 = scf.for %scan3A_38 = %scan3A_11 to %scan3A_13 step %scan3A_14 iter_args(%scan3A_39 = %scan3A_10) -> (i32)  : i32 {
      %get3A = arith.index_cast %scan3A_38 : i32 to index
      %get3A_40 = arith.constant 0 : index
      %get3A_41 = tpu.vector_load %arg4[%get3A, %get3A_40] {strides = array<i32>} : memref<40x128xi32, #tpu.memory_space<vmem>>, vector<16xi32>,
      tpu.vector_store_idx %arg5[%get3A_41], %broadcast_in_dim3A_9 {add = true} : memref<10240xf32, #tpu.memory_space<vmem>>[vector<16xi32>], vector<16xf32>,
      %get3A_42 = arith.index_cast %scan3A_38 : i32 to index
      %get3A_43 = arith.constant 16 : index
      %get3A_44 = tpu.vector_load %arg4[%get3A_42, %get3A_43] {strides = array<i32>} : memref<40x128xi32, #tpu.memory_space<vmem>>, vector<16xi32>,
      tpu.vector_store_idx %arg5[%get3A_44], %broadcast_in_dim3A_9 {add = true} : memref<10240xf32, #tpu.memory_space<vmem>>[vector<16xi32>], vector<16xf32>,
      %get3A_45 = arith.index_cast %scan3A_38 : i32 to index
      %get3A_46 = arith.constant 32 : index
      %get3A_47 = tpu.vector_load %arg4[%get3A_45, %get3A_46] {strides = array<i32>} : memref<40x128xi32, #tpu.memory_space<vmem>>, vector<16xi32>,
      tpu.vector_store_idx %arg5[%get3A_47], %broadcast_in_dim3A_9 {add = true} : memref<10240xf32, #tpu.memory_space<vmem>>[vector<16xi32>], vector<16xf32>,
      %get3A_48 = arith.index_cast %scan3A_38 : i32 to index
      %get3A_49 = arith.constant 48 : index
      %get3A_50 = tpu.vector_load %arg4[%get3A_48, %get3A_49] {strides = array<i32>} : memref<40x128xi32, #tpu.memory_space<vmem>>, vector<16xi32>,
      tpu.vector_store_idx %arg5[%get3A_50], %broadcast_in_dim3A_9 {add = true} : memref<10240xf32, #tpu.memory_space<vmem>>[vector<16xi32>], vector<16xf32>,
      %get3A_51 = arith.index_cast %scan3A_38 : i32 to index
      %get3A_52 = arith.constant 64 : index
      %get3A_53 = tpu.vector_load %arg4[%get3A_51, %get3A_52] {strides = array<i32>} : memref<40x128xi32, #tpu.memory_space<vmem>>, vector<16xi32>,
      tpu.vector_store_idx %arg5[%get3A_53], %broadcast_in_dim3A_9 {add = true} : memref<10240xf32, #tpu.memory_space<vmem>>[vector<16xi32>], vector<16xf32>,
      %get3A_54 = arith.index_cast %scan3A_38 : i32 to index
      %get3A_55 = arith.constant 80 : index
      %get3A_56 = tpu.vector_load %arg4[%get3A_54, %get3A_55] {strides = array<i32>} : memref<40x128xi32, #tpu.memory_space<vmem>>, vector<16xi32>,
      tpu.vector_store_idx %arg5[%get3A_56], %broadcast_in_dim3A_9 {add = true} : memref<10240xf32, #tpu.memory_space<vmem>>[vector<16xi32>], vector<16xf32>,
      %get3A_57 = arith.index_cast %scan3A_38 : i32 to index
      %get3A_58 = arith.constant 96 : index
      %get3A_59 = tpu.vector_load %arg4[%get3A_57, %get3A_58] {strides = array<i32>} : memref<40x128xi32, #tpu.memory_space<vmem>>, vector<16xi32>,
      tpu.vector_store_idx %arg5[%get3A_59], %broadcast_in_dim3A_9 {add = true} : memref<10240xf32, #tpu.memory_space<vmem>>[vector<16xi32>], vector<16xf32>,
      %get3A_60 = arith.index_cast %scan3A_38 : i32 to index
      %get3A_61 = arith.constant 112 : index
      %get3A_62 = tpu.vector_load %arg4[%get3A_60, %get3A_61] {strides = array<i32>} : memref<40x128xi32, #tpu.memory_space<vmem>>, vector<16xi32>,
      tpu.vector_store_idx %arg5[%get3A_62], %broadcast_in_dim3A_9 {add = true} : memref<10240xf32, #tpu.memory_space<vmem>>[vector<16xi32>], vector<16xf32>,
      %scan3A_63 = arith.constant 0 : i32
      scf.yield %scan3A_63 : i32
    }
    %scan3A_16 = arith.constant 40 : i32
    %mul3A_17 = arith.constant 10240 : i32
    %mul3A_18 = arith.muli %arg1, %mul3A_17 : i32
    "tpu.region"() ({
      %run_scoped3A = tpu.sem_alloc : memref<!tpu.dma_semaphore, #tpu.memory_space<semaphore_mem>>
      %dma_start3A = tpu.memref_slice %arg8[%mul3A_18] : memref<163840xf32, #tpu.memory_space<vmem_shared>> -> memref<10240xf32, #tpu.memory_space<vmem_shared>>
      %dma_start3A_38 = tpu.memref_slice %arg8[%mul3A_18] : memref<163840xf32, #tpu.memory_space<vmem_shared>> -> memref<10240xf32, #tpu.memory_space<vmem_shared>>
      tpu.enqueue_dma source(%arg5 : memref<10240xf32, #tpu.memory_space<vmem>>) target(%dma_start3A_38 : memref<10240xf32, #tpu.memory_space<vmem_shared>>) target_semaphore(%run_scoped3A : memref<!tpu.dma_semaphore, #tpu.memory_space<semaphore_mem>>)
      %dma_wait3A = tpu.memref_slice %arg8[%mul3A_18] : memref<163840xf32, #tpu.memory_space<vmem_shared>> -> memref<10240xf32, #tpu.memory_space<vmem_shared>>
      %dma_wait3A_39 = tpu.memref_slice %arg8[%mul3A_18] : memref<163840xf32, #tpu.memory_space<vmem_shared>> -> memref<10240xf32, #tpu.memory_space<vmem_shared>>
      tpu.wait_dma2 semaphore(%run_scoped3A : memref<!tpu.dma_semaphore, #tpu.memory_space<semaphore_mem>>) src(%arg5 : memref<10240xf32, #tpu.memory_space<vmem>>) dst(%dma_wait3A_39 : memref<10240xf32, #tpu.memory_space<vmem_shared>>)
      tpu.yield
    }) : () -> ()
    %barrier3A = arith.constant 0 : index
    tpu.barrier barrier_id(%barrier3A)
    %scan3A_19 = arith.constant 0 : i32
    %scan3A_20 = arith.constant 0 : i32
    %scan3A_21 = arith.constant 40 : i32
    %scan3A_22 = arith.addi %scan3A_20, %scan3A_21 : i32
    %scan3A_23 = arith.constant 1 : i32
    %scan3A_24 = scf.for %scan3A_38 = %scan3A_20 to %scan3A_22 step %scan3A_23 iter_args(%scan3A_39 = %scan3A_19) -> (i32)  : i32 {
      %mul3A_40 = arith.constant 16 : i32
      %mul3A_41 = arith.muli %scan3A_38, %mul3A_40 : i32
      %swap3A = arith.index_cast %mul3A_41 : i32 to index
      %swap3A_42 = tpu.vector_load %arg7[%swap3A] {strides = array<i32>} : memref<640xf32, #tpu.memory_space<vmem>>, vector<16xf32>,
      tpu.vector_store %arg7[%swap3A], %broadcast_in_dim3A_1 {strides = array<i32>} : memref<640xf32, #tpu.memory_space<vmem>>, vector<16xf32>,
      %scan3A_43 = arith.constant 0 : i32
      scf.yield %scan3A_43 : i32
    }
    %scan3A_25 = arith.constant 40 : i32
    %scan3A_26 = arith.constant 0 : i32
    %scan3A_27 = arith.constant 0 : i32
    %scan3A_28 = arith.constant 16 : i32
    %scan3A_29 = arith.addi %scan3A_27, %scan3A_28 : i32
    %scan3A_30 = arith.constant 1 : i32
    %scan3A_31 = scf.for %scan3A_38 = %scan3A_27 to %scan3A_29 step %scan3A_30 iter_args(%scan3A_39 = %scan3A_26) -> (i32)  : i32 {
      %mul3A_40 = arith.constant 10240 : i32
      %mul3A_41 = arith.muli %scan3A_38, %mul3A_40 : i32
      %mul3A_42 = arith.constant 640 : i32
      %mul3A_43 = arith.muli %arg1, %mul3A_42 : i32
      %add3A_44 = arith.addi %mul3A_41, %mul3A_43 : i32
      "tpu.region"() ({
        %run_scoped3A = tpu.sem_alloc : memref<!tpu.dma_semaphore, #tpu.memory_space<semaphore_mem>>
        %dma_start3A = tpu.memref_slice %arg8[%add3A_44] : memref<163840xf32, #tpu.memory_space<vmem_shared>> -> memref<640xf32, #tpu.memory_space<vmem_shared>>
        %dma_start3A_53 = tpu.memref_slice %arg8[%add3A_44] : memref<163840xf32, #tpu.memory_space<vmem_shared>> -> memref<640xf32, #tpu.memory_space<vmem_shared>>
        tpu.enqueue_dma source(%dma_start3A_53 : memref<640xf32, #tpu.memory_space<vmem_shared>>) target(%arg6 : memref<640xf32, #tpu.memory_space<vmem>>) target_semaphore(%run_scoped3A : memref<!tpu.dma_semaphore, #tpu.memory_space<semaphore_mem>>)
        %dma_wait3A = tpu.memref_slice %arg8[%add3A_44] : memref<163840xf32, #tpu.memory_space<vmem_shared>> -> memref<640xf32, #tpu.memory_space<vmem_shared>>
        %dma_wait3A_54 = tpu.memref_slice %arg8[%add3A_44] : memref<163840xf32, #tpu.memory_space<vmem_shared>> -> memref<640xf32, #tpu.memory_space<vmem_shared>>
        tpu.wait_dma2 semaphore(%run_scoped3A : memref<!tpu.dma_semaphore, #tpu.memory_space<semaphore_mem>>) src(%dma_wait3A_54 : memref<640xf32, #tpu.memory_space<vmem_shared>>) dst(%arg6 : memref<640xf32, #tpu.memory_space<vmem>>)
        tpu.yield
      }) : () -> ()
      %scan3A_45 = arith.constant 0 : i32
      %scan3A_46 = arith.constant 0 : i32
      %scan3A_47 = arith.constant 40 : i32
      %scan3A_48 = arith.addi %scan3A_46, %scan3A_47 : i32
      %scan3A_49 = arith.constant 1 : i32
      %scan3A_50 = scf.for %scan3A_53 = %scan3A_46 to %scan3A_48 step %scan3A_49 iter_args(%scan3A_54 = %scan3A_45) -> (i32)  : i32 {
        %mul3A_55 = arith.constant 16 : i32
        %mul3A_56 = arith.muli %scan3A_53, %mul3A_55 : i32
        %get3A = arith.index_cast %mul3A_56 : i32 to index
        %get3A_57 = tpu.vector_load %arg7[%get3A] {strides = array<i32>} : memref<640xf32, #tpu.memory_space<vmem>>, vector<16xf32>,
        %mul3A_58 = arith.constant 16 : i32
        %mul3A_59 = arith.muli %scan3A_53, %mul3A_58 : i32
        %get3A_60 = arith.index_cast %mul3A_59 : i32 to index
        %get3A_61 = tpu.vector_load %arg6[%get3A_60] {strides = array<i32>} : memref<640xf32, #tpu.memory_space<vmem>>, vector<16xf32>,
        %add3A_62 = arith.addf %get3A_57, %get3A_61 : vector<16xf32>
        %mul3A_63 = arith.constant 16 : i32
        %mul3A_64 = arith.muli %scan3A_53, %mul3A_63 : i32
        %swap3A = arith.index_cast %mul3A_64 : i32 to index
        %swap3A_65 = tpu.vector_load %arg7[%swap3A] {strides = array<i32>} : memref<640xf32, #tpu.memory_space<vmem>>, vector<16xf32>,
        tpu.vector_store %arg7[%swap3A], %add3A_62 {strides = array<i32>} : memref<640xf32, #tpu.memory_space<vmem>>, vector<16xf32>,
        %scan3A_66 = arith.constant 0 : i32
        scf.yield %scan3A_66 : i32
      }
      %scan3A_51 = arith.constant 40 : i32
      %scan3A_52 = arith.constant 0 : i32
      scf.yield %scan3A_52 : i32
    }
    %scan3A_32 = arith.constant 16 : i32
    %mul3A_33 = arith.constant 10240 : i32
    %mul3A_34 = arith.muli %arg0, %mul3A_33 : i32
    %mul3A_35 = arith.constant 640 : i32
    %mul3A_36 = arith.muli %arg1, %mul3A_35 : i32
    %add3A_37 = arith.addi %mul3A_34, %mul3A_36 : i32
    "tpu.region"() ({
      %run_scoped3A = tpu.sem_alloc : memref<!tpu.dma_semaphore, #tpu.memory_space<semaphore_mem>>
      %dma_start3A = tpu.memref_slice %arg3[%add3A_37] : memref<20480xf32, #tpu.memory_space<hbm>> -> memref<640xf32, #tpu.memory_space<hbm>>
      %dma_start3A_38 = tpu.memref_slice %arg3[%add3A_37] : memref<20480xf32, #tpu.memory_space<hbm>> -> memref<640xf32, #tpu.memory_space<hbm>>
      tpu.enqueue_dma source(%arg7 : memref<640xf32, #tpu.memory_space<vmem>>) target(%dma_start3A_38 : memref<640xf32, #tpu.memory_space<hbm>>) target_semaphore(%run_scoped3A : memref<!tpu.dma_semaphore, #tpu.memory_space<semaphore_mem>>)
      %dma_wait3A = tpu.memref_slice %arg3[%add3A_37] : memref<20480xf32, #tpu.memory_space<hbm>> -> memref<640xf32, #tpu.memory_space<hbm>>
      %dma_wait3A_39 = tpu.memref_slice %arg3[%add3A_37] : memref<20480xf32, #tpu.memory_space<hbm>> -> memref<640xf32, #tpu.memory_space<hbm>>
      tpu.wait_dma2 semaphore(%run_scoped3A : memref<!tpu.dma_semaphore, #tpu.memory_space<semaphore_mem>>) src(%arg7 : memref<640xf32, #tpu.memory_space<vmem>>) dst(%dma_wait3A_39 : memref<640xf32, #tpu.memory_space<hbm>>)
      tpu.yield
    }) : () -> ()
    return
  }
}

#map = affine_map<(d0, d1) -> (0, 0)>
#map1 = affine_map<(d0, d1) -> (0, 0, 0)>
module attributes {stable_mosaic.version = 14 : i64} {
  func.func @agg(%arg0: i32, %arg1: i32, %arg2: memref<10000x64xf32, #tpu.memory_space<hbm>>, %arg3: memref<32x40x128xi32, #tpu.memory_space<hbm>>, %arg4: memref<32x40x128xi32, #tpu.memory_space<hbm>>, %arg5: memref<20480x64xf32, #tpu.memory_space<hbm>>, %arg6: memref<40x128xi32, #tpu.memory_space<vmem>>, %arg7: memref<40x128xi32, #tpu.memory_space<vmem>>, %arg8: memref<128x64xf32, #tpu.memory_space<vmem>>, %arg9: memref<128x64xf32, #tpu.memory_space<vmem>>, %arg10: memref<128x64xf32, #tpu.memory_space<vmem>>, %arg11: memref<128x64xf32, #tpu.memory_space<vmem>>, %arg12: memref<128x64xf32, #tpu.memory_space<vmem>>, %arg13: memref<10240x64xf32, #tpu.memory_space<vmem_shared>>, %arg14: memref<!tpu.dma_semaphore, #tpu.memory_space<semaphore_mem>>, %arg15: memref<!tpu.dma_semaphore, #tpu.memory_space<semaphore_mem>>, %arg16: memref<!tpu.dma_semaphore, #tpu.memory_space<semaphore_mem>>, %arg17: memref<!tpu.dma_semaphore, #tpu.memory_space<semaphore_mem>>, %arg18: memref<!tpu.dma_semaphore, #tpu.memory_space<semaphore_mem>>, %arg19: memref<!tpu.dma_semaphore, #tpu.memory_space<semaphore_mem>>, %arg20: memref<!tpu.dma_semaphore, #tpu.memory_space<semaphore_mem>>, %arg21: memref<!tpu.dma_semaphore, #tpu.memory_space<semaphore_mem>>) attributes {dimension_semantics = [#tpu.dimension_semantics<core_parallel>, #tpu.dimension_semantics<subcore_parallel>], iteration_bounds = array<i64: 2, 16>, scalar_prefetch = 0 : i64, scratch_operands = 16 : i64, tpu.core_type = #tpu.core_type<sc_vector_subcore>, window_params = [{transform_indices = #map}, {transform_indices = #map1}, {transform_indices = #map1}, {transform_indices = #map}]} {
    %mul3A = arith.constant 16 : i32
    %mul3A_0 = arith.muli %arg0, %mul3A : i32
    %add3A = arith.addi %mul3A_0, %arg1 : i32
    %broadcast_in_dim3A = arith.constant 0.000000e+00 : f32
    %broadcast_in_dim3A_1 = vector.broadcast %broadcast_in_dim3A : f32 to vector<16xf32>
    %scan3A = arith.constant 0 : i32
    %scan3A_2 = arith.constant 0 : i32
    %scan3A_3 = arith.constant 128 : i32
    %scan3A_4 = arith.addi %scan3A_2, %scan3A_3 : i32
    %scan3A_5 = arith.constant 1 : i32
    %scan3A_6 = scf.for %scan3A_84 = %scan3A_2 to %scan3A_4 step %scan3A_5 iter_args(%scan3A_85 = %scan3A) -> (i32)  : i32 {
      %swap3A = arith.index_cast %scan3A_84 : i32 to index
      %swap3A_86 = arith.constant 0 : index
      %swap3A_87 = tpu.vector_load %arg12[%swap3A, %swap3A_86] {strides = array<i32>} : memref<128x64xf32, #tpu.memory_space<vmem>>, vector<16xf32>,
      tpu.vector_store %arg12[%swap3A, %swap3A_86], %broadcast_in_dim3A_1 {strides = array<i32>} : memref<128x64xf32, #tpu.memory_space<vmem>>, vector<16xf32>,
      %swap3A_88 = arith.index_cast %scan3A_84 : i32 to index
      %swap3A_89 = arith.constant 16 : index
      %swap3A_90 = tpu.vector_load %arg12[%swap3A_88, %swap3A_89] {strides = array<i32>} : memref<128x64xf32, #tpu.memory_space<vmem>>, vector<16xf32>,
      tpu.vector_store %arg12[%swap3A_88, %swap3A_89], %broadcast_in_dim3A_1 {strides = array<i32>} : memref<128x64xf32, #tpu.memory_space<vmem>>, vector<16xf32>,
      %swap3A_91 = arith.index_cast %scan3A_84 : i32 to index
      %swap3A_92 = arith.constant 32 : index
      %swap3A_93 = tpu.vector_load %arg12[%swap3A_91, %swap3A_92] {strides = array<i32>} : memref<128x64xf32, #tpu.memory_space<vmem>>, vector<16xf32>,
      tpu.vector_store %arg12[%swap3A_91, %swap3A_92], %broadcast_in_dim3A_1 {strides = array<i32>} : memref<128x64xf32, #tpu.memory_space<vmem>>, vector<16xf32>,
      %swap3A_94 = arith.index_cast %scan3A_84 : i32 to index
      %swap3A_95 = arith.constant 48 : index
      %swap3A_96 = tpu.vector_load %arg12[%swap3A_94, %swap3A_95] {strides = array<i32>} : memref<128x64xf32, #tpu.memory_space<vmem>>, vector<16xf32>,
      tpu.vector_store %arg12[%swap3A_94, %swap3A_95], %broadcast_in_dim3A_1 {strides = array<i32>} : memref<128x64xf32, #tpu.memory_space<vmem>>, vector<16xf32>,
      %scan3A_97 = arith.constant 0 : i32
      scf.yield %scan3A_97 : i32
    }
    %scan3A_7 = arith.constant 128 : i32
    "tpu.region"() ({
      %run_scoped3A = tpu.sem_alloc : memref<!tpu.dma_semaphore, #tpu.memory_space<semaphore_mem>>
      %dma_start3A_84 = arith.constant 0 : i32
      %dma_start3A_85 = arith.constant 0 : i32
      %dma_start3A_86 = tpu.memref_slice %arg3[%add3A, %dma_start3A_84, %dma_start3A_85] : memref<32x40x128xi32, #tpu.memory_space<hbm>> -> memref<1x40x128xi32, #tpu.memory_space<hbm>>
      %dma_start3A_87 = tpu.memref_squeeze %dma_start3A_86 : memref<1x40x128xi32, #tpu.memory_space<hbm>> -> memref<40x128xi32, #tpu.memory_space<hbm>>
      %dma_start3A_88 = arith.constant 0 : i32
      %dma_start3A_89 = arith.constant 0 : i32
      %dma_start3A_90 = tpu.memref_slice %arg3[%add3A, %dma_start3A_88, %dma_start3A_89] : memref<32x40x128xi32, #tpu.memory_space<hbm>> -> memref<1x40x128xi32, #tpu.memory_space<hbm>>
      %dma_start3A_91 = tpu.memref_squeeze %dma_start3A_90 : memref<1x40x128xi32, #tpu.memory_space<hbm>> -> memref<40x128xi32, #tpu.memory_space<hbm>>
      tpu.enqueue_dma source(%dma_start3A_91 : memref<40x128xi32, #tpu.memory_space<hbm>>) target(%arg6 : memref<40x128xi32, #tpu.memory_space<vmem>>) target_semaphore(%run_scoped3A : memref<!tpu.dma_semaphore, #tpu.memory_space<semaphore_mem>>)
      %dma_wait3A_92 = arith.constant 0 : i32
      %dma_wait3A_93 = arith.constant 0 : i32
      %dma_wait3A_94 = tpu.memref_slice %arg3[%add3A, %dma_wait3A_92, %dma_wait3A_93] : memref<32x40x128xi32, #tpu.memory_space<hbm>> -> memref<1x40x128xi32, #tpu.memory_space<hbm>>
      %dma_wait3A_95 = tpu.memref_squeeze %dma_wait3A_94 : memref<1x40x128xi32, #tpu.memory_space<hbm>> -> memref<40x128xi32, #tpu.memory_space<hbm>>
      %dma_wait3A_96 = arith.constant 0 : i32
      %dma_wait3A_97 = arith.constant 0 : i32
      %dma_wait3A_98 = tpu.memref_slice %arg3[%add3A, %dma_wait3A_96, %dma_wait3A_97] : memref<32x40x128xi32, #tpu.memory_space<hbm>> -> memref<1x40x128xi32, #tpu.memory_space<hbm>>
      %dma_wait3A_99 = tpu.memref_squeeze %dma_wait3A_98 : memref<1x40x128xi32, #tpu.memory_space<hbm>> -> memref<40x128xi32, #tpu.memory_space<hbm>>
      tpu.wait_dma2 semaphore(%run_scoped3A : memref<!tpu.dma_semaphore, #tpu.memory_space<semaphore_mem>>) src(%dma_wait3A_99 : memref<40x128xi32, #tpu.memory_space<hbm>>) dst(%arg6 : memref<40x128xi32, #tpu.memory_space<vmem>>)
      tpu.yield
    }) : () -> ()
    "tpu.region"() ({
      %run_scoped3A = tpu.sem_alloc : memref<!tpu.dma_semaphore, #tpu.memory_space<semaphore_mem>>
      %dma_start3A_84 = arith.constant 0 : i32
      %dma_start3A_85 = arith.constant 0 : i32
      %dma_start3A_86 = tpu.memref_slice %arg4[%add3A, %dma_start3A_84, %dma_start3A_85] : memref<32x40x128xi32, #tpu.memory_space<hbm>> -> memref<1x40x128xi32, #tpu.memory_space<hbm>>
      %dma_start3A_87 = tpu.memref_squeeze %dma_start3A_86 : memref<1x40x128xi32, #tpu.memory_space<hbm>> -> memref<40x128xi32, #tpu.memory_space<hbm>>
      %dma_start3A_88 = arith.constant 0 : i32
      %dma_start3A_89 = arith.constant 0 : i32
      %dma_start3A_90 = tpu.memref_slice %arg4[%add3A, %dma_start3A_88, %dma_start3A_89] : memref<32x40x128xi32, #tpu.memory_space<hbm>> -> memref<1x40x128xi32, #tpu.memory_space<hbm>>
      %dma_start3A_91 = tpu.memref_squeeze %dma_start3A_90 : memref<1x40x128xi32, #tpu.memory_space<hbm>> -> memref<40x128xi32, #tpu.memory_space<hbm>>
      tpu.enqueue_dma source(%dma_start3A_91 : memref<40x128xi32, #tpu.memory_space<hbm>>) target(%arg7 : memref<40x128xi32, #tpu.memory_space<vmem>>) target_semaphore(%run_scoped3A : memref<!tpu.dma_semaphore, #tpu.memory_space<semaphore_mem>>)
      %dma_wait3A_92 = arith.constant 0 : i32
      %dma_wait3A_93 = arith.constant 0 : i32
      %dma_wait3A_94 = tpu.memref_slice %arg4[%add3A, %dma_wait3A_92, %dma_wait3A_93] : memref<32x40x128xi32, #tpu.memory_space<hbm>> -> memref<1x40x128xi32, #tpu.memory_space<hbm>>
      %dma_wait3A_95 = tpu.memref_squeeze %dma_wait3A_94 : memref<1x40x128xi32, #tpu.memory_space<hbm>> -> memref<40x128xi32, #tpu.memory_space<hbm>>
      %dma_wait3A_96 = arith.constant 0 : i32
      %dma_wait3A_97 = arith.constant 0 : i32
      %dma_wait3A_98 = tpu.memref_slice %arg4[%add3A, %dma_wait3A_96, %dma_wait3A_97] : memref<32x40x128xi32, #tpu.memory_space<hbm>> -> memref<1x40x128xi32, #tpu.memory_space<hbm>>
      %dma_wait3A_99 = tpu.memref_squeeze %dma_wait3A_98 : memref<1x40x128xi32, #tpu.memory_space<hbm>> -> memref<40x128xi32, #tpu.memory_space<hbm>>
      tpu.wait_dma2 semaphore(%run_scoped3A : memref<!tpu.dma_semaphore, #tpu.memory_space<semaphore_mem>>) src(%dma_wait3A_99 : memref<40x128xi32, #tpu.memory_space<hbm>>) dst(%arg7 : memref<40x128xi32, #tpu.memory_space<vmem>>)
      tpu.yield
    }) : () -> ()
    %scan3A_8 = arith.constant 0 : i32
    %scan3A_9 = arith.constant 0 : i32
    %scan3A_10 = arith.constant 5 : i32
    %scan3A_11 = arith.addi %scan3A_9, %scan3A_10 : i32
    %scan3A_12 = arith.constant 1 : i32
    %scan3A_13 = scf.for %scan3A_84 = %scan3A_9 to %scan3A_11 step %scan3A_12 iter_args(%scan3A_85 = %scan3A_8) -> (i32)  : i32 {
      %mul3A_86 = arith.constant 640 : i32
      %mul3A_87 = arith.muli %arg1, %mul3A_86 : i32
      %mul3A_88 = arith.constant 128 : i32
      %mul3A_89 = arith.muli %scan3A_84, %mul3A_88 : i32
      %add3A_90 = arith.addi %mul3A_87, %mul3A_89 : i32
      "tpu.region"() ({
        %run_scoped3A = tpu.sem_alloc : memref<!tpu.dma_semaphore, #tpu.memory_space<semaphore_mem>>
        %dma_start3A_92 = arith.constant 0 : i32
        %dma_start3A_93 = tpu.memref_slice %arg13[%add3A_90, %dma_start3A_92] : memref<10240x64xf32, #tpu.memory_space<vmem_shared>> -> memref<128x64xf32, #tpu.memory_space<vmem_shared>>
        %dma_start3A_94 = arith.constant 0 : i32
        %dma_start3A_95 = tpu.memref_slice %arg13[%add3A_90, %dma_start3A_94] : memref<10240x64xf32, #tpu.memory_space<vmem_shared>> -> memref<128x64xf32, #tpu.memory_space<vmem_shared>>
        tpu.enqueue_dma source(%arg12 : memref<128x64xf32, #tpu.memory_space<vmem>>) target(%dma_start3A_95 : memref<128x64xf32, #tpu.memory_space<vmem_shared>>) target_semaphore(%run_scoped3A : memref<!tpu.dma_semaphore, #tpu.memory_space<semaphore_mem>>)
        %dma_wait3A_96 = arith.constant 0 : i32
        %dma_wait3A_97 = tpu.memref_slice %arg13[%add3A_90, %dma_wait3A_96] : memref<10240x64xf32, #tpu.memory_space<vmem_shared>> -> memref<128x64xf32, #tpu.memory_space<vmem_shared>>
        %dma_wait3A_98 = arith.constant 0 : i32
        %dma_wait3A_99 = tpu.memref_slice %arg13[%add3A_90, %dma_wait3A_98] : memref<10240x64xf32, #tpu.memory_space<vmem_shared>> -> memref<128x64xf32, #tpu.memory_space<vmem_shared>>
        tpu.wait_dma2 semaphore(%run_scoped3A : memref<!tpu.dma_semaphore, #tpu.memory_space<semaphore_mem>>) src(%arg12 : memref<128x64xf32, #tpu.memory_space<vmem>>) dst(%dma_wait3A_99 : memref<128x64xf32, #tpu.memory_space<vmem_shared>>)
        tpu.yield
      }) : () -> ()
      %scan3A_91 = arith.constant 0 : i32
      scf.yield %scan3A_91 : i32
    }
    %scan3A_14 = arith.constant 5 : i32
    %barrier3A = arith.constant 0 : index
    tpu.barrier barrier_id(%barrier3A)
    %dma_start3A = arith.constant 0 : i32
    %dma_start3A_15 = arith.constant 0 : i32
    %dma_start3A_16 = tpu.memref_slice %arg6[%dma_start3A, %dma_start3A_15] : memref<40x128xi32, #tpu.memory_space<vmem>> -> memref<1x128xi32, #tpu.memory_space<vmem>>
    %dma_start3A_17 = tpu.memref_squeeze %dma_start3A_16 : memref<1x128xi32, #tpu.memory_space<vmem>> -> memref<128xi32, #tpu.memory_space<vmem>>
    %dma_start3A_18 = arith.constant 0 : i32
    %dma_start3A_19 = arith.constant 0 : i32
    %dma_start3A_20 = tpu.memref_slice %arg2[%dma_start3A_18, %dma_start3A_19] : memref<10000x64xf32, #tpu.memory_space<hbm>> -> memref<10000x64xf32, #tpu.memory_space<hbm>>
    tpu.enqueue_indirect_dma source(%dma_start3A_20 : memref<10000x64xf32, #tpu.memory_space<hbm>>) target(%arg8 : memref<128x64xf32, #tpu.memory_space<vmem>>) offsets(%dma_start3A_17 : memref<128xi32, #tpu.memory_space<vmem>>) semaphore(%arg14 : memref<!tpu.dma_semaphore, #tpu.memory_space<semaphore_mem>>)
    %dma_start3A_21 = arith.constant 1 : i32
    %dma_start3A_22 = arith.constant 0 : i32
    %dma_start3A_23 = tpu.memref_slice %arg6[%dma_start3A_21, %dma_start3A_22] : memref<40x128xi32, #tpu.memory_space<vmem>> -> memref<1x128xi32, #tpu.memory_space<vmem>>
    %dma_start3A_24 = tpu.memref_squeeze %dma_start3A_23 : memref<1x128xi32, #tpu.memory_space<vmem>> -> memref<128xi32, #tpu.memory_space<vmem>>
    %dma_start3A_25 = arith.constant 0 : i32
    %dma_start3A_26 = arith.constant 0 : i32
    %dma_start3A_27 = tpu.memref_slice %arg2[%dma_start3A_25, %dma_start3A_26] : memref<10000x64xf32, #tpu.memory_space<hbm>> -> memref<10000x64xf32, #tpu.memory_space<hbm>>
    tpu.enqueue_indirect_dma source(%dma_start3A_27 : memref<10000x64xf32, #tpu.memory_space<hbm>>) target(%arg9 : memref<128x64xf32, #tpu.memory_space<vmem>>) offsets(%dma_start3A_24 : memref<128xi32, #tpu.memory_space<vmem>>) semaphore(%arg15 : memref<!tpu.dma_semaphore, #tpu.memory_space<semaphore_mem>>)
    %dma_start3A_28 = arith.constant 2 : i32
    %dma_start3A_29 = arith.constant 0 : i32
    %dma_start3A_30 = tpu.memref_slice %arg6[%dma_start3A_28, %dma_start3A_29] : memref<40x128xi32, #tpu.memory_space<vmem>> -> memref<1x128xi32, #tpu.memory_space<vmem>>
    %dma_start3A_31 = tpu.memref_squeeze %dma_start3A_30 : memref<1x128xi32, #tpu.memory_space<vmem>> -> memref<128xi32, #tpu.memory_space<vmem>>
    %dma_start3A_32 = arith.constant 0 : i32
    %dma_start3A_33 = arith.constant 0 : i32
    %dma_start3A_34 = tpu.memref_slice %arg2[%dma_start3A_32, %dma_start3A_33] : memref<10000x64xf32, #tpu.memory_space<hbm>> -> memref<10000x64xf32, #tpu.memory_space<hbm>>
    tpu.enqueue_indirect_dma source(%dma_start3A_34 : memref<10000x64xf32, #tpu.memory_space<hbm>>) target(%arg10 : memref<128x64xf32, #tpu.memory_space<vmem>>) offsets(%dma_start3A_31 : memref<128xi32, #tpu.memory_space<vmem>>) semaphore(%arg16 : memref<!tpu.dma_semaphore, #tpu.memory_space<semaphore_mem>>)
    %dma_start3A_35 = arith.constant 3 : i32
    %dma_start3A_36 = arith.constant 0 : i32
    %dma_start3A_37 = tpu.memref_slice %arg6[%dma_start3A_35, %dma_start3A_36] : memref<40x128xi32, #tpu.memory_space<vmem>> -> memref<1x128xi32, #tpu.memory_space<vmem>>
    %dma_start3A_38 = tpu.memref_squeeze %dma_start3A_37 : memref<1x128xi32, #tpu.memory_space<vmem>> -> memref<128xi32, #tpu.memory_space<vmem>>
    %dma_start3A_39 = arith.constant 0 : i32
    %dma_start3A_40 = arith.constant 0 : i32
    %dma_start3A_41 = tpu.memref_slice %arg2[%dma_start3A_39, %dma_start3A_40] : memref<10000x64xf32, #tpu.memory_space<hbm>> -> memref<10000x64xf32, #tpu.memory_space<hbm>>
    tpu.enqueue_indirect_dma source(%dma_start3A_41 : memref<10000x64xf32, #tpu.memory_space<hbm>>) target(%arg11 : memref<128x64xf32, #tpu.memory_space<vmem>>) offsets(%dma_start3A_38 : memref<128xi32, #tpu.memory_space<vmem>>) semaphore(%arg17 : memref<!tpu.dma_semaphore, #tpu.memory_space<semaphore_mem>>)
    %scan3A_42 = arith.constant 0 : i32
    %scan3A_43 = arith.constant 0 : i32
    %scan3A_44 = arith.constant 10 : i32
    %scan3A_45 = arith.addi %scan3A_43, %scan3A_44 : i32
    %scan3A_46 = arith.constant 1 : i32
    %scan3A_47 = scf.for %scan3A_84 = %scan3A_43 to %scan3A_45 step %scan3A_46 iter_args(%scan3A_85 = %scan3A_42) -> (i32)  : i32 {
      %mul3A_86 = arith.constant 4 : i32
      %mul3A_87 = arith.muli %mul3A_86, %scan3A_84 : i32
      %add3A_88 = arith.constant 0 : i32
      %add3A_89 = arith.addi %mul3A_87, %add3A_88 : i32
      %dma_wait3A_90 = arith.constant 0 : i32
      %dma_wait3A_91 = tpu.memref_slice %arg6[%add3A_89, %dma_wait3A_90] : memref<40x128xi32, #tpu.memory_space<vmem>> -> memref<1x128xi32, #tpu.memory_space<vmem>>
      %dma_wait3A_92 = tpu.memref_squeeze %dma_wait3A_91 : memref<1x128xi32, #tpu.memory_space<vmem>> -> memref<128xi32, #tpu.memory_space<vmem>>
      %dma_wait3A_93 = arith.constant 0 : i32
      %dma_wait3A_94 = arith.constant 0 : i32
      %dma_wait3A_95 = tpu.memref_slice %arg2[%dma_wait3A_93, %dma_wait3A_94] : memref<10000x64xf32, #tpu.memory_space<hbm>> -> memref<10000x64xf32, #tpu.memory_space<hbm>>
      tpu.wait_indirect_dma semaphore(%arg14 : memref<!tpu.dma_semaphore, #tpu.memory_space<semaphore_mem>>) src(%dma_wait3A_95 : memref<10000x64xf32, #tpu.memory_space<hbm>>) dst(%arg8 : memref<128x64xf32, #tpu.memory_space<vmem>>)
      %add3A_96 = arith.constant 0 : i32
      %add3A_97 = arith.addi %mul3A_87, %add3A_96 : i32
      %dma_start3A_98 = arith.constant 0 : i32
      %dma_start3A_99 = tpu.memref_slice %arg7[%add3A_97, %dma_start3A_98] : memref<40x128xi32, #tpu.memory_space<vmem>> -> memref<1x128xi32, #tpu.memory_space<vmem>>
      %dma_start3A_100 = tpu.memref_squeeze %dma_start3A_99 : memref<1x128xi32, #tpu.memory_space<vmem>> -> memref<128xi32, #tpu.memory_space<vmem>>
      %dma_start3A_101 = arith.constant 0 : i32
      %dma_start3A_102 = arith.constant 0 : i32
      %dma_start3A_103 = tpu.memref_slice %arg13[%dma_start3A_101, %dma_start3A_102] : memref<10240x64xf32, #tpu.memory_space<vmem_shared>> -> memref<10240x64xf32, #tpu.memory_space<vmem_shared>>
      tpu.enqueue_indirect_dma source(%arg8 : memref<128x64xf32, #tpu.memory_space<vmem>>) target(%dma_start3A_103 : memref<10240x64xf32, #tpu.memory_space<vmem_shared>>) offsets(%dma_start3A_100 : memref<128xi32, #tpu.memory_space<vmem>>) semaphore(%arg18 : memref<!tpu.dma_semaphore, #tpu.memory_space<semaphore_mem>>) {add = true}
      %add3A_104 = arith.constant 1 : i32
      %add3A_105 = arith.addi %mul3A_87, %add3A_104 : i32
      %dma_wait3A_106 = arith.constant 0 : i32
      %dma_wait3A_107 = tpu.memref_slice %arg6[%add3A_105, %dma_wait3A_106] : memref<40x128xi32, #tpu.memory_space<vmem>> -> memref<1x128xi32, #tpu.memory_space<vmem>>
      %dma_wait3A_108 = tpu.memref_squeeze %dma_wait3A_107 : memref<1x128xi32, #tpu.memory_space<vmem>> -> memref<128xi32, #tpu.memory_space<vmem>>
      %dma_wait3A_109 = arith.constant 0 : i32
      %dma_wait3A_110 = arith.constant 0 : i32
      %dma_wait3A_111 = tpu.memref_slice %arg2[%dma_wait3A_109, %dma_wait3A_110] : memref<10000x64xf32, #tpu.memory_space<hbm>> -> memref<10000x64xf32, #tpu.memory_space<hbm>>
      tpu.wait_indirect_dma semaphore(%arg15 : memref<!tpu.dma_semaphore, #tpu.memory_space<semaphore_mem>>) src(%dma_wait3A_111 : memref<10000x64xf32, #tpu.memory_space<hbm>>) dst(%arg9 : memref<128x64xf32, #tpu.memory_space<vmem>>)
      %add3A_112 = arith.constant 1 : i32
      %add3A_113 = arith.addi %mul3A_87, %add3A_112 : i32
      %dma_start3A_114 = arith.constant 0 : i32
      %dma_start3A_115 = tpu.memref_slice %arg7[%add3A_113, %dma_start3A_114] : memref<40x128xi32, #tpu.memory_space<vmem>> -> memref<1x128xi32, #tpu.memory_space<vmem>>
      %dma_start3A_116 = tpu.memref_squeeze %dma_start3A_115 : memref<1x128xi32, #tpu.memory_space<vmem>> -> memref<128xi32, #tpu.memory_space<vmem>>
      %dma_start3A_117 = arith.constant 0 : i32
      %dma_start3A_118 = arith.constant 0 : i32
      %dma_start3A_119 = tpu.memref_slice %arg13[%dma_start3A_117, %dma_start3A_118] : memref<10240x64xf32, #tpu.memory_space<vmem_shared>> -> memref<10240x64xf32, #tpu.memory_space<vmem_shared>>
      tpu.enqueue_indirect_dma source(%arg9 : memref<128x64xf32, #tpu.memory_space<vmem>>) target(%dma_start3A_119 : memref<10240x64xf32, #tpu.memory_space<vmem_shared>>) offsets(%dma_start3A_116 : memref<128xi32, #tpu.memory_space<vmem>>) semaphore(%arg19 : memref<!tpu.dma_semaphore, #tpu.memory_space<semaphore_mem>>) {add = true}
      %add3A_120 = arith.constant 2 : i32
      %add3A_121 = arith.addi %mul3A_87, %add3A_120 : i32
      %dma_wait3A_122 = arith.constant 0 : i32
      %dma_wait3A_123 = tpu.memref_slice %arg6[%add3A_121, %dma_wait3A_122] : memref<40x128xi32, #tpu.memory_space<vmem>> -> memref<1x128xi32, #tpu.memory_space<vmem>>
      %dma_wait3A_124 = tpu.memref_squeeze %dma_wait3A_123 : memref<1x128xi32, #tpu.memory_space<vmem>> -> memref<128xi32, #tpu.memory_space<vmem>>
      %dma_wait3A_125 = arith.constant 0 : i32
      %dma_wait3A_126 = arith.constant 0 : i32
      %dma_wait3A_127 = tpu.memref_slice %arg2[%dma_wait3A_125, %dma_wait3A_126] : memref<10000x64xf32, #tpu.memory_space<hbm>> -> memref<10000x64xf32, #tpu.memory_space<hbm>>
      tpu.wait_indirect_dma semaphore(%arg16 : memref<!tpu.dma_semaphore, #tpu.memory_space<semaphore_mem>>) src(%dma_wait3A_127 : memref<10000x64xf32, #tpu.memory_space<hbm>>) dst(%arg10 : memref<128x64xf32, #tpu.memory_space<vmem>>)
      %add3A_128 = arith.constant 2 : i32
      %add3A_129 = arith.addi %mul3A_87, %add3A_128 : i32
      %dma_start3A_130 = arith.constant 0 : i32
      %dma_start3A_131 = tpu.memref_slice %arg7[%add3A_129, %dma_start3A_130] : memref<40x128xi32, #tpu.memory_space<vmem>> -> memref<1x128xi32, #tpu.memory_space<vmem>>
      %dma_start3A_132 = tpu.memref_squeeze %dma_start3A_131 : memref<1x128xi32, #tpu.memory_space<vmem>> -> memref<128xi32, #tpu.memory_space<vmem>>
      %dma_start3A_133 = arith.constant 0 : i32
      %dma_start3A_134 = arith.constant 0 : i32
      %dma_start3A_135 = tpu.memref_slice %arg13[%dma_start3A_133, %dma_start3A_134] : memref<10240x64xf32, #tpu.memory_space<vmem_shared>> -> memref<10240x64xf32, #tpu.memory_space<vmem_shared>>
      tpu.enqueue_indirect_dma source(%arg10 : memref<128x64xf32, #tpu.memory_space<vmem>>) target(%dma_start3A_135 : memref<10240x64xf32, #tpu.memory_space<vmem_shared>>) offsets(%dma_start3A_132 : memref<128xi32, #tpu.memory_space<vmem>>) semaphore(%arg20 : memref<!tpu.dma_semaphore, #tpu.memory_space<semaphore_mem>>) {add = true}
      %add3A_136 = arith.constant 3 : i32
      %add3A_137 = arith.addi %mul3A_87, %add3A_136 : i32
      %dma_wait3A_138 = arith.constant 0 : i32
      %dma_wait3A_139 = tpu.memref_slice %arg6[%add3A_137, %dma_wait3A_138] : memref<40x128xi32, #tpu.memory_space<vmem>> -> memref<1x128xi32, #tpu.memory_space<vmem>>
      %dma_wait3A_140 = tpu.memref_squeeze %dma_wait3A_139 : memref<1x128xi32, #tpu.memory_space<vmem>> -> memref<128xi32, #tpu.memory_space<vmem>>
      %dma_wait3A_141 = arith.constant 0 : i32
      %dma_wait3A_142 = arith.constant 0 : i32
      %dma_wait3A_143 = tpu.memref_slice %arg2[%dma_wait3A_141, %dma_wait3A_142] : memref<10000x64xf32, #tpu.memory_space<hbm>> -> memref<10000x64xf32, #tpu.memory_space<hbm>>
      tpu.wait_indirect_dma semaphore(%arg17 : memref<!tpu.dma_semaphore, #tpu.memory_space<semaphore_mem>>) src(%dma_wait3A_143 : memref<10000x64xf32, #tpu.memory_space<hbm>>) dst(%arg11 : memref<128x64xf32, #tpu.memory_space<vmem>>)
      %add3A_144 = arith.constant 3 : i32
      %add3A_145 = arith.addi %mul3A_87, %add3A_144 : i32
      %dma_start3A_146 = arith.constant 0 : i32
      %dma_start3A_147 = tpu.memref_slice %arg7[%add3A_145, %dma_start3A_146] : memref<40x128xi32, #tpu.memory_space<vmem>> -> memref<1x128xi32, #tpu.memory_space<vmem>>
      %dma_start3A_148 = tpu.memref_squeeze %dma_start3A_147 : memref<1x128xi32, #tpu.memory_space<vmem>> -> memref<128xi32, #tpu.memory_space<vmem>>
      %dma_start3A_149 = arith.constant 0 : i32
      %dma_start3A_150 = arith.constant 0 : i32
      %dma_start3A_151 = tpu.memref_slice %arg13[%dma_start3A_149, %dma_start3A_150] : memref<10240x64xf32, #tpu.memory_space<vmem_shared>> -> memref<10240x64xf32, #tpu.memory_space<vmem_shared>>
      tpu.enqueue_indirect_dma source(%arg11 : memref<128x64xf32, #tpu.memory_space<vmem>>) target(%dma_start3A_151 : memref<10240x64xf32, #tpu.memory_space<vmem_shared>>) offsets(%dma_start3A_148 : memref<128xi32, #tpu.memory_space<vmem>>) semaphore(%arg21 : memref<!tpu.dma_semaphore, #tpu.memory_space<semaphore_mem>>) {add = true}
      %lt3A = arith.constant 9 : i32
      %lt3A_152 = arith.cmpi slt, %scan3A_84, %lt3A : i32
      %convert_element_type3A = arith.extui %lt3A_152 : i1 to i32
      %cond3A = arith.constant 0 : i32
      %cond3A_153 = arith.cmpi ne, %convert_element_type3A, %cond3A : i32
      scf.if %cond3A_153 {
        %add3A_155 = arith.constant 0 : i32
        %add3A_156 = arith.addi %mul3A_87, %add3A_155 : i32
        %dma_wait3A_157 = arith.constant 0 : i32
        %dma_wait3A_158 = tpu.memref_slice %arg7[%add3A_156, %dma_wait3A_157] : memref<40x128xi32, #tpu.memory_space<vmem>> -> memref<1x128xi32, #tpu.memory_space<vmem>>
        %dma_wait3A_159 = tpu.memref_squeeze %dma_wait3A_158 : memref<1x128xi32, #tpu.memory_space<vmem>> -> memref<128xi32, #tpu.memory_space<vmem>>
        %dma_wait3A_160 = arith.constant 0 : i32
        %dma_wait3A_161 = arith.constant 0 : i32
        %dma_wait3A_162 = tpu.memref_slice %arg13[%dma_wait3A_160, %dma_wait3A_161] : memref<10240x64xf32, #tpu.memory_space<vmem_shared>> -> memref<10240x64xf32, #tpu.memory_space<vmem_shared>>
        tpu.wait_indirect_dma semaphore(%arg18 : memref<!tpu.dma_semaphore, #tpu.memory_space<semaphore_mem>>) src(%arg8 : memref<128x64xf32, #tpu.memory_space<vmem>>) dst(%dma_wait3A_162 : memref<10240x64xf32, #tpu.memory_space<vmem_shared>>)
        %add3A_163 = arith.constant 4 : i32
        %add3A_164 = arith.addi %mul3A_87, %add3A_163 : i32
        %add3A_165 = arith.constant 0 : i32
        %add3A_166 = arith.addi %add3A_164, %add3A_165 : i32
        %dma_start3A_167 = arith.constant 0 : i32
        %dma_start3A_168 = tpu.memref_slice %arg6[%add3A_166, %dma_start3A_167] : memref<40x128xi32, #tpu.memory_space<vmem>> -> memref<1x128xi32, #tpu.memory_space<vmem>>
        %dma_start3A_169 = tpu.memref_squeeze %dma_start3A_168 : memref<1x128xi32, #tpu.memory_space<vmem>> -> memref<128xi32, #tpu.memory_space<vmem>>
        %dma_start3A_170 = arith.constant 0 : i32
        %dma_start3A_171 = arith.constant 0 : i32
        %dma_start3A_172 = tpu.memref_slice %arg2[%dma_start3A_170, %dma_start3A_171] : memref<10000x64xf32, #tpu.memory_space<hbm>> -> memref<10000x64xf32, #tpu.memory_space<hbm>>
        tpu.enqueue_indirect_dma source(%dma_start3A_172 : memref<10000x64xf32, #tpu.memory_space<hbm>>) target(%arg8 : memref<128x64xf32, #tpu.memory_space<vmem>>) offsets(%dma_start3A_169 : memref<128xi32, #tpu.memory_space<vmem>>) semaphore(%arg14 : memref<!tpu.dma_semaphore, #tpu.memory_space<semaphore_mem>>)
        %add3A_173 = arith.constant 1 : i32
        %add3A_174 = arith.addi %mul3A_87, %add3A_173 : i32
        %dma_wait3A_175 = arith.constant 0 : i32
        %dma_wait3A_176 = tpu.memref_slice %arg7[%add3A_174, %dma_wait3A_175] : memref<40x128xi32, #tpu.memory_space<vmem>> -> memref<1x128xi32, #tpu.memory_space<vmem>>
        %dma_wait3A_177 = tpu.memref_squeeze %dma_wait3A_176 : memref<1x128xi32, #tpu.memory_space<vmem>> -> memref<128xi32, #tpu.memory_space<vmem>>
        %dma_wait3A_178 = arith.constant 0 : i32
        %dma_wait3A_179 = arith.constant 0 : i32
        %dma_wait3A_180 = tpu.memref_slice %arg13[%dma_wait3A_178, %dma_wait3A_179] : memref<10240x64xf32, #tpu.memory_space<vmem_shared>> -> memref<10240x64xf32, #tpu.memory_space<vmem_shared>>
        tpu.wait_indirect_dma semaphore(%arg19 : memref<!tpu.dma_semaphore, #tpu.memory_space<semaphore_mem>>) src(%arg9 : memref<128x64xf32, #tpu.memory_space<vmem>>) dst(%dma_wait3A_180 : memref<10240x64xf32, #tpu.memory_space<vmem_shared>>)
        %add3A_181 = arith.constant 4 : i32
        %add3A_182 = arith.addi %mul3A_87, %add3A_181 : i32
        %add3A_183 = arith.constant 1 : i32
        %add3A_184 = arith.addi %add3A_182, %add3A_183 : i32
        %dma_start3A_185 = arith.constant 0 : i32
        %dma_start3A_186 = tpu.memref_slice %arg6[%add3A_184, %dma_start3A_185] : memref<40x128xi32, #tpu.memory_space<vmem>> -> memref<1x128xi32, #tpu.memory_space<vmem>>
        %dma_start3A_187 = tpu.memref_squeeze %dma_start3A_186 : memref<1x128xi32, #tpu.memory_space<vmem>> -> memref<128xi32, #tpu.memory_space<vmem>>
        %dma_start3A_188 = arith.constant 0 : i32
        %dma_start3A_189 = arith.constant 0 : i32
        %dma_start3A_190 = tpu.memref_slice %arg2[%dma_start3A_188, %dma_start3A_189] : memref<10000x64xf32, #tpu.memory_space<hbm>> -> memref<10000x64xf32, #tpu.memory_space<hbm>>
        tpu.enqueue_indirect_dma source(%dma_start3A_190 : memref<10000x64xf32, #tpu.memory_space<hbm>>) target(%arg9 : memref<128x64xf32, #tpu.memory_space<vmem>>) offsets(%dma_start3A_187 : memref<128xi32, #tpu.memory_space<vmem>>) semaphore(%arg15 : memref<!tpu.dma_semaphore, #tpu.memory_space<semaphore_mem>>)
        %add3A_191 = arith.constant 2 : i32
        %add3A_192 = arith.addi %mul3A_87, %add3A_191 : i32
        %dma_wait3A_193 = arith.constant 0 : i32
        %dma_wait3A_194 = tpu.memref_slice %arg7[%add3A_192, %dma_wait3A_193] : memref<40x128xi32, #tpu.memory_space<vmem>> -> memref<1x128xi32, #tpu.memory_space<vmem>>
        %dma_wait3A_195 = tpu.memref_squeeze %dma_wait3A_194 : memref<1x128xi32, #tpu.memory_space<vmem>> -> memref<128xi32, #tpu.memory_space<vmem>>
        %dma_wait3A_196 = arith.constant 0 : i32
        %dma_wait3A_197 = arith.constant 0 : i32
        %dma_wait3A_198 = tpu.memref_slice %arg13[%dma_wait3A_196, %dma_wait3A_197] : memref<10240x64xf32, #tpu.memory_space<vmem_shared>> -> memref<10240x64xf32, #tpu.memory_space<vmem_shared>>
        tpu.wait_indirect_dma semaphore(%arg20 : memref<!tpu.dma_semaphore, #tpu.memory_space<semaphore_mem>>) src(%arg10 : memref<128x64xf32, #tpu.memory_space<vmem>>) dst(%dma_wait3A_198 : memref<10240x64xf32, #tpu.memory_space<vmem_shared>>)
        %add3A_199 = arith.constant 4 : i32
        %add3A_200 = arith.addi %mul3A_87, %add3A_199 : i32
        %add3A_201 = arith.constant 2 : i32
        %add3A_202 = arith.addi %add3A_200, %add3A_201 : i32
        %dma_start3A_203 = arith.constant 0 : i32
        %dma_start3A_204 = tpu.memref_slice %arg6[%add3A_202, %dma_start3A_203] : memref<40x128xi32, #tpu.memory_space<vmem>> -> memref<1x128xi32, #tpu.memory_space<vmem>>
        %dma_start3A_205 = tpu.memref_squeeze %dma_start3A_204 : memref<1x128xi32, #tpu.memory_space<vmem>> -> memref<128xi32, #tpu.memory_space<vmem>>
        %dma_start3A_206 = arith.constant 0 : i32
        %dma_start3A_207 = arith.constant 0 : i32
        %dma_start3A_208 = tpu.memref_slice %arg2[%dma_start3A_206, %dma_start3A_207] : memref<10000x64xf32, #tpu.memory_space<hbm>> -> memref<10000x64xf32, #tpu.memory_space<hbm>>
        tpu.enqueue_indirect_dma source(%dma_start3A_208 : memref<10000x64xf32, #tpu.memory_space<hbm>>) target(%arg10 : memref<128x64xf32, #tpu.memory_space<vmem>>) offsets(%dma_start3A_205 : memref<128xi32, #tpu.memory_space<vmem>>) semaphore(%arg16 : memref<!tpu.dma_semaphore, #tpu.memory_space<semaphore_mem>>)
        %add3A_209 = arith.constant 3 : i32
        %add3A_210 = arith.addi %mul3A_87, %add3A_209 : i32
        %dma_wait3A_211 = arith.constant 0 : i32
        %dma_wait3A_212 = tpu.memref_slice %arg7[%add3A_210, %dma_wait3A_211] : memref<40x128xi32, #tpu.memory_space<vmem>> -> memref<1x128xi32, #tpu.memory_space<vmem>>
        %dma_wait3A_213 = tpu.memref_squeeze %dma_wait3A_212 : memref<1x128xi32, #tpu.memory_space<vmem>> -> memref<128xi32, #tpu.memory_space<vmem>>
        %dma_wait3A_214 = arith.constant 0 : i32
        %dma_wait3A_215 = arith.constant 0 : i32
        %dma_wait3A_216 = tpu.memref_slice %arg13[%dma_wait3A_214, %dma_wait3A_215] : memref<10240x64xf32, #tpu.memory_space<vmem_shared>> -> memref<10240x64xf32, #tpu.memory_space<vmem_shared>>
        tpu.wait_indirect_dma semaphore(%arg21 : memref<!tpu.dma_semaphore, #tpu.memory_space<semaphore_mem>>) src(%arg11 : memref<128x64xf32, #tpu.memory_space<vmem>>) dst(%dma_wait3A_216 : memref<10240x64xf32, #tpu.memory_space<vmem_shared>>)
        %add3A_217 = arith.constant 4 : i32
        %add3A_218 = arith.addi %mul3A_87, %add3A_217 : i32
        %add3A_219 = arith.constant 3 : i32
        %add3A_220 = arith.addi %add3A_218, %add3A_219 : i32
        %dma_start3A_221 = arith.constant 0 : i32
        %dma_start3A_222 = tpu.memref_slice %arg6[%add3A_220, %dma_start3A_221] : memref<40x128xi32, #tpu.memory_space<vmem>> -> memref<1x128xi32, #tpu.memory_space<vmem>>
        %dma_start3A_223 = tpu.memref_squeeze %dma_start3A_222 : memref<1x128xi32, #tpu.memory_space<vmem>> -> memref<128xi32, #tpu.memory_space<vmem>>
        %dma_start3A_224 = arith.constant 0 : i32
        %dma_start3A_225 = arith.constant 0 : i32
        %dma_start3A_226 = tpu.memref_slice %arg2[%dma_start3A_224, %dma_start3A_225] : memref<10000x64xf32, #tpu.memory_space<hbm>> -> memref<10000x64xf32, #tpu.memory_space<hbm>>
        tpu.enqueue_indirect_dma source(%dma_start3A_226 : memref<10000x64xf32, #tpu.memory_space<hbm>>) target(%arg11 : memref<128x64xf32, #tpu.memory_space<vmem>>) offsets(%dma_start3A_223 : memref<128xi32, #tpu.memory_space<vmem>>) semaphore(%arg17 : memref<!tpu.dma_semaphore, #tpu.memory_space<semaphore_mem>>)
      } else {
      }
      %scan3A_154 = arith.constant 0 : i32
      scf.yield %scan3A_154 : i32
    }
    %scan3A_48 = arith.constant 10 : i32
    %dma_wait3A = arith.constant 36 : i32
    %dma_wait3A_49 = arith.constant 0 : i32
    %dma_wait3A_50 = tpu.memref_slice %arg7[%dma_wait3A, %dma_wait3A_49] : memref<40x128xi32, #tpu.memory_space<vmem>> -> memref<1x128xi32, #tpu.memory_space<vmem>>
    %dma_wait3A_51 = tpu.memref_squeeze %dma_wait3A_50 : memref<1x128xi32, #tpu.memory_space<vmem>> -> memref<128xi32, #tpu.memory_space<vmem>>
    %dma_wait3A_52 = arith.constant 0 : i32
    %dma_wait3A_53 = arith.constant 0 : i32
    %dma_wait3A_54 = tpu.memref_slice %arg13[%dma_wait3A_52, %dma_wait3A_53] : memref<10240x64xf32, #tpu.memory_space<vmem_shared>> -> memref<10240x64xf32, #tpu.memory_space<vmem_shared>>
    tpu.wait_indirect_dma semaphore(%arg18 : memref<!tpu.dma_semaphore, #tpu.memory_space<semaphore_mem>>) src(%arg8 : memref<128x64xf32, #tpu.memory_space<vmem>>) dst(%dma_wait3A_54 : memref<10240x64xf32, #tpu.memory_space<vmem_shared>>)
    %dma_wait3A_55 = arith.constant 37 : i32
    %dma_wait3A_56 = arith.constant 0 : i32
    %dma_wait3A_57 = tpu.memref_slice %arg7[%dma_wait3A_55, %dma_wait3A_56] : memref<40x128xi32, #tpu.memory_space<vmem>> -> memref<1x128xi32, #tpu.memory_space<vmem>>
    %dma_wait3A_58 = tpu.memref_squeeze %dma_wait3A_57 : memref<1x128xi32, #tpu.memory_space<vmem>> -> memref<128xi32, #tpu.memory_space<vmem>>
    %dma_wait3A_59 = arith.constant 0 : i32
    %dma_wait3A_60 = arith.constant 0 : i32
    %dma_wait3A_61 = tpu.memref_slice %arg13[%dma_wait3A_59, %dma_wait3A_60] : memref<10240x64xf32, #tpu.memory_space<vmem_shared>> -> memref<10240x64xf32, #tpu.memory_space<vmem_shared>>
    tpu.wait_indirect_dma semaphore(%arg19 : memref<!tpu.dma_semaphore, #tpu.memory_space<semaphore_mem>>) src(%arg9 : memref<128x64xf32, #tpu.memory_space<vmem>>) dst(%dma_wait3A_61 : memref<10240x64xf32, #tpu.memory_space<vmem_shared>>)
    %dma_wait3A_62 = arith.constant 38 : i32
    %dma_wait3A_63 = arith.constant 0 : i32
    %dma_wait3A_64 = tpu.memref_slice %arg7[%dma_wait3A_62, %dma_wait3A_63] : memref<40x128xi32, #tpu.memory_space<vmem>> -> memref<1x128xi32, #tpu.memory_space<vmem>>
    %dma_wait3A_65 = tpu.memref_squeeze %dma_wait3A_64 : memref<1x128xi32, #tpu.memory_space<vmem>> -> memref<128xi32, #tpu.memory_space<vmem>>
    %dma_wait3A_66 = arith.constant 0 : i32
    %dma_wait3A_67 = arith.constant 0 : i32
    %dma_wait3A_68 = tpu.memref_slice %arg13[%dma_wait3A_66, %dma_wait3A_67] : memref<10240x64xf32, #tpu.memory_space<vmem_shared>> -> memref<10240x64xf32, #tpu.memory_space<vmem_shared>>
    tpu.wait_indirect_dma semaphore(%arg20 : memref<!tpu.dma_semaphore, #tpu.memory_space<semaphore_mem>>) src(%arg10 : memref<128x64xf32, #tpu.memory_space<vmem>>) dst(%dma_wait3A_68 : memref<10240x64xf32, #tpu.memory_space<vmem_shared>>)
    %dma_wait3A_69 = arith.constant 39 : i32
    %dma_wait3A_70 = arith.constant 0 : i32
    %dma_wait3A_71 = tpu.memref_slice %arg7[%dma_wait3A_69, %dma_wait3A_70] : memref<40x128xi32, #tpu.memory_space<vmem>> -> memref<1x128xi32, #tpu.memory_space<vmem>>
    %dma_wait3A_72 = tpu.memref_squeeze %dma_wait3A_71 : memref<1x128xi32, #tpu.memory_space<vmem>> -> memref<128xi32, #tpu.memory_space<vmem>>
    %dma_wait3A_73 = arith.constant 0 : i32
    %dma_wait3A_74 = arith.constant 0 : i32
    %dma_wait3A_75 = tpu.memref_slice %arg13[%dma_wait3A_73, %dma_wait3A_74] : memref<10240x64xf32, #tpu.memory_space<vmem_shared>> -> memref<10240x64xf32, #tpu.memory_space<vmem_shared>>
    tpu.wait_indirect_dma semaphore(%arg21 : memref<!tpu.dma_semaphore, #tpu.memory_space<semaphore_mem>>) src(%arg11 : memref<128x64xf32, #tpu.memory_space<vmem>>) dst(%dma_wait3A_75 : memref<10240x64xf32, #tpu.memory_space<vmem_shared>>)
    %barrier3A_76 = arith.constant 0 : index
    tpu.barrier barrier_id(%barrier3A_76)
    %mul3A_77 = arith.constant 640 : i32
    %mul3A_78 = arith.muli %arg1, %mul3A_77 : i32
    %mul3A_79 = arith.constant 10240 : i32
    %mul3A_80 = arith.muli %arg0, %mul3A_79 : i32
    %mul3A_81 = arith.constant 640 : i32
    %mul3A_82 = arith.muli %arg1, %mul3A_81 : i32
    %add3A_83 = arith.addi %mul3A_80, %mul3A_82 : i32
    "tpu.region"() ({
      %run_scoped3A = tpu.sem_alloc : memref<!tpu.dma_semaphore, #tpu.memory_space<semaphore_mem>>
      %dma_start3A_84 = arith.constant 0 : i32
      %dma_start3A_85 = tpu.memref_slice %arg5[%add3A_83, %dma_start3A_84] : memref<20480x64xf32, #tpu.memory_space<hbm>> -> memref<640x64xf32, #tpu.memory_space<hbm>>
      %dma_start3A_86 = arith.constant 0 : i32
      %dma_start3A_87 = tpu.memref_slice %arg13[%mul3A_78, %dma_start3A_86] : memref<10240x64xf32, #tpu.memory_space<vmem_shared>> -> memref<640x64xf32, #tpu.memory_space<vmem_shared>>
      tpu.enqueue_dma source(%dma_start3A_87 : memref<640x64xf32, #tpu.memory_space<vmem_shared>>) target(%dma_start3A_85 : memref<640x64xf32, #tpu.memory_space<hbm>>) target_semaphore(%run_scoped3A : memref<!tpu.dma_semaphore, #tpu.memory_space<semaphore_mem>>)
      %dma_wait3A_88 = arith.constant 0 : i32
      %dma_wait3A_89 = tpu.memref_slice %arg5[%add3A_83, %dma_wait3A_88] : memref<20480x64xf32, #tpu.memory_space<hbm>> -> memref<640x64xf32, #tpu.memory_space<hbm>>
      %dma_wait3A_90 = arith.constant 0 : i32
      %dma_wait3A_91 = tpu.memref_slice %arg13[%mul3A_78, %dma_wait3A_90] : memref<10240x64xf32, #tpu.memory_space<vmem_shared>> -> memref<640x64xf32, #tpu.memory_space<vmem_shared>>
      tpu.wait_dma2 semaphore(%run_scoped3A : memref<!tpu.dma_semaphore, #tpu.memory_space<semaphore_mem>>) src(%dma_wait3A_91 : memref<640x64xf32, #tpu.memory_space<vmem_shared>>) dst(%dma_wait3A_89 : memref<640x64xf32, #tpu.memory_space<hbm>>)
      tpu.yield
    }) : () -> ()
    return
  }
}

#map = affine_map<(d0, d1) -> (0, 0)>
#map1 = affine_map<(d0, d1) -> (0, 0, 0)>
module attributes {stable_mosaic.version = 14 : i64} {
  func.func @agg(%arg0: i32, %arg1: i32, %arg2: memref<40000x64xf32, #tpu.memory_space<hbm>>, %arg3: memref<32x80x128xi32, #tpu.memory_space<hbm>>, %arg4: memref<32x80x128xi32, #tpu.memory_space<hbm>>, %arg5: memref<16x80x128xi32, #tpu.memory_space<hbm>>, %arg6: memref<40960x64xf32, #tpu.memory_space<hbm>>, %arg7: memref<80x128xi32, #tpu.memory_space<vmem>>, %arg8: memref<80x128xi32, #tpu.memory_space<vmem>>, %arg9: memref<80x128xi32, #tpu.memory_space<vmem>>, %arg10: memref<128x64xf32, #tpu.memory_space<vmem>>, %arg11: memref<128x64xf32, #tpu.memory_space<vmem>>, %arg12: memref<128x64xf32, #tpu.memory_space<vmem>>, %arg13: memref<128x64xf32, #tpu.memory_space<vmem>>, %arg14: memref<128x64xf32, #tpu.memory_space<vmem>>, %arg15: memref<10240x64xf32, #tpu.memory_space<vmem_shared>>, %arg16: memref<!tpu.dma_semaphore, #tpu.memory_space<semaphore_mem>>, %arg17: memref<!tpu.dma_semaphore, #tpu.memory_space<semaphore_mem>>, %arg18: memref<!tpu.dma_semaphore, #tpu.memory_space<semaphore_mem>>, %arg19: memref<!tpu.dma_semaphore, #tpu.memory_space<semaphore_mem>>, %arg20: memref<!tpu.dma_semaphore, #tpu.memory_space<semaphore_mem>>, %arg21: memref<!tpu.dma_semaphore, #tpu.memory_space<semaphore_mem>>, %arg22: memref<!tpu.dma_semaphore, #tpu.memory_space<semaphore_mem>>, %arg23: memref<!tpu.dma_semaphore, #tpu.memory_space<semaphore_mem>>) attributes {dimension_semantics = [#tpu.dimension_semantics<core_parallel>, #tpu.dimension_semantics<subcore_parallel>], iteration_bounds = array<i64: 2, 16>, scalar_prefetch = 0 : i64, scratch_operands = 17 : i64, tpu.core_type = #tpu.core_type<sc_vector_subcore>, window_params = [{transform_indices = #map}, {transform_indices = #map1}, {transform_indices = #map1}, {transform_indices = #map1}, {transform_indices = #map}]} {
    %mul3A = arith.constant 16 : i32
    %mul3A_0 = arith.muli %arg0, %mul3A : i32
    %add3A = arith.addi %mul3A_0, %arg1 : i32
    %broadcast_in_dim3A = arith.constant 0.000000e+00 : f32
    %broadcast_in_dim3A_1 = vector.broadcast %broadcast_in_dim3A : f32 to vector<16xf32>
    %scan3A = arith.constant 0 : i32
    %scan3A_2 = arith.constant 0 : i32
    %scan3A_3 = arith.constant 128 : i32
    %scan3A_4 = arith.addi %scan3A_2, %scan3A_3 : i32
    %scan3A_5 = arith.constant 1 : i32
    %scan3A_6 = scf.for %scan3A_168 = %scan3A_2 to %scan3A_4 step %scan3A_5 iter_args(%scan3A_169 = %scan3A) -> (i32)  : i32 {
      %swap3A = arith.index_cast %scan3A_168 : i32 to index
      %swap3A_170 = arith.constant 0 : index
      %swap3A_171 = tpu.vector_load %arg14[%swap3A, %swap3A_170] {strides = array<i32>} : memref<128x64xf32, #tpu.memory_space<vmem>>, vector<16xf32>,
      tpu.vector_store %arg14[%swap3A, %swap3A_170], %broadcast_in_dim3A_1 {strides = array<i32>} : memref<128x64xf32, #tpu.memory_space<vmem>>, vector<16xf32>,
      %swap3A_172 = arith.index_cast %scan3A_168 : i32 to index
      %swap3A_173 = arith.constant 16 : index
      %swap3A_174 = tpu.vector_load %arg14[%swap3A_172, %swap3A_173] {strides = array<i32>} : memref<128x64xf32, #tpu.memory_space<vmem>>, vector<16xf32>,
      tpu.vector_store %arg14[%swap3A_172, %swap3A_173], %broadcast_in_dim3A_1 {strides = array<i32>} : memref<128x64xf32, #tpu.memory_space<vmem>>, vector<16xf32>,
      %swap3A_175 = arith.index_cast %scan3A_168 : i32 to index
      %swap3A_176 = arith.constant 32 : index
      %swap3A_177 = tpu.vector_load %arg14[%swap3A_175, %swap3A_176] {strides = array<i32>} : memref<128x64xf32, #tpu.memory_space<vmem>>, vector<16xf32>,
      tpu.vector_store %arg14[%swap3A_175, %swap3A_176], %broadcast_in_dim3A_1 {strides = array<i32>} : memref<128x64xf32, #tpu.memory_space<vmem>>, vector<16xf32>,
      %swap3A_178 = arith.index_cast %scan3A_168 : i32 to index
      %swap3A_179 = arith.constant 48 : index
      %swap3A_180 = tpu.vector_load %arg14[%swap3A_178, %swap3A_179] {strides = array<i32>} : memref<128x64xf32, #tpu.memory_space<vmem>>, vector<16xf32>,
      tpu.vector_store %arg14[%swap3A_178, %swap3A_179], %broadcast_in_dim3A_1 {strides = array<i32>} : memref<128x64xf32, #tpu.memory_space<vmem>>, vector<16xf32>,
      %scan3A_181 = arith.constant 0 : i32
      scf.yield %scan3A_181 : i32
    }
    %scan3A_7 = arith.constant 128 : i32
    "tpu.region"() ({
      %run_scoped3A = tpu.sem_alloc : memref<!tpu.dma_semaphore, #tpu.memory_space<semaphore_mem>>
      %dma_start3A_168 = arith.constant 0 : i32
      %dma_start3A_169 = arith.constant 0 : i32
      %dma_start3A_170 = tpu.memref_slice %arg3[%add3A, %dma_start3A_168, %dma_start3A_169] : memref<32x80x128xi32, #tpu.memory_space<hbm>> -> memref<1x80x128xi32, #tpu.memory_space<hbm>>
      %dma_start3A_171 = tpu.memref_squeeze %dma_start3A_170 : memref<1x80x128xi32, #tpu.memory_space<hbm>> -> memref<80x128xi32, #tpu.memory_space<hbm>>
      %dma_start3A_172 = arith.constant 0 : i32
      %dma_start3A_173 = arith.constant 0 : i32
      %dma_start3A_174 = tpu.memref_slice %arg3[%add3A, %dma_start3A_172, %dma_start3A_173] : memref<32x80x128xi32, #tpu.memory_space<hbm>> -> memref<1x80x128xi32, #tpu.memory_space<hbm>>
      %dma_start3A_175 = tpu.memref_squeeze %dma_start3A_174 : memref<1x80x128xi32, #tpu.memory_space<hbm>> -> memref<80x128xi32, #tpu.memory_space<hbm>>
      tpu.enqueue_dma source(%dma_start3A_175 : memref<80x128xi32, #tpu.memory_space<hbm>>) target(%arg7 : memref<80x128xi32, #tpu.memory_space<vmem>>) target_semaphore(%run_scoped3A : memref<!tpu.dma_semaphore, #tpu.memory_space<semaphore_mem>>)
      %dma_wait3A_176 = arith.constant 0 : i32
      %dma_wait3A_177 = arith.constant 0 : i32
      %dma_wait3A_178 = tpu.memref_slice %arg3[%add3A, %dma_wait3A_176, %dma_wait3A_177] : memref<32x80x128xi32, #tpu.memory_space<hbm>> -> memref<1x80x128xi32, #tpu.memory_space<hbm>>
      %dma_wait3A_179 = tpu.memref_squeeze %dma_wait3A_178 : memref<1x80x128xi32, #tpu.memory_space<hbm>> -> memref<80x128xi32, #tpu.memory_space<hbm>>
      %dma_wait3A_180 = arith.constant 0 : i32
      %dma_wait3A_181 = arith.constant 0 : i32
      %dma_wait3A_182 = tpu.memref_slice %arg3[%add3A, %dma_wait3A_180, %dma_wait3A_181] : memref<32x80x128xi32, #tpu.memory_space<hbm>> -> memref<1x80x128xi32, #tpu.memory_space<hbm>>
      %dma_wait3A_183 = tpu.memref_squeeze %dma_wait3A_182 : memref<1x80x128xi32, #tpu.memory_space<hbm>> -> memref<80x128xi32, #tpu.memory_space<hbm>>
      tpu.wait_dma2 semaphore(%run_scoped3A : memref<!tpu.dma_semaphore, #tpu.memory_space<semaphore_mem>>) src(%dma_wait3A_183 : memref<80x128xi32, #tpu.memory_space<hbm>>) dst(%arg7 : memref<80x128xi32, #tpu.memory_space<vmem>>)
      tpu.yield
    }) : () -> ()
    "tpu.region"() ({
      %run_scoped3A = tpu.sem_alloc : memref<!tpu.dma_semaphore, #tpu.memory_space<semaphore_mem>>
      %dma_start3A_168 = arith.constant 0 : i32
      %dma_start3A_169 = arith.constant 0 : i32
      %dma_start3A_170 = tpu.memref_slice %arg4[%add3A, %dma_start3A_168, %dma_start3A_169] : memref<32x80x128xi32, #tpu.memory_space<hbm>> -> memref<1x80x128xi32, #tpu.memory_space<hbm>>
      %dma_start3A_171 = tpu.memref_squeeze %dma_start3A_170 : memref<1x80x128xi32, #tpu.memory_space<hbm>> -> memref<80x128xi32, #tpu.memory_space<hbm>>
      %dma_start3A_172 = arith.constant 0 : i32
      %dma_start3A_173 = arith.constant 0 : i32
      %dma_start3A_174 = tpu.memref_slice %arg4[%add3A, %dma_start3A_172, %dma_start3A_173] : memref<32x80x128xi32, #tpu.memory_space<hbm>> -> memref<1x80x128xi32, #tpu.memory_space<hbm>>
      %dma_start3A_175 = tpu.memref_squeeze %dma_start3A_174 : memref<1x80x128xi32, #tpu.memory_space<hbm>> -> memref<80x128xi32, #tpu.memory_space<hbm>>
      tpu.enqueue_dma source(%dma_start3A_175 : memref<80x128xi32, #tpu.memory_space<hbm>>) target(%arg8 : memref<80x128xi32, #tpu.memory_space<vmem>>) target_semaphore(%run_scoped3A : memref<!tpu.dma_semaphore, #tpu.memory_space<semaphore_mem>>)
      %dma_wait3A_176 = arith.constant 0 : i32
      %dma_wait3A_177 = arith.constant 0 : i32
      %dma_wait3A_178 = tpu.memref_slice %arg4[%add3A, %dma_wait3A_176, %dma_wait3A_177] : memref<32x80x128xi32, #tpu.memory_space<hbm>> -> memref<1x80x128xi32, #tpu.memory_space<hbm>>
      %dma_wait3A_179 = tpu.memref_squeeze %dma_wait3A_178 : memref<1x80x128xi32, #tpu.memory_space<hbm>> -> memref<80x128xi32, #tpu.memory_space<hbm>>
      %dma_wait3A_180 = arith.constant 0 : i32
      %dma_wait3A_181 = arith.constant 0 : i32
      %dma_wait3A_182 = tpu.memref_slice %arg4[%add3A, %dma_wait3A_180, %dma_wait3A_181] : memref<32x80x128xi32, #tpu.memory_space<hbm>> -> memref<1x80x128xi32, #tpu.memory_space<hbm>>
      %dma_wait3A_183 = tpu.memref_squeeze %dma_wait3A_182 : memref<1x80x128xi32, #tpu.memory_space<hbm>> -> memref<80x128xi32, #tpu.memory_space<hbm>>
      tpu.wait_dma2 semaphore(%run_scoped3A : memref<!tpu.dma_semaphore, #tpu.memory_space<semaphore_mem>>) src(%dma_wait3A_183 : memref<80x128xi32, #tpu.memory_space<hbm>>) dst(%arg8 : memref<80x128xi32, #tpu.memory_space<vmem>>)
      tpu.yield
    }) : () -> ()
    "tpu.region"() ({
      %run_scoped3A = tpu.sem_alloc : memref<!tpu.dma_semaphore, #tpu.memory_space<semaphore_mem>>
      %dma_start3A_168 = arith.constant 0 : i32
      %dma_start3A_169 = arith.constant 0 : i32
      %dma_start3A_170 = tpu.memref_slice %arg5[%arg1, %dma_start3A_168, %dma_start3A_169] : memref<16x80x128xi32, #tpu.memory_space<hbm>> -> memref<1x80x128xi32, #tpu.memory_space<hbm>>
      %dma_start3A_171 = tpu.memref_squeeze %dma_start3A_170 : memref<1x80x128xi32, #tpu.memory_space<hbm>> -> memref<80x128xi32, #tpu.memory_space<hbm>>
      %dma_start3A_172 = arith.constant 0 : i32
      %dma_start3A_173 = arith.constant 0 : i32
      %dma_start3A_174 = tpu.memref_slice %arg5[%arg1, %dma_start3A_172, %dma_start3A_173] : memref<16x80x128xi32, #tpu.memory_space<hbm>> -> memref<1x80x128xi32, #tpu.memory_space<hbm>>
      %dma_start3A_175 = tpu.memref_squeeze %dma_start3A_174 : memref<1x80x128xi32, #tpu.memory_space<hbm>> -> memref<80x128xi32, #tpu.memory_space<hbm>>
      tpu.enqueue_dma source(%dma_start3A_175 : memref<80x128xi32, #tpu.memory_space<hbm>>) target(%arg9 : memref<80x128xi32, #tpu.memory_space<vmem>>) target_semaphore(%run_scoped3A : memref<!tpu.dma_semaphore, #tpu.memory_space<semaphore_mem>>)
      %dma_wait3A_176 = arith.constant 0 : i32
      %dma_wait3A_177 = arith.constant 0 : i32
      %dma_wait3A_178 = tpu.memref_slice %arg5[%arg1, %dma_wait3A_176, %dma_wait3A_177] : memref<16x80x128xi32, #tpu.memory_space<hbm>> -> memref<1x80x128xi32, #tpu.memory_space<hbm>>
      %dma_wait3A_179 = tpu.memref_squeeze %dma_wait3A_178 : memref<1x80x128xi32, #tpu.memory_space<hbm>> -> memref<80x128xi32, #tpu.memory_space<hbm>>
      %dma_wait3A_180 = arith.constant 0 : i32
      %dma_wait3A_181 = arith.constant 0 : i32
      %dma_wait3A_182 = tpu.memref_slice %arg5[%arg1, %dma_wait3A_180, %dma_wait3A_181] : memref<16x80x128xi32, #tpu.memory_space<hbm>> -> memref<1x80x128xi32, #tpu.memory_space<hbm>>
      %dma_wait3A_183 = tpu.memref_squeeze %dma_wait3A_182 : memref<1x80x128xi32, #tpu.memory_space<hbm>> -> memref<80x128xi32, #tpu.memory_space<hbm>>
      tpu.wait_dma2 semaphore(%run_scoped3A : memref<!tpu.dma_semaphore, #tpu.memory_space<semaphore_mem>>) src(%dma_wait3A_183 : memref<80x128xi32, #tpu.memory_space<hbm>>) dst(%arg9 : memref<80x128xi32, #tpu.memory_space<vmem>>)
      tpu.yield
    }) : () -> ()
    %scan3A_8 = arith.constant 0 : i32
    %scan3A_9 = arith.constant 0 : i32
    %scan3A_10 = arith.constant 5 : i32
    %scan3A_11 = arith.addi %scan3A_9, %scan3A_10 : i32
    %scan3A_12 = arith.constant 1 : i32
    %scan3A_13 = scf.for %scan3A_168 = %scan3A_9 to %scan3A_11 step %scan3A_12 iter_args(%scan3A_169 = %scan3A_8) -> (i32)  : i32 {
      %mul3A_170 = arith.constant 640 : i32
      %mul3A_171 = arith.muli %arg1, %mul3A_170 : i32
      %mul3A_172 = arith.constant 128 : i32
      %mul3A_173 = arith.muli %scan3A_168, %mul3A_172 : i32
      %add3A_174 = arith.addi %mul3A_171, %mul3A_173 : i32
      "tpu.region"() ({
        %run_scoped3A = tpu.sem_alloc : memref<!tpu.dma_semaphore, #tpu.memory_space<semaphore_mem>>
        %dma_start3A_176 = arith.constant 0 : i32
        %dma_start3A_177 = tpu.memref_slice %arg15[%add3A_174, %dma_start3A_176] : memref<10240x64xf32, #tpu.memory_space<vmem_shared>> -> memref<128x64xf32, #tpu.memory_space<vmem_shared>>
        %dma_start3A_178 = arith.constant 0 : i32
        %dma_start3A_179 = tpu.memref_slice %arg15[%add3A_174, %dma_start3A_178] : memref<10240x64xf32, #tpu.memory_space<vmem_shared>> -> memref<128x64xf32, #tpu.memory_space<vmem_shared>>
        tpu.enqueue_dma source(%arg14 : memref<128x64xf32, #tpu.memory_space<vmem>>) target(%dma_start3A_179 : memref<128x64xf32, #tpu.memory_space<vmem_shared>>) target_semaphore(%run_scoped3A : memref<!tpu.dma_semaphore, #tpu.memory_space<semaphore_mem>>)
        %dma_wait3A_180 = arith.constant 0 : i32
        %dma_wait3A_181 = tpu.memref_slice %arg15[%add3A_174, %dma_wait3A_180] : memref<10240x64xf32, #tpu.memory_space<vmem_shared>> -> memref<128x64xf32, #tpu.memory_space<vmem_shared>>
        %dma_wait3A_182 = arith.constant 0 : i32
        %dma_wait3A_183 = tpu.memref_slice %arg15[%add3A_174, %dma_wait3A_182] : memref<10240x64xf32, #tpu.memory_space<vmem_shared>> -> memref<128x64xf32, #tpu.memory_space<vmem_shared>>
        tpu.wait_dma2 semaphore(%run_scoped3A : memref<!tpu.dma_semaphore, #tpu.memory_space<semaphore_mem>>) src(%arg14 : memref<128x64xf32, #tpu.memory_space<vmem>>) dst(%dma_wait3A_183 : memref<128x64xf32, #tpu.memory_space<vmem_shared>>)
        tpu.yield
      }) : () -> ()
      %scan3A_175 = arith.constant 0 : i32
      scf.yield %scan3A_175 : i32
    }
    %scan3A_14 = arith.constant 5 : i32
    %barrier3A = arith.constant 0 : index
    tpu.barrier barrier_id(%barrier3A)
    %dma_start3A = arith.constant 0 : i32
    %dma_start3A_15 = arith.constant 0 : i32
    %dma_start3A_16 = tpu.memref_slice %arg7[%dma_start3A, %dma_start3A_15] : memref<80x128xi32, #tpu.memory_space<vmem>> -> memref<1x128xi32, #tpu.memory_space<vmem>>
    %dma_start3A_17 = tpu.memref_squeeze %dma_start3A_16 : memref<1x128xi32, #tpu.memory_space<vmem>> -> memref<128xi32, #tpu.memory_space<vmem>>
    %dma_start3A_18 = arith.constant 0 : i32
    %dma_start3A_19 = arith.constant 0 : i32
    %dma_start3A_20 = tpu.memref_slice %arg2[%dma_start3A_18, %dma_start3A_19] : memref<40000x64xf32, #tpu.memory_space<hbm>> -> memref<40000x64xf32, #tpu.memory_space<hbm>>
    tpu.enqueue_indirect_dma source(%dma_start3A_20 : memref<40000x64xf32, #tpu.memory_space<hbm>>) target(%arg10 : memref<128x64xf32, #tpu.memory_space<vmem>>) offsets(%dma_start3A_17 : memref<128xi32, #tpu.memory_space<vmem>>) semaphore(%arg16 : memref<!tpu.dma_semaphore, #tpu.memory_space<semaphore_mem>>)
    %dma_start3A_21 = arith.constant 1 : i32
    %dma_start3A_22 = arith.constant 0 : i32
    %dma_start3A_23 = tpu.memref_slice %arg7[%dma_start3A_21, %dma_start3A_22] : memref<80x128xi32, #tpu.memory_space<vmem>> -> memref<1x128xi32, #tpu.memory_space<vmem>>
    %dma_start3A_24 = tpu.memref_squeeze %dma_start3A_23 : memref<1x128xi32, #tpu.memory_space<vmem>> -> memref<128xi32, #tpu.memory_space<vmem>>
    %dma_start3A_25 = arith.constant 0 : i32
    %dma_start3A_26 = arith.constant 0 : i32
    %dma_start3A_27 = tpu.memref_slice %arg2[%dma_start3A_25, %dma_start3A_26] : memref<40000x64xf32, #tpu.memory_space<hbm>> -> memref<40000x64xf32, #tpu.memory_space<hbm>>
    tpu.enqueue_indirect_dma source(%dma_start3A_27 : memref<40000x64xf32, #tpu.memory_space<hbm>>) target(%arg11 : memref<128x64xf32, #tpu.memory_space<vmem>>) offsets(%dma_start3A_24 : memref<128xi32, #tpu.memory_space<vmem>>) semaphore(%arg17 : memref<!tpu.dma_semaphore, #tpu.memory_space<semaphore_mem>>)
    %dma_start3A_28 = arith.constant 2 : i32
    %dma_start3A_29 = arith.constant 0 : i32
    %dma_start3A_30 = tpu.memref_slice %arg7[%dma_start3A_28, %dma_start3A_29] : memref<80x128xi32, #tpu.memory_space<vmem>> -> memref<1x128xi32, #tpu.memory_space<vmem>>
    %dma_start3A_31 = tpu.memref_squeeze %dma_start3A_30 : memref<1x128xi32, #tpu.memory_space<vmem>> -> memref<128xi32, #tpu.memory_space<vmem>>
    %dma_start3A_32 = arith.constant 0 : i32
    %dma_start3A_33 = arith.constant 0 : i32
    %dma_start3A_34 = tpu.memref_slice %arg2[%dma_start3A_32, %dma_start3A_33] : memref<40000x64xf32, #tpu.memory_space<hbm>> -> memref<40000x64xf32, #tpu.memory_space<hbm>>
    tpu.enqueue_indirect_dma source(%dma_start3A_34 : memref<40000x64xf32, #tpu.memory_space<hbm>>) target(%arg12 : memref<128x64xf32, #tpu.memory_space<vmem>>) offsets(%dma_start3A_31 : memref<128xi32, #tpu.memory_space<vmem>>) semaphore(%arg18 : memref<!tpu.dma_semaphore, #tpu.memory_space<semaphore_mem>>)
    %dma_start3A_35 = arith.constant 3 : i32
    %dma_start3A_36 = arith.constant 0 : i32
    %dma_start3A_37 = tpu.memref_slice %arg7[%dma_start3A_35, %dma_start3A_36] : memref<80x128xi32, #tpu.memory_space<vmem>> -> memref<1x128xi32, #tpu.memory_space<vmem>>
    %dma_start3A_38 = tpu.memref_squeeze %dma_start3A_37 : memref<1x128xi32, #tpu.memory_space<vmem>> -> memref<128xi32, #tpu.memory_space<vmem>>
    %dma_start3A_39 = arith.constant 0 : i32
    %dma_start3A_40 = arith.constant 0 : i32
    %dma_start3A_41 = tpu.memref_slice %arg2[%dma_start3A_39, %dma_start3A_40] : memref<40000x64xf32, #tpu.memory_space<hbm>> -> memref<40000x64xf32, #tpu.memory_space<hbm>>
    tpu.enqueue_indirect_dma source(%dma_start3A_41 : memref<40000x64xf32, #tpu.memory_space<hbm>>) target(%arg13 : memref<128x64xf32, #tpu.memory_space<vmem>>) offsets(%dma_start3A_38 : memref<128xi32, #tpu.memory_space<vmem>>) semaphore(%arg19 : memref<!tpu.dma_semaphore, #tpu.memory_space<semaphore_mem>>)
    %scan3A_42 = arith.constant 0 : i32
    %scan3A_43 = arith.constant 0 : i32
    %scan3A_44 = arith.constant 20 : i32
    %scan3A_45 = arith.addi %scan3A_43, %scan3A_44 : i32
    %scan3A_46 = arith.constant 1 : i32
    %scan3A_47 = scf.for %scan3A_168 = %scan3A_43 to %scan3A_45 step %scan3A_46 iter_args(%scan3A_169 = %scan3A_42) -> (i32)  : i32 {
      %mul3A_170 = arith.constant 4 : i32
      %mul3A_171 = arith.muli %mul3A_170, %scan3A_168 : i32
      %add3A_172 = arith.constant 0 : i32
      %add3A_173 = arith.addi %mul3A_171, %add3A_172 : i32
      %dma_wait3A_174 = arith.constant 0 : i32
      %dma_wait3A_175 = tpu.memref_slice %arg7[%add3A_173, %dma_wait3A_174] : memref<80x128xi32, #tpu.memory_space<vmem>> -> memref<1x128xi32, #tpu.memory_space<vmem>>
      %dma_wait3A_176 = tpu.memref_squeeze %dma_wait3A_175 : memref<1x128xi32, #tpu.memory_space<vmem>> -> memref<128xi32, #tpu.memory_space<vmem>>
      %dma_wait3A_177 = arith.constant 0 : i32
      %dma_wait3A_178 = arith.constant 0 : i32
      %dma_wait3A_179 = tpu.memref_slice %arg2[%dma_wait3A_177, %dma_wait3A_178] : memref<40000x64xf32, #tpu.memory_space<hbm>> -> memref<40000x64xf32, #tpu.memory_space<hbm>>
      tpu.wait_indirect_dma semaphore(%arg16 : memref<!tpu.dma_semaphore, #tpu.memory_space<semaphore_mem>>) src(%dma_wait3A_179 : memref<40000x64xf32, #tpu.memory_space<hbm>>) dst(%arg10 : memref<128x64xf32, #tpu.memory_space<vmem>>)
      %add3A_180 = arith.constant 0 : i32
      %add3A_181 = arith.addi %mul3A_171, %add3A_180 : i32
      %dma_start3A_182 = arith.constant 0 : i32
      %dma_start3A_183 = tpu.memref_slice %arg9[%add3A_181, %dma_start3A_182] : memref<80x128xi32, #tpu.memory_space<vmem>> -> memref<1x128xi32, #tpu.memory_space<vmem>>
      %dma_start3A_184 = tpu.memref_squeeze %dma_start3A_183 : memref<1x128xi32, #tpu.memory_space<vmem>> -> memref<128xi32, #tpu.memory_space<vmem>>
      %dma_start3A_185 = arith.constant 0 : i32
      %dma_start3A_186 = arith.constant 0 : i32
      %dma_start3A_187 = tpu.memref_slice %arg15[%dma_start3A_185, %dma_start3A_186] : memref<10240x64xf32, #tpu.memory_space<vmem_shared>> -> memref<10240x64xf32, #tpu.memory_space<vmem_shared>>
      tpu.enqueue_indirect_dma source(%arg10 : memref<128x64xf32, #tpu.memory_space<vmem>>) target(%dma_start3A_187 : memref<10240x64xf32, #tpu.memory_space<vmem_shared>>) offsets(%dma_start3A_184 : memref<128xi32, #tpu.memory_space<vmem>>) semaphore(%arg20 : memref<!tpu.dma_semaphore, #tpu.memory_space<semaphore_mem>>) {add = true}
      %add3A_188 = arith.constant 1 : i32
      %add3A_189 = arith.addi %mul3A_171, %add3A_188 : i32
      %dma_wait3A_190 = arith.constant 0 : i32
      %dma_wait3A_191 = tpu.memref_slice %arg7[%add3A_189, %dma_wait3A_190] : memref<80x128xi32, #tpu.memory_space<vmem>> -> memref<1x128xi32, #tpu.memory_space<vmem>>
      %dma_wait3A_192 = tpu.memref_squeeze %dma_wait3A_191 : memref<1x128xi32, #tpu.memory_space<vmem>> -> memref<128xi32, #tpu.memory_space<vmem>>
      %dma_wait3A_193 = arith.constant 0 : i32
      %dma_wait3A_194 = arith.constant 0 : i32
      %dma_wait3A_195 = tpu.memref_slice %arg2[%dma_wait3A_193, %dma_wait3A_194] : memref<40000x64xf32, #tpu.memory_space<hbm>> -> memref<40000x64xf32, #tpu.memory_space<hbm>>
      tpu.wait_indirect_dma semaphore(%arg17 : memref<!tpu.dma_semaphore, #tpu.memory_space<semaphore_mem>>) src(%dma_wait3A_195 : memref<40000x64xf32, #tpu.memory_space<hbm>>) dst(%arg11 : memref<128x64xf32, #tpu.memory_space<vmem>>)
      %add3A_196 = arith.constant 1 : i32
      %add3A_197 = arith.addi %mul3A_171, %add3A_196 : i32
      %dma_start3A_198 = arith.constant 0 : i32
      %dma_start3A_199 = tpu.memref_slice %arg9[%add3A_197, %dma_start3A_198] : memref<80x128xi32, #tpu.memory_space<vmem>> -> memref<1x128xi32, #tpu.memory_space<vmem>>
      %dma_start3A_200 = tpu.memref_squeeze %dma_start3A_199 : memref<1x128xi32, #tpu.memory_space<vmem>> -> memref<128xi32, #tpu.memory_space<vmem>>
      %dma_start3A_201 = arith.constant 0 : i32
      %dma_start3A_202 = arith.constant 0 : i32
      %dma_start3A_203 = tpu.memref_slice %arg15[%dma_start3A_201, %dma_start3A_202] : memref<10240x64xf32, #tpu.memory_space<vmem_shared>> -> memref<10240x64xf32, #tpu.memory_space<vmem_shared>>
      tpu.enqueue_indirect_dma source(%arg11 : memref<128x64xf32, #tpu.memory_space<vmem>>) target(%dma_start3A_203 : memref<10240x64xf32, #tpu.memory_space<vmem_shared>>) offsets(%dma_start3A_200 : memref<128xi32, #tpu.memory_space<vmem>>) semaphore(%arg21 : memref<!tpu.dma_semaphore, #tpu.memory_space<semaphore_mem>>) {add = true}
      %add3A_204 = arith.constant 2 : i32
      %add3A_205 = arith.addi %mul3A_171, %add3A_204 : i32
      %dma_wait3A_206 = arith.constant 0 : i32
      %dma_wait3A_207 = tpu.memref_slice %arg7[%add3A_205, %dma_wait3A_206] : memref<80x128xi32, #tpu.memory_space<vmem>> -> memref<1x128xi32, #tpu.memory_space<vmem>>
      %dma_wait3A_208 = tpu.memref_squeeze %dma_wait3A_207 : memref<1x128xi32, #tpu.memory_space<vmem>> -> memref<128xi32, #tpu.memory_space<vmem>>
      %dma_wait3A_209 = arith.constant 0 : i32
      %dma_wait3A_210 = arith.constant 0 : i32
      %dma_wait3A_211 = tpu.memref_slice %arg2[%dma_wait3A_209, %dma_wait3A_210] : memref<40000x64xf32, #tpu.memory_space<hbm>> -> memref<40000x64xf32, #tpu.memory_space<hbm>>
      tpu.wait_indirect_dma semaphore(%arg18 : memref<!tpu.dma_semaphore, #tpu.memory_space<semaphore_mem>>) src(%dma_wait3A_211 : memref<40000x64xf32, #tpu.memory_space<hbm>>) dst(%arg12 : memref<128x64xf32, #tpu.memory_space<vmem>>)
      %add3A_212 = arith.constant 2 : i32
      %add3A_213 = arith.addi %mul3A_171, %add3A_212 : i32
      %dma_start3A_214 = arith.constant 0 : i32
      %dma_start3A_215 = tpu.memref_slice %arg9[%add3A_213, %dma_start3A_214] : memref<80x128xi32, #tpu.memory_space<vmem>> -> memref<1x128xi32, #tpu.memory_space<vmem>>
      %dma_start3A_216 = tpu.memref_squeeze %dma_start3A_215 : memref<1x128xi32, #tpu.memory_space<vmem>> -> memref<128xi32, #tpu.memory_space<vmem>>
      %dma_start3A_217 = arith.constant 0 : i32
      %dma_start3A_218 = arith.constant 0 : i32
      %dma_start3A_219 = tpu.memref_slice %arg15[%dma_start3A_217, %dma_start3A_218] : memref<10240x64xf32, #tpu.memory_space<vmem_shared>> -> memref<10240x64xf32, #tpu.memory_space<vmem_shared>>
      tpu.enqueue_indirect_dma source(%arg12 : memref<128x64xf32, #tpu.memory_space<vmem>>) target(%dma_start3A_219 : memref<10240x64xf32, #tpu.memory_space<vmem_shared>>) offsets(%dma_start3A_216 : memref<128xi32, #tpu.memory_space<vmem>>) semaphore(%arg22 : memref<!tpu.dma_semaphore, #tpu.memory_space<semaphore_mem>>) {add = true}
      %add3A_220 = arith.constant 3 : i32
      %add3A_221 = arith.addi %mul3A_171, %add3A_220 : i32
      %dma_wait3A_222 = arith.constant 0 : i32
      %dma_wait3A_223 = tpu.memref_slice %arg7[%add3A_221, %dma_wait3A_222] : memref<80x128xi32, #tpu.memory_space<vmem>> -> memref<1x128xi32, #tpu.memory_space<vmem>>
      %dma_wait3A_224 = tpu.memref_squeeze %dma_wait3A_223 : memref<1x128xi32, #tpu.memory_space<vmem>> -> memref<128xi32, #tpu.memory_space<vmem>>
      %dma_wait3A_225 = arith.constant 0 : i32
      %dma_wait3A_226 = arith.constant 0 : i32
      %dma_wait3A_227 = tpu.memref_slice %arg2[%dma_wait3A_225, %dma_wait3A_226] : memref<40000x64xf32, #tpu.memory_space<hbm>> -> memref<40000x64xf32, #tpu.memory_space<hbm>>
      tpu.wait_indirect_dma semaphore(%arg19 : memref<!tpu.dma_semaphore, #tpu.memory_space<semaphore_mem>>) src(%dma_wait3A_227 : memref<40000x64xf32, #tpu.memory_space<hbm>>) dst(%arg13 : memref<128x64xf32, #tpu.memory_space<vmem>>)
      %add3A_228 = arith.constant 3 : i32
      %add3A_229 = arith.addi %mul3A_171, %add3A_228 : i32
      %dma_start3A_230 = arith.constant 0 : i32
      %dma_start3A_231 = tpu.memref_slice %arg9[%add3A_229, %dma_start3A_230] : memref<80x128xi32, #tpu.memory_space<vmem>> -> memref<1x128xi32, #tpu.memory_space<vmem>>
      %dma_start3A_232 = tpu.memref_squeeze %dma_start3A_231 : memref<1x128xi32, #tpu.memory_space<vmem>> -> memref<128xi32, #tpu.memory_space<vmem>>
      %dma_start3A_233 = arith.constant 0 : i32
      %dma_start3A_234 = arith.constant 0 : i32
      %dma_start3A_235 = tpu.memref_slice %arg15[%dma_start3A_233, %dma_start3A_234] : memref<10240x64xf32, #tpu.memory_space<vmem_shared>> -> memref<10240x64xf32, #tpu.memory_space<vmem_shared>>
      tpu.enqueue_indirect_dma source(%arg13 : memref<128x64xf32, #tpu.memory_space<vmem>>) target(%dma_start3A_235 : memref<10240x64xf32, #tpu.memory_space<vmem_shared>>) offsets(%dma_start3A_232 : memref<128xi32, #tpu.memory_space<vmem>>) semaphore(%arg23 : memref<!tpu.dma_semaphore, #tpu.memory_space<semaphore_mem>>) {add = true}
      %lt3A = arith.constant 19 : i32
      %lt3A_236 = arith.cmpi slt, %scan3A_168, %lt3A : i32
      %convert_element_type3A = arith.extui %lt3A_236 : i1 to i32
      %cond3A = arith.constant 0 : i32
      %cond3A_237 = arith.cmpi ne, %convert_element_type3A, %cond3A : i32
      scf.if %cond3A_237 {
        %add3A_239 = arith.constant 0 : i32
        %add3A_240 = arith.addi %mul3A_171, %add3A_239 : i32
        %dma_wait3A_241 = arith.constant 0 : i32
        %dma_wait3A_242 = tpu.memref_slice %arg9[%add3A_240, %dma_wait3A_241] : memref<80x128xi32, #tpu.memory_space<vmem>> -> memref<1x128xi32, #tpu.memory_space<vmem>>
        %dma_wait3A_243 = tpu.memref_squeeze %dma_wait3A_242 : memref<1x128xi32, #tpu.memory_space<vmem>> -> memref<128xi32, #tpu.memory_space<vmem>>
        %dma_wait3A_244 = arith.constant 0 : i32
        %dma_wait3A_245 = arith.constant 0 : i32
        %dma_wait3A_246 = tpu.memref_slice %arg15[%dma_wait3A_244, %dma_wait3A_245] : memref<10240x64xf32, #tpu.memory_space<vmem_shared>> -> memref<10240x64xf32, #tpu.memory_space<vmem_shared>>
        tpu.wait_indirect_dma semaphore(%arg20 : memref<!tpu.dma_semaphore, #tpu.memory_space<semaphore_mem>>) src(%arg10 : memref<128x64xf32, #tpu.memory_space<vmem>>) dst(%dma_wait3A_246 : memref<10240x64xf32, #tpu.memory_space<vmem_shared>>)
        %add3A_247 = arith.constant 4 : i32
        %add3A_248 = arith.addi %mul3A_171, %add3A_247 : i32
        %add3A_249 = arith.constant 0 : i32
        %add3A_250 = arith.addi %add3A_248, %add3A_249 : i32
        %dma_start3A_251 = arith.constant 0 : i32
        %dma_start3A_252 = tpu.memref_slice %arg7[%add3A_250, %dma_start3A_251] : memref<80x128xi32, #tpu.memory_space<vmem>> -> memref<1x128xi32, #tpu.memory_space<vmem>>
        %dma_start3A_253 = tpu.memref_squeeze %dma_start3A_252 : memref<1x128xi32, #tpu.memory_space<vmem>> -> memref<128xi32, #tpu.memory_space<vmem>>
        %dma_start3A_254 = arith.constant 0 : i32
        %dma_start3A_255 = arith.constant 0 : i32
        %dma_start3A_256 = tpu.memref_slice %arg2[%dma_start3A_254, %dma_start3A_255] : memref<40000x64xf32, #tpu.memory_space<hbm>> -> memref<40000x64xf32, #tpu.memory_space<hbm>>
        tpu.enqueue_indirect_dma source(%dma_start3A_256 : memref<40000x64xf32, #tpu.memory_space<hbm>>) target(%arg10 : memref<128x64xf32, #tpu.memory_space<vmem>>) offsets(%dma_start3A_253 : memref<128xi32, #tpu.memory_space<vmem>>) semaphore(%arg16 : memref<!tpu.dma_semaphore, #tpu.memory_space<semaphore_mem>>)
        %add3A_257 = arith.constant 1 : i32
        %add3A_258 = arith.addi %mul3A_171, %add3A_257 : i32
        %dma_wait3A_259 = arith.constant 0 : i32
        %dma_wait3A_260 = tpu.memref_slice %arg9[%add3A_258, %dma_wait3A_259] : memref<80x128xi32, #tpu.memory_space<vmem>> -> memref<1x128xi32, #tpu.memory_space<vmem>>
        %dma_wait3A_261 = tpu.memref_squeeze %dma_wait3A_260 : memref<1x128xi32, #tpu.memory_space<vmem>> -> memref<128xi32, #tpu.memory_space<vmem>>
        %dma_wait3A_262 = arith.constant 0 : i32
        %dma_wait3A_263 = arith.constant 0 : i32
        %dma_wait3A_264 = tpu.memref_slice %arg15[%dma_wait3A_262, %dma_wait3A_263] : memref<10240x64xf32, #tpu.memory_space<vmem_shared>> -> memref<10240x64xf32, #tpu.memory_space<vmem_shared>>
        tpu.wait_indirect_dma semaphore(%arg21 : memref<!tpu.dma_semaphore, #tpu.memory_space<semaphore_mem>>) src(%arg11 : memref<128x64xf32, #tpu.memory_space<vmem>>) dst(%dma_wait3A_264 : memref<10240x64xf32, #tpu.memory_space<vmem_shared>>)
        %add3A_265 = arith.constant 4 : i32
        %add3A_266 = arith.addi %mul3A_171, %add3A_265 : i32
        %add3A_267 = arith.constant 1 : i32
        %add3A_268 = arith.addi %add3A_266, %add3A_267 : i32
        %dma_start3A_269 = arith.constant 0 : i32
        %dma_start3A_270 = tpu.memref_slice %arg7[%add3A_268, %dma_start3A_269] : memref<80x128xi32, #tpu.memory_space<vmem>> -> memref<1x128xi32, #tpu.memory_space<vmem>>
        %dma_start3A_271 = tpu.memref_squeeze %dma_start3A_270 : memref<1x128xi32, #tpu.memory_space<vmem>> -> memref<128xi32, #tpu.memory_space<vmem>>
        %dma_start3A_272 = arith.constant 0 : i32
        %dma_start3A_273 = arith.constant 0 : i32
        %dma_start3A_274 = tpu.memref_slice %arg2[%dma_start3A_272, %dma_start3A_273] : memref<40000x64xf32, #tpu.memory_space<hbm>> -> memref<40000x64xf32, #tpu.memory_space<hbm>>
        tpu.enqueue_indirect_dma source(%dma_start3A_274 : memref<40000x64xf32, #tpu.memory_space<hbm>>) target(%arg11 : memref<128x64xf32, #tpu.memory_space<vmem>>) offsets(%dma_start3A_271 : memref<128xi32, #tpu.memory_space<vmem>>) semaphore(%arg17 : memref<!tpu.dma_semaphore, #tpu.memory_space<semaphore_mem>>)
        %add3A_275 = arith.constant 2 : i32
        %add3A_276 = arith.addi %mul3A_171, %add3A_275 : i32
        %dma_wait3A_277 = arith.constant 0 : i32
        %dma_wait3A_278 = tpu.memref_slice %arg9[%add3A_276, %dma_wait3A_277] : memref<80x128xi32, #tpu.memory_space<vmem>> -> memref<1x128xi32, #tpu.memory_space<vmem>>
        %dma_wait3A_279 = tpu.memref_squeeze %dma_wait3A_278 : memref<1x128xi32, #tpu.memory_space<vmem>> -> memref<128xi32, #tpu.memory_space<vmem>>
        %dma_wait3A_280 = arith.constant 0 : i32
        %dma_wait3A_281 = arith.constant 0 : i32
        %dma_wait3A_282 = tpu.memref_slice %arg15[%dma_wait3A_280, %dma_wait3A_281] : memref<10240x64xf32, #tpu.memory_space<vmem_shared>> -> memref<10240x64xf32, #tpu.memory_space<vmem_shared>>
        tpu.wait_indirect_dma semaphore(%arg22 : memref<!tpu.dma_semaphore, #tpu.memory_space<semaphore_mem>>) src(%arg12 : memref<128x64xf32, #tpu.memory_space<vmem>>) dst(%dma_wait3A_282 : memref<10240x64xf32, #tpu.memory_space<vmem_shared>>)
        %add3A_283 = arith.constant 4 : i32
        %add3A_284 = arith.addi %mul3A_171, %add3A_283 : i32
        %add3A_285 = arith.constant 2 : i32
        %add3A_286 = arith.addi %add3A_284, %add3A_285 : i32
        %dma_start3A_287 = arith.constant 0 : i32
        %dma_start3A_288 = tpu.memref_slice %arg7[%add3A_286, %dma_start3A_287] : memref<80x128xi32, #tpu.memory_space<vmem>> -> memref<1x128xi32, #tpu.memory_space<vmem>>
        %dma_start3A_289 = tpu.memref_squeeze %dma_start3A_288 : memref<1x128xi32, #tpu.memory_space<vmem>> -> memref<128xi32, #tpu.memory_space<vmem>>
        %dma_start3A_290 = arith.constant 0 : i32
        %dma_start3A_291 = arith.constant 0 : i32
        %dma_start3A_292 = tpu.memref_slice %arg2[%dma_start3A_290, %dma_start3A_291] : memref<40000x64xf32, #tpu.memory_space<hbm>> -> memref<40000x64xf32, #tpu.memory_space<hbm>>
        tpu.enqueue_indirect_dma source(%dma_start3A_292 : memref<40000x64xf32, #tpu.memory_space<hbm>>) target(%arg12 : memref<128x64xf32, #tpu.memory_space<vmem>>) offsets(%dma_start3A_289 : memref<128xi32, #tpu.memory_space<vmem>>) semaphore(%arg18 : memref<!tpu.dma_semaphore, #tpu.memory_space<semaphore_mem>>)
        %add3A_293 = arith.constant 3 : i32
        %add3A_294 = arith.addi %mul3A_171, %add3A_293 : i32
        %dma_wait3A_295 = arith.constant 0 : i32
        %dma_wait3A_296 = tpu.memref_slice %arg9[%add3A_294, %dma_wait3A_295] : memref<80x128xi32, #tpu.memory_space<vmem>> -> memref<1x128xi32, #tpu.memory_space<vmem>>
        %dma_wait3A_297 = tpu.memref_squeeze %dma_wait3A_296 : memref<1x128xi32, #tpu.memory_space<vmem>> -> memref<128xi32, #tpu.memory_space<vmem>>
        %dma_wait3A_298 = arith.constant 0 : i32
        %dma_wait3A_299 = arith.constant 0 : i32
        %dma_wait3A_300 = tpu.memref_slice %arg15[%dma_wait3A_298, %dma_wait3A_299] : memref<10240x64xf32, #tpu.memory_space<vmem_shared>> -> memref<10240x64xf32, #tpu.memory_space<vmem_shared>>
        tpu.wait_indirect_dma semaphore(%arg23 : memref<!tpu.dma_semaphore, #tpu.memory_space<semaphore_mem>>) src(%arg13 : memref<128x64xf32, #tpu.memory_space<vmem>>) dst(%dma_wait3A_300 : memref<10240x64xf32, #tpu.memory_space<vmem_shared>>)
        %add3A_301 = arith.constant 4 : i32
        %add3A_302 = arith.addi %mul3A_171, %add3A_301 : i32
        %add3A_303 = arith.constant 3 : i32
        %add3A_304 = arith.addi %add3A_302, %add3A_303 : i32
        %dma_start3A_305 = arith.constant 0 : i32
        %dma_start3A_306 = tpu.memref_slice %arg7[%add3A_304, %dma_start3A_305] : memref<80x128xi32, #tpu.memory_space<vmem>> -> memref<1x128xi32, #tpu.memory_space<vmem>>
        %dma_start3A_307 = tpu.memref_squeeze %dma_start3A_306 : memref<1x128xi32, #tpu.memory_space<vmem>> -> memref<128xi32, #tpu.memory_space<vmem>>
        %dma_start3A_308 = arith.constant 0 : i32
        %dma_start3A_309 = arith.constant 0 : i32
        %dma_start3A_310 = tpu.memref_slice %arg2[%dma_start3A_308, %dma_start3A_309] : memref<40000x64xf32, #tpu.memory_space<hbm>> -> memref<40000x64xf32, #tpu.memory_space<hbm>>
        tpu.enqueue_indirect_dma source(%dma_start3A_310 : memref<40000x64xf32, #tpu.memory_space<hbm>>) target(%arg13 : memref<128x64xf32, #tpu.memory_space<vmem>>) offsets(%dma_start3A_307 : memref<128xi32, #tpu.memory_space<vmem>>) semaphore(%arg19 : memref<!tpu.dma_semaphore, #tpu.memory_space<semaphore_mem>>)
      } else {
      }
      %scan3A_238 = arith.constant 0 : i32
      scf.yield %scan3A_238 : i32
    }
    %scan3A_48 = arith.constant 20 : i32
    %dma_wait3A = arith.constant 76 : i32
    %dma_wait3A_49 = arith.constant 0 : i32
    %dma_wait3A_50 = tpu.memref_slice %arg9[%dma_wait3A, %dma_wait3A_49] : memref<80x128xi32, #tpu.memory_space<vmem>> -> memref<1x128xi32, #tpu.memory_space<vmem>>
    %dma_wait3A_51 = tpu.memref_squeeze %dma_wait3A_50 : memref<1x128xi32, #tpu.memory_space<vmem>> -> memref<128xi32, #tpu.memory_space<vmem>>
    %dma_wait3A_52 = arith.constant 0 : i32
    %dma_wait3A_53 = arith.constant 0 : i32
    %dma_wait3A_54 = tpu.memref_slice %arg15[%dma_wait3A_52, %dma_wait3A_53] : memref<10240x64xf32, #tpu.memory_space<vmem_shared>> -> memref<10240x64xf32, #tpu.memory_space<vmem_shared>>
    tpu.wait_indirect_dma semaphore(%arg20 : memref<!tpu.dma_semaphore, #tpu.memory_space<semaphore_mem>>) src(%arg10 : memref<128x64xf32, #tpu.memory_space<vmem>>) dst(%dma_wait3A_54 : memref<10240x64xf32, #tpu.memory_space<vmem_shared>>)
    %dma_wait3A_55 = arith.constant 77 : i32
    %dma_wait3A_56 = arith.constant 0 : i32
    %dma_wait3A_57 = tpu.memref_slice %arg9[%dma_wait3A_55, %dma_wait3A_56] : memref<80x128xi32, #tpu.memory_space<vmem>> -> memref<1x128xi32, #tpu.memory_space<vmem>>
    %dma_wait3A_58 = tpu.memref_squeeze %dma_wait3A_57 : memref<1x128xi32, #tpu.memory_space<vmem>> -> memref<128xi32, #tpu.memory_space<vmem>>
    %dma_wait3A_59 = arith.constant 0 : i32
    %dma_wait3A_60 = arith.constant 0 : i32
    %dma_wait3A_61 = tpu.memref_slice %arg15[%dma_wait3A_59, %dma_wait3A_60] : memref<10240x64xf32, #tpu.memory_space<vmem_shared>> -> memref<10240x64xf32, #tpu.memory_space<vmem_shared>>
    tpu.wait_indirect_dma semaphore(%arg21 : memref<!tpu.dma_semaphore, #tpu.memory_space<semaphore_mem>>) src(%arg11 : memref<128x64xf32, #tpu.memory_space<vmem>>) dst(%dma_wait3A_61 : memref<10240x64xf32, #tpu.memory_space<vmem_shared>>)
    %dma_wait3A_62 = arith.constant 78 : i32
    %dma_wait3A_63 = arith.constant 0 : i32
    %dma_wait3A_64 = tpu.memref_slice %arg9[%dma_wait3A_62, %dma_wait3A_63] : memref<80x128xi32, #tpu.memory_space<vmem>> -> memref<1x128xi32, #tpu.memory_space<vmem>>
    %dma_wait3A_65 = tpu.memref_squeeze %dma_wait3A_64 : memref<1x128xi32, #tpu.memory_space<vmem>> -> memref<128xi32, #tpu.memory_space<vmem>>
    %dma_wait3A_66 = arith.constant 0 : i32
    %dma_wait3A_67 = arith.constant 0 : i32
    %dma_wait3A_68 = tpu.memref_slice %arg15[%dma_wait3A_66, %dma_wait3A_67] : memref<10240x64xf32, #tpu.memory_space<vmem_shared>> -> memref<10240x64xf32, #tpu.memory_space<vmem_shared>>
    tpu.wait_indirect_dma semaphore(%arg22 : memref<!tpu.dma_semaphore, #tpu.memory_space<semaphore_mem>>) src(%arg12 : memref<128x64xf32, #tpu.memory_space<vmem>>) dst(%dma_wait3A_68 : memref<10240x64xf32, #tpu.memory_space<vmem_shared>>)
    %dma_wait3A_69 = arith.constant 79 : i32
    %dma_wait3A_70 = arith.constant 0 : i32
    %dma_wait3A_71 = tpu.memref_slice %arg9[%dma_wait3A_69, %dma_wait3A_70] : memref<80x128xi32, #tpu.memory_space<vmem>> -> memref<1x128xi32, #tpu.memory_space<vmem>>
    %dma_wait3A_72 = tpu.memref_squeeze %dma_wait3A_71 : memref<1x128xi32, #tpu.memory_space<vmem>> -> memref<128xi32, #tpu.memory_space<vmem>>
    %dma_wait3A_73 = arith.constant 0 : i32
    %dma_wait3A_74 = arith.constant 0 : i32
    %dma_wait3A_75 = tpu.memref_slice %arg15[%dma_wait3A_73, %dma_wait3A_74] : memref<10240x64xf32, #tpu.memory_space<vmem_shared>> -> memref<10240x64xf32, #tpu.memory_space<vmem_shared>>
    tpu.wait_indirect_dma semaphore(%arg23 : memref<!tpu.dma_semaphore, #tpu.memory_space<semaphore_mem>>) src(%arg13 : memref<128x64xf32, #tpu.memory_space<vmem>>) dst(%dma_wait3A_75 : memref<10240x64xf32, #tpu.memory_space<vmem_shared>>)
    %barrier3A_76 = arith.constant 0 : index
    tpu.barrier barrier_id(%barrier3A_76)
    %add3A_77 = arith.constant 0 : i32
    %add3A_78 = arith.addi %add3A_77, %arg0 : i32
    %mul3A_79 = arith.constant 640 : i32
    %mul3A_80 = arith.muli %arg1, %mul3A_79 : i32
    %mul3A_81 = arith.constant 10240 : i32
    %mul3A_82 = arith.muli %add3A_78, %mul3A_81 : i32
    %mul3A_83 = arith.constant 640 : i32
    %mul3A_84 = arith.muli %arg1, %mul3A_83 : i32
    %add3A_85 = arith.addi %mul3A_82, %mul3A_84 : i32
    "tpu.region"() ({
      %run_scoped3A = tpu.sem_alloc : memref<!tpu.dma_semaphore, #tpu.memory_space<semaphore_mem>>
      %dma_start3A_168 = arith.constant 0 : i32
      %dma_start3A_169 = tpu.memref_slice %arg6[%add3A_85, %dma_start3A_168] : memref<40960x64xf32, #tpu.memory_space<hbm>> -> memref<640x64xf32, #tpu.memory_space<hbm>>
      %dma_start3A_170 = arith.constant 0 : i32
      %dma_start3A_171 = tpu.memref_slice %arg15[%mul3A_80, %dma_start3A_170] : memref<10240x64xf32, #tpu.memory_space<vmem_shared>> -> memref<640x64xf32, #tpu.memory_space<vmem_shared>>
      tpu.enqueue_dma source(%dma_start3A_171 : memref<640x64xf32, #tpu.memory_space<vmem_shared>>) target(%dma_start3A_169 : memref<640x64xf32, #tpu.memory_space<hbm>>) target_semaphore(%run_scoped3A : memref<!tpu.dma_semaphore, #tpu.memory_space<semaphore_mem>>)
      %dma_wait3A_172 = arith.constant 0 : i32
      %dma_wait3A_173 = tpu.memref_slice %arg6[%add3A_85, %dma_wait3A_172] : memref<40960x64xf32, #tpu.memory_space<hbm>> -> memref<640x64xf32, #tpu.memory_space<hbm>>
      %dma_wait3A_174 = arith.constant 0 : i32
      %dma_wait3A_175 = tpu.memref_slice %arg15[%mul3A_80, %dma_wait3A_174] : memref<10240x64xf32, #tpu.memory_space<vmem_shared>> -> memref<640x64xf32, #tpu.memory_space<vmem_shared>>
      tpu.wait_dma2 semaphore(%run_scoped3A : memref<!tpu.dma_semaphore, #tpu.memory_space<semaphore_mem>>) src(%dma_wait3A_175 : memref<640x64xf32, #tpu.memory_space<vmem_shared>>) dst(%dma_wait3A_173 : memref<640x64xf32, #tpu.memory_space<hbm>>)
      tpu.yield
    }) : () -> ()
    %barrier3A_86 = arith.constant 0 : index
    tpu.barrier barrier_id(%barrier3A_86)
    %scan3A_87 = arith.constant 0 : i32
    %scan3A_88 = arith.constant 0 : i32
    %scan3A_89 = arith.constant 5 : i32
    %scan3A_90 = arith.addi %scan3A_88, %scan3A_89 : i32
    %scan3A_91 = arith.constant 1 : i32
    %scan3A_92 = scf.for %scan3A_168 = %scan3A_88 to %scan3A_90 step %scan3A_91 iter_args(%scan3A_169 = %scan3A_87) -> (i32)  : i32 {
      %mul3A_170 = arith.constant 640 : i32
      %mul3A_171 = arith.muli %arg1, %mul3A_170 : i32
      %mul3A_172 = arith.constant 128 : i32
      %mul3A_173 = arith.muli %scan3A_168, %mul3A_172 : i32
      %add3A_174 = arith.addi %mul3A_171, %mul3A_173 : i32
      "tpu.region"() ({
        %run_scoped3A = tpu.sem_alloc : memref<!tpu.dma_semaphore, #tpu.memory_space<semaphore_mem>>
        %dma_start3A_176 = arith.constant 0 : i32
        %dma_start3A_177 = tpu.memref_slice %arg15[%add3A_174, %dma_start3A_176] : memref<10240x64xf32, #tpu.memory_space<vmem_shared>> -> memref<128x64xf32, #tpu.memory_space<vmem_shared>>
        %dma_start3A_178 = arith.constant 0 : i32
        %dma_start3A_179 = tpu.memref_slice %arg15[%add3A_174, %dma_start3A_178] : memref<10240x64xf32, #tpu.memory_space<vmem_shared>> -> memref<128x64xf32, #tpu.memory_space<vmem_shared>>
        tpu.enqueue_dma source(%arg14 : memref<128x64xf32, #tpu.memory_space<vmem>>) target(%dma_start3A_179 : memref<128x64xf32, #tpu.memory_space<vmem_shared>>) target_semaphore(%run_scoped3A : memref<!tpu.dma_semaphore, #tpu.memory_space<semaphore_mem>>)
        %dma_wait3A_180 = arith.constant 0 : i32
        %dma_wait3A_181 = tpu.memref_slice %arg15[%add3A_174, %dma_wait3A_180] : memref<10240x64xf32, #tpu.memory_space<vmem_shared>> -> memref<128x64xf32, #tpu.memory_space<vmem_shared>>
        %dma_wait3A_182 = arith.constant 0 : i32
        %dma_wait3A_183 = tpu.memref_slice %arg15[%add3A_174, %dma_wait3A_182] : memref<10240x64xf32, #tpu.memory_space<vmem_shared>> -> memref<128x64xf32, #tpu.memory_space<vmem_shared>>
        tpu.wait_dma2 semaphore(%run_scoped3A : memref<!tpu.dma_semaphore, #tpu.memory_space<semaphore_mem>>) src(%arg14 : memref<128x64xf32, #tpu.memory_space<vmem>>) dst(%dma_wait3A_183 : memref<128x64xf32, #tpu.memory_space<vmem_shared>>)
        tpu.yield
      }) : () -> ()
      %scan3A_175 = arith.constant 0 : i32
      scf.yield %scan3A_175 : i32
    }
    %scan3A_93 = arith.constant 5 : i32
    %barrier3A_94 = arith.constant 0 : index
    tpu.barrier barrier_id(%barrier3A_94)
    %dma_start3A_95 = arith.constant 0 : i32
    %dma_start3A_96 = arith.constant 0 : i32
    %dma_start3A_97 = tpu.memref_slice %arg8[%dma_start3A_95, %dma_start3A_96] : memref<80x128xi32, #tpu.memory_space<vmem>> -> memref<1x128xi32, #tpu.memory_space<vmem>>
    %dma_start3A_98 = tpu.memref_squeeze %dma_start3A_97 : memref<1x128xi32, #tpu.memory_space<vmem>> -> memref<128xi32, #tpu.memory_space<vmem>>
    %dma_start3A_99 = arith.constant 0 : i32
    %dma_start3A_100 = arith.constant 0 : i32
    %dma_start3A_101 = tpu.memref_slice %arg2[%dma_start3A_99, %dma_start3A_100] : memref<40000x64xf32, #tpu.memory_space<hbm>> -> memref<40000x64xf32, #tpu.memory_space<hbm>>
    tpu.enqueue_indirect_dma source(%dma_start3A_101 : memref<40000x64xf32, #tpu.memory_space<hbm>>) target(%arg10 : memref<128x64xf32, #tpu.memory_space<vmem>>) offsets(%dma_start3A_98 : memref<128xi32, #tpu.memory_space<vmem>>) semaphore(%arg16 : memref<!tpu.dma_semaphore, #tpu.memory_space<semaphore_mem>>)
    %dma_start3A_102 = arith.constant 1 : i32
    %dma_start3A_103 = arith.constant 0 : i32
    %dma_start3A_104 = tpu.memref_slice %arg8[%dma_start3A_102, %dma_start3A_103] : memref<80x128xi32, #tpu.memory_space<vmem>> -> memref<1x128xi32, #tpu.memory_space<vmem>>
    %dma_start3A_105 = tpu.memref_squeeze %dma_start3A_104 : memref<1x128xi32, #tpu.memory_space<vmem>> -> memref<128xi32, #tpu.memory_space<vmem>>
    %dma_start3A_106 = arith.constant 0 : i32
    %dma_start3A_107 = arith.constant 0 : i32
    %dma_start3A_108 = tpu.memref_slice %arg2[%dma_start3A_106, %dma_start3A_107] : memref<40000x64xf32, #tpu.memory_space<hbm>> -> memref<40000x64xf32, #tpu.memory_space<hbm>>
    tpu.enqueue_indirect_dma source(%dma_start3A_108 : memref<40000x64xf32, #tpu.memory_space<hbm>>) target(%arg11 : memref<128x64xf32, #tpu.memory_space<vmem>>) offsets(%dma_start3A_105 : memref<128xi32, #tpu.memory_space<vmem>>) semaphore(%arg17 : memref<!tpu.dma_semaphore, #tpu.memory_space<semaphore_mem>>)
    %dma_start3A_109 = arith.constant 2 : i32
    %dma_start3A_110 = arith.constant 0 : i32
    %dma_start3A_111 = tpu.memref_slice %arg8[%dma_start3A_109, %dma_start3A_110] : memref<80x128xi32, #tpu.memory_space<vmem>> -> memref<1x128xi32, #tpu.memory_space<vmem>>
    %dma_start3A_112 = tpu.memref_squeeze %dma_start3A_111 : memref<1x128xi32, #tpu.memory_space<vmem>> -> memref<128xi32, #tpu.memory_space<vmem>>
    %dma_start3A_113 = arith.constant 0 : i32
    %dma_start3A_114 = arith.constant 0 : i32
    %dma_start3A_115 = tpu.memref_slice %arg2[%dma_start3A_113, %dma_start3A_114] : memref<40000x64xf32, #tpu.memory_space<hbm>> -> memref<40000x64xf32, #tpu.memory_space<hbm>>
    tpu.enqueue_indirect_dma source(%dma_start3A_115 : memref<40000x64xf32, #tpu.memory_space<hbm>>) target(%arg12 : memref<128x64xf32, #tpu.memory_space<vmem>>) offsets(%dma_start3A_112 : memref<128xi32, #tpu.memory_space<vmem>>) semaphore(%arg18 : memref<!tpu.dma_semaphore, #tpu.memory_space<semaphore_mem>>)
    %dma_start3A_116 = arith.constant 3 : i32
    %dma_start3A_117 = arith.constant 0 : i32
    %dma_start3A_118 = tpu.memref_slice %arg8[%dma_start3A_116, %dma_start3A_117] : memref<80x128xi32, #tpu.memory_space<vmem>> -> memref<1x128xi32, #tpu.memory_space<vmem>>
    %dma_start3A_119 = tpu.memref_squeeze %dma_start3A_118 : memref<1x128xi32, #tpu.memory_space<vmem>> -> memref<128xi32, #tpu.memory_space<vmem>>
    %dma_start3A_120 = arith.constant 0 : i32
    %dma_start3A_121 = arith.constant 0 : i32
    %dma_start3A_122 = tpu.memref_slice %arg2[%dma_start3A_120, %dma_start3A_121] : memref<40000x64xf32, #tpu.memory_space<hbm>> -> memref<40000x64xf32, #tpu.memory_space<hbm>>
    tpu.enqueue_indirect_dma source(%dma_start3A_122 : memref<40000x64xf32, #tpu.memory_space<hbm>>) target(%arg13 : memref<128x64xf32, #tpu.memory_space<vmem>>) offsets(%dma_start3A_119 : memref<128xi32, #tpu.memory_space<vmem>>) semaphore(%arg19 : memref<!tpu.dma_semaphore, #tpu.memory_space<semaphore_mem>>)
    %scan3A_123 = arith.constant 0 : i32
    %scan3A_124 = arith.constant 0 : i32
    %scan3A_125 = arith.constant 20 : i32
    %scan3A_126 = arith.addi %scan3A_124, %scan3A_125 : i32
    %scan3A_127 = arith.constant 1 : i32
    %scan3A_128 = scf.for %scan3A_168 = %scan3A_124 to %scan3A_126 step %scan3A_127 iter_args(%scan3A_169 = %scan3A_123) -> (i32)  : i32 {
      %mul3A_170 = arith.constant 4 : i32
      %mul3A_171 = arith.muli %mul3A_170, %scan3A_168 : i32
      %add3A_172 = arith.constant 0 : i32
      %add3A_173 = arith.addi %mul3A_171, %add3A_172 : i32
      %dma_wait3A_174 = arith.constant 0 : i32
      %dma_wait3A_175 = tpu.memref_slice %arg8[%add3A_173, %dma_wait3A_174] : memref<80x128xi32, #tpu.memory_space<vmem>> -> memref<1x128xi32, #tpu.memory_space<vmem>>
      %dma_wait3A_176 = tpu.memref_squeeze %dma_wait3A_175 : memref<1x128xi32, #tpu.memory_space<vmem>> -> memref<128xi32, #tpu.memory_space<vmem>>
      %dma_wait3A_177 = arith.constant 0 : i32
      %dma_wait3A_178 = arith.constant 0 : i32
      %dma_wait3A_179 = tpu.memref_slice %arg2[%dma_wait3A_177, %dma_wait3A_178] : memref<40000x64xf32, #tpu.memory_space<hbm>> -> memref<40000x64xf32, #tpu.memory_space<hbm>>
      tpu.wait_indirect_dma semaphore(%arg16 : memref<!tpu.dma_semaphore, #tpu.memory_space<semaphore_mem>>) src(%dma_wait3A_179 : memref<40000x64xf32, #tpu.memory_space<hbm>>) dst(%arg10 : memref<128x64xf32, #tpu.memory_space<vmem>>)
      %add3A_180 = arith.constant 0 : i32
      %add3A_181 = arith.addi %mul3A_171, %add3A_180 : i32
      %dma_start3A_182 = arith.constant 0 : i32
      %dma_start3A_183 = tpu.memref_slice %arg9[%add3A_181, %dma_start3A_182] : memref<80x128xi32, #tpu.memory_space<vmem>> -> memref<1x128xi32, #tpu.memory_space<vmem>>
      %dma_start3A_184 = tpu.memref_squeeze %dma_start3A_183 : memref<1x128xi32, #tpu.memory_space<vmem>> -> memref<128xi32, #tpu.memory_space<vmem>>
      %dma_start3A_185 = arith.constant 0 : i32
      %dma_start3A_186 = arith.constant 0 : i32
      %dma_start3A_187 = tpu.memref_slice %arg15[%dma_start3A_185, %dma_start3A_186] : memref<10240x64xf32, #tpu.memory_space<vmem_shared>> -> memref<10240x64xf32, #tpu.memory_space<vmem_shared>>
      tpu.enqueue_indirect_dma source(%arg10 : memref<128x64xf32, #tpu.memory_space<vmem>>) target(%dma_start3A_187 : memref<10240x64xf32, #tpu.memory_space<vmem_shared>>) offsets(%dma_start3A_184 : memref<128xi32, #tpu.memory_space<vmem>>) semaphore(%arg20 : memref<!tpu.dma_semaphore, #tpu.memory_space<semaphore_mem>>) {add = true}
      %add3A_188 = arith.constant 1 : i32
      %add3A_189 = arith.addi %mul3A_171, %add3A_188 : i32
      %dma_wait3A_190 = arith.constant 0 : i32
      %dma_wait3A_191 = tpu.memref_slice %arg8[%add3A_189, %dma_wait3A_190] : memref<80x128xi32, #tpu.memory_space<vmem>> -> memref<1x128xi32, #tpu.memory_space<vmem>>
      %dma_wait3A_192 = tpu.memref_squeeze %dma_wait3A_191 : memref<1x128xi32, #tpu.memory_space<vmem>> -> memref<128xi32, #tpu.memory_space<vmem>>
      %dma_wait3A_193 = arith.constant 0 : i32
      %dma_wait3A_194 = arith.constant 0 : i32
      %dma_wait3A_195 = tpu.memref_slice %arg2[%dma_wait3A_193, %dma_wait3A_194] : memref<40000x64xf32, #tpu.memory_space<hbm>> -> memref<40000x64xf32, #tpu.memory_space<hbm>>
      tpu.wait_indirect_dma semaphore(%arg17 : memref<!tpu.dma_semaphore, #tpu.memory_space<semaphore_mem>>) src(%dma_wait3A_195 : memref<40000x64xf32, #tpu.memory_space<hbm>>) dst(%arg11 : memref<128x64xf32, #tpu.memory_space<vmem>>)
      %add3A_196 = arith.constant 1 : i32
      %add3A_197 = arith.addi %mul3A_171, %add3A_196 : i32
      %dma_start3A_198 = arith.constant 0 : i32
      %dma_start3A_199 = tpu.memref_slice %arg9[%add3A_197, %dma_start3A_198] : memref<80x128xi32, #tpu.memory_space<vmem>> -> memref<1x128xi32, #tpu.memory_space<vmem>>
      %dma_start3A_200 = tpu.memref_squeeze %dma_start3A_199 : memref<1x128xi32, #tpu.memory_space<vmem>> -> memref<128xi32, #tpu.memory_space<vmem>>
      %dma_start3A_201 = arith.constant 0 : i32
      %dma_start3A_202 = arith.constant 0 : i32
      %dma_start3A_203 = tpu.memref_slice %arg15[%dma_start3A_201, %dma_start3A_202] : memref<10240x64xf32, #tpu.memory_space<vmem_shared>> -> memref<10240x64xf32, #tpu.memory_space<vmem_shared>>
      tpu.enqueue_indirect_dma source(%arg11 : memref<128x64xf32, #tpu.memory_space<vmem>>) target(%dma_start3A_203 : memref<10240x64xf32, #tpu.memory_space<vmem_shared>>) offsets(%dma_start3A_200 : memref<128xi32, #tpu.memory_space<vmem>>) semaphore(%arg21 : memref<!tpu.dma_semaphore, #tpu.memory_space<semaphore_mem>>) {add = true}
      %add3A_204 = arith.constant 2 : i32
      %add3A_205 = arith.addi %mul3A_171, %add3A_204 : i32
      %dma_wait3A_206 = arith.constant 0 : i32
      %dma_wait3A_207 = tpu.memref_slice %arg8[%add3A_205, %dma_wait3A_206] : memref<80x128xi32, #tpu.memory_space<vmem>> -> memref<1x128xi32, #tpu.memory_space<vmem>>
      %dma_wait3A_208 = tpu.memref_squeeze %dma_wait3A_207 : memref<1x128xi32, #tpu.memory_space<vmem>> -> memref<128xi32, #tpu.memory_space<vmem>>
      %dma_wait3A_209 = arith.constant 0 : i32
      %dma_wait3A_210 = arith.constant 0 : i32
      %dma_wait3A_211 = tpu.memref_slice %arg2[%dma_wait3A_209, %dma_wait3A_210] : memref<40000x64xf32, #tpu.memory_space<hbm>> -> memref<40000x64xf32, #tpu.memory_space<hbm>>
      tpu.wait_indirect_dma semaphore(%arg18 : memref<!tpu.dma_semaphore, #tpu.memory_space<semaphore_mem>>) src(%dma_wait3A_211 : memref<40000x64xf32, #tpu.memory_space<hbm>>) dst(%arg12 : memref<128x64xf32, #tpu.memory_space<vmem>>)
      %add3A_212 = arith.constant 2 : i32
      %add3A_213 = arith.addi %mul3A_171, %add3A_212 : i32
      %dma_start3A_214 = arith.constant 0 : i32
      %dma_start3A_215 = tpu.memref_slice %arg9[%add3A_213, %dma_start3A_214] : memref<80x128xi32, #tpu.memory_space<vmem>> -> memref<1x128xi32, #tpu.memory_space<vmem>>
      %dma_start3A_216 = tpu.memref_squeeze %dma_start3A_215 : memref<1x128xi32, #tpu.memory_space<vmem>> -> memref<128xi32, #tpu.memory_space<vmem>>
      %dma_start3A_217 = arith.constant 0 : i32
      %dma_start3A_218 = arith.constant 0 : i32
      %dma_start3A_219 = tpu.memref_slice %arg15[%dma_start3A_217, %dma_start3A_218] : memref<10240x64xf32, #tpu.memory_space<vmem_shared>> -> memref<10240x64xf32, #tpu.memory_space<vmem_shared>>
      tpu.enqueue_indirect_dma source(%arg12 : memref<128x64xf32, #tpu.memory_space<vmem>>) target(%dma_start3A_219 : memref<10240x64xf32, #tpu.memory_space<vmem_shared>>) offsets(%dma_start3A_216 : memref<128xi32, #tpu.memory_space<vmem>>) semaphore(%arg22 : memref<!tpu.dma_semaphore, #tpu.memory_space<semaphore_mem>>) {add = true}
      %add3A_220 = arith.constant 3 : i32
      %add3A_221 = arith.addi %mul3A_171, %add3A_220 : i32
      %dma_wait3A_222 = arith.constant 0 : i32
      %dma_wait3A_223 = tpu.memref_slice %arg8[%add3A_221, %dma_wait3A_222] : memref<80x128xi32, #tpu.memory_space<vmem>> -> memref<1x128xi32, #tpu.memory_space<vmem>>
      %dma_wait3A_224 = tpu.memref_squeeze %dma_wait3A_223 : memref<1x128xi32, #tpu.memory_space<vmem>> -> memref<128xi32, #tpu.memory_space<vmem>>
      %dma_wait3A_225 = arith.constant 0 : i32
      %dma_wait3A_226 = arith.constant 0 : i32
      %dma_wait3A_227 = tpu.memref_slice %arg2[%dma_wait3A_225, %dma_wait3A_226] : memref<40000x64xf32, #tpu.memory_space<hbm>> -> memref<40000x64xf32, #tpu.memory_space<hbm>>
      tpu.wait_indirect_dma semaphore(%arg19 : memref<!tpu.dma_semaphore, #tpu.memory_space<semaphore_mem>>) src(%dma_wait3A_227 : memref<40000x64xf32, #tpu.memory_space<hbm>>) dst(%arg13 : memref<128x64xf32, #tpu.memory_space<vmem>>)
      %add3A_228 = arith.constant 3 : i32
      %add3A_229 = arith.addi %mul3A_171, %add3A_228 : i32
      %dma_start3A_230 = arith.constant 0 : i32
      %dma_start3A_231 = tpu.memref_slice %arg9[%add3A_229, %dma_start3A_230] : memref<80x128xi32, #tpu.memory_space<vmem>> -> memref<1x128xi32, #tpu.memory_space<vmem>>
      %dma_start3A_232 = tpu.memref_squeeze %dma_start3A_231 : memref<1x128xi32, #tpu.memory_space<vmem>> -> memref<128xi32, #tpu.memory_space<vmem>>
      %dma_start3A_233 = arith.constant 0 : i32
      %dma_start3A_234 = arith.constant 0 : i32
      %dma_start3A_235 = tpu.memref_slice %arg15[%dma_start3A_233, %dma_start3A_234] : memref<10240x64xf32, #tpu.memory_space<vmem_shared>> -> memref<10240x64xf32, #tpu.memory_space<vmem_shared>>
      tpu.enqueue_indirect_dma source(%arg13 : memref<128x64xf32, #tpu.memory_space<vmem>>) target(%dma_start3A_235 : memref<10240x64xf32, #tpu.memory_space<vmem_shared>>) offsets(%dma_start3A_232 : memref<128xi32, #tpu.memory_space<vmem>>) semaphore(%arg23 : memref<!tpu.dma_semaphore, #tpu.memory_space<semaphore_mem>>) {add = true}
      %lt3A = arith.constant 19 : i32
      %lt3A_236 = arith.cmpi slt, %scan3A_168, %lt3A : i32
      %convert_element_type3A = arith.extui %lt3A_236 : i1 to i32
      %cond3A = arith.constant 0 : i32
      %cond3A_237 = arith.cmpi ne, %convert_element_type3A, %cond3A : i32
      scf.if %cond3A_237 {
        %add3A_239 = arith.constant 0 : i32
        %add3A_240 = arith.addi %mul3A_171, %add3A_239 : i32
        %dma_wait3A_241 = arith.constant 0 : i32
        %dma_wait3A_242 = tpu.memref_slice %arg9[%add3A_240, %dma_wait3A_241] : memref<80x128xi32, #tpu.memory_space<vmem>> -> memref<1x128xi32, #tpu.memory_space<vmem>>
        %dma_wait3A_243 = tpu.memref_squeeze %dma_wait3A_242 : memref<1x128xi32, #tpu.memory_space<vmem>> -> memref<128xi32, #tpu.memory_space<vmem>>
        %dma_wait3A_244 = arith.constant 0 : i32
        %dma_wait3A_245 = arith.constant 0 : i32
        %dma_wait3A_246 = tpu.memref_slice %arg15[%dma_wait3A_244, %dma_wait3A_245] : memref<10240x64xf32, #tpu.memory_space<vmem_shared>> -> memref<10240x64xf32, #tpu.memory_space<vmem_shared>>
        tpu.wait_indirect_dma semaphore(%arg20 : memref<!tpu.dma_semaphore, #tpu.memory_space<semaphore_mem>>) src(%arg10 : memref<128x64xf32, #tpu.memory_space<vmem>>) dst(%dma_wait3A_246 : memref<10240x64xf32, #tpu.memory_space<vmem_shared>>)
        %add3A_247 = arith.constant 4 : i32
        %add3A_248 = arith.addi %mul3A_171, %add3A_247 : i32
        %add3A_249 = arith.constant 0 : i32
        %add3A_250 = arith.addi %add3A_248, %add3A_249 : i32
        %dma_start3A_251 = arith.constant 0 : i32
        %dma_start3A_252 = tpu.memref_slice %arg8[%add3A_250, %dma_start3A_251] : memref<80x128xi32, #tpu.memory_space<vmem>> -> memref<1x128xi32, #tpu.memory_space<vmem>>
        %dma_start3A_253 = tpu.memref_squeeze %dma_start3A_252 : memref<1x128xi32, #tpu.memory_space<vmem>> -> memref<128xi32, #tpu.memory_space<vmem>>
        %dma_start3A_254 = arith.constant 0 : i32
        %dma_start3A_255 = arith.constant 0 : i32
        %dma_start3A_256 = tpu.memref_slice %arg2[%dma_start3A_254, %dma_start3A_255] : memref<40000x64xf32, #tpu.memory_space<hbm>> -> memref<40000x64xf32, #tpu.memory_space<hbm>>
        tpu.enqueue_indirect_dma source(%dma_start3A_256 : memref<40000x64xf32, #tpu.memory_space<hbm>>) target(%arg10 : memref<128x64xf32, #tpu.memory_space<vmem>>) offsets(%dma_start3A_253 : memref<128xi32, #tpu.memory_space<vmem>>) semaphore(%arg16 : memref<!tpu.dma_semaphore, #tpu.memory_space<semaphore_mem>>)
        %add3A_257 = arith.constant 1 : i32
        %add3A_258 = arith.addi %mul3A_171, %add3A_257 : i32
        %dma_wait3A_259 = arith.constant 0 : i32
        %dma_wait3A_260 = tpu.memref_slice %arg9[%add3A_258, %dma_wait3A_259] : memref<80x128xi32, #tpu.memory_space<vmem>> -> memref<1x128xi32, #tpu.memory_space<vmem>>
        %dma_wait3A_261 = tpu.memref_squeeze %dma_wait3A_260 : memref<1x128xi32, #tpu.memory_space<vmem>> -> memref<128xi32, #tpu.memory_space<vmem>>
        %dma_wait3A_262 = arith.constant 0 : i32
        %dma_wait3A_263 = arith.constant 0 : i32
        %dma_wait3A_264 = tpu.memref_slice %arg15[%dma_wait3A_262, %dma_wait3A_263] : memref<10240x64xf32, #tpu.memory_space<vmem_shared>> -> memref<10240x64xf32, #tpu.memory_space<vmem_shared>>
        tpu.wait_indirect_dma semaphore(%arg21 : memref<!tpu.dma_semaphore, #tpu.memory_space<semaphore_mem>>) src(%arg11 : memref<128x64xf32, #tpu.memory_space<vmem>>) dst(%dma_wait3A_264 : memref<10240x64xf32, #tpu.memory_space<vmem_shared>>)
        %add3A_265 = arith.constant 4 : i32
        %add3A_266 = arith.addi %mul3A_171, %add3A_265 : i32
        %add3A_267 = arith.constant 1 : i32
        %add3A_268 = arith.addi %add3A_266, %add3A_267 : i32
        %dma_start3A_269 = arith.constant 0 : i32
        %dma_start3A_270 = tpu.memref_slice %arg8[%add3A_268, %dma_start3A_269] : memref<80x128xi32, #tpu.memory_space<vmem>> -> memref<1x128xi32, #tpu.memory_space<vmem>>
        %dma_start3A_271 = tpu.memref_squeeze %dma_start3A_270 : memref<1x128xi32, #tpu.memory_space<vmem>> -> memref<128xi32, #tpu.memory_space<vmem>>
        %dma_start3A_272 = arith.constant 0 : i32
        %dma_start3A_273 = arith.constant 0 : i32
        %dma_start3A_274 = tpu.memref_slice %arg2[%dma_start3A_272, %dma_start3A_273] : memref<40000x64xf32, #tpu.memory_space<hbm>> -> memref<40000x64xf32, #tpu.memory_space<hbm>>
        tpu.enqueue_indirect_dma source(%dma_start3A_274 : memref<40000x64xf32, #tpu.memory_space<hbm>>) target(%arg11 : memref<128x64xf32, #tpu.memory_space<vmem>>) offsets(%dma_start3A_271 : memref<128xi32, #tpu.memory_space<vmem>>) semaphore(%arg17 : memref<!tpu.dma_semaphore, #tpu.memory_space<semaphore_mem>>)
        %add3A_275 = arith.constant 2 : i32
        %add3A_276 = arith.addi %mul3A_171, %add3A_275 : i32
        %dma_wait3A_277 = arith.constant 0 : i32
        %dma_wait3A_278 = tpu.memref_slice %arg9[%add3A_276, %dma_wait3A_277] : memref<80x128xi32, #tpu.memory_space<vmem>> -> memref<1x128xi32, #tpu.memory_space<vmem>>
        %dma_wait3A_279 = tpu.memref_squeeze %dma_wait3A_278 : memref<1x128xi32, #tpu.memory_space<vmem>> -> memref<128xi32, #tpu.memory_space<vmem>>
        %dma_wait3A_280 = arith.constant 0 : i32
        %dma_wait3A_281 = arith.constant 0 : i32
        %dma_wait3A_282 = tpu.memref_slice %arg15[%dma_wait3A_280, %dma_wait3A_281] : memref<10240x64xf32, #tpu.memory_space<vmem_shared>> -> memref<10240x64xf32, #tpu.memory_space<vmem_shared>>
        tpu.wait_indirect_dma semaphore(%arg22 : memref<!tpu.dma_semaphore, #tpu.memory_space<semaphore_mem>>) src(%arg12 : memref<128x64xf32, #tpu.memory_space<vmem>>) dst(%dma_wait3A_282 : memref<10240x64xf32, #tpu.memory_space<vmem_shared>>)
        %add3A_283 = arith.constant 4 : i32
        %add3A_284 = arith.addi %mul3A_171, %add3A_283 : i32
        %add3A_285 = arith.constant 2 : i32
        %add3A_286 = arith.addi %add3A_284, %add3A_285 : i32
        %dma_start3A_287 = arith.constant 0 : i32
        %dma_start3A_288 = tpu.memref_slice %arg8[%add3A_286, %dma_start3A_287] : memref<80x128xi32, #tpu.memory_space<vmem>> -> memref<1x128xi32, #tpu.memory_space<vmem>>
        %dma_start3A_289 = tpu.memref_squeeze %dma_start3A_288 : memref<1x128xi32, #tpu.memory_space<vmem>> -> memref<128xi32, #tpu.memory_space<vmem>>
        %dma_start3A_290 = arith.constant 0 : i32
        %dma_start3A_291 = arith.constant 0 : i32
        %dma_start3A_292 = tpu.memref_slice %arg2[%dma_start3A_290, %dma_start3A_291] : memref<40000x64xf32, #tpu.memory_space<hbm>> -> memref<40000x64xf32, #tpu.memory_space<hbm>>
        tpu.enqueue_indirect_dma source(%dma_start3A_292 : memref<40000x64xf32, #tpu.memory_space<hbm>>) target(%arg12 : memref<128x64xf32, #tpu.memory_space<vmem>>) offsets(%dma_start3A_289 : memref<128xi32, #tpu.memory_space<vmem>>) semaphore(%arg18 : memref<!tpu.dma_semaphore, #tpu.memory_space<semaphore_mem>>)
        %add3A_293 = arith.constant 3 : i32
        %add3A_294 = arith.addi %mul3A_171, %add3A_293 : i32
        %dma_wait3A_295 = arith.constant 0 : i32
        %dma_wait3A_296 = tpu.memref_slice %arg9[%add3A_294, %dma_wait3A_295] : memref<80x128xi32, #tpu.memory_space<vmem>> -> memref<1x128xi32, #tpu.memory_space<vmem>>
        %dma_wait3A_297 = tpu.memref_squeeze %dma_wait3A_296 : memref<1x128xi32, #tpu.memory_space<vmem>> -> memref<128xi32, #tpu.memory_space<vmem>>
        %dma_wait3A_298 = arith.constant 0 : i32
        %dma_wait3A_299 = arith.constant 0 : i32
        %dma_wait3A_300 = tpu.memref_slice %arg15[%dma_wait3A_298, %dma_wait3A_299] : memref<10240x64xf32, #tpu.memory_space<vmem_shared>> -> memref<10240x64xf32, #tpu.memory_space<vmem_shared>>
        tpu.wait_indirect_dma semaphore(%arg23 : memref<!tpu.dma_semaphore, #tpu.memory_space<semaphore_mem>>) src(%arg13 : memref<128x64xf32, #tpu.memory_space<vmem>>) dst(%dma_wait3A_300 : memref<10240x64xf32, #tpu.memory_space<vmem_shared>>)
        %add3A_301 = arith.constant 4 : i32
        %add3A_302 = arith.addi %mul3A_171, %add3A_301 : i32
        %add3A_303 = arith.constant 3 : i32
        %add3A_304 = arith.addi %add3A_302, %add3A_303 : i32
        %dma_start3A_305 = arith.constant 0 : i32
        %dma_start3A_306 = tpu.memref_slice %arg8[%add3A_304, %dma_start3A_305] : memref<80x128xi32, #tpu.memory_space<vmem>> -> memref<1x128xi32, #tpu.memory_space<vmem>>
        %dma_start3A_307 = tpu.memref_squeeze %dma_start3A_306 : memref<1x128xi32, #tpu.memory_space<vmem>> -> memref<128xi32, #tpu.memory_space<vmem>>
        %dma_start3A_308 = arith.constant 0 : i32
        %dma_start3A_309 = arith.constant 0 : i32
        %dma_start3A_310 = tpu.memref_slice %arg2[%dma_start3A_308, %dma_start3A_309] : memref<40000x64xf32, #tpu.memory_space<hbm>> -> memref<40000x64xf32, #tpu.memory_space<hbm>>
        tpu.enqueue_indirect_dma source(%dma_start3A_310 : memref<40000x64xf32, #tpu.memory_space<hbm>>) target(%arg13 : memref<128x64xf32, #tpu.memory_space<vmem>>) offsets(%dma_start3A_307 : memref<128xi32, #tpu.memory_space<vmem>>) semaphore(%arg19 : memref<!tpu.dma_semaphore, #tpu.memory_space<semaphore_mem>>)
      } else {
      }
      %scan3A_238 = arith.constant 0 : i32
      scf.yield %scan3A_238 : i32
    }
    %scan3A_129 = arith.constant 20 : i32
    %dma_wait3A_130 = arith.constant 76 : i32
    %dma_wait3A_131 = arith.constant 0 : i32
    %dma_wait3A_132 = tpu.memref_slice %arg9[%dma_wait3A_130, %dma_wait3A_131] : memref<80x128xi32, #tpu.memory_space<vmem>> -> memref<1x128xi32, #tpu.memory_space<vmem>>
    %dma_wait3A_133 = tpu.memref_squeeze %dma_wait3A_132 : memref<1x128xi32, #tpu.memory_space<vmem>> -> memref<128xi32, #tpu.memory_space<vmem>>
    %dma_wait3A_134 = arith.constant 0 : i32
    %dma_wait3A_135 = arith.constant 0 : i32
    %dma_wait3A_136 = tpu.memref_slice %arg15[%dma_wait3A_134, %dma_wait3A_135] : memref<10240x64xf32, #tpu.memory_space<vmem_shared>> -> memref<10240x64xf32, #tpu.memory_space<vmem_shared>>
    tpu.wait_indirect_dma semaphore(%arg20 : memref<!tpu.dma_semaphore, #tpu.memory_space<semaphore_mem>>) src(%arg10 : memref<128x64xf32, #tpu.memory_space<vmem>>) dst(%dma_wait3A_136 : memref<10240x64xf32, #tpu.memory_space<vmem_shared>>)
    %dma_wait3A_137 = arith.constant 77 : i32
    %dma_wait3A_138 = arith.constant 0 : i32
    %dma_wait3A_139 = tpu.memref_slice %arg9[%dma_wait3A_137, %dma_wait3A_138] : memref<80x128xi32, #tpu.memory_space<vmem>> -> memref<1x128xi32, #tpu.memory_space<vmem>>
    %dma_wait3A_140 = tpu.memref_squeeze %dma_wait3A_139 : memref<1x128xi32, #tpu.memory_space<vmem>> -> memref<128xi32, #tpu.memory_space<vmem>>
    %dma_wait3A_141 = arith.constant 0 : i32
    %dma_wait3A_142 = arith.constant 0 : i32
    %dma_wait3A_143 = tpu.memref_slice %arg15[%dma_wait3A_141, %dma_wait3A_142] : memref<10240x64xf32, #tpu.memory_space<vmem_shared>> -> memref<10240x64xf32, #tpu.memory_space<vmem_shared>>
    tpu.wait_indirect_dma semaphore(%arg21 : memref<!tpu.dma_semaphore, #tpu.memory_space<semaphore_mem>>) src(%arg11 : memref<128x64xf32, #tpu.memory_space<vmem>>) dst(%dma_wait3A_143 : memref<10240x64xf32, #tpu.memory_space<vmem_shared>>)
    %dma_wait3A_144 = arith.constant 78 : i32
    %dma_wait3A_145 = arith.constant 0 : i32
    %dma_wait3A_146 = tpu.memref_slice %arg9[%dma_wait3A_144, %dma_wait3A_145] : memref<80x128xi32, #tpu.memory_space<vmem>> -> memref<1x128xi32, #tpu.memory_space<vmem>>
    %dma_wait3A_147 = tpu.memref_squeeze %dma_wait3A_146 : memref<1x128xi32, #tpu.memory_space<vmem>> -> memref<128xi32, #tpu.memory_space<vmem>>
    %dma_wait3A_148 = arith.constant 0 : i32
    %dma_wait3A_149 = arith.constant 0 : i32
    %dma_wait3A_150 = tpu.memref_slice %arg15[%dma_wait3A_148, %dma_wait3A_149] : memref<10240x64xf32, #tpu.memory_space<vmem_shared>> -> memref<10240x64xf32, #tpu.memory_space<vmem_shared>>
    tpu.wait_indirect_dma semaphore(%arg22 : memref<!tpu.dma_semaphore, #tpu.memory_space<semaphore_mem>>) src(%arg12 : memref<128x64xf32, #tpu.memory_space<vmem>>) dst(%dma_wait3A_150 : memref<10240x64xf32, #tpu.memory_space<vmem_shared>>)
    %dma_wait3A_151 = arith.constant 79 : i32
    %dma_wait3A_152 = arith.constant 0 : i32
    %dma_wait3A_153 = tpu.memref_slice %arg9[%dma_wait3A_151, %dma_wait3A_152] : memref<80x128xi32, #tpu.memory_space<vmem>> -> memref<1x128xi32, #tpu.memory_space<vmem>>
    %dma_wait3A_154 = tpu.memref_squeeze %dma_wait3A_153 : memref<1x128xi32, #tpu.memory_space<vmem>> -> memref<128xi32, #tpu.memory_space<vmem>>
    %dma_wait3A_155 = arith.constant 0 : i32
    %dma_wait3A_156 = arith.constant 0 : i32
    %dma_wait3A_157 = tpu.memref_slice %arg15[%dma_wait3A_155, %dma_wait3A_156] : memref<10240x64xf32, #tpu.memory_space<vmem_shared>> -> memref<10240x64xf32, #tpu.memory_space<vmem_shared>>
    tpu.wait_indirect_dma semaphore(%arg23 : memref<!tpu.dma_semaphore, #tpu.memory_space<semaphore_mem>>) src(%arg13 : memref<128x64xf32, #tpu.memory_space<vmem>>) dst(%dma_wait3A_157 : memref<10240x64xf32, #tpu.memory_space<vmem_shared>>)
    %barrier3A_158 = arith.constant 0 : index
    tpu.barrier barrier_id(%barrier3A_158)
    %add3A_159 = arith.constant 2 : i32
    %add3A_160 = arith.addi %add3A_159, %arg0 : i32
    %mul3A_161 = arith.constant 640 : i32
    %mul3A_162 = arith.muli %arg1, %mul3A_161 : i32
    %mul3A_163 = arith.constant 10240 : i32
    %mul3A_164 = arith.muli %add3A_160, %mul3A_163 : i32
    %mul3A_165 = arith.constant 640 : i32
    %mul3A_166 = arith.muli %arg1, %mul3A_165 : i32
    %add3A_167 = arith.addi %mul3A_164, %mul3A_166 : i32
    "tpu.region"() ({
      %run_scoped3A = tpu.sem_alloc : memref<!tpu.dma_semaphore, #tpu.memory_space<semaphore_mem>>
      %dma_start3A_168 = arith.constant 0 : i32
      %dma_start3A_169 = tpu.memref_slice %arg6[%add3A_167, %dma_start3A_168] : memref<40960x64xf32, #tpu.memory_space<hbm>> -> memref<640x64xf32, #tpu.memory_space<hbm>>
      %dma_start3A_170 = arith.constant 0 : i32
      %dma_start3A_171 = tpu.memref_slice %arg15[%mul3A_162, %dma_start3A_170] : memref<10240x64xf32, #tpu.memory_space<vmem_shared>> -> memref<640x64xf32, #tpu.memory_space<vmem_shared>>
      tpu.enqueue_dma source(%dma_start3A_171 : memref<640x64xf32, #tpu.memory_space<vmem_shared>>) target(%dma_start3A_169 : memref<640x64xf32, #tpu.memory_space<hbm>>) target_semaphore(%run_scoped3A : memref<!tpu.dma_semaphore, #tpu.memory_space<semaphore_mem>>)
      %dma_wait3A_172 = arith.constant 0 : i32
      %dma_wait3A_173 = tpu.memref_slice %arg6[%add3A_167, %dma_wait3A_172] : memref<40960x64xf32, #tpu.memory_space<hbm>> -> memref<640x64xf32, #tpu.memory_space<hbm>>
      %dma_wait3A_174 = arith.constant 0 : i32
      %dma_wait3A_175 = tpu.memref_slice %arg15[%mul3A_162, %dma_wait3A_174] : memref<10240x64xf32, #tpu.memory_space<vmem_shared>> -> memref<640x64xf32, #tpu.memory_space<vmem_shared>>
      tpu.wait_dma2 semaphore(%run_scoped3A : memref<!tpu.dma_semaphore, #tpu.memory_space<semaphore_mem>>) src(%dma_wait3A_175 : memref<640x64xf32, #tpu.memory_space<vmem_shared>>) dst(%dma_wait3A_173 : memref<640x64xf32, #tpu.memory_space<hbm>>)
      tpu.yield
    }) : () -> ()
    return
  }
}

module attributes {stable_mosaic.version = 14 : i64} {
  func.func @_tc1_body(%arg0: i32, %arg1: memref<2000x256xf32, #tpu.memory_space<vmem>>, %arg2: memref<256x256xf32, #tpu.memory_space<vmem>>, %arg3: memref<2000x1xf32, #tpu.memory_space<vmem>>, %arg4: memref<2000x1xf32, #tpu.memory_space<vmem>>, %arg5: memref<2000x1xf32, #tpu.memory_space<vmem>>, %arg6: memref<4x2000x64xf32, #tpu.memory_space<vmem>>) attributes {dimension_semantics = [#tpu.dimension_semantics<arbitrary>], iteration_bounds = array<i64: 5>, scalar_prefetch = 0 : i64, scratch_operands = 0 : i64, tpu.core_type = #tpu.core_type<tc>, window_params = [{transform_indices = @transform_0, window_bounds = array<i64: 2000, 256>}, {pipeline_mode = #tpu.pipeline_mode<synchronous>, transform_indices = @transform_1, window_bounds = array<i64: 256, 256>}, {transform_indices = @transform_2, window_bounds = array<i64: 2000, 1>}, {transform_indices = @transform_3, window_bounds = array<i64: 2000, 1>}, {transform_indices = @transform_4, window_bounds = array<i64: 2000, 1>}, {transform_indices = @transform_5, window_bounds = array<i64: 4, 2000, 64>}]} {
    %get3A = arith.constant 0 : index
    %get3A_0 = arith.constant 0 : index
    %get3A_1 = vector.load %arg3[%get3A, %get3A_0] : memref<2000x1xf32, #tpu.memory_space<vmem>>, vector<2000x1xf32>
    %get3A_2 = arith.constant 0 : index
    %get3A_3 = arith.constant 0 : index
    %get3A_4 = vector.load %arg4[%get3A_2, %get3A_3] : memref<2000x1xf32, #tpu.memory_space<vmem>>, vector<2000x1xf32>
    %add3A = arith.addf %get3A_1, %get3A_4 : vector<2000x1xf32>
    %add3A_5 = arith.constant 1.000000e+00 : f32
    %add3A_6 = vector.broadcast %add3A_5 : f32 to vector<2000x1xf32>
    %add3A_7 = arith.addf %add3A, %add3A_6 : vector<2000x1xf32>
    %rsqrt3A = math.rsqrt %add3A_7 : vector<2000x1xf32>
    %swap3A = arith.constant 0 : index
    %swap3A_8 = arith.constant 0 : index
    %swap3A_9 = vector.load %arg5[%swap3A, %swap3A_8] : memref<2000x1xf32, #tpu.memory_space<vmem>>, vector<2000x1xf32>
    tpu.vector_store %arg5[%swap3A, %swap3A_8], %rsqrt3A {strides = array<i32>} : memref<2000x1xf32, #tpu.memory_space<vmem>>, vector<2000x1xf32>,
    %get3A_10 = arith.constant 0 : index
    %get3A_11 = arith.constant 0 : index
    %get3A_12 = vector.load %arg1[%get3A_10, %get3A_11] : memref<2000x256xf32, #tpu.memory_space<vmem>>, vector<2000x256xf32>
    %get3A_13 = arith.constant 0 : index
    %get3A_14 = arith.constant 0 : index
    %get3A_15 = vector.load %arg2[%get3A_13, %get3A_14] : memref<256x256xf32, #tpu.memory_space<vmem>>, vector<256x256xf32>
    %dot_general3A = arith.constant dense<0.000000e+00> : vector<2000x256xf32>
    %dot_general3A_16 = tpu.matmul %get3A_12, %get3A_15, %dot_general3A {dimension_numbers = #tpu.dot_dimension_numbers<[1], [0], [0], [1], [0, 0, 1, 1], [], []>, transpose_lhs_hint = false} : vector<2000x256xf32>, vector<256x256xf32>, vector<2000x256xf32> -> vector<2000x256xf32>
    %mul3A = vector.broadcast %rsqrt3A : vector<2000x1xf32> to vector<2000x256xf32>
    %mul3A_17 = arith.mulf %dot_general3A_16, %mul3A : vector<2000x256xf32>
    %slice3A = vector.extract_strided_slice %mul3A_17 {offsets = [0, 0], sizes = [2000, 64], strides = [1, 1]} : vector<2000x256xf32> to vector<2000x64xf32>
    %swap3A_18 = arith.constant 0 : index
    %swap3A_19 = arith.constant 0 : index
    %swap3A_20 = arith.constant 0 : index
    %swap3A_21 = vector.load %arg6[%swap3A_18, %swap3A_19, %swap3A_20] : memref<4x2000x64xf32, #tpu.memory_space<vmem>>, vector<1x2000x64xf32>
    %swap3A_22 = vector.shape_cast %swap3A_21 : vector<1x2000x64xf32> to vector<2000x64xf32>
    %swap3A_23 = vector.shape_cast %slice3A : vector<2000x64xf32> to vector<1x2000x64xf32>
    tpu.vector_store %arg6[%swap3A_18, %swap3A_19, %swap3A_20], %swap3A_23 {strides = array<i32>} : memref<4x2000x64xf32, #tpu.memory_space<vmem>>, vector<1x2000x64xf32>,
    %slice3A_24 = vector.extract_strided_slice %mul3A_17 {offsets = [0, 64], sizes = [2000, 64], strides = [1, 1]} : vector<2000x256xf32> to vector<2000x64xf32>
    %swap3A_25 = arith.constant 1 : index
    %swap3A_26 = arith.constant 0 : index
    %swap3A_27 = arith.constant 0 : index
    %swap3A_28 = vector.load %arg6[%swap3A_25, %swap3A_26, %swap3A_27] : memref<4x2000x64xf32, #tpu.memory_space<vmem>>, vector<1x2000x64xf32>
    %swap3A_29 = vector.shape_cast %swap3A_28 : vector<1x2000x64xf32> to vector<2000x64xf32>
    %swap3A_30 = vector.shape_cast %slice3A_24 : vector<2000x64xf32> to vector<1x2000x64xf32>
    tpu.vector_store %arg6[%swap3A_25, %swap3A_26, %swap3A_27], %swap3A_30 {strides = array<i32>} : memref<4x2000x64xf32, #tpu.memory_space<vmem>>, vector<1x2000x64xf32>,
    %slice3A_31 = vector.extract_strided_slice %mul3A_17 {offsets = [0, 128], sizes = [2000, 64], strides = [1, 1]} : vector<2000x256xf32> to vector<2000x64xf32>
    %swap3A_32 = arith.constant 2 : index
    %swap3A_33 = arith.constant 0 : index
    %swap3A_34 = arith.constant 0 : index
    %swap3A_35 = vector.load %arg6[%swap3A_32, %swap3A_33, %swap3A_34] : memref<4x2000x64xf32, #tpu.memory_space<vmem>>, vector<1x2000x64xf32>
    %swap3A_36 = vector.shape_cast %swap3A_35 : vector<1x2000x64xf32> to vector<2000x64xf32>
    %swap3A_37 = vector.shape_cast %slice3A_31 : vector<2000x64xf32> to vector<1x2000x64xf32>
    tpu.vector_store %arg6[%swap3A_32, %swap3A_33, %swap3A_34], %swap3A_37 {strides = array<i32>} : memref<4x2000x64xf32, #tpu.memory_space<vmem>>, vector<1x2000x64xf32>,
    %slice3A_38 = vector.extract_strided_slice %mul3A_17 {offsets = [0, 192], sizes = [2000, 64], strides = [1, 1]} : vector<2000x256xf32> to vector<2000x64xf32>
    %swap3A_39 = arith.constant 3 : index
    %swap3A_40 = arith.constant 0 : index
    %swap3A_41 = arith.constant 0 : index
    %swap3A_42 = vector.load %arg6[%swap3A_39, %swap3A_40, %swap3A_41] : memref<4x2000x64xf32, #tpu.memory_space<vmem>>, vector<1x2000x64xf32>
    %swap3A_43 = vector.shape_cast %swap3A_42 : vector<1x2000x64xf32> to vector<2000x64xf32>
    %swap3A_44 = vector.shape_cast %slice3A_38 : vector<2000x64xf32> to vector<1x2000x64xf32>
    tpu.vector_store %arg6[%swap3A_39, %swap3A_40, %swap3A_41], %swap3A_44 {strides = array<i32>} : memref<4x2000x64xf32, #tpu.memory_space<vmem>>, vector<1x2000x64xf32>,
    return
  }
  func.func @transform_0(%arg0: i32) -> (i32, i32) {
    %c0_i32 = arith.constant 0 : i32
    %c0_i32_0 = arith.constant 0 : i32
    return %arg0, %c0_i32 : i32, i32
  }
  func.func @transform_1(%arg0: i32) -> (i32, i32) {
    %c0_i32 = arith.constant 0 : i32
    %c0_i32_0 = arith.constant 0 : i32
    %c0_i32_1 = arith.constant 0 : i32
    return %c0_i32, %c0_i32_0 : i32, i32
  }
  func.func @transform_2(%arg0: i32) -> (i32, i32) {
    %c0_i32 = arith.constant 0 : i32
    %c0_i32_0 = arith.constant 0 : i32
    return %arg0, %c0_i32 : i32, i32
  }
  func.func @transform_3(%arg0: i32) -> (i32, i32) {
    %c0_i32 = arith.constant 0 : i32
    %c0_i32_0 = arith.constant 0 : i32
    return %arg0, %c0_i32 : i32, i32
  }
  func.func @transform_4(%arg0: i32) -> (i32, i32) {
    %c0_i32 = arith.constant 0 : i32
    %c0_i32_0 = arith.constant 0 : i32
    return %arg0, %c0_i32 : i32, i32
  }
  func.func @transform_5(%arg0: i32) -> (i32, i32, i32) {
    %c0_i32 = arith.constant 0 : i32
    %c0_i32_0 = arith.constant 0 : i32
    %c0_i32_1 = arith.constant 0 : i32
    return %c0_i32, %arg0, %c0_i32_0 : i32, i32, i32
  }
}

module attributes {stable_mosaic.version = 14 : i64} {
  func.func @_tc_mid_body(%arg0: i32, %arg1: memref<4x2000x64xf32, #tpu.memory_space<vmem>>, %arg2: memref<4x2000x64xf32, #tpu.memory_space<vmem>>, %arg3: memref<2000x1xf32, #tpu.memory_space<vmem>>, %arg4: memref<1x256xf32, #tpu.memory_space<vmem>>, %arg5: memref<1x256xf32, #tpu.memory_space<vmem>>, %arg6: memref<1x256xf32, #tpu.memory_space<vmem>>, %arg7: memref<256x256xf32, #tpu.memory_space<vmem>>, %arg8: memref<4x2000x64xf32, #tpu.memory_space<vmem>>) attributes {dimension_semantics = [#tpu.dimension_semantics<arbitrary>], iteration_bounds = array<i64: 5>, scalar_prefetch = 0 : i64, scratch_operands = 0 : i64, tpu.core_type = #tpu.core_type<tc>, window_params = [{transform_indices = @transform_0, window_bounds = array<i64: 4, 2000, 64>}, {transform_indices = @transform_1, window_bounds = array<i64: 4, 2000, 64>}, {transform_indices = @transform_2, window_bounds = array<i64: 2000, 1>}, {pipeline_mode = #tpu.pipeline_mode<synchronous>, transform_indices = @transform_3, window_bounds = array<i64: 1, 256>}, {pipeline_mode = #tpu.pipeline_mode<synchronous>, transform_indices = @transform_4, window_bounds = array<i64: 1, 256>}, {pipeline_mode = #tpu.pipeline_mode<synchronous>, transform_indices = @transform_5, window_bounds = array<i64: 1, 256>}, {pipeline_mode = #tpu.pipeline_mode<synchronous>, transform_indices = @transform_6, window_bounds = array<i64: 256, 256>}, {transform_indices = @transform_7, window_bounds = array<i64: 4, 2000, 64>}]} {
    %get3A = arith.constant 0 : index
    %get3A_0 = arith.constant 0 : index
    %get3A_1 = arith.constant 0 : index
    %get3A_2 = vector.load %arg1[%get3A, %get3A_0, %get3A_1] : memref<4x2000x64xf32, #tpu.memory_space<vmem>>, vector<1x2000x64xf32>
    %get3A_3 = vector.shape_cast %get3A_2 : vector<1x2000x64xf32> to vector<2000x64xf32>
    %get3A_4 = arith.constant 1 : index
    %get3A_5 = arith.constant 0 : index
    %get3A_6 = arith.constant 0 : index
    %get3A_7 = vector.load %arg1[%get3A_4, %get3A_5, %get3A_6] : memref<4x2000x64xf32, #tpu.memory_space<vmem>>, vector<1x2000x64xf32>
    %get3A_8 = vector.shape_cast %get3A_7 : vector<1x2000x64xf32> to vector<2000x64xf32>
    %get3A_9 = arith.constant 2 : index
    %get3A_10 = arith.constant 0 : index
    %get3A_11 = arith.constant 0 : index
    %get3A_12 = vector.load %arg1[%get3A_9, %get3A_10, %get3A_11] : memref<4x2000x64xf32, #tpu.memory_space<vmem>>, vector<1x2000x64xf32>
    %get3A_13 = vector.shape_cast %get3A_12 : vector<1x2000x64xf32> to vector<2000x64xf32>
    %get3A_14 = arith.constant 3 : index
    %get3A_15 = arith.constant 0 : index
    %get3A_16 = arith.constant 0 : index
    %get3A_17 = vector.load %arg1[%get3A_14, %get3A_15, %get3A_16] : memref<4x2000x64xf32, #tpu.memory_space<vmem>>, vector<1x2000x64xf32>
    %get3A_18 = vector.shape_cast %get3A_17 : vector<1x2000x64xf32> to vector<2000x64xf32>
    %concatenate3A = tpu.concatenate %get3A_3, %get3A_8, %get3A_13, %get3A_18 in 1 : vector<2000x64xf32>, vector<2000x64xf32>, vector<2000x64xf32>, vector<2000x64xf32> -> vector<2000x256xf32>
    %get3A_19 = arith.constant 0 : index
    %get3A_20 = arith.constant 0 : index
    %get3A_21 = arith.constant 0 : index
    %get3A_22 = vector.load %arg2[%get3A_19, %get3A_20, %get3A_21] : memref<4x2000x64xf32, #tpu.memory_space<vmem>>, vector<1x2000x64xf32>
    %get3A_23 = vector.shape_cast %get3A_22 : vector<1x2000x64xf32> to vector<2000x64xf32>
    %get3A_24 = arith.constant 1 : index
    %get3A_25 = arith.constant 0 : index
    %get3A_26 = arith.constant 0 : index
    %get3A_27 = vector.load %arg2[%get3A_24, %get3A_25, %get3A_26] : memref<4x2000x64xf32, #tpu.memory_space<vmem>>, vector<1x2000x64xf32>
    %get3A_28 = vector.shape_cast %get3A_27 : vector<1x2000x64xf32> to vector<2000x64xf32>
    %get3A_29 = arith.constant 2 : index
    %get3A_30 = arith.constant 0 : index
    %get3A_31 = arith.constant 0 : index
    %get3A_32 = vector.load %arg2[%get3A_29, %get3A_30, %get3A_31] : memref<4x2000x64xf32, #tpu.memory_space<vmem>>, vector<1x2000x64xf32>
    %get3A_33 = vector.shape_cast %get3A_32 : vector<1x2000x64xf32> to vector<2000x64xf32>
    %get3A_34 = arith.constant 3 : index
    %get3A_35 = arith.constant 0 : index
    %get3A_36 = arith.constant 0 : index
    %get3A_37 = vector.load %arg2[%get3A_34, %get3A_35, %get3A_36] : memref<4x2000x64xf32, #tpu.memory_space<vmem>>, vector<1x2000x64xf32>
    %get3A_38 = vector.shape_cast %get3A_37 : vector<1x2000x64xf32> to vector<2000x64xf32>
    %concatenate3A_39 = tpu.concatenate %get3A_23, %get3A_28, %get3A_33, %get3A_38 in 1 : vector<2000x64xf32>, vector<2000x64xf32>, vector<2000x64xf32>, vector<2000x64xf32> -> vector<2000x256xf32>
    %get3A_40 = arith.constant 0 : index
    %get3A_41 = arith.constant 0 : index
    %get3A_42 = vector.load %arg3[%get3A_40, %get3A_41] : memref<2000x1xf32, #tpu.memory_space<vmem>>, vector<2000x1xf32>
    %add3A = arith.addf %concatenate3A, %concatenate3A_39 : vector<2000x256xf32>
    %mul3A = vector.broadcast %get3A_42 : vector<2000x1xf32> to vector<2000x256xf32>
    %mul3A_43 = arith.mulf %mul3A, %add3A : vector<2000x256xf32>
    %get3A_44 = arith.constant 0 : index
    %get3A_45 = arith.constant 0 : index
    %get3A_46 = vector.load %arg4[%get3A_44, %get3A_45] : memref<1x256xf32, #tpu.memory_space<vmem>>, vector<1x256xf32>
    %add3A_47 = vector.broadcast %get3A_46 : vector<1x256xf32> to vector<2000x256xf32>
    %add3A_48 = arith.addf %mul3A_43, %add3A_47 : vector<2000x256xf32>
    %get3A_49 = arith.constant 0 : index
    %get3A_50 = arith.constant 0 : index
    %get3A_51 = vector.load %arg5[%get3A_49, %get3A_50] : memref<1x256xf32, #tpu.memory_space<vmem>>, vector<1x256xf32>
    %mul3A_52 = vector.broadcast %get3A_51 : vector<1x256xf32> to vector<2000x256xf32>
    %mul3A_53 = arith.mulf %add3A_48, %mul3A_52 : vector<2000x256xf32>
    %get3A_54 = arith.constant 0 : index
    %get3A_55 = arith.constant 0 : index
    %get3A_56 = vector.load %arg6[%get3A_54, %get3A_55] : memref<1x256xf32, #tpu.memory_space<vmem>>, vector<1x256xf32>
    %add3A_57 = vector.broadcast %get3A_56 : vector<1x256xf32> to vector<2000x256xf32>
    %add3A_58 = arith.addf %mul3A_53, %add3A_57 : vector<2000x256xf32>
    %max3A = arith.constant 0.000000e+00 : f32
    %max3A_59 = vector.broadcast %max3A : f32 to vector<2000x256xf32>
    %max3A_60 = arith.maximumf %add3A_58, %max3A_59 : vector<2000x256xf32>
    %get3A_61 = arith.constant 0 : index
    %get3A_62 = arith.constant 0 : index
    %get3A_63 = vector.load %arg7[%get3A_61, %get3A_62] : memref<256x256xf32, #tpu.memory_space<vmem>>, vector<256x256xf32>
    %dot_general3A = arith.constant dense<0.000000e+00> : vector<2000x256xf32>
    %dot_general3A_64 = tpu.matmul %max3A_60, %get3A_63, %dot_general3A {dimension_numbers = #tpu.dot_dimension_numbers<[1], [0], [0], [1], [0, 0, 1, 1], [], []>, transpose_lhs_hint = false} : vector<2000x256xf32>, vector<256x256xf32>, vector<2000x256xf32> -> vector<2000x256xf32>
    %mul3A_65 = vector.broadcast %get3A_42 : vector<2000x1xf32> to vector<2000x256xf32>
    %mul3A_66 = arith.mulf %dot_general3A_64, %mul3A_65 : vector<2000x256xf32>
    %slice3A = vector.extract_strided_slice %mul3A_66 {offsets = [0, 0], sizes = [2000, 64], strides = [1, 1]} : vector<2000x256xf32> to vector<2000x64xf32>
    %swap3A = arith.constant 0 : index
    %swap3A_67 = arith.constant 0 : index
    %swap3A_68 = arith.constant 0 : index
    %swap3A_69 = vector.load %arg8[%swap3A, %swap3A_67, %swap3A_68] : memref<4x2000x64xf32, #tpu.memory_space<vmem>>, vector<1x2000x64xf32>
    %swap3A_70 = vector.shape_cast %swap3A_69 : vector<1x2000x64xf32> to vector<2000x64xf32>
    %swap3A_71 = vector.shape_cast %slice3A : vector<2000x64xf32> to vector<1x2000x64xf32>
    tpu.vector_store %arg8[%swap3A, %swap3A_67, %swap3A_68], %swap3A_71 {strides = array<i32>} : memref<4x2000x64xf32, #tpu.memory_space<vmem>>, vector<1x2000x64xf32>,
    %slice3A_72 = vector.extract_strided_slice %mul3A_66 {offsets = [0, 64], sizes = [2000, 64], strides = [1, 1]} : vector<2000x256xf32> to vector<2000x64xf32>
    %swap3A_73 = arith.constant 1 : index
    %swap3A_74 = arith.constant 0 : index
    %swap3A_75 = arith.constant 0 : index
    %swap3A_76 = vector.load %arg8[%swap3A_73, %swap3A_74, %swap3A_75] : memref<4x2000x64xf32, #tpu.memory_space<vmem>>, vector<1x2000x64xf32>
    %swap3A_77 = vector.shape_cast %swap3A_76 : vector<1x2000x64xf32> to vector<2000x64xf32>
    %swap3A_78 = vector.shape_cast %slice3A_72 : vector<2000x64xf32> to vector<1x2000x64xf32>
    tpu.vector_store %arg8[%swap3A_73, %swap3A_74, %swap3A_75], %swap3A_78 {strides = array<i32>} : memref<4x2000x64xf32, #tpu.memory_space<vmem>>, vector<1x2000x64xf32>,
    %slice3A_79 = vector.extract_strided_slice %mul3A_66 {offsets = [0, 128], sizes = [2000, 64], strides = [1, 1]} : vector<2000x256xf32> to vector<2000x64xf32>
    %swap3A_80 = arith.constant 2 : index
    %swap3A_81 = arith.constant 0 : index
    %swap3A_82 = arith.constant 0 : index
    %swap3A_83 = vector.load %arg8[%swap3A_80, %swap3A_81, %swap3A_82] : memref<4x2000x64xf32, #tpu.memory_space<vmem>>, vector<1x2000x64xf32>
    %swap3A_84 = vector.shape_cast %swap3A_83 : vector<1x2000x64xf32> to vector<2000x64xf32>
    %swap3A_85 = vector.shape_cast %slice3A_79 : vector<2000x64xf32> to vector<1x2000x64xf32>
    tpu.vector_store %arg8[%swap3A_80, %swap3A_81, %swap3A_82], %swap3A_85 {strides = array<i32>} : memref<4x2000x64xf32, #tpu.memory_space<vmem>>, vector<1x2000x64xf32>,
    %slice3A_86 = vector.extract_strided_slice %mul3A_66 {offsets = [0, 192], sizes = [2000, 64], strides = [1, 1]} : vector<2000x256xf32> to vector<2000x64xf32>
    %swap3A_87 = arith.constant 3 : index
    %swap3A_88 = arith.constant 0 : index
    %swap3A_89 = arith.constant 0 : index
    %swap3A_90 = vector.load %arg8[%swap3A_87, %swap3A_88, %swap3A_89] : memref<4x2000x64xf32, #tpu.memory_space<vmem>>, vector<1x2000x64xf32>
    %swap3A_91 = vector.shape_cast %swap3A_90 : vector<1x2000x64xf32> to vector<2000x64xf32>
    %swap3A_92 = vector.shape_cast %slice3A_86 : vector<2000x64xf32> to vector<1x2000x64xf32>
    tpu.vector_store %arg8[%swap3A_87, %swap3A_88, %swap3A_89], %swap3A_92 {strides = array<i32>} : memref<4x2000x64xf32, #tpu.memory_space<vmem>>, vector<1x2000x64xf32>,
    return
  }
  func.func @transform_0(%arg0: i32) -> (i32, i32, i32) {
    %c0_i32 = arith.constant 0 : i32
    %c0_i32_0 = arith.constant 0 : i32
    %c0_i32_1 = arith.constant 0 : i32
    return %c0_i32, %arg0, %c0_i32_0 : i32, i32, i32
  }
  func.func @transform_1(%arg0: i32) -> (i32, i32, i32) {
    %c0_i32 = arith.constant 0 : i32
    %c0_i32_0 = arith.constant 0 : i32
    %c0_i32_1 = arith.constant 0 : i32
    return %c0_i32, %arg0, %c0_i32_0 : i32, i32, i32
  }
  func.func @transform_2(%arg0: i32) -> (i32, i32) {
    %c0_i32 = arith.constant 0 : i32
    %c0_i32_0 = arith.constant 0 : i32
    return %arg0, %c0_i32 : i32, i32
  }
  func.func @transform_3(%arg0: i32) -> (i32, i32) {
    %c0_i32 = arith.constant 0 : i32
    %c0_i32_0 = arith.constant 0 : i32
    %c0_i32_1 = arith.constant 0 : i32
    return %c0_i32, %c0_i32_0 : i32, i32
  }
  func.func @transform_4(%arg0: i32) -> (i32, i32) {
    %c0_i32 = arith.constant 0 : i32
    %c0_i32_0 = arith.constant 0 : i32
    %c0_i32_1 = arith.constant 0 : i32
    return %c0_i32, %c0_i32_0 : i32, i32
  }
  func.func @transform_5(%arg0: i32) -> (i32, i32) {
    %c0_i32 = arith.constant 0 : i32
    %c0_i32_0 = arith.constant 0 : i32
    %c0_i32_1 = arith.constant 0 : i32
    return %c0_i32, %c0_i32_0 : i32, i32
  }
  func.func @transform_6(%arg0: i32) -> (i32, i32) {
    %c0_i32 = arith.constant 0 : i32
    %c0_i32_0 = arith.constant 0 : i32
    %c0_i32_1 = arith.constant 0 : i32
    return %c0_i32, %c0_i32_0 : i32, i32
  }
  func.func @transform_7(%arg0: i32) -> (i32, i32, i32) {
    %c0_i32 = arith.constant 0 : i32
    %c0_i32_0 = arith.constant 0 : i32
    %c0_i32_1 = arith.constant 0 : i32
    return %c0_i32, %arg0, %c0_i32_0 : i32, i32, i32
  }
}

module attributes {stable_mosaic.version = 14 : i64} {
  func.func @_tc3_body(%arg0: i32, %arg1: memref<4x2000x64xf32, #tpu.memory_space<vmem>>, %arg2: memref<4x2000x64xf32, #tpu.memory_space<vmem>>, %arg3: memref<2000x1xf32, #tpu.memory_space<vmem>>, %arg4: memref<1x256xf32, #tpu.memory_space<vmem>>, %arg5: memref<1x256xf32, #tpu.memory_space<vmem>>, %arg6: memref<1x256xf32, #tpu.memory_space<vmem>>, %arg7: memref<256x64xf32, #tpu.memory_space<vmem>>, %arg8: memref<2000x64xf32, #tpu.memory_space<vmem>>) attributes {dimension_semantics = [#tpu.dimension_semantics<arbitrary>], iteration_bounds = array<i64: 5>, scalar_prefetch = 0 : i64, scratch_operands = 0 : i64, tpu.core_type = #tpu.core_type<tc>, window_params = [{transform_indices = @transform_0, window_bounds = array<i64: 4, 2000, 64>}, {transform_indices = @transform_1, window_bounds = array<i64: 4, 2000, 64>}, {transform_indices = @transform_2, window_bounds = array<i64: 2000, 1>}, {pipeline_mode = #tpu.pipeline_mode<synchronous>, transform_indices = @transform_3, window_bounds = array<i64: 1, 256>}, {pipeline_mode = #tpu.pipeline_mode<synchronous>, transform_indices = @transform_4, window_bounds = array<i64: 1, 256>}, {pipeline_mode = #tpu.pipeline_mode<synchronous>, transform_indices = @transform_5, window_bounds = array<i64: 1, 256>}, {pipeline_mode = #tpu.pipeline_mode<synchronous>, transform_indices = @transform_6, window_bounds = array<i64: 256, 64>}, {transform_indices = @transform_7, window_bounds = array<i64: 2000, 64>}]} {
    %get3A = arith.constant 0 : index
    %get3A_0 = arith.constant 0 : index
    %get3A_1 = arith.constant 0 : index
    %get3A_2 = vector.load %arg1[%get3A, %get3A_0, %get3A_1] : memref<4x2000x64xf32, #tpu.memory_space<vmem>>, vector<1x2000x64xf32>
    %get3A_3 = vector.shape_cast %get3A_2 : vector<1x2000x64xf32> to vector<2000x64xf32>
    %get3A_4 = arith.constant 1 : index
    %get3A_5 = arith.constant 0 : index
    %get3A_6 = arith.constant 0 : index
    %get3A_7 = vector.load %arg1[%get3A_4, %get3A_5, %get3A_6] : memref<4x2000x64xf32, #tpu.memory_space<vmem>>, vector<1x2000x64xf32>
    %get3A_8 = vector.shape_cast %get3A_7 : vector<1x2000x64xf32> to vector<2000x64xf32>
    %get3A_9 = arith.constant 2 : index
    %get3A_10 = arith.constant 0 : index
    %get3A_11 = arith.constant 0 : index
    %get3A_12 = vector.load %arg1[%get3A_9, %get3A_10, %get3A_11] : memref<4x2000x64xf32, #tpu.memory_space<vmem>>, vector<1x2000x64xf32>
    %get3A_13 = vector.shape_cast %get3A_12 : vector<1x2000x64xf32> to vector<2000x64xf32>
    %get3A_14 = arith.constant 3 : index
    %get3A_15 = arith.constant 0 : index
    %get3A_16 = arith.constant 0 : index
    %get3A_17 = vector.load %arg1[%get3A_14, %get3A_15, %get3A_16] : memref<4x2000x64xf32, #tpu.memory_space<vmem>>, vector<1x2000x64xf32>
    %get3A_18 = vector.shape_cast %get3A_17 : vector<1x2000x64xf32> to vector<2000x64xf32>
    %concatenate3A = tpu.concatenate %get3A_3, %get3A_8, %get3A_13, %get3A_18 in 1 : vector<2000x64xf32>, vector<2000x64xf32>, vector<2000x64xf32>, vector<2000x64xf32> -> vector<2000x256xf32>
    %get3A_19 = arith.constant 0 : index
    %get3A_20 = arith.constant 0 : index
    %get3A_21 = arith.constant 0 : index
    %get3A_22 = vector.load %arg2[%get3A_19, %get3A_20, %get3A_21] : memref<4x2000x64xf32, #tpu.memory_space<vmem>>, vector<1x2000x64xf32>
    %get3A_23 = vector.shape_cast %get3A_22 : vector<1x2000x64xf32> to vector<2000x64xf32>
    %get3A_24 = arith.constant 1 : index
    %get3A_25 = arith.constant 0 : index
    %get3A_26 = arith.constant 0 : index
    %get3A_27 = vector.load %arg2[%get3A_24, %get3A_25, %get3A_26] : memref<4x2000x64xf32, #tpu.memory_space<vmem>>, vector<1x2000x64xf32>
    %get3A_28 = vector.shape_cast %get3A_27 : vector<1x2000x64xf32> to vector<2000x64xf32>
    %get3A_29 = arith.constant 2 : index
    %get3A_30 = arith.constant 0 : index
    %get3A_31 = arith.constant 0 : index
    %get3A_32 = vector.load %arg2[%get3A_29, %get3A_30, %get3A_31] : memref<4x2000x64xf32, #tpu.memory_space<vmem>>, vector<1x2000x64xf32>
    %get3A_33 = vector.shape_cast %get3A_32 : vector<1x2000x64xf32> to vector<2000x64xf32>
    %get3A_34 = arith.constant 3 : index
    %get3A_35 = arith.constant 0 : index
    %get3A_36 = arith.constant 0 : index
    %get3A_37 = vector.load %arg2[%get3A_34, %get3A_35, %get3A_36] : memref<4x2000x64xf32, #tpu.memory_space<vmem>>, vector<1x2000x64xf32>
    %get3A_38 = vector.shape_cast %get3A_37 : vector<1x2000x64xf32> to vector<2000x64xf32>
    %concatenate3A_39 = tpu.concatenate %get3A_23, %get3A_28, %get3A_33, %get3A_38 in 1 : vector<2000x64xf32>, vector<2000x64xf32>, vector<2000x64xf32>, vector<2000x64xf32> -> vector<2000x256xf32>
    %get3A_40 = arith.constant 0 : index
    %get3A_41 = arith.constant 0 : index
    %get3A_42 = vector.load %arg3[%get3A_40, %get3A_41] : memref<2000x1xf32, #tpu.memory_space<vmem>>, vector<2000x1xf32>
    %add3A = arith.addf %concatenate3A, %concatenate3A_39 : vector<2000x256xf32>
    %mul3A = vector.broadcast %get3A_42 : vector<2000x1xf32> to vector<2000x256xf32>
    %mul3A_43 = arith.mulf %mul3A, %add3A : vector<2000x256xf32>
    %get3A_44 = arith.constant 0 : index
    %get3A_45 = arith.constant 0 : index
    %get3A_46 = vector.load %arg4[%get3A_44, %get3A_45] : memref<1x256xf32, #tpu.memory_space<vmem>>, vector<1x256xf32>
    %add3A_47 = vector.broadcast %get3A_46 : vector<1x256xf32> to vector<2000x256xf32>
    %add3A_48 = arith.addf %mul3A_43, %add3A_47 : vector<2000x256xf32>
    %get3A_49 = arith.constant 0 : index
    %get3A_50 = arith.constant 0 : index
    %get3A_51 = vector.load %arg5[%get3A_49, %get3A_50] : memref<1x256xf32, #tpu.memory_space<vmem>>, vector<1x256xf32>
    %mul3A_52 = vector.broadcast %get3A_51 : vector<1x256xf32> to vector<2000x256xf32>
    %mul3A_53 = arith.mulf %add3A_48, %mul3A_52 : vector<2000x256xf32>
    %get3A_54 = arith.constant 0 : index
    %get3A_55 = arith.constant 0 : index
    %get3A_56 = vector.load %arg6[%get3A_54, %get3A_55] : memref<1x256xf32, #tpu.memory_space<vmem>>, vector<1x256xf32>
    %add3A_57 = vector.broadcast %get3A_56 : vector<1x256xf32> to vector<2000x256xf32>
    %add3A_58 = arith.addf %mul3A_53, %add3A_57 : vector<2000x256xf32>
    %max3A = arith.constant 0.000000e+00 : f32
    %max3A_59 = vector.broadcast %max3A : f32 to vector<2000x256xf32>
    %max3A_60 = arith.maximumf %add3A_58, %max3A_59 : vector<2000x256xf32>
    %get3A_61 = arith.constant 0 : index
    %get3A_62 = arith.constant 0 : index
    %get3A_63 = vector.load %arg7[%get3A_61, %get3A_62] : memref<256x64xf32, #tpu.memory_space<vmem>>, vector<256x64xf32>
    %dot_general3A = arith.constant dense<0.000000e+00> : vector<2000x64xf32>
    %dot_general3A_64 = tpu.matmul %max3A_60, %get3A_63, %dot_general3A {dimension_numbers = #tpu.dot_dimension_numbers<[1], [0], [0], [1], [0, 0, 1, 1], [], []>, transpose_lhs_hint = false} : vector<2000x256xf32>, vector<256x64xf32>, vector<2000x64xf32> -> vector<2000x64xf32>
    %mul3A_65 = vector.broadcast %get3A_42 : vector<2000x1xf32> to vector<2000x64xf32>
    %mul3A_66 = arith.mulf %dot_general3A_64, %mul3A_65 : vector<2000x64xf32>
    %swap3A = arith.constant 0 : index
    %swap3A_67 = arith.constant 0 : index
    %swap3A_68 = vector.load %arg8[%swap3A, %swap3A_67] : memref<2000x64xf32, #tpu.memory_space<vmem>>, vector<2000x64xf32>
    tpu.vector_store %arg8[%swap3A, %swap3A_67], %mul3A_66 {strides = array<i32>} : memref<2000x64xf32, #tpu.memory_space<vmem>>, vector<2000x64xf32>,
    return
  }
  func.func @transform_0(%arg0: i32) -> (i32, i32, i32) {
    %c0_i32 = arith.constant 0 : i32
    %c0_i32_0 = arith.constant 0 : i32
    %c0_i32_1 = arith.constant 0 : i32
    return %c0_i32, %arg0, %c0_i32_0 : i32, i32, i32
  }
  func.func @transform_1(%arg0: i32) -> (i32, i32, i32) {
    %c0_i32 = arith.constant 0 : i32
    %c0_i32_0 = arith.constant 0 : i32
    %c0_i32_1 = arith.constant 0 : i32
    return %c0_i32, %arg0, %c0_i32_0 : i32, i32, i32
  }
  func.func @transform_2(%arg0: i32) -> (i32, i32) {
    %c0_i32 = arith.constant 0 : i32
    %c0_i32_0 = arith.constant 0 : i32
    return %arg0, %c0_i32 : i32, i32
  }
  func.func @transform_3(%arg0: i32) -> (i32, i32) {
    %c0_i32 = arith.constant 0 : i32
    %c0_i32_0 = arith.constant 0 : i32
    %c0_i32_1 = arith.constant 0 : i32
    return %c0_i32, %c0_i32_0 : i32, i32
  }
  func.func @transform_4(%arg0: i32) -> (i32, i32) {
    %c0_i32 = arith.constant 0 : i32
    %c0_i32_0 = arith.constant 0 : i32
    %c0_i32_1 = arith.constant 0 : i32
    return %c0_i32, %c0_i32_0 : i32, i32
  }
  func.func @transform_5(%arg0: i32) -> (i32, i32) {
    %c0_i32 = arith.constant 0 : i32
    %c0_i32_0 = arith.constant 0 : i32
    %c0_i32_1 = arith.constant 0 : i32
    return %c0_i32, %c0_i32_0 : i32, i32
  }
  func.func @transform_6(%arg0: i32) -> (i32, i32) {
    %c0_i32 = arith.constant 0 : i32
    %c0_i32_0 = arith.constant 0 : i32
    %c0_i32_1 = arith.constant 0 : i32
    return %c0_i32, %c0_i32_0 : i32, i32
  }
  func.func @transform_7(%arg0: i32) -> (i32, i32) {
    %c0_i32 = arith.constant 0 : i32
    %c0_i32_0 = arith.constant 0 : i32
    return %arg0, %c0_i32 : i32, i32
  }
}

module attributes {stable_mosaic.version = 14 : i64} {
  func.func @_tc4_body(%arg0: i32, %arg1: memref<2x2000x64xf32, #tpu.memory_space<vmem>>, %arg2: memref<2000x64xf32, #tpu.memory_space<vmem>>, %arg3: memref<2000x1xf32, #tpu.memory_space<vmem>>, %arg4: memref<1x64xf32, #tpu.memory_space<vmem>>, %arg5: memref<2000x40xf32, #tpu.memory_space<vmem>>) attributes {dimension_semantics = [#tpu.dimension_semantics<arbitrary>], iteration_bounds = array<i64: 5>, scalar_prefetch = 0 : i64, scratch_operands = 0 : i64, tpu.core_type = #tpu.core_type<tc>, window_params = [{transform_indices = @transform_0, window_bounds = array<i64: 2, 2000, 64>}, {transform_indices = @transform_1, window_bounds = array<i64: 2000, 64>}, {transform_indices = @transform_2, window_bounds = array<i64: 2000, 1>}, {pipeline_mode = #tpu.pipeline_mode<synchronous>, transform_indices = @transform_3, window_bounds = array<i64: 1, 64>}, {transform_indices = @transform_4, window_bounds = array<i64: 2000, 40>}]} {
    %get3A = arith.constant 0 : index
    %get3A_0 = arith.constant 0 : index
    %get3A_1 = vector.load %arg3[%get3A, %get3A_0] : memref<2000x1xf32, #tpu.memory_space<vmem>>, vector<2000x1xf32>
    %get3A_2 = arith.constant 0 : index
    %get3A_3 = arith.constant 0 : index
    %get3A_4 = arith.constant 0 : index
    %get3A_5 = vector.load %arg1[%get3A_2, %get3A_3, %get3A_4] : memref<2x2000x64xf32, #tpu.memory_space<vmem>>, vector<1x2000x64xf32>
    %get3A_6 = vector.shape_cast %get3A_5 : vector<1x2000x64xf32> to vector<2000x64xf32>
    %get3A_7 = arith.constant 1 : index
    %get3A_8 = arith.constant 0 : index
    %get3A_9 = arith.constant 0 : index
    %get3A_10 = vector.load %arg1[%get3A_7, %get3A_8, %get3A_9] : memref<2x2000x64xf32, #tpu.memory_space<vmem>>, vector<1x2000x64xf32>
    %get3A_11 = vector.shape_cast %get3A_10 : vector<1x2000x64xf32> to vector<2000x64xf32>
    %add3A = arith.addf %get3A_6, %get3A_11 : vector<2000x64xf32>
    %get3A_12 = arith.constant 0 : index
    %get3A_13 = arith.constant 0 : index
    %get3A_14 = vector.load %arg2[%get3A_12, %get3A_13] : memref<2000x64xf32, #tpu.memory_space<vmem>>, vector<2000x64xf32>
    %add3A_15 = arith.addf %add3A, %get3A_14 : vector<2000x64xf32>
    %mul3A = vector.broadcast %get3A_1 : vector<2000x1xf32> to vector<2000x64xf32>
    %mul3A_16 = arith.mulf %mul3A, %add3A_15 : vector<2000x64xf32>
    %get3A_17 = arith.constant 0 : index
    %get3A_18 = arith.constant 0 : index
    %get3A_19 = vector.load %arg4[%get3A_17, %get3A_18] : memref<1x64xf32, #tpu.memory_space<vmem>>, vector<1x64xf32>
    %add3A_20 = vector.broadcast %get3A_19 : vector<1x64xf32> to vector<2000x64xf32>
    %add3A_21 = arith.addf %mul3A_16, %add3A_20 : vector<2000x64xf32>
    %iota3A = tpu.iota {dimensions = array<i32: 1>} : vector<2000x64xi32>
    %lt3A = arith.constant 40 : i32
    %lt3A_22 = vector.broadcast %lt3A : i32 to vector<2000x64xi32>
    %lt3A_23 = arith.cmpi slt, %iota3A, %lt3A_22 : vector<2000x64xi32>
    %jit3A = arith.constant -1.000000e+30 : f32
    %broadcast_in_dim3A = vector.broadcast %jit3A : f32 to vector<2000x64xf32>
    %select_n3A = arith.select %lt3A_23, %add3A_21, %broadcast_in_dim3A : vector<2000x64xi1>, vector<2000x64xf32>
    %reduce_max3A = arith.constant dense<0xFF800000> : vector<2000xf32>
    %reduce_max3A_24 = vector.multi_reduction <maximumf>, %select_n3A, %reduce_max3A [1] : vector<2000x64xf32> to vector<2000xf32>
    %broadcast_in_dim3A_25 = vector.shape_cast %reduce_max3A_24 : vector<2000xf32> to vector<2000x1xf32>
    %sub3A = vector.broadcast %broadcast_in_dim3A_25 : vector<2000x1xf32> to vector<2000x64xf32>
    %sub3A_26 = arith.subf %add3A_21, %sub3A : vector<2000x64xf32>
    %exp3A = math.exp %sub3A_26 : vector<2000x64xf32>
    %jit3A_27 = arith.constant 0.000000e+00 : f32
    %broadcast_in_dim3A_28 = vector.broadcast %jit3A_27 : f32 to vector<2000x64xf32>
    %select_n3A_29 = arith.select %lt3A_23, %exp3A, %broadcast_in_dim3A_28 : vector<2000x64xi1>, vector<2000x64xf32>
    %reduce_sum3A = arith.constant dense<0.000000e+00> : vector<2000xf32>
    %reduce_sum3A_30 = vector.multi_reduction <add>, %select_n3A_29, %reduce_sum3A [1] : vector<2000x64xf32> to vector<2000xf32>
    %broadcast_in_dim3A_31 = vector.shape_cast %reduce_sum3A_30 : vector<2000xf32> to vector<2000x1xf32>
    %log3A = math.log %broadcast_in_dim3A_31 : vector<2000x1xf32>
    %sub3A_32 = vector.broadcast %broadcast_in_dim3A_25 : vector<2000x1xf32> to vector<2000x64xf32>
    %sub3A_33 = arith.subf %add3A_21, %sub3A_32 : vector<2000x64xf32>
    %sub3A_34 = vector.broadcast %log3A : vector<2000x1xf32> to vector<2000x64xf32>
    %sub3A_35 = arith.subf %sub3A_33, %sub3A_34 : vector<2000x64xf32>
    %slice3A = vector.extract_strided_slice %sub3A_35 {offsets = [0, 0], sizes = [2000, 40], strides = [1, 1]} : vector<2000x64xf32> to vector<2000x40xf32>
    %swap3A = arith.constant 0 : index
    %swap3A_36 = arith.constant 0 : index
    %swap3A_37 = vector.load %arg5[%swap3A, %swap3A_36] : memref<2000x40xf32, #tpu.memory_space<vmem>>, vector<2000x40xf32>
    tpu.vector_store %arg5[%swap3A, %swap3A_36], %slice3A {strides = array<i32>} : memref<2000x40xf32, #tpu.memory_space<vmem>>, vector<2000x40xf32>,
    return
  }
  func.func @transform_0(%arg0: i32) -> (i32, i32, i32) {
    %c0_i32 = arith.constant 0 : i32
    %c0_i32_0 = arith.constant 0 : i32
    %c0_i32_1 = arith.constant 0 : i32
    return %c0_i32, %arg0, %c0_i32_0 : i32, i32, i32
  }
  func.func @transform_1(%arg0: i32) -> (i32, i32) {
    %c0_i32 = arith.constant 0 : i32
    %c0_i32_0 = arith.constant 0 : i32
    return %arg0, %c0_i32 : i32, i32
  }
  func.func @transform_2(%arg0: i32) -> (i32, i32) {
    %c0_i32 = arith.constant 0 : i32
    %c0_i32_0 = arith.constant 0 : i32
    return %arg0, %c0_i32 : i32, i32
  }
  func.func @transform_3(%arg0: i32) -> (i32, i32) {
    %c0_i32 = arith.constant 0 : i32
    %c0_i32_0 = arith.constant 0 : i32
    %c0_i32_1 = arith.constant 0 : i32
    return %c0_i32, %c0_i32_0 : i32, i32
  }
  func.func @transform_4(%arg0: i32) -> (i32, i32) {
    %c0_i32 = arith.constant 0 : i32
    %c0_i32_0 = arith.constant 0 : i32
    return %arg0, %c0_i32 : i32, i32
  }
}

</mosaic_0001>

<sc_bundles>
// kernel: kernel.10.cloned.1.call-start
scs
__scs_entry_jumppad:
0x0: {  	(pc) =	sbr.rel $0x88, $3  }
0x1: {  	(tag) =	ssettag $0x0;
	lr =	simm.s32 $0x1  }
0x2: {  	[smem:$0x3F95] =	sst lr;
	_ =	strace $0xD0000000  }
0x3: {  	_ = 	snop  }
0x4: {  	_ = 	snop  }
0x5: {  	_ = 	snop  }
0x6: {  	_ = 	snop  }
0x7: {  	_ = 	snop  }
__scs_overlays_trampoline_lowered:
0x8: {  	[smem:$0x3FA4] =	sst s0  }
0x9: {  	[smem:$0x3FA5] =	sst s1  }
0xa: {  	[smem:$0x3FA6] =	sst s2  }
0xb: {  	[smem:$0x3FA7] =	sst s3  }
0xc: {  	[smem:$0x3FA8] =	sst s4  }
0xd: {  	[smem:$0x3FA9] =	sst s5  }
0xe: {  	[smem:$0x3FAA] =	sst s6  }
0xf: {  	[smem:$0x3FAB] =	sst s7  }
0x10: {  	[smem:$0x3FAC] =	sst s8  }
0x11: {  	[smem:$0x3FAD] =	sst s9;
	s0 =	simm.s32 @!p0 $0x0  }
0x12: {  	s1 =	sld [smem:$0x3F93];
	s0 =	simm.s32 @p0 $0x1  }
0x13: {  	[smem:$0x3FAE] =	sst s0;
	s0 =	simm.s32 @!p1 $0x0  }
0x14: {  	s2 =	sld [smem:$0x3F92];
	s0 =	simm.s32 @p1 $0x1  }
0x15: {  	[smem:$0x3FAF] =	sst s0;
	s0 =	simm.s32 @!p2 $0x0  }
0x16: {  	s3 =	sld [smem:$0x3FDB];
	s0 =	simm.s32 @p2 $0x1  }
0x17: {  	s4 =	simm.s32 $0x1BF5;
	[smem:$0x3FB1] =	sst s0  }
0x18: {  	s0 =	sld [smem:$0x3F94];
	_ =	swait.ge [sflag:s4], $0x0  }
0x19: {  	s7 =	sld [smem:$0x3F95]  }
0x1a: {  	s8 =	sadd.s32 $0xFFFFE003, lr  }
0x1b: {  	s9 =	sadd.s32 $0xFFFFFEF7, lr;
	s5 =	simm.s32 $0xFFFFFFFF;
	p2 =	slt.u32 s8, $0xFFFFF086  }
0x1c: {  	p1 =	slt.u32 s9, $0xF7A;
	s5 =	simm.s32 @!p2 $0x0  }
0x1d: {  	s5 =	simm.s32 @p1 $0x1;
	p0 =	seq.s32 s7, s2  }
0x1e: {  	s7 =	smul.u32 @!p0 $0xF7A, s2;
	p2 =	seq.s32 @!p0 s5, $0x0  }
0x1f: {  	s9 =	smul.u32 $0xF7A, s1;
	s8 =	simm.s32 @!p0 $0x1BF5;
	p2 =	por !p2, p0  }
0x20: {  	[sflag:s8] =	ssyncset.s32 @!p0 $0xFFFFF086;
	s6 =	sadd.s32 @!p0 s3, s7;
	s7 =	simm.s32 @!p0 $0x108  }
0x21: {  	s3 =	sadd.s32 s3, s9;
	s6 =	sadd.s32 @!p0 $0x88, s6;
	s7 =	simm.s32 @p2 $0x1082  }
0x22: {  	[simem:s7], [sflag:s8] =	dma.local @!p0 [hbm:s6], $0xF7A  }
0x23: {  	s9 =	sor.u32 $0xD0000000, s2;
	s6 =	simm.s32 $0x108;
	_ =	swait.ge @!p0 [sflag:s8], $0x0  }
0x24: {  	s3 =	sadd.s32 $0x88, s3;
	s6 =	simm.s32 @!p1 $0x1082;
	[sflag:s4] =	ssyncset.s32 $0xFFFFF086  }
0x25: {  	[simem:s6], [sflag:s4] =	dma.local [hbm:s3], $0xF7A  }
0x26: {  	[smem:$0x3F95] =	sst s1;
	(tag) =	ssettag s2;
	_ =	strace s9  }
0x27: {  	s1 =	sld [smem:$0x3FA5]  }
0x28: {  	s2 =	sld [smem:$0x3FA6]  }
0x29: {  	s4 =	sld [smem:$0x3FA8]  }
0x2a: {  	p0 =	seq.s32 s5, $0x0;
	s5 =	sld [smem:$0x3FA9]  }
0x2b: {  	s6 =	sld [smem:$0x3FAA]  }
0x2c: {  	s7 =	sld [smem:$0x3FAB]  }
0x2d: {  	s3 =	simm.s32 $0x108;
	s8 =	sld [smem:$0x3FAC]  }
0x2e: {  	s3 =	simm.s32 @!p0 $0x1082;
	s9 =	sld [smem:$0x3FAD]  }
0x2f: {  	lr =	sadd.s32 s0, s3;
	s0 =	sld [smem:$0x3FA4]  }
0x30: {  	s3 =	sld [smem:$0x3FA7]  }
0x31: {  	[smem:$0x3FB0] =	sst s10  }
0x32: {  	s10 =	sld [smem:$0x3FAE];
	_ =	sdelay $0x3  }
0x33: {  	p0 =	seq.s32 s10, $0x1;
	s10 =	sld [smem:$0x3FB0];
	_ =	sdelay $0x3  }
0x34: {  	[smem:$0x3FB0] =	sst s10  }
0x35: {  	s10 =	sld [smem:$0x3FAF];
	_ =	sdelay $0x3  }
0x36: {  	p1 =	seq.s32 s10, $0x1;
	s10 =	sld [smem:$0x3FB0];
	_ =	sdelay $0x3  }
0x37: {  	[smem:$0x3FB0] =	sst s10  }
0x38: {  	s10 =	sld [smem:$0x3FB1]  }
0x39: {  	_ = 	snop;
	(pc) =	sbr.ind lr, $3  }
0x3a: {  	_ = 	snop  }
0x3b: {  	_ = 	snop  }
0x3c: {  	p2 =	seq.s32 s10, $0x1;
	s10 =	sld [smem:$0x3FB0]  }
0x3d: {  	_ =	shalt  }
0x3e: {  	_ =	shalt  }
0x3f: {  	_ =	shalt  }
0x40: {  	_ =	shalt  }
0x41: {  	_ =	shalt  }
0x42: {  	_ =	shalt  }
0x43: {  	_ =	shalt  }
0x44: {  	_ =	shalt  }
0x45: {  	_ =	shalt  }
0x46: {  	_ =	shalt  }
0x47: {  	_ =	shalt  }
0x48: {  	_ =	shalt  }
0x49: {  	_ =	shalt  }
0x4a: {  	_ =	shalt  }
0x4b: {  	_ =	shalt  }
0x4c: {  	_ =	shalt  }
0x4d: {  	_ =	shalt  }
0x4e: {  	_ =	shalt  }
0x4f: {  	_ =	shalt  }
0x50: {  	_ =	shalt  }
0x51: {  	_ =	shalt  }
0x52: {  	_ =	shalt  }
0x53: {  	_ =	shalt  }
0x54: {  	_ =	shalt  }
0x55: {  	_ =	shalt  }
0x56: {  	_ =	shalt  }
0x57: {  	_ =	shalt  }
0x58: {  	_ =	shalt  }
0x59: {  	_ =	shalt  }
0x5a: {  	_ =	shalt  }
0x5b: {  	_ =	shalt  }
0x5c: {  	_ =	shalt  }
0x5d: {  	_ =	shalt  }
0x5e: {  	_ =	shalt  }
0x5f: {  	_ =	shalt  }
0x60: {  	_ =	shalt  }
0x61: {  	_ =	shalt  }
0x62: {  	_ =	shalt  }
0x63: {  	_ =	shalt  }
0x64: {  	_ =	shalt  }
0x65: {  	_ =	shalt  }
0x66: {  	_ =	shalt  }
0x67: {  	_ =	shalt  }
0x68: {  	_ =	shalt  }
0x69: {  	_ =	shalt  }
0x6a: {  	_ =	shalt  }
0x6b: {  	_ =	shalt  }
0x6c: {  	_ =	shalt  }
0x6d: {  	_ =	shalt  }
0x6e: {  	_ =	shalt  }
0x6f: {  	_ =	shalt  }
0x70: {  	_ =	shalt  }
0x71: {  	_ =	shalt  }
0x72: {  	_ =	shalt  }
0x73: {  	_ =	shalt  }
0x74: {  	_ =	shalt  }
0x75: {  	_ =	shalt  }
0x76: {  	_ =	shalt  }
0x77: {  	_ =	shalt  }
0x78: {  	_ =	shalt  }
0x79: {  	_ =	shalt  }
0x7a: {  	_ =	shalt  }
0x7b: {  	_ =	shalt  }
0x7c: {  	_ =	shalt  }
0x7d: {  	_ =	shalt  }
0x7e: {  	_ =	shalt  }
0x7f: {  	_ =	shalt  }
0x80: {  	_ =	shalt  }
0x81: {  	_ =	shalt  }
0x82: {  	_ =	shalt  }
0x83: {  	_ =	shalt  }
0x84: {  	_ =	shalt  }
0x85: {  	_ =	shalt  }
0x86: {  	_ =	shalt  }
0x87: {  	_ =	shalt  }
.Lfunc_end0:
.L_simem_size_0:
called_computation_lowered:
.L_overlay_start_0:
0x88: {  	s2 =	sld [smem:$0x3FD9]  }
0x89: {  	s3 =	sld [smem:$0x3FFE];
	_ =	sdelay $0x1  }
0x8a: {  	s1 =	srdreg.scid  }
0x8b: {  	s0 =	sand.u32 $0x1, s1  }
0x8c: {  	s16 =	sshll.u32 s0, $0xA;
	s2 =	sadd.s32 s3, s2  }
0x8d: {  	s2 =	sadd.s32 s2, s16  }
0x8e: {  	[smem:$0x3FBC] =	sst s2  }
0x8f: {  	_ = 	snop  }
0x90: {  	(tm) =	ssettm $0x1  }
0x91: {  	s17 =	sld [smem:$0x3FFB];
	_ =	sdelay $0x3  }
0x92: {  	_ =	strace s17  }
0x93: {  	s2 =	sld [smem:$0x3FFC];
	_ =	sdelay $0x3  }
0x94: {  	_ =	strace s2  }
0x95: {  	s2 =	sld [smem:$0x3FFD];
	_ =	sdelay $0x3  }
0x96: {  	_ =	strace s2  }
0x97: {  	_ =	strace $0x8FFFFFFF  }
0x98: {  	s18 =	sld [smem:$0x3FDB];
	_ =	sdelay $0x1  }
0x99: {  	s19 =	simm.s32 $_scs_section_size  }
0x9a: {  	s4 =	simm.s32 $_size__tile_overlayer_lowered;
	s5 =	simm.s32 $_tile_overlayer_lowered  }
0x9b: {  	s22 =	simm.s32 $0x1BFF;
	s21 =	sshll.u32 s5, $0x1;
	s2 =	sadd.s32 s19, s18  }
0x9c: {  	s6 =	simm.s32 $0x0;
	s20 =	sshll.u32 s4, $0x1;
	s4 =	sadd.s32 s21, s2  }
0x9d: {  	[timem:s6], [sflag:s22] =	dma.local [hbm:s4], s20  }
0x9e: {  	_ =	swait.ge [sflag:s22], s20  }
0x9f: {  	s3 =	ssub.s32 $0x0, s20;
	[sflag:s22] =	ssyncset.done $0x0  }
0xa0: {  	[sflag:s22] =	ssyncadd.s32 s3;
	_ =	sdelay $0x1  }
0xa1: {  	s23 =	simm.s32 $0x1B8B  }
0xa2: {  	_ =	swait.ge [sflag:s23], $0x1  }
0xa3: {  	[sflag:s23] =	ssyncset.done $0x0  }
0xa4: {  	s25 =	simm.s32 $0x1B8E;
	s24 =	sld [smem:$0x3FFE];
	[sflag:s23] =	ssyncadd.s32 $0xFFFFFFFF  }
0xa5: {  	s26 =	simm.s32 $execute0_lowered;
	[smem:$0x3FD2] =	sst s25  }
0xa6: {  	s4 =	sshll.u32 s26, $0x1;
	_ =	strace $0x80000046;
	[dreg:$0x1] =	wrdreg $0xFFFFFFFF  }
0xa7: {  	s28 =	simm.s32 $_size_execute0_lowered;
	s2 =	sadd.s32 s2, s4;
	[dreg:$0x0] =	wrdreg $0x0  }
0xa8: {  	s4 =	sshll.u32 s28, $0x1;
	[dreg:$0x2] =	wrdreg s2  }
0xa9: {  	[dreg:$0x3] =	wrdreg s4  }
0xaa: {  	[dreg:$0x4] =	wrdreg $0xC0  }
0xab: {  	_ =	task [dreg:s6], $0x5FFFF  }
0xac: {  	[dreg:$0x1] =	wrdreg $0xFFFFFFFF  }
0xad: {  	[dreg:$0x0] =	wrdreg $0x60  }
0xae: {  	[dreg:$0x2] =	wrdreg s24  }
0xaf: {  	[dreg:$0x3] =	wrdreg $0x41000  }
0xb0: {  	[dreg:$0x4] =	wrdreg $0x9  }
0xb1: {  	_ =	task.clear_ibuf [dreg:s6], $0x5FFFF;
	_ =	strace $0x90000046  }
0xb2: {  	s29 =	simm.s32 $0x9;
	_ =	strace $0x80000048  }
0xb3: {  	_ =	swait.ge [sflag:s29], $0x1  }
0xb4: {  	[sflag:s29] =	ssyncadd.s32 $0xFFFFFFFF  }
0xb5: {  	_ =	strace $0x90000048  }
0xb6: {  	_ =	sfence  }
0xb7: {  	s30 =	sld [smem:$0x0];
	_ =	sdelay $0x2  }
0xb8: {  	s31 =	sshll.u32 s1, $0xD;
	s1 =	sshrl.u32 s1, $0x2  }
0xb9: {  	s3 =	sand.u32 $0x4000, s31;
	s1 =	sadd.s32 s1, s30  }
0xba: {  	s0 =	sor.u32 s3, s0;
	s1 =	sshll.u32 s1, $0x11  }
0xbb: {  	s0 =	sor.u32 s1, s0  }
0xbc: {  	s0 =	sadd.s32 $0x8F2B, s0  }
0xbd: {  	[sflag:s0] =	ssyncadd.remote.s32 $0x1  }
0xbe: {  	_ =	sfence.sel $0xFFFF  }
0xbf: {  	[dreg:$0x0] =	wrdreg $0xFFFFFFFF;
	(pc) =	sbr.abs _section_cstart, $3  }
0xc0: {  	[dreg:$0x1] =	wrdreg $0xFFFFFFFF  }
0xc1: {  	_ =	task.clear_ibuf [dreg:s6], $0x2FFFF;
	_ =	strace $0x9FFFFFFF  }
0xc2: {  	(tm) =	ssettm $0x7FFFFFFF  }
0xc3: {  	_ =	shalt  }
tec
execute0_lowered:
.L_overlay_start_1:
0x0: {  	(tag) =	ssettag $0x1  }
0x1: {  	s3 =	rddreg [dreg:$0x0]  }
0x2: {  	s5 =	rddreg [dreg:$0x1];
	s1 =	srdreg.scid  }
0x3: {  	s0 =	rddreg [dreg:$0x2];
	s4 =	sand.u32 $0x1, s1  }
0x4: {  	s2 =	simm.s32 $0x0;
	s1 =	stileid.u32;
	s7 =	smul.u32 $0x2800, s4  }
0x5: {  	s11 =	simm.s32 $0x3E80;
	s12 =	simm.s32 $0x0;
	s8 =	smul.u32 $0x280, s1  }
0x6: {  	[smem:$0x7FF] =	sst s2;
	s6 =	sshll.u32 s4, $0x4;
	s29 =	smul.u32 $0xA000, s1  }
0x7: {  	s4 =	ssub.s32 $0x2, s4;
	s10 =	smul.u32 $0xA00, s1;
	s6 =	sor.u32 s1, s6  }
0x8: {  	_ =	strace $0x80000047;
	s9 =	sshrl.u32 s4, $0x1;
	s6 =	smul.u32 $0x280, s6  }
0x9: {  	s7 =	sadd.s32 s8, s7;
	s9 =	ssub.s32 s4, s9;
	s30 =	sshrl.u32 s29, $0x2  }
0xa: {  	s31 =	sshrl.u32 s10, $0x2;
	s8 =	simm.s32 $0x1;
	s10 =	simm.s32 $0x3C00  }
0xb: {  	s7 =	sshrl.u32 s7, $0x3;
	s4 =	sadd.s32 s30, s5;
	s6 =	sadd.s32 s6, s3  }
0xc: {  	s5 =	sadd.s32 s31, s5;
	s7 =	sadd.s32 s7, s3;
	s3 =	sadd.s32 $0x2600, s6  }
0xd: {  	v0 =	vimm.f32 $0.0e+00;
	v1 =	vimm.f32 $1.000000000e+00;
	s6 =	sadd.s32 $0x7600, s7;
	s7 =	smax.u32 s9, $0x1;
	s9 =	simm.s32 $0x1400  }
.LBB2_1:
0xe: {  	s13 =	simm.s32 $0x40;
	s14 =	simm.s32 $0x0  }
.LBB2_2:
0xf: {  	p0 =	sne.s32 s13, $0x9FC0;
	[tilespmem:s14+$0x1400] =	vst v0;
	s14 =	smov.u32 s13;
	s13 =	sadd.s32 $0x40, s13  }
.Ltmp0:
0x10: {  	(pc) =	sbr.rel @p0 .LBB2_2-.Ltmp0, $2  }
0x11: {  	_ =	sdelay $0x2  }
0x12: {  	s14 =	sshra.s32 s14, $0x2  }
0x13: {  	[tilespmem:s14+$0x1400] =	vst v0;
	s13 =	simm.s32 $0x0  }
0x14: {  	[tilespmem:s13], [sflag:$0x1] =	stream.linear.gather [hbm4b:s3+s13], $0x1400, $0x38;
	[tilespmem:$0x6900] =	vst v63  }
0x15: {  	_ =	swait.ge [sflag:s8], $0x1400  }
0x16: {  	[sflag:s8] =	ssyncset.done $0x0  }
0x17: {  	[sflag:s8] =	ssyncadd.s32 $0xFFFFEC00  }
.LBB2_4:
0x18: {  	s14 =	sshra.s32 s13, $0x2  }
0x19: {  	v2 =	vld [tilespmem:s14+$0x0];
	_ =	sdelay $0x7  }
0x1a: {  	[tilespmem:v2+s9+$0x0] =	vst.idx.add.f32.msk $0xffff, v1  }
0x1b: {  	v2 =	vld [tilespmem:s14+$0x10];
	_ =	sdelay $0x7  }
0x1c: {  	[tilespmem:v2+s9+$0x0] =	vst.idx.add.f32.msk $0xffff, v1  }
0x1d: {  	v2 =	vld [tilespmem:s14+$0x20];
	_ =	sdelay $0x7  }
0x1e: {  	[tilespmem:v2+s9+$0x0] =	vst.idx.add.f32.msk $0xffff, v1  }
0x1f: {  	v2 =	vld [tilespmem:s14+$0x30];
	_ =	sdelay $0x7  }
0x20: {  	[tilespmem:v2+s9+$0x0] =	vst.idx.add.f32.msk $0xffff, v1  }
0x21: {  	v2 =	vld [tilespmem:s14+$0x40];
	_ =	sdelay $0x7  }
0x22: {  	[tilespmem:v2+s9+$0x0] =	vst.idx.add.f32.msk $0xffff, v1  }
0x23: {  	v2 =	vld [tilespmem:s14+$0x50];
	_ =	sdelay $0x7  }
0x24: {  	[tilespmem:v2+s9+$0x0] =	vst.idx.add.f32.msk $0xffff, v1  }
0x25: {  	v2 =	vld [tilespmem:s14+$0x60];
	_ =	sdelay $0x7  }
0x26: {  	[tilespmem:v2+s9+$0x0] =	vst.idx.add.f32.msk $0xffff, v1  }
0x27: {  	v2 =	vld [tilespmem:s14+$0x70];
	_ =	sdelay $0x2  }
0x28: {  	p0 =	sne.s32 s13, $0x4E00  }
.Ltmp1:
0x29: {  	_ = 	snop;
	(pc) =	sbr.rel @p0 .LBB2_4-.Ltmp1, $2  }
0x2a: {  	_ =	sdelay $0x2  }
0x2b: {  	s13 =	sadd.s32 $0x200, s13;
	[tilespmem:v2+s9+$0x0] =	vst.idx.add.f32.msk $0xffff, v1  }
0x2c: {  	[spmem:s4] =	stream.linear.scatter [tilespmem:s9], [sflag:$0x1], $0x2800, $0x38;
	[tilespmem:$0x6900] =	vst v63  }
0x2d: {  	_ =	swait.ge [sflag:s8], $0x2800  }
0x2e: {  	[sflag:s8] =	ssyncset.done $0x0  }
0x2f: {  	[sflag:s8] =	ssyncadd.s32 $0xFFFFD800  }
0x30: {  	[bflag:$0x0] =	sbarrier.arrive $0xFFFF  }
0x31: {  	[tilespmem:$0x3E80] =	vst v0  }
0x32: {  	[tilespmem:$0x3E90] =	vst v0  }
0x33: {  	[tilespmem:$0x3EA0] =	vst v0  }
0x34: {  	[tilespmem:$0x3EB0] =	vst v0  }
0x35: {  	[tilespmem:$0x3EC0] =	vst v0  }
0x36: {  	[tilespmem:$0x3ED0] =	vst v0  }
0x37: {  	[tilespmem:$0x3EE0] =	vst v0  }
0x38: {  	[tilespmem:$0x3EF0] =	vst v0  }
0x39: {  	[tilespmem:$0x3F00] =	vst v0  }
0x3a: {  	[tilespmem:$0x3F10] =	vst v0  }
0x3b: {  	[tilespmem:$0x3F20] =	vst v0  }
0x3c: {  	[tilespmem:$0x3F30] =	vst v0  }
0x3d: {  	[tilespmem:$0x3F40] =	vst v0  }
0x3e: {  	[tilespmem:$0x3F50] =	vst v0  }
0x3f: {  	[tilespmem:$0x3F60] =	vst v0  }
0x40: {  	[tilespmem:$0x3F70] =	vst v0  }
0x41: {  	[tilespmem:$0x3F80] =	vst v0  }
0x42: {  	[tilespmem:$0x3F90] =	vst v0  }
0x43: {  	[tilespmem:$0x3FA0] =	vst v0  }
0x44: {  	[tilespmem:$0x3FB0] =	vst v0  }
0x45: {  	[tilespmem:$0x3FC0] =	vst v0  }
0x46: {  	[tilespmem:$0x3FD0] =	vst v0  }
0x47: {  	[tilespmem:$0x3FE0] =	vst v0  }
0x48: {  	[tilespmem:$0x3FF0] =	vst v0  }
0x49: {  	[tilespmem:$0x4000] =	vst v0  }
0x4a: {  	[tilespmem:$0x4010] =	vst v0  }
0x4b: {  	[tilespmem:$0x4020] =	vst v0  }
0x4c: {  	[tilespmem:$0x4030] =	vst v0  }
0x4d: {  	[tilespmem:$0x4040] =	vst v0  }
0x4e: {  	[tilespmem:$0x4050] =	vst v0  }
0x4f: {  	[tilespmem:$0x4060] =	vst v0  }
0x50: {  	[tilespmem:$0x4070] =	vst v0  }
0x51: {  	[tilespmem:$0x4080] =	vst v0  }
0x52: {  	[tilespmem:$0x4090] =	vst v0  }
0x53: {  	[tilespmem:$0x40A0] =	vst v0  }
0x54: {  	[tilespmem:$0x40B0] =	vst v0  }
0x55: {  	[tilespmem:$0x40C0] =	vst v0  }
0x56: {  	[tilespmem:$0x40D0] =	vst v0  }
0x57: {  	[tilespmem:$0x40E0] =	vst v0  }
0x58: {  	s13 =	simm.s32 $0x0;
	[tilespmem:$0x40F0] =	vst v0  }
.LBB2_6:
0x59: {  	s14 =	smul.u32 $0xA000, s13;
	_ =	sdelay $0x1  }
0x5a: {  	s14 =	sshra.s32 s14, $0x2  }
0x5b: {  	s14 =	sadd.s32 s14, s5  }
0x5c: {  	[tilespmem:s10], [sflag:$0x1] =	stream.linear.gather [spmem:s14], $0x280, $0x38;
	[tilespmem:$0x6900] =	vst v63  }
0x5d: {  	_ =	swait.ge [sflag:s8], $0x280  }
0x5e: {  	[sflag:s8] =	ssyncset.done $0x0  }
0x5f: {  	s14 =	simm.s32 $0x0;
	[sflag:s8] =	ssyncadd.s32 $0xFFFFFD80  }
0x60: {  	s15 =	simm.s32 $0x40;
	v2 =	vld [tilespmem:s14+$0x3C00]  }
.LBB2_7:
0x61: {  	p0 =	sne.s32 s15, $0x9C0;
	v3 =	vld [tilespmem:s14+$0x3E80];
	_ =	sdelay $0x2  }
.Ltmp2:
0x62: {  	(pc) =	sbr.rel @p0 .LBB2_7-.Ltmp2, $4  }
0x63: {  	_ = 	snop  }
0x64: {  	v3 =	vadd.f32 v2, v3  }
0x65: {  	s16 =	sshra.s32 s15, $0x2  }
0x66: {  	s15 =	sadd.s32 $0x40, s15;
	v2 =	vld [tilespmem:s16+$0x3C00];
	[tilespmem:s14+$0x3E80] =	vst v3;
	s14 =	smov.u32 s16  }
0x67: {  	v3 =	vld [tilespmem:s14+$0x3E80]  }
0x68: {  	s13 =	sadd.s32 $0x1, s13  }
0x69: {  	p0 =	sne.s32 s13, $0x10  }
.Ltmp3:
0x6a: {  	_ = 	snop;
	(pc) =	sbr.rel @p0 .LBB2_6-.Ltmp3, $3  }
0x6b: {  	_ = 	snop  }
0x6c: {  	v2 =	vadd.f32 v2, v3;
	_ =	sdelay $0x1  }
0x6d: {  	[tilespmem:s14+$0x3E80] =	vst v2  }
0x6e: {  	s12 =	sadd.s32 $0x1, s12  }
0x6f: {  	p0 =	sne.s32 s12, s7  }
.Ltmp4:
0x70: {  	_ = 	snop;
	(pc) =	sbr.rel @p0 .LBB2_1-.Ltmp4, $4  }
0x71: {  	[hbm4b:s6+s2] =	stream.linear.scatter [tilespmem:s11], [sflag:$0x1], $0x280, $0x38;
	[tilespmem:$0x6900] =	vst v63  }
0x72: {  	_ =	swait.ge [sflag:s8], $0x280  }
0x73: {  	[sflag:s8] =	ssyncset.done $0x0  }
0x74: {  	[sflag:s8] =	ssyncadd.s32 $0xFFFFFD80  }
0x75: {  	_ =	sfence.sel $0x180000  }
0x76: {  	[bflag:$0x0] =	sbarrier.arrive $0xFFFF  }
0x77: {  	p0 =	sne.s32 s1, $0x0;
	_ =	strace $0x90000047  }
0x78: {  	s0 =	sadd.s32 @!p0 $0x100000, s0;
	[bflag:$0x2] =	sbarrier.arrive $0xFFFF  }
0x79: {  	[sflag:s0] =	ssyncadd.tile.s32 @!p0 $0x1;
	_ =	shalt  }
.Lfunc_end2:
_tile_overlayer_lowered:
.L_overlay_start_2:
0x7a: {  	(tag) =	ssettag $0x2  }
0x7b: {  	s0 =	rddreg [dreg:$0x0];
	s2 =	stileid.u32  }
0x7c: {  	s1 =	rddreg [dreg:$0x1];
	p0 =	sne.s32 s2, $0x0  }
0x7d: {  	s3 =	rddreg [dreg:$0x2];
	[bflag:$0x3] =	sbarrier.arrive $0xFFFF;
	s2 =	simm.s32 @!p0 $0x1C01  }
0x7e: {  	[timem:s3], [sflag:s2] =	dma.local @!p0 [hbm:s0], s1  }
0x7f: {  	s0 =	simm.s32 @!p0 $0x1  }
0x80: {  	_ =	swait.ge @!p0 [sflag:s0], s1  }
0x81: {  	s1 =	ssub.s32 @!p0 $0x0, s1;
	[sflag:s0] =	ssyncset.done @!p0 $0x0  }
0x82: {  	[sflag:s0] =	ssyncadd.s32 @!p0 s1  }
0x83: {  	[bflag:$0x3] =	sbarrier.arrive $0xFFFF  }
0x84: {  	_ =	shalt  }

// kernel: kernel.13.cloned.1.call-start
scs
__scs_entry_jumppad:
0x0: {  	(pc) =	sbr.rel $0x88, $3  }
0x1: {  	(tag) =	ssettag $0x0;
	lr =	simm.s32 $0x1  }
0x2: {  	[smem:$0x3F95] =	sst lr;
	_ =	strace $0xD0000000  }
0x3: {  	_ = 	snop  }
0x4: {  	_ = 	snop  }
0x5: {  	_ = 	snop  }
0x6: {  	_ = 	snop  }
0x7: {  	_ = 	snop  }
__scs_overlays_trampoline_lowered:
0x8: {  	[smem:$0x3FA4] =	sst s0  }
0x9: {  	[smem:$0x3FA5] =	sst s1  }
0xa: {  	[smem:$0x3FA6] =	sst s2  }
0xb: {  	[smem:$0x3FA7] =	sst s3  }
0xc: {  	[smem:$0x3FA8] =	sst s4  }
0xd: {  	[smem:$0x3FA9] =	sst s5  }
0xe: {  	[smem:$0x3FAA] =	sst s6  }
0xf: {  	[smem:$0x3FAB] =	sst s7  }
0x10: {  	[smem:$0x3FAC] =	sst s8  }
0x11: {  	[smem:$0x3FAD] =	sst s9;
	s0 =	simm.s32 @!p0 $0x0  }
0x12: {  	s1 =	sld [smem:$0x3F93];
	s0 =	simm.s32 @p0 $0x1  }
0x13: {  	[smem:$0x3FAE] =	sst s0;
	s0 =	simm.s32 @!p1 $0x0  }
0x14: {  	s2 =	sld [smem:$0x3F92];
	s0 =	simm.s32 @p1 $0x1  }
0x15: {  	[smem:$0x3FAF] =	sst s0;
	s0 =	simm.s32 @!p2 $0x0  }
0x16: {  	s3 =	sld [smem:$0x3FDB];
	s0 =	simm.s32 @p2 $0x1  }
0x17: {  	s4 =	simm.s32 $0x1BF5;
	[smem:$0x3FB1] =	sst s0  }
0x18: {  	s0 =	sld [smem:$0x3F94];
	_ =	swait.ge [sflag:s4], $0x0  }
0x19: {  	s7 =	sld [smem:$0x3F95]  }
0x1a: {  	s8 =	sadd.s32 $0xFFFFE003, lr  }
0x1b: {  	s9 =	sadd.s32 $0xFFFFFEF7, lr;
	s5 =	simm.s32 $0xFFFFFFFF;
	p2 =	slt.u32 s8, $0xFFFFF086  }
0x1c: {  	p1 =	slt.u32 s9, $0xF7A;
	s5 =	simm.s32 @!p2 $0x0  }
0x1d: {  	s5 =	simm.s32 @p1 $0x1;
	p0 =	seq.s32 s7, s2  }
0x1e: {  	s7 =	smul.u32 @!p0 $0xF7A, s2;
	p2 =	seq.s32 @!p0 s5, $0x0  }
0x1f: {  	s9 =	smul.u32 $0xF7A, s1;
	s8 =	simm.s32 @!p0 $0x1BF5;
	p2 =	por !p2, p0  }
0x20: {  	[sflag:s8] =	ssyncset.s32 @!p0 $0xFFFFF086;
	s6 =	sadd.s32 @!p0 s3, s7;
	s7 =	simm.s32 @!p0 $0x108  }
0x21: {  	s3 =	sadd.s32 s3, s9;
	s6 =	sadd.s32 @!p0 $0x88, s6;
	s7 =	simm.s32 @p2 $0x1082  }
0x22: {  	[simem:s7], [sflag:s8] =	dma.local @!p0 [hbm:s6], $0xF7A  }
0x23: {  	s9 =	sor.u32 $0xD0000000, s2;
	s6 =	simm.s32 $0x108;
	_ =	swait.ge @!p0 [sflag:s8], $0x0  }
0x24: {  	s3 =	sadd.s32 $0x88, s3;
	s6 =	simm.s32 @!p1 $0x1082;
	[sflag:s4] =	ssyncset.s32 $0xFFFFF086  }
0x25: {  	[simem:s6], [sflag:s4] =	dma.local [hbm:s3], $0xF7A  }
0x26: {  	[smem:$0x3F95] =	sst s1;
	(tag) =	ssettag s2;
	_ =	strace s9  }
0x27: {  	s1 =	sld [smem:$0x3FA5]  }
0x28: {  	s2 =	sld [smem:$0x3FA6]  }
0x29: {  	s4 =	sld [smem:$0x3FA8]  }
0x2a: {  	p0 =	seq.s32 s5, $0x0;
	s5 =	sld [smem:$0x3FA9]  }
0x2b: {  	s6 =	sld [smem:$0x3FAA]  }
0x2c: {  	s7 =	sld [smem:$0x3FAB]  }
0x2d: {  	s3 =	simm.s32 $0x108;
	s8 =	sld [smem:$0x3FAC]  }
0x2e: {  	s3 =	simm.s32 @!p0 $0x1082;
	s9 =	sld [smem:$0x3FAD]  }
0x2f: {  	lr =	sadd.s32 s0, s3;
	s0 =	sld [smem:$0x3FA4]  }
0x30: {  	s3 =	sld [smem:$0x3FA7]  }
0x31: {  	[smem:$0x3FB0] =	sst s10  }
0x32: {  	s10 =	sld [smem:$0x3FAE];
	_ =	sdelay $0x3  }
0x33: {  	p0 =	seq.s32 s10, $0x1;
	s10 =	sld [smem:$0x3FB0];
	_ =	sdelay $0x3  }
0x34: {  	[smem:$0x3FB0] =	sst s10  }
0x35: {  	s10 =	sld [smem:$0x3FAF];
	_ =	sdelay $0x3  }
0x36: {  	p1 =	seq.s32 s10, $0x1;
	s10 =	sld [smem:$0x3FB0];
	_ =	sdelay $0x3  }
0x37: {  	[smem:$0x3FB0] =	sst s10  }
0x38: {  	s10 =	sld [smem:$0x3FB1]  }
0x39: {  	_ = 	snop;
	(pc) =	sbr.ind lr, $3  }
0x3a: {  	_ = 	snop  }
0x3b: {  	_ = 	snop  }
0x3c: {  	p2 =	seq.s32 s10, $0x1;
	s10 =	sld [smem:$0x3FB0]  }
0x3d: {  	_ =	shalt  }
0x3e: {  	_ =	shalt  }
0x3f: {  	_ =	shalt  }
0x40: {  	_ =	shalt  }
0x41: {  	_ =	shalt  }
0x42: {  	_ =	shalt  }
0x43: {  	_ =	shalt  }
0x44: {  	_ =	shalt  }
0x45: {  	_ =	shalt  }
0x46: {  	_ =	shalt  }
0x47: {  	_ =	shalt  }
0x48: {  	_ =	shalt  }
0x49: {  	_ =	shalt  }
0x4a: {  	_ =	shalt  }
0x4b: {  	_ =	shalt  }
0x4c: {  	_ =	shalt  }
0x4d: {  	_ =	shalt  }
0x4e: {  	_ =	shalt  }
0x4f: {  	_ =	shalt  }
0x50: {  	_ =	shalt  }
0x51: {  	_ =	shalt  }
0x52: {  	_ =	shalt  }
0x53: {  	_ =	shalt  }
0x54: {  	_ =	shalt  }
0x55: {  	_ =	shalt  }
0x56: {  	_ =	shalt  }
0x57: {  	_ =	shalt  }
0x58: {  	_ =	shalt  }
0x59: {  	_ =	shalt  }
0x5a: {  	_ =	shalt  }
0x5b: {  	_ =	shalt  }
0x5c: {  	_ =	shalt  }
0x5d: {  	_ =	shalt  }
0x5e: {  	_ =	shalt  }
0x5f: {  	_ =	shalt  }
0x60: {  	_ =	shalt  }
0x61: {  	_ =	shalt  }
0x62: {  	_ =	shalt  }
0x63: {  	_ =	shalt  }
0x64: {  	_ =	shalt  }
0x65: {  	_ =	shalt  }
0x66: {  	_ =	shalt  }
0x67: {  	_ =	shalt  }
0x68: {  	_ =	shalt  }
0x69: {  	_ =	shalt  }
0x6a: {  	_ =	shalt  }
0x6b: {  	_ =	shalt  }
0x6c: {  	_ =	shalt  }
0x6d: {  	_ =	shalt  }
0x6e: {  	_ =	shalt  }
0x6f: {  	_ =	shalt  }
0x70: {  	_ =	shalt  }
0x71: {  	_ =	shalt  }
0x72: {  	_ =	shalt  }
0x73: {  	_ =	shalt  }
0x74: {  	_ =	shalt  }
0x75: {  	_ =	shalt  }
0x76: {  	_ =	shalt  }
0x77: {  	_ =	shalt  }
0x78: {  	_ =	shalt  }
0x79: {  	_ =	shalt  }
0x7a: {  	_ =	shalt  }
0x7b: {  	_ =	shalt  }
0x7c: {  	_ =	shalt  }
0x7d: {  	_ =	shalt  }
0x7e: {  	_ =	shalt  }
0x7f: {  	_ =	shalt  }
0x80: {  	_ =	shalt  }
0x81: {  	_ =	shalt  }
0x82: {  	_ =	shalt  }
0x83: {  	_ =	shalt  }
0x84: {  	_ =	shalt  }
0x85: {  	_ =	shalt  }
0x86: {  	_ =	shalt  }
0x87: {  	_ =	shalt  }
.Lfunc_end0:
.L_simem_size_0:
called_computation.1_lowered:
.L_overlay_start_0:
0x88: {  	s2 =	sld [smem:$0x3FD9]  }
0x89: {  	s3 =	sld [smem:$0x3FFE];
	_ =	sdelay $0x1  }
0x8a: {  	s1 =	srdreg.scid  }
0x8b: {  	s0 =	sand.u32 $0x1, s1  }
0x8c: {  	s17 =	sshll.u32 s0, $0xA;
	s2 =	sadd.s32 s3, s2  }
0x8d: {  	s2 =	sadd.s32 s2, s17  }
0x8e: {  	[smem:$0x3FBC] =	sst s2  }
0x8f: {  	_ = 	snop  }
0x90: {  	s2 =	sld [smem:$0x3FD0];
	(tm) =	ssettm $0x1  }
0x91: {  	s18 =	sld [smem:$0x3FFB];
	_ =	sdelay $0x3  }
0x92: {  	_ =	strace s18  }
0x93: {  	s3 =	sld [smem:$0x3FFC];
	_ =	sdelay $0x3  }
0x94: {  	_ =	strace s3  }
0x95: {  	s3 =	sld [smem:$0x3FFD];
	_ =	sdelay $0x3  }
0x96: {  	_ =	strace s3  }
0x97: {  	_ =	strace $0x8FFFFFFF  }
0x98: {  	s19 =	sld [smem:$0x3FDB];
	_ =	sdelay $0x1  }
0x99: {  	s4 =	simm.s32 $_scs_section_size  }
0x9a: {  	s5 =	simm.s32 $_size__tile_overlayer_lowered;
	s6 =	simm.s32 $_tile_overlayer_lowered  }
0x9b: {  	s22 =	simm.s32 $0x1BFF;
	s21 =	sshll.u32 s6, $0x1;
	s3 =	sadd.s32 s4, s19  }
0x9c: {  	s7 =	simm.s32 $0x0;
	s20 =	sshll.u32 s5, $0x1;
	s5 =	sadd.s32 s21, s3  }
0x9d: {  	[timem:s7], [sflag:s22] =	dma.local [hbm:s5], s20  }
0x9e: {  	_ =	swait.ge [sflag:s22], s20  }
0x9f: {  	s4 =	ssub.s32 $0x0, s20;
	[sflag:s22] =	ssyncset.done $0x0  }
0xa0: {  	[sflag:s22] =	ssyncadd.s32 s4;
	_ =	sdelay $0x1  }
0xa1: {  	s23 =	simm.s32 $0x1B8B  }
0xa2: {  	_ =	swait.ge [sflag:s23], $0x1  }
0xa3: {  	[sflag:s23] =	ssyncset.done $0x0  }
0xa4: {  	s25 =	simm.s32 $0x1B8E;
	s24 =	sld [smem:$0x3FFE];
	[sflag:s23] =	ssyncadd.s32 $0xFFFFFFFF  }
0xa5: {  	s26 =	simm.s32 $execute0_lowered;
	[smem:$0x3FD2] =	sst s25  }
0xa6: {  	s5 =	sshll.u32 s26, $0x1;
	_ =	strace $0x80000049;
	[dreg:$0x1] =	wrdreg $0xFFFFFFFF  }
0xa7: {  	s28 =	simm.s32 $_size_execute0_lowered;
	s3 =	sadd.s32 s3, s5;
	[dreg:$0x0] =	wrdreg $0x0  }
0xa8: {  	s5 =	sshll.u32 s28, $0x1;
	[dreg:$0x2] =	wrdreg s3  }
0xa9: {  	[dreg:$0x3] =	wrdreg s5  }
0xaa: {  	[dreg:$0x4] =	wrdreg $0xC0  }
0xab: {  	_ =	task [dreg:s7], $0x5FFFF  }
0xac: {  	[dreg:$0x1] =	wrdreg $0xFFFFFFFF  }
0xad: {  	[dreg:$0x0] =	wrdreg $0x60  }
0xae: {  	[dreg:$0x2] =	wrdreg s24  }
0xaf: {  	[dreg:$0x3] =	wrdreg s2  }
0xb0: {  	[dreg:$0x4] =	wrdreg $0x118000  }
0xb1: {  	[dreg:$0x5] =	wrdreg $0x9  }
0xb2: {  	_ =	task.clear_ibuf [dreg:s7], $0x6FFFF;
	_ =	strace $0x90000049  }
0xb3: {  	s29 =	simm.s32 $0x9;
	_ =	strace $0x8000004B  }
0xb4: {  	_ =	swait.ge [sflag:s29], $0x1  }
0xb5: {  	[sflag:s29] =	ssyncadd.s32 $0xFFFFFFFF  }
0xb6: {  	_ =	strace $0x9000004B  }
0xb7: {  	_ =	sfence  }
0xb8: {  	s30 =	sld [smem:$0x0];
	_ =	sdelay $0x2  }
0xb9: {  	s31 =	sshll.u32 s1, $0xD;
	s1 =	sshrl.u32 s1, $0x2  }
0xba: {  	s3 =	sand.u32 $0x4000, s31;
	s1 =	sadd.s32 s1, s30  }
0xbb: {  	s0 =	sor.u32 s3, s0;
	s1 =	sshll.u32 s1, $0x11  }
0xbc: {  	s0 =	sor.u32 s1, s0  }
0xbd: {  	s0 =	sadd.s32 $0x8F2B, s0  }
0xbe: {  	[sflag:s0] =	ssyncadd.remote.s32 $0x1  }
0xbf: {  	_ =	sfence.sel $0xFFFF  }
0xc0: {  	[dreg:$0x0] =	wrdreg $0xFFFFFFFF;
	(pc) =	sbr.abs _section_cstart, $3  }
0xc1: {  	[dreg:$0x1] =	wrdreg $0xFFFFFFFF  }
0xc2: {  	_ =	task.clear_ibuf [dreg:s7], $0x2FFFF;
	_ =	strace $0x9FFFFFFF  }
0xc3: {  	(tm) =	ssettm $0x7FFFFFFF  }
tec
execute0_lowered:
.L_overlay_start_1:
0x0: {  	(tag) =	ssettag $0x1  }
0x1: {  	s0 =	srdreg.scid;
	s1 =	rddreg [dreg:$0x0]  }
0x2: {  	s11 =	stileid.u32;
	s5 =	rddreg [dreg:$0x1];
	s16 =	simm.s32 $0x9  }
0x3: {  	s17 =	simm.s32 $0x2800;
	s19 =	simm.s32 $0xF800;
	s20 =	simm.s32 $0x80  }
0x4: {  	s28 =	simm.s32 $0x1;
	s29 =	simm.s32 $0x2;
	s7 =	smul.u32 $0x280, s11  }
0x5: {  	s30 =	simm.s32 $0x3;
	s31 =	simm.s32 $0x4;
	s10 =	smul.u32 $0x500, s11  }
0x6: {  	s18 =	simm.s32 $0x6;
	s0 =	sand.u32 $0x1, s0;
	s21 =	smul.u32 $0x28000, s11  }
0x7: {  	s4 =	sadd.s32 $0xAE400, s1;
	s2 =	sshll.u32 s0, $0x4;
	s8 =	smul.u32 $0x2800, s0  }
0x8: {  	s0 =	ssub.s32 $0x2, s0;
	s3 =	sor.u32 s11, s2;
	s2 =	rddreg [dreg:$0x2]  }
0x9: {  	s10 =	sadd.s32 s10, s1;
	s22 =	sshrl.u32 s0, $0x1;
	s23 =	sshrl.u32 s21, $0x2  }
0xa: {  	s21 =	simm.s32 $0x7800;
	s6 =	smul.u32 $0x500, s3;
	s3 =	simm.s32 $0x0  }
0xb: {  	s7 =	sadd.s32 s7, s8;
	s0 =	ssub.s32 s0, s22;
	s25 =	sadd.s32 $0x2600, s10  }
0xc: {  	s8 =	sadd.s32 s23, s2;
	s22 =	simm.s32 $0x9800;
	s23 =	simm.s32 $0x7  }
0xd: {  	[smem:$0x7FF] =	sst s3;
	s7 =	sshll.u32 s7, $0x3;
	s0 =	smax.u32 s0, $0x1  }
0xe: {  	s12 =	sadd.s32 $0x2000, s8;
	s13 =	sadd.s32 $0x4000, s8;
	s14 =	sadd.s32 $0x6000, s8  }
0xf: {  	s15 =	sadd.s32 $0x8000, s8;
	_ =	strace $0x8000004A;
	[dreg:$0x6] =	wrdreg s25  }
0x10: {  	s9 =	sadd.s32 s6, s1;
	s5 =	sadd.s32 s5, s6;
	[dreg:$0x9] =	wrdreg s0  }
0x11: {  	s1 =	sadd.s32 s7, s1;
	[dreg:$0x4] =	wrdreg s5;
	s24 =	sadd.s32 $0x8000, s9  }
0x12: {  	s25 =	simm.s32 $0x8;
	s26 =	sadd.s32 $0xFC600, s1;
	[dreg:$0x5] =	wrdreg s24  }
0x13: {  	s6 =	simm.s32 $0x7700;
	s1 =	sadd.s32 $0x124600, s1;
	[dreg:$0x7] =	wrdreg s26  }
0x14: {  	s7 =	simm.s32 $0x7780;
	s5 =	simm.s32 $0x7680;
	[dreg:$0x8] =	wrdreg s1  }
0x15: {  	v0 =	vimm.f32 $0.0e+00;
	s24 =	simm.s32 $0xB800;
	s26 =	simm.s32 $0xD800;
	s1 =	simm.s32 $0x5  }
.LBB2_1:
0x16: {  	s10 =	simm.s32 $0x100;
	s9 =	simm.s32 $0x0  }
.LBB2_2:
0x17: {  	p0 =	sne.s32 s10, $0x7F00;
	[tilespmem:s9+$0xF830] =	vst v0;
	s11 =	smov.u32 s10;
	s10 =	sadd.s32 $0x100, s10  }
.Ltmp0:
0x18: {  	[tilespmem:s9+$0xF820] =	vst v0;
	(pc) =	sbr.rel @p0 .LBB2_2-.Ltmp0, $3  }
0x19: {  	[tilespmem:s9+$0xF800] =	vst v0  }
0x1a: {  	[tilespmem:s9+$0xF810] =	vst v0;
	_ =	sdelay $0x1  }
0x1b: {  	s9 =	sshra.s32 s11, $0x2  }
0x1c: {  	[tilespmem:s9+$0xF830] =	vst v0  }
0x1d: {  	[tilespmem:s9+$0xF820] =	vst v0  }
0x1e: {  	[tilespmem:s9+$0xF800] =	vst v0  }
0x1f: {  	[tilespmem:s9+$0xF810] =	vst v0;
	s9 =	simm.s32 $0x0;
	s0 =	rddreg [dreg:$0x4]  }
0x20: {  	[tilespmem:s9], [sflag:$0x9] =	stream.linear.gather [hbm4b:s0+s9], $0x2800, $0x38;
	[tilespmem:$0x1B800] =	vst v63  }
0x21: {  	_ =	swait.ge [sflag:s16], $0x2800  }
0x22: {  	[sflag:s16] =	ssyncset.done $0x0  }
0x23: {  	s10 =	rddreg [dreg:$0x5];
	[sflag:s16] =	ssyncadd.s32 $0xFFFFD800  }
0x24: {  	[tilespmem:s17], [sflag:$0x9] =	stream.linear.gather [hbm4b:s10+s9], $0x2800, $0x38;
	[tilespmem:$0x1B800] =	vst v63  }
0x25: {  	_ =	swait.ge [sflag:s16], $0x2800  }
0x26: {  	[sflag:s16] =	ssyncset.done $0x0  }
0x27: {  	s10 =	simm.s32 $0x5000;
	s11 =	rddreg [dreg:$0x6];
	[sflag:s16] =	ssyncadd.s32 $0xFFFFD800  }
0x28: {  	[tilespmem:s10], [sflag:$0x9] =	stream.linear.gather [hbm4b:s11+s9], $0x2800, $0x38;
	[tilespmem:$0x1B800] =	vst v63  }
0x29: {  	_ =	swait.ge [sflag:s16], $0x2800  }
0x2a: {  	[sflag:s16] =	ssyncset.done $0x0  }
0x2b: {  	[sflag:s16] =	ssyncadd.s32 $0xFFFFD800  }
0x2c: {  	[spmem:s8] =	stream.linear.scatter [tilespmem:s19], [sflag:$0x9], $0x2000, $0x38;
	[tilespmem:$0x1B800] =	vst v63  }
0x2d: {  	_ =	swait.ge [sflag:s16], $0x2000  }
0x2e: {  	[sflag:s16] =	ssyncset.done $0x0  }
0x2f: {  	[sflag:s16] =	ssyncadd.s32 $0xFFFFE000  }
0x30: {  	[spmem:s12] =	stream.linear.scatter [tilespmem:s19], [sflag:$0x9], $0x2000, $0x38;
	[tilespmem:$0x1B800] =	vst v63  }
0x31: {  	_ =	swait.ge [sflag:s16], $0x2000  }
0x32: {  	[sflag:s16] =	ssyncset.done $0x0  }
0x33: {  	[sflag:s16] =	ssyncadd.s32 $0xFFFFE000  }
0x34: {  	[spmem:s13] =	stream.linear.scatter [tilespmem:s19], [sflag:$0x9], $0x2000, $0x38;
	[tilespmem:$0x1B800] =	vst v63  }
0x35: {  	_ =	swait.ge [sflag:s16], $0x2000  }
0x36: {  	[sflag:s16] =	ssyncset.done $0x0  }
0x37: {  	[sflag:s16] =	ssyncadd.s32 $0xFFFFE000  }
0x38: {  	[spmem:s14] =	stream.linear.scatter [tilespmem:s19], [sflag:$0x9], $0x2000, $0x38;
	[tilespmem:$0x1B800] =	vst v63  }
0x39: {  	_ =	swait.ge [sflag:s16], $0x2000  }
0x3a: {  	[sflag:s16] =	ssyncset.done $0x0  }
0x3b: {  	[sflag:s16] =	ssyncadd.s32 $0xFFFFE000  }
0x3c: {  	[spmem:s15] =	stream.linear.scatter [tilespmem:s19], [sflag:$0x9], $0x2000, $0x38;
	[tilespmem:$0x1B800] =	vst v63  }
0x3d: {  	_ =	swait.ge [sflag:s16], $0x2000  }
0x3e: {  	[sflag:s16] =	ssyncset.done $0x0  }
0x3f: {  	[sflag:s16] =	ssyncadd.s32 $0xFFFFE000  }
0x40: {  	[bflag:$0x0] =	sbarrier.arrive $0xFFFF  }
0x41: {  	[tilespmem:s21], [sflag:$0x1] =	stream.indirect.gather [hbm4b:s4+s20], $0x40, s9, s20, $0xb8;
	[tilespmem:$0x1B800] =	vst v63  }
0x42: {  	_ = 	snop  }
0x43: {  	[tilespmem:s22], [sflag:$0x2] =	stream.indirect.gather [hbm4b:s4+s20], $0x40, s20, s20, $0xb8;
	[tilespmem:$0x1B800] =	vst v63  }
0x44: {  	s9 =	simm.s32 $0x100  }
0x45: {  	[tilespmem:s24], [sflag:$0x3] =	stream.indirect.gather [hbm4b:s4+s20], $0x40, s9, s20, $0xb8;
	[tilespmem:$0x1B800] =	vst v63  }
0x46: {  	s10 =	simm.s32 $0x180  }
0x47: {  	[tilespmem:s26], [sflag:$0x4] =	stream.indirect.gather [hbm4b:s4+s20], $0x40, s10, s20, $0xb8;
	[tilespmem:$0x1B800] =	vst v63  }
0x48: {  	_ =	swait.ge [sflag:s28], $0x2000  }
0x49: {  	[sflag:s28] =	ssyncset.done $0x0  }
0x4a: {  	s11 =	simm.s32 $0x5000;
	[sflag:s28] =	ssyncadd.s32 $0xFFFFE000  }
0x4b: {  	[spmem:s2] =	stream.indirect.scatter.add.f32 [tilespmem:s21], [sflag:$0x5], $0x40, s11, s20, $0xb8;
	[tilespmem:$0x1B800] =	vst v63  }
0x4c: {  	_ =	swait.ge [sflag:s29], $0x2000  }
0x4d: {  	[sflag:s29] =	ssyncset.done $0x0  }
0x4e: {  	s0 =	simm.s32 $0x5080;
	[sflag:s29] =	ssyncadd.s32 $0xFFFFE000  }
0x4f: {  	[spmem:s2] =	stream.indirect.scatter.add.f32 [tilespmem:s22], [sflag:$0x6], $0x40, s0, s20, $0xb8;
	[tilespmem:$0x1B800] =	vst v63  }
0x50: {  	_ =	swait.ge [sflag:s30], $0x2000  }
0x51: {  	[sflag:s30] =	ssyncset.done $0x0  }
0x52: {  	s10 =	simm.s32 $0x5100;
	[sflag:s30] =	ssyncadd.s32 $0xFFFFE000  }
0x53: {  	[spmem:s2] =	stream.indirect.scatter.add.f32 [tilespmem:s24], [sflag:$0x7], $0x40, s10, s20, $0xb8;
	[tilespmem:$0x1B800] =	vst v63  }
0x54: {  	_ =	swait.ge [sflag:s31], $0x2000  }
0x55: {  	[sflag:s31] =	ssyncset.done $0x0  }
0x56: {  	s11 =	simm.s32 $0x5180;
	[sflag:s31] =	ssyncadd.s32 $0xFFFFE000  }
0x57: {  	[spmem:s2] =	stream.indirect.scatter.add.f32 [tilespmem:s26], [sflag:$0x8], $0x40, s11, s20, $0xb8;
	[tilespmem:$0x1B800] =	vst v63  }
0x58: {  	_ =	swait.ge [sflag:s1], $0x2000  }
0x59: {  	[sflag:s1] =	ssyncset.done $0x0  }
0x5a: {  	s0 =	simm.s32 $0x200;
	[sflag:s1] =	ssyncadd.s32 $0xFFFFE000  }
0x5b: {  	[tilespmem:s21], [sflag:$0x1] =	stream.indirect.gather [hbm4b:s4+s20], $0x40, s0, s20, $0xb8;
	[tilespmem:$0x1B800] =	vst v63  }
0x5c: {  	_ =	swait.ge [sflag:s18], $0x2000  }
0x5d: {  	[sflag:s18] =	ssyncset.done $0x0  }
0x5e: {  	s10 =	simm.s32 $0x280;
	[sflag:s18] =	ssyncadd.s32 $0xFFFFE000  }
0x5f: {  	[tilespmem:s22], [sflag:$0x2] =	stream.indirect.gather [hbm4b:s4+s20], $0x40, s10, s20, $0xb8;
	[tilespmem:$0x1B800] =	vst v63  }
0x60: {  	_ =	swait.ge [sflag:s23], $0x2000  }
0x61: {  	[sflag:s23] =	ssyncset.done $0x0  }
0x62: {  	s11 =	simm.s32 $0x300;
	[sflag:s23] =	ssyncadd.s32 $0xFFFFE000  }
0x63: {  	[tilespmem:s24], [sflag:$0x3] =	stream.indirect.gather [hbm4b:s4+s20], $0x40, s11, s20, $0xb8;
	[tilespmem:$0x1B800] =	vst v63  }
0x64: {  	_ =	swait.ge [sflag:s25], $0x2000  }
0x65: {  	[sflag:s25] =	ssyncset.done $0x0  }
0x66: {  	s9 =	simm.s32 $0x800;
	s10 =	simm.s32 $0x380;
	[sflag:s25] =	ssyncadd.s32 $0xFFFFE000  }
.LBB2_4:
0x67: {  	[tilespmem:s26], [sflag:$0x4] =	stream.indirect.gather [hbm4b:s4+s20], $0x40, s10, s20, $0xb8;
	[tilespmem:$0x1B800] =	vst v63  }
0x68: {  	s10 =	smov.u32 s9  }
0x69: {  	p0 =	sne.s32 s9, $0x9000;
	s9 =	sadd.s32 $0x800, s9;
	_ =	swait.ge [sflag:s28], $0x2000  }
0x6a: {  	s10 =	sshra.s32 s10, $0x2;
	[sflag:s28] =	ssyncset.done $0x0  }
0x6b: {  	s11 =	sadd.s32 $0x5000, s10;
	[sflag:s28] =	ssyncadd.s32 $0xFFFFE000  }
0x6c: {  	[spmem:s2] =	stream.indirect.scatter.add.f32 [tilespmem:s21], [sflag:$0x5], $0x40, s11, s20, $0xb8;
	[tilespmem:$0x1B800] =	vst v63  }
0x6d: {  	_ =	swait.ge [sflag:s29], $0x2000  }
0x6e: {  	[sflag:s29] =	ssyncset.done $0x0  }
0x6f: {  	s11 =	sadd.s32 $0x5080, s10;
	[sflag:s29] =	ssyncadd.s32 $0xFFFFE000  }
0x70: {  	[spmem:s2] =	stream.indirect.scatter.add.f32 [tilespmem:s22], [sflag:$0x6], $0x40, s11, s20, $0xb8;
	[tilespmem:$0x1B800] =	vst v63  }
0x71: {  	_ =	swait.ge [sflag:s30], $0x2000  }
0x72: {  	[sflag:s30] =	ssyncset.done $0x0  }
0x73: {  	s11 =	sadd.s32 $0x5100, s10;
	[sflag:s30] =	ssyncadd.s32 $0xFFFFE000  }
0x74: {  	[spmem:s2] =	stream.indirect.scatter.add.f32 [tilespmem:s24], [sflag:$0x7], $0x40, s11, s20, $0xb8;
	[tilespmem:$0x1B800] =	vst v63  }
0x75: {  	_ =	swait.ge [sflag:s31], $0x2000  }
0x76: {  	[sflag:s31] =	ssyncset.done $0x0  }
0x77: {  	s11 =	sadd.s32 $0x5180, s10;
	[sflag:s31] =	ssyncadd.s32 $0xFFFFE000  }
0x78: {  	[spmem:s2] =	stream.indirect.scatter.add.f32 [tilespmem:s26], [sflag:$0x8], $0x40, s11, s20, $0xb8;
	[tilespmem:$0x1B800] =	vst v63  }
0x79: {  	_ =	swait.ge [sflag:s1], $0x2000  }
0x7a: {  	[sflag:s1] =	ssyncset.done $0x0  }
0x7b: {  	s11 =	sadd.s32 $0x200, s10;
	[sflag:s1] =	ssyncadd.s32 $0xFFFFE000  }
0x7c: {  	[tilespmem:s21], [sflag:$0x1] =	stream.indirect.gather [hbm4b:s4+s20], $0x40, s11, s20, $0xb8;
	[tilespmem:$0x1B800] =	vst v63  }
0x7d: {  	_ =	swait.ge [sflag:s18], $0x2000  }
0x7e: {  	[sflag:s18] =	ssyncset.done $0x0  }
0x7f: {  	s11 =	sadd.s32 $0x280, s10;
	[sflag:s18] =	ssyncadd.s32 $0xFFFFE000  }
0x80: {  	[tilespmem:s22], [sflag:$0x2] =	stream.indirect.gather [hbm4b:s4+s20], $0x40, s11, s20, $0xb8;
	[tilespmem:$0x1B800] =	vst v63  }
0x81: {  	_ =	swait.ge [sflag:s23], $0x2000  }
0x82: {  	[sflag:s23] =	ssyncset.done $0x0  }
.Ltmp1:
0x83: {  	s11 =	sadd.s32 $0x300, s10;
	[sflag:s23] =	ssyncadd.s32 $0xFFFFE000;
	(pc) =	sbr.rel @p0 .LBB2_4-.Ltmp1, $4  }
0x84: {  	[tilespmem:s24], [sflag:$0x3] =	stream.indirect.gather [hbm4b:s4+s20], $0x40, s11, s20, $0xb8;
	[tilespmem:$0x1B800] =	vst v63  }
0x85: {  	_ =	swait.ge [sflag:s25], $0x2000  }
0x86: {  	[sflag:s25] =	ssyncset.done $0x0  }
0x87: {  	s10 =	sadd.s32 $0x380, s10;
	[sflag:s25] =	ssyncadd.s32 $0xFFFFE000  }
0x88: {  	[tilespmem:s26], [sflag:$0x4] =	stream.indirect.gather [hbm4b:s4+s20], $0x40, s10, s20, $0xb8;
	[tilespmem:$0x1B800] =	vst v63  }
0x89: {  	_ =	swait.ge [sflag:s28], $0x2000  }
0x8a: {  	[sflag:s28] =	ssyncset.done $0x0  }
0x8b: {  	s0 =	simm.s32 $0x7600;
	[sflag:s28] =	ssyncadd.s32 $0xFFFFE000  }
0x8c: {  	[spmem:s2] =	stream.indirect.scatter.add.f32 [tilespmem:s21], [sflag:$0x5], $0x40, s0, s20, $0xb8;
	[tilespmem:$0x1B800] =	vst v63  }
0x8d: {  	_ =	swait.ge [sflag:s29], $0x2000  }
0x8e: {  	[sflag:s29] =	ssyncset.done $0x0  }
0x8f: {  	[sflag:s29] =	ssyncadd.s32 $0xFFFFE000  }
0x90: {  	[spmem:s2] =	stream.indirect.scatter.add.f32 [tilespmem:s22], [sflag:$0x6], $0x40, s5, s20, $0xb8;
	[tilespmem:$0x1B800] =	vst v63  }
0x91: {  	_ =	swait.ge [sflag:s30], $0x2000  }
0x92: {  	[sflag:s30] =	ssyncset.done $0x0  }
0x93: {  	[sflag:s30] =	ssyncadd.s32 $0xFFFFE000  }
0x94: {  	[spmem:s2] =	stream.indirect.scatter.add.f32 [tilespmem:s24], [sflag:$0x7], $0x40, s6, s20, $0xb8;
	[tilespmem:$0x1B800] =	vst v63  }
0x95: {  	_ =	swait.ge [sflag:s31], $0x2000  }
0x96: {  	[sflag:s31] =	ssyncset.done $0x0  }
0x97: {  	[sflag:s31] =	ssyncadd.s32 $0xFFFFE000  }
0x98: {  	[spmem:s2] =	stream.indirect.scatter.add.f32 [tilespmem:s26], [sflag:$0x8], $0x40, s7, s20, $0xb8;
	[tilespmem:$0x1B800] =	vst v63  }
0x99: {  	_ =	swait.ge [sflag:s1], $0x2000  }
0x9a: {  	[sflag:s1] =	ssyncset.done $0x0  }
0x9b: {  	[sflag:s1] =	ssyncadd.s32 $0xFFFFE000  }
0x9c: {  	_ =	swait.ge [sflag:s18], $0x2000  }
0x9d: {  	[sflag:s18] =	ssyncset.done $0x0  }
0x9e: {  	[sflag:s18] =	ssyncadd.s32 $0xFFFFE000  }
0x9f: {  	_ =	swait.ge [sflag:s23], $0x2000  }
0xa0: {  	[sflag:s23] =	ssyncset.done $0x0  }
0xa1: {  	[sflag:s23] =	ssyncadd.s32 $0xFFFFE000  }
0xa2: {  	_ =	swait.ge [sflag:s25], $0x2000  }
0xa3: {  	[sflag:s25] =	ssyncset.done $0x0  }
0xa4: {  	s10 =	stileid.u32;
	[sflag:s25] =	ssyncadd.s32 $0xFFFFE000  }
0xa5: {  	s9 =	sshll.u32 s10, $0x6;
	[bflag:$0x0] =	sbarrier.arrive $0xFFFF  }
0xa6: {  	s10 =	sshrl.u32 s8, $0x3;
	s9 =	sor.u32 $0x1C09, s9;
	s11 =	rddreg [dreg:$0x7]  }
0xa7: {  	[hbm:s11], [sflag:s9] =	dma.local [spmem:s10], $0x1400  }
0xa8: {  	_ =	swait.ge [sflag:s16], $0x1400  }
0xa9: {  	[sflag:s16] =	ssyncset.done $0x0  }
0xaa: {  	[sflag:s16] =	ssyncadd.s32 $0xFFFFEC00  }
0xab: {  	[bflag:$0x0] =	sbarrier.arrive $0xFFFF  }
0xac: {  	[spmem:s8] =	stream.linear.scatter [tilespmem:s19], [sflag:$0x9], $0x2000, $0x38;
	[tilespmem:$0x1B800] =	vst v63  }
0xad: {  	_ =	swait.ge [sflag:s16], $0x2000  }
0xae: {  	[sflag:s16] =	ssyncset.done $0x0  }
0xaf: {  	[sflag:s16] =	ssyncadd.s32 $0xFFFFE000  }
0xb0: {  	[spmem:s12] =	stream.linear.scatter [tilespmem:s19], [sflag:$0x9], $0x2000, $0x38;
	[tilespmem:$0x1B800] =	vst v63  }
0xb1: {  	_ =	swait.ge [sflag:s16], $0x2000  }
0xb2: {  	[sflag:s16] =	ssyncset.done $0x0  }
0xb3: {  	[sflag:s16] =	ssyncadd.s32 $0xFFFFE000  }
0xb4: {  	[spmem:s13] =	stream.linear.scatter [tilespmem:s19], [sflag:$0x9], $0x2000, $0x38;
	[tilespmem:$0x1B800] =	vst v63  }
0xb5: {  	_ =	swait.ge [sflag:s16], $0x2000  }
0xb6: {  	[sflag:s16] =	ssyncset.done $0x0  }
0xb7: {  	[sflag:s16] =	ssyncadd.s32 $0xFFFFE000  }
0xb8: {  	[spmem:s14] =	stream.linear.scatter [tilespmem:s19], [sflag:$0x9], $0x2000, $0x38;
	[tilespmem:$0x1B800] =	vst v63  }
0xb9: {  	_ =	swait.ge [sflag:s16], $0x2000  }
0xba: {  	[sflag:s16] =	ssyncset.done $0x0  }
0xbb: {  	[sflag:s16] =	ssyncadd.s32 $0xFFFFE000  }
0xbc: {  	[spmem:s15] =	stream.linear.scatter [tilespmem:s19], [sflag:$0x9], $0x2000, $0x38;
	[tilespmem:$0x1B800] =	vst v63  }
0xbd: {  	_ =	swait.ge [sflag:s16], $0x2000  }
0xbe: {  	[sflag:s16] =	ssyncset.done $0x0  }
0xbf: {  	[sflag:s16] =	ssyncadd.s32 $0xFFFFE000  }
0xc0: {  	[bflag:$0x0] =	sbarrier.arrive $0xFFFF  }
0xc1: {  	[tilespmem:s21], [sflag:$0x1] =	stream.indirect.gather [hbm4b:s4+s20], $0x40, s17, s20, $0xb8;
	[tilespmem:$0x1B800] =	vst v63  }
0xc2: {  	s17 =	simm.s32 $0x2880  }
0xc3: {  	[tilespmem:s22], [sflag:$0x2] =	stream.indirect.gather [hbm4b:s4+s20], $0x40, s17, s20, $0xb8;
	[tilespmem:$0x1B800] =	vst v63  }
0xc4: {  	s11 =	simm.s32 $0x2900  }
0xc5: {  	[tilespmem:s24], [sflag:$0x3] =	stream.indirect.gather [hbm4b:s4+s20], $0x40, s11, s20, $0xb8;
	[tilespmem:$0x1B800] =	vst v63  }
0xc6: {  	s17 =	simm.s32 $0x2980  }
0xc7: {  	[tilespmem:s26], [sflag:$0x4] =	stream.indirect.gather [hbm4b:s4+s20], $0x40, s17, s20, $0xb8;
	[tilespmem:$0x1B800] =	vst v63  }
0xc8: {  	_ =	swait.ge [sflag:s28], $0x2000  }
0xc9: {  	[sflag:s28] =	ssyncset.done $0x0  }
0xca: {  	s11 =	simm.s32 $0x5000;
	[sflag:s28] =	ssyncadd.s32 $0xFFFFE000  }
0xcb: {  	[spmem:s2] =	stream.indirect.scatter.add.f32 [tilespmem:s21], [sflag:$0x5], $0x40, s11, s20, $0xb8;
	[tilespmem:$0x1B800] =	vst v63  }
0xcc: {  	_ =	swait.ge [sflag:s29], $0x2000  }
0xcd: {  	[sflag:s29] =	ssyncset.done $0x0  }
0xce: {  	s0 =	simm.s32 $0x5080;
	[sflag:s29] =	ssyncadd.s32 $0xFFFFE000  }
0xcf: {  	[spmem:s2] =	stream.indirect.scatter.add.f32 [tilespmem:s22], [sflag:$0x6], $0x40, s0, s20, $0xb8;
	[tilespmem:$0x1B800] =	vst v63  }
0xd0: {  	_ =	swait.ge [sflag:s30], $0x2000  }
0xd1: {  	[sflag:s30] =	ssyncset.done $0x0  }
0xd2: {  	s17 =	simm.s32 $0x5100;
	[sflag:s30] =	ssyncadd.s32 $0xFFFFE000  }
0xd3: {  	[spmem:s2] =	stream.indirect.scatter.add.f32 [tilespmem:s24], [sflag:$0x7], $0x40, s17, s20, $0xb8;
	[tilespmem:$0x1B800] =	vst v63  }
0xd4: {  	_ =	swait.ge [sflag:s31], $0x2000  }
0xd5: {  	[sflag:s31] =	ssyncset.done $0x0  }
0xd6: {  	s0 =	simm.s32 $0x5180;
	[sflag:s31] =	ssyncadd.s32 $0xFFFFE000  }
0xd7: {  	[spmem:s2] =	stream.indirect.scatter.add.f32 [tilespmem:s26], [sflag:$0x8], $0x40, s0, s20, $0xb8;
	[tilespmem:$0x1B800] =	vst v63  }
0xd8: {  	_ =	swait.ge [sflag:s1], $0x2000  }
0xd9: {  	[sflag:s1] =	ssyncset.done $0x0  }
0xda: {  	s17 =	simm.s32 $0x2A00;
	[sflag:s1] =	ssyncadd.s32 $0xFFFFE000  }
0xdb: {  	[tilespmem:s21], [sflag:$0x1] =	stream.indirect.gather [hbm4b:s4+s20], $0x40, s17, s20, $0xb8;
	[tilespmem:$0x1B800] =	vst v63  }
0xdc: {  	_ =	swait.ge [sflag:s18], $0x2000  }
0xdd: {  	[sflag:s18] =	ssyncset.done $0x0  }
0xde: {  	s0 =	simm.s32 $0x2A80;
	[sflag:s18] =	ssyncadd.s32 $0xFFFFE000  }
0xdf: {  	[tilespmem:s22], [sflag:$0x2] =	stream.indirect.gather [hbm4b:s4+s20], $0x40, s0, s20, $0xb8;
	[tilespmem:$0x1B800] =	vst v63  }
0xe0: {  	_ =	swait.ge [sflag:s23], $0x2000  }
0xe1: {  	[sflag:s23] =	ssyncset.done $0x0  }
0xe2: {  	s17 =	simm.s32 $0x2B00;
	[sflag:s23] =	ssyncadd.s32 $0xFFFFE000  }
0xe3: {  	[tilespmem:s24], [sflag:$0x3] =	stream.indirect.gather [hbm4b:s4+s20], $0x40, s17, s20, $0xb8;
	[tilespmem:$0x1B800] =	vst v63  }
0xe4: {  	_ =	swait.ge [sflag:s25], $0x2000  }
0xe5: {  	[sflag:s25] =	ssyncset.done $0x0  }
0xe6: {  	s11 =	simm.s32 $0x2B80;
	s17 =	simm.s32 $0x800;
	[sflag:s25] =	ssyncadd.s32 $0xFFFFE000  }
.LBB2_6:
0xe7: {  	[tilespmem:s26], [sflag:$0x4] =	stream.indirect.gather [hbm4b:s4+s20], $0x40, s11, s20, $0xb8;
	[tilespmem:$0x1B800] =	vst v63  }
0xe8: {  	s11 =	smov.u32 s17  }
0xe9: {  	p0 =	sne.s32 s17, $0x9000;
	s17 =	sadd.s32 $0x800, s17;
	_ =	swait.ge [sflag:s28], $0x2000  }
0xea: {  	s11 =	sshra.s32 s11, $0x2;
	[sflag:s28] =	ssyncset.done $0x0  }
0xeb: {  	s0 =	sadd.s32 $0x5000, s11;
	[sflag:s28] =	ssyncadd.s32 $0xFFFFE000  }
0xec: {  	[spmem:s2] =	stream.indirect.scatter.add.f32 [tilespmem:s21], [sflag:$0x5], $0x40, s0, s20, $0xb8;
	[tilespmem:$0x1B800] =	vst v63  }
0xed: {  	_ =	swait.ge [sflag:s29], $0x2000  }
0xee: {  	[sflag:s29] =	ssyncset.done $0x0  }
0xef: {  	s0 =	sadd.s32 $0x5080, s11;
	[sflag:s29] =	ssyncadd.s32 $0xFFFFE000  }
0xf0: {  	[spmem:s2] =	stream.indirect.scatter.add.f32 [tilespmem:s22], [sflag:$0x6], $0x40, s0, s20, $0xb8;
	[tilespmem:$0x1B800] =	vst v63  }
0xf1: {  	_ =	swait.ge [sflag:s30], $0x2000  }
0xf2: {  	[sflag:s30] =	ssyncset.done $0x0  }
0xf3: {  	s0 =	sadd.s32 $0x5100, s11;
	[sflag:s30] =	ssyncadd.s32 $0xFFFFE000  }
0xf4: {  	[spmem:s2] =	stream.indirect.scatter.add.f32 [tilespmem:s24], [sflag:$0x7], $0x40, s0, s20, $0xb8;
	[tilespmem:$0x1B800] =	vst v63  }
0xf5: {  	_ =	swait.ge [sflag:s31], $0x2000  }
0xf6: {  	[sflag:s31] =	ssyncset.done $0x0  }
0xf7: {  	s0 =	sadd.s32 $0x5180, s11;
	[sflag:s31] =	ssyncadd.s32 $0xFFFFE000  }
0xf8: {  	[spmem:s2] =	stream.indirect.scatter.add.f32 [tilespmem:s26], [sflag:$0x8], $0x40, s0, s20, $0xb8;
	[tilespmem:$0x1B800] =	vst v63  }
0xf9: {  	_ =	swait.ge [sflag:s1], $0x2000  }
0xfa: {  	[sflag:s1] =	ssyncset.done $0x0  }
0xfb: {  	s0 =	sadd.s32 $0x2A00, s11;
	[sflag:s1] =	ssyncadd.s32 $0xFFFFE000  }
0xfc: {  	[tilespmem:s21], [sflag:$0x1] =	stream.indirect.gather [hbm4b:s4+s20], $0x40, s0, s20, $0xb8;
	[tilespmem:$0x1B800] =	vst v63  }
0xfd: {  	_ =	swait.ge [sflag:s18], $0x2000  }
0xfe: {  	[sflag:s18] =	ssyncset.done $0x0  }
0xff: {  	s0 =	sadd.s32 $0x2A80, s11;
	[sflag:s18] =	ssyncadd.s32 $0xFFFFE000  }
0x100: {  	[tilespmem:s22], [sflag:$0x2] =	stream.indirect.gather [hbm4b:s4+s20], $0x40, s0, s20, $0xb8;
	[tilespmem:$0x1B800] =	vst v63  }
0x101: {  	_ =	swait.ge [sflag:s23], $0x2000  }
0x102: {  	[sflag:s23] =	ssyncset.done $0x0  }
.Ltmp2:
0x103: {  	s0 =	sadd.s32 $0x2B00, s11;
	[sflag:s23] =	ssyncadd.s32 $0xFFFFE000;
	(pc) =	sbr.rel @p0 .LBB2_6-.Ltmp2, $4  }
0x104: {  	[tilespmem:s24], [sflag:$0x3] =	stream.indirect.gather [hbm4b:s4+s20], $0x40, s0, s20, $0xb8;
	[tilespmem:$0x1B800] =	vst v63  }
0x105: {  	_ =	swait.ge [sflag:s25], $0x2000  }
0x106: {  	[sflag:s25] =	ssyncset.done $0x0  }
0x107: {  	s11 =	sadd.s32 $0x2B80, s11;
	[sflag:s25] =	ssyncadd.s32 $0xFFFFE000  }
0x108: {  	[tilespmem:s26], [sflag:$0x4] =	stream.indirect.gather [hbm4b:s4+s20], $0x40, s11, s20, $0xb8;
	[tilespmem:$0x1B800] =	vst v63  }
0x109: {  	_ =	swait.ge [sflag:s28], $0x2000  }
0x10a: {  	[sflag:s28] =	ssyncset.done $0x0  }
0x10b: {  	s0 =	simm.s32 $0x7600;
	[sflag:s28] =	ssyncadd.s32 $0xFFFFE000  }
0x10c: {  	[spmem:s2] =	stream.indirect.scatter.add.f32 [tilespmem:s21], [sflag:$0x5], $0x40, s0, s20, $0xb8;
	[tilespmem:$0x1B800] =	vst v63  }
0x10d: {  	_ =	swait.ge [sflag:s29], $0x2000  }
0x10e: {  	[sflag:s29] =	ssyncset.done $0x0  }
0x10f: {  	[sflag:s29] =	ssyncadd.s32 $0xFFFFE000  }
0x110: {  	[spmem:s2] =	stream.indirect.scatter.add.f32 [tilespmem:s22], [sflag:$0x6], $0x40, s5, s20, $0xb8;
	[tilespmem:$0x1B800] =	vst v63  }
0x111: {  	_ =	swait.ge [sflag:s30], $0x2000  }
0x112: {  	[sflag:s30] =	ssyncset.done $0x0  }
0x113: {  	[sflag:s30] =	ssyncadd.s32 $0xFFFFE000  }
0x114: {  	[spmem:s2] =	stream.indirect.scatter.add.f32 [tilespmem:s24], [sflag:$0x7], $0x40, s6, s20, $0xb8;
	[tilespmem:$0x1B800] =	vst v63  }
0x115: {  	_ =	swait.ge [sflag:s31], $0x2000  }
0x116: {  	[sflag:s31] =	ssyncset.done $0x0  }
0x117: {  	[sflag:s31] =	ssyncadd.s32 $0xFFFFE000  }
0x118: {  	[spmem:s2] =	stream.indirect.scatter.add.f32 [tilespmem:s26], [sflag:$0x8], $0x40, s7, s20, $0xb8;
	[tilespmem:$0x1B800] =	vst v63  }
0x119: {  	_ =	swait.ge [sflag:s1], $0x2000  }
0x11a: {  	[sflag:s1] =	ssyncset.done $0x0  }
0x11b: {  	[sflag:s1] =	ssyncadd.s32 $0xFFFFE000  }
0x11c: {  	_ =	swait.ge [sflag:s18], $0x2000  }
0x11d: {  	[sflag:s18] =	ssyncset.done $0x0  }
0x11e: {  	[sflag:s18] =	ssyncadd.s32 $0xFFFFE000  }
0x11f: {  	_ =	swait.ge [sflag:s23], $0x2000  }
0x120: {  	[sflag:s23] =	ssyncset.done $0x0  }
0x121: {  	[sflag:s23] =	ssyncadd.s32 $0xFFFFE000  }
0x122: {  	_ =	swait.ge [sflag:s25], $0x2000  }
0x123: {  	[sflag:s25] =	ssyncset.done $0x0  }
0x124: {  	[sflag:s25] =	ssyncadd.s32 $0xFFFFE000  }
0x125: {  	[bflag:$0x0] =	sbarrier.arrive $0xFFFF  }
0x126: {  	s11 =	rddreg [dreg:$0x8]  }
0x127: {  	[hbm:s11], [sflag:s9] =	dma.local [spmem:s10], $0x1400  }
0x128: {  	_ =	swait.ge [sflag:s16], $0x1400  }
0x129: {  	s3 =	sadd.s32 $0x1, s3;
	s17 =	rddreg [dreg:$0x9]  }
0x12a: {  	p0 =	sne.s32 s3, s17  }
.Ltmp3:
0x12b: {  	_ = 	snop;
	(pc) =	sbr.rel @p0 .LBB2_1-.Ltmp3, $3  }
0x12c: {  	_ =	sdelay $0x1  }
0x12d: {  	[sflag:s16] =	ssyncset.done $0x0  }
0x12e: {  	[sflag:s16] =	ssyncadd.s32 $0xFFFFEC00;
	s17 =	simm.s32 $0x2800  }
0x12f: {  	_ =	sfence.sel $0x180000  }
0x130: {  	[bflag:$0x0] =	sbarrier.arrive $0xFFFF  }
0x131: {  	_ =	strace $0x9000004A  }
0x132: {  	s0 =	stileid.u32;
	[bflag:$0x2] =	sbarrier.arrive $0xFFFF  }
0x133: {  	p0 =	sne.s32 s0, $0x0;
	s0 =	rddreg [dreg:$0x3]  }
0x134: {  	s0 =	sadd.s32 @!p0 $0x100000, s0  }
0x135: {  	[sflag:s0] =	ssyncadd.tile.s32 @!p0 $0x1;
	_ =	shalt  }
.Lfunc_end2:
_tile_overlayer_lowered:
.L_overlay_start_2:
0x136: {  	(tag) =	ssettag $0x2  }
0x137: {  	s0 =	rddreg [dreg:$0x0];
	s2 =	stileid.u32  }
0x138: {  	s1 =	rddreg [dreg:$0x1];
	p0 =	sne.s32 s2, $0x0  }
0x139: {  	s3 =	rddreg [dreg:$0x2];
	[bflag:$0x3] =	sbarrier.arrive $0xFFFF;
	s2 =	simm.s32 @!p0 $0x1C09  }
0x13a: {  	[timem:s3], [sflag:s2] =	dma.local @!p0 [hbm:s0], s1  }
0x13b: {  	s0 =	simm.s32 @!p0 $0x9  }
0x13c: {  	_ =	swait.ge @!p0 [sflag:s0], s1  }
0x13d: {  	s1 =	ssub.s32 @!p0 $0x0, s1;
	[sflag:s0] =	ssyncset.done @!p0 $0x0  }
0x13e: {  	[sflag:s0] =	ssyncadd.s32 @!p0 s1  }
0x13f: {  	[bflag:$0x3] =	sbarrier.arrive $0xFFFF  }
0x140: {  	_ =	shalt  }

// kernel: kernel.16.cloned.1.call-start
scs
__scs_entry_jumppad:
0x0: {  	(pc) =	sbr.rel $0x88, $3  }
0x1: {  	(tag) =	ssettag $0x0;
	lr =	simm.s32 $0x1  }
0x2: {  	[smem:$0x3F95] =	sst lr;
	_ =	strace $0xD0000000  }
0x3: {  	_ = 	snop  }
0x4: {  	_ = 	snop  }
0x5: {  	_ = 	snop  }
0x6: {  	_ = 	snop  }
0x7: {  	_ = 	snop  }
__scs_overlays_trampoline_lowered:
0x8: {  	[smem:$0x3FA4] =	sst s0  }
0x9: {  	[smem:$0x3FA5] =	sst s1  }
0xa: {  	[smem:$0x3FA6] =	sst s2  }
0xb: {  	[smem:$0x3FA7] =	sst s3  }
0xc: {  	[smem:$0x3FA8] =	sst s4  }
0xd: {  	[smem:$0x3FA9] =	sst s5  }
0xe: {  	[smem:$0x3FAA] =	sst s6  }
0xf: {  	[smem:$0x3FAB] =	sst s7  }
0x10: {  	[smem:$0x3FAC] =	sst s8  }
0x11: {  	[smem:$0x3FAD] =	sst s9;
	s0 =	simm.s32 @!p0 $0x0  }
0x12: {  	s1 =	sld [smem:$0x3F93];
	s0 =	simm.s32 @p0 $0x1  }
0x13: {  	[smem:$0x3FAE] =	sst s0;
	s0 =	simm.s32 @!p1 $0x0  }
0x14: {  	s2 =	sld [smem:$0x3F92];
	s0 =	simm.s32 @p1 $0x1  }
0x15: {  	[smem:$0x3FAF] =	sst s0;
	s0 =	simm.s32 @!p2 $0x0  }
0x16: {  	s3 =	sld [smem:$0x3FDB];
	s0 =	simm.s32 @p2 $0x1  }
0x17: {  	s4 =	simm.s32 $0x1BF5;
	[smem:$0x3FB1] =	sst s0  }
0x18: {  	s0 =	sld [smem:$0x3F94];
	_ =	swait.ge [sflag:s4], $0x0  }
0x19: {  	s7 =	sld [smem:$0x3F95]  }
0x1a: {  	s8 =	sadd.s32 $0xFFFFE003, lr  }
0x1b: {  	s9 =	sadd.s32 $0xFFFFFEF7, lr;
	s5 =	simm.s32 $0xFFFFFFFF;
	p2 =	slt.u32 s8, $0xFFFFF086  }
0x1c: {  	p1 =	slt.u32 s9, $0xF7A;
	s5 =	simm.s32 @!p2 $0x0  }
0x1d: {  	s5 =	simm.s32 @p1 $0x1;
	p0 =	seq.s32 s7, s2  }
0x1e: {  	s7 =	smul.u32 @!p0 $0xF7A, s2;
	p2 =	seq.s32 @!p0 s5, $0x0  }
0x1f: {  	s9 =	smul.u32 $0xF7A, s1;
	s8 =	simm.s32 @!p0 $0x1BF5;
	p2 =	por !p2, p0  }
0x20: {  	[sflag:s8] =	ssyncset.s32 @!p0 $0xFFFFF086;
	s6 =	sadd.s32 @!p0 s3, s7;
	s7 =	simm.s32 @!p0 $0x108  }
0x21: {  	s3 =	sadd.s32 s3, s9;
	s6 =	sadd.s32 @!p0 $0x88, s6;
	s7 =	simm.s32 @p2 $0x1082  }
0x22: {  	[simem:s7], [sflag:s8] =	dma.local @!p0 [hbm:s6], $0xF7A  }
0x23: {  	s9 =	sor.u32 $0xD0000000, s2;
	s6 =	simm.s32 $0x108;
	_ =	swait.ge @!p0 [sflag:s8], $0x0  }
0x24: {  	s3 =	sadd.s32 $0x88, s3;
	s6 =	simm.s32 @!p1 $0x1082;
	[sflag:s4] =	ssyncset.s32 $0xFFFFF086  }
0x25: {  	[simem:s6], [sflag:s4] =	dma.local [hbm:s3], $0xF7A  }
0x26: {  	[smem:$0x3F95] =	sst s1;
	(tag) =	ssettag s2;
	_ =	strace s9  }
0x27: {  	s1 =	sld [smem:$0x3FA5]  }
0x28: {  	s2 =	sld [smem:$0x3FA6]  }
0x29: {  	s4 =	sld [smem:$0x3FA8]  }
0x2a: {  	p0 =	seq.s32 s5, $0x0;
	s5 =	sld [smem:$0x3FA9]  }
0x2b: {  	s6 =	sld [smem:$0x3FAA]  }
0x2c: {  	s7 =	sld [smem:$0x3FAB]  }
0x2d: {  	s3 =	simm.s32 $0x108;
	s8 =	sld [smem:$0x3FAC]  }
0x2e: {  	s3 =	simm.s32 @!p0 $0x1082;
	s9 =	sld [smem:$0x3FAD]  }
0x2f: {  	lr =	sadd.s32 s0, s3;
	s0 =	sld [smem:$0x3FA4]  }
0x30: {  	s3 =	sld [smem:$0x3FA7]  }
0x31: {  	[smem:$0x3FB0] =	sst s10  }
0x32: {  	s10 =	sld [smem:$0x3FAE];
	_ =	sdelay $0x3  }
0x33: {  	p0 =	seq.s32 s10, $0x1;
	s10 =	sld [smem:$0x3FB0];
	_ =	sdelay $0x3  }
0x34: {  	[smem:$0x3FB0] =	sst s10  }
0x35: {  	s10 =	sld [smem:$0x3FAF];
	_ =	sdelay $0x3  }
0x36: {  	p1 =	seq.s32 s10, $0x1;
	s10 =	sld [smem:$0x3FB0];
	_ =	sdelay $0x3  }
0x37: {  	[smem:$0x3FB0] =	sst s10  }
0x38: {  	s10 =	sld [smem:$0x3FB1]  }
0x39: {  	_ = 	snop;
	(pc) =	sbr.ind lr, $3  }
0x3a: {  	_ = 	snop  }
0x3b: {  	_ = 	snop  }
0x3c: {  	p2 =	seq.s32 s10, $0x1;
	s10 =	sld [smem:$0x3FB0]  }
0x3d: {  	_ =	shalt  }
0x3e: {  	_ =	shalt  }
0x3f: {  	_ =	shalt  }
0x40: {  	_ =	shalt  }
0x41: {  	_ =	shalt  }
0x42: {  	_ =	shalt  }
0x43: {  	_ =	shalt  }
0x44: {  	_ =	shalt  }
0x45: {  	_ =	shalt  }
0x46: {  	_ =	shalt  }
0x47: {  	_ =	shalt  }
0x48: {  	_ =	shalt  }
0x49: {  	_ =	shalt  }
0x4a: {  	_ =	shalt  }
0x4b: {  	_ =	shalt  }
0x4c: {  	_ =	shalt  }
0x4d: {  	_ =	shalt  }
0x4e: {  	_ =	shalt  }
0x4f: {  	_ =	shalt  }
0x50: {  	_ =	shalt  }
0x51: {  	_ =	shalt  }
0x52: {  	_ =	shalt  }
0x53: {  	_ =	shalt  }
0x54: {  	_ =	shalt  }
0x55: {  	_ =	shalt  }
0x56: {  	_ =	shalt  }
0x57: {  	_ =	shalt  }
0x58: {  	_ =	shalt  }
0x59: {  	_ =	shalt  }
0x5a: {  	_ =	shalt  }
0x5b: {  	_ =	shalt  }
0x5c: {  	_ =	shalt  }
0x5d: {  	_ =	shalt  }
0x5e: {  	_ =	shalt  }
0x5f: {  	_ =	shalt  }
0x60: {  	_ =	shalt  }
0x61: {  	_ =	shalt  }
0x62: {  	_ =	shalt  }
0x63: {  	_ =	shalt  }
0x64: {  	_ =	shalt  }
0x65: {  	_ =	shalt  }
0x66: {  	_ =	shalt  }
0x67: {  	_ =	shalt  }
0x68: {  	_ =	shalt  }
0x69: {  	_ =	shalt  }
0x6a: {  	_ =	shalt  }
0x6b: {  	_ =	shalt  }
0x6c: {  	_ =	shalt  }
0x6d: {  	_ =	shalt  }
0x6e: {  	_ =	shalt  }
0x6f: {  	_ =	shalt  }
0x70: {  	_ =	shalt  }
0x71: {  	_ =	shalt  }
0x72: {  	_ =	shalt  }
0x73: {  	_ =	shalt  }
0x74: {  	_ =	shalt  }
0x75: {  	_ =	shalt  }
0x76: {  	_ =	shalt  }
0x77: {  	_ =	shalt  }
0x78: {  	_ =	shalt  }
0x79: {  	_ =	shalt  }
0x7a: {  	_ =	shalt  }
0x7b: {  	_ =	shalt  }
0x7c: {  	_ =	shalt  }
0x7d: {  	_ =	shalt  }
0x7e: {  	_ =	shalt  }
0x7f: {  	_ =	shalt  }
0x80: {  	_ =	shalt  }
0x81: {  	_ =	shalt  }
0x82: {  	_ =	shalt  }
0x83: {  	_ =	shalt  }
0x84: {  	_ =	shalt  }
0x85: {  	_ =	shalt  }
0x86: {  	_ =	shalt  }
0x87: {  	_ =	shalt  }
.Lfunc_end0:
.L_simem_size_0:
called_computation.2_lowered:
.L_overlay_start_0:
0x88: {  	s2 =	sld [smem:$0x3FD9]  }
0x89: {  	s3 =	sld [smem:$0x3FFE];
	_ =	sdelay $0x1  }
0x8a: {  	s1 =	srdreg.scid  }
0x8b: {  	s0 =	sand.u32 $0x1, s1  }
0x8c: {  	s17 =	sshll.u32 s0, $0xA;
	s2 =	sadd.s32 s3, s2  }
0x8d: {  	s2 =	sadd.s32 s2, s17  }
0x8e: {  	[smem:$0x3FBC] =	sst s2  }
0x8f: {  	_ = 	snop  }
0x90: {  	s2 =	sld [smem:$0x3FD0];
	(tm) =	ssettm $0x1  }
0x91: {  	s18 =	sld [smem:$0x3FFB];
	_ =	sdelay $0x3  }
0x92: {  	_ =	strace s18  }
0x93: {  	s3 =	sld [smem:$0x3FFC];
	_ =	sdelay $0x3  }
0x94: {  	_ =	strace s3  }
0x95: {  	s3 =	sld [smem:$0x3FFD];
	_ =	sdelay $0x3  }
0x96: {  	_ =	strace s3  }
0x97: {  	_ =	strace $0x8FFFFFFF  }
0x98: {  	s19 =	sld [smem:$0x3FDB];
	_ =	sdelay $0x1  }
0x99: {  	s4 =	simm.s32 $_scs_section_size  }
0x9a: {  	s5 =	simm.s32 $_size__tile_overlayer_lowered;
	s6 =	simm.s32 $_tile_overlayer_lowered  }
0x9b: {  	s22 =	simm.s32 $0x1BFF;
	s21 =	sshll.u32 s6, $0x1;
	s3 =	sadd.s32 s4, s19  }
0x9c: {  	s7 =	simm.s32 $0x0;
	s20 =	sshll.u32 s5, $0x1;
	s5 =	sadd.s32 s21, s3  }
0x9d: {  	[timem:s7], [sflag:s22] =	dma.local [hbm:s5], s20  }
0x9e: {  	_ =	swait.ge [sflag:s22], s20  }
0x9f: {  	s4 =	ssub.s32 $0x0, s20;
	[sflag:s22] =	ssyncset.done $0x0  }
0xa0: {  	[sflag:s22] =	ssyncadd.s32 s4;
	_ =	sdelay $0x1  }
0xa1: {  	s23 =	simm.s32 $0x1B8B  }
0xa2: {  	_ =	swait.ge [sflag:s23], $0x1  }
0xa3: {  	[sflag:s23] =	ssyncset.done $0x0  }
0xa4: {  	s25 =	simm.s32 $0x1B8E;
	s24 =	sld [smem:$0x3FFE];
	[sflag:s23] =	ssyncadd.s32 $0xFFFFFFFF  }
0xa5: {  	s26 =	simm.s32 $execute0_lowered;
	[smem:$0x3FD2] =	sst s25  }
0xa6: {  	s5 =	sshll.u32 s26, $0x1;
	_ =	strace $0x8000004C;
	[dreg:$0x1] =	wrdreg $0xFFFFFFFF  }
0xa7: {  	s28 =	simm.s32 $_size_execute0_lowered;
	s3 =	sadd.s32 s3, s5;
	[dreg:$0x0] =	wrdreg $0x0  }
0xa8: {  	s5 =	sshll.u32 s28, $0x1;
	[dreg:$0x2] =	wrdreg s3  }
0xa9: {  	[dreg:$0x3] =	wrdreg s5  }
0xaa: {  	[dreg:$0x4] =	wrdreg $0xC0  }
0xab: {  	_ =	task [dreg:s7], $0x5FFFF  }
0xac: {  	[dreg:$0x1] =	wrdreg $0xFFFFFFFF  }
0xad: {  	[dreg:$0x0] =	wrdreg $0x60  }
0xae: {  	[dreg:$0x2] =	wrdreg s24  }
0xaf: {  	[dreg:$0x3] =	wrdreg s2  }
0xb0: {  	[dreg:$0x4] =	wrdreg $0x118000  }
0xb1: {  	[dreg:$0x5] =	wrdreg $0x9  }
0xb2: {  	_ =	task.clear_ibuf [dreg:s7], $0x6FFFF;
	_ =	strace $0x9000004C  }
0xb3: {  	s29 =	simm.s32 $0x9;
	_ =	strace $0x8000004E  }
0xb4: {  	_ =	swait.ge [sflag:s29], $0x1  }
0xb5: {  	[sflag:s29] =	ssyncadd.s32 $0xFFFFFFFF  }
0xb6: {  	_ =	strace $0x9000004E  }
0xb7: {  	_ =	sfence  }
0xb8: {  	s30 =	sld [smem:$0x0];
	_ =	sdelay $0x2  }
0xb9: {  	s31 =	sshll.u32 s1, $0xD;
	s1 =	sshrl.u32 s1, $0x2  }
0xba: {  	s3 =	sand.u32 $0x4000, s31;
	s1 =	sadd.s32 s1, s30  }
0xbb: {  	s0 =	sor.u32 s3, s0;
	s1 =	sshll.u32 s1, $0x11  }
0xbc: {  	s0 =	sor.u32 s1, s0  }
0xbd: {  	s0 =	sadd.s32 $0x8F2B, s0  }
0xbe: {  	[sflag:s0] =	ssyncadd.remote.s32 $0x1  }
0xbf: {  	_ =	sfence.sel $0xFFFF  }
0xc0: {  	[dreg:$0x0] =	wrdreg $0xFFFFFFFF;
	(pc) =	sbr.abs _section_cstart, $3  }
0xc1: {  	[dreg:$0x1] =	wrdreg $0xFFFFFFFF  }
0xc2: {  	_ =	task.clear_ibuf [dreg:s7], $0x2FFFF;
	_ =	strace $0x9FFFFFFF  }
0xc3: {  	(tm) =	ssettm $0x7FFFFFFF  }
tec
execute0_lowered:
.L_overlay_start_1:
0x0: {  	(tag) =	ssettag $0x1  }
0x1: {  	s0 =	srdreg.scid;
	s1 =	rddreg [dreg:$0x0]  }
0x2: {  	s11 =	stileid.u32;
	s5 =	rddreg [dreg:$0x1];
	s16 =	simm.s32 $0x9  }
0x3: {  	s17 =	simm.s32 $0x2800;
	s19 =	simm.s32 $0xF800;
	s20 =	simm.s32 $0x80  }
0x4: {  	s28 =	simm.s32 $0x1;
	s29 =	simm.s32 $0x2;
	s7 =	smul.u32 $0x280, s11  }
0x5: {  	s30 =	simm.s32 $0x3;
	s31 =	simm.s32 $0x4;
	s10 =	smul.u32 $0x500, s11  }
0x6: {  	s18 =	simm.s32 $0x6;
	s0 =	sand.u32 $0x1, s0;
	s21 =	smul.u32 $0x28000, s11  }
0x7: {  	s4 =	sadd.s32 $0x12000, s1;
	s2 =	sshll.u32 s0, $0x4;
	s8 =	smul.u32 $0x2800, s0  }
0x8: {  	s0 =	ssub.s32 $0x2, s0;
	s3 =	sor.u32 s11, s2;
	s2 =	rddreg [dreg:$0x2]  }
0x9: {  	s10 =	sadd.s32 s10, s1;
	s22 =	sshrl.u32 s0, $0x1;
	s23 =	sshrl.u32 s21, $0x2  }
0xa: {  	s21 =	simm.s32 $0x7800;
	s6 =	smul.u32 $0x500, s3;
	s3 =	simm.s32 $0x0  }
0xb: {  	s7 =	sadd.s32 s7, s8;
	s0 =	ssub.s32 s0, s22;
	s25 =	sadd.s32 $0x2600, s10  }
0xc: {  	s8 =	sadd.s32 s23, s2;
	s22 =	simm.s32 $0x9800;
	s23 =	simm.s32 $0x7  }
0xd: {  	[smem:$0x7FF] =	sst s3;
	s7 =	sshll.u32 s7, $0x3;
	s0 =	smax.u32 s0, $0x1  }
0xe: {  	s12 =	sadd.s32 $0x2000, s8;
	s13 =	sadd.s32 $0x4000, s8;
	s14 =	sadd.s32 $0x6000, s8  }
0xf: {  	s15 =	sadd.s32 $0x8000, s8;
	_ =	strace $0x8000004D;
	[dreg:$0x6] =	wrdreg s25  }
0x10: {  	s9 =	sadd.s32 s6, s1;
	s5 =	sadd.s32 s5, s6;
	[dreg:$0x9] =	wrdreg s0  }
0x11: {  	s1 =	sadd.s32 s7, s1;
	[dreg:$0x4] =	wrdreg s5;
	s24 =	sadd.s32 $0x8000, s9  }
0x12: {  	s25 =	simm.s32 $0x8;
	s26 =	sadd.s32 $0x14A800, s1;
	[dreg:$0x5] =	wrdreg s24  }
0x13: {  	s6 =	simm.s32 $0x7700;
	s1 =	sadd.s32 $0x172800, s1;
	[dreg:$0x7] =	wrdreg s26  }
0x14: {  	s7 =	simm.s32 $0x7780;
	s5 =	simm.s32 $0x7680;
	[dreg:$0x8] =	wrdreg s1  }
0x15: {  	v0 =	vimm.f32 $0.0e+00;
	s24 =	simm.s32 $0xB800;
	s26 =	simm.s32 $0xD800;
	s1 =	simm.s32 $0x5  }
.LBB2_1:
0x16: {  	s10 =	simm.s32 $0x100;
	s9 =	simm.s32 $0x0  }
.LBB2_2:
0x17: {  	p0 =	sne.s32 s10, $0x7F00;
	[tilespmem:s9+$0xF830] =	vst v0;
	s11 =	smov.u32 s10;
	s10 =	sadd.s32 $0x100, s10  }
.Ltmp0:
0x18: {  	[tilespmem:s9+$0xF820] =	vst v0;
	(pc) =	sbr.rel @p0 .LBB2_2-.Ltmp0, $3  }
0x19: {  	[tilespmem:s9+$0xF800] =	vst v0  }
0x1a: {  	[tilespmem:s9+$0xF810] =	vst v0;
	_ =	sdelay $0x1  }
0x1b: {  	s9 =	sshra.s32 s11, $0x2  }
0x1c: {  	[tilespmem:s9+$0xF830] =	vst v0  }
0x1d: {  	[tilespmem:s9+$0xF820] =	vst v0  }
0x1e: {  	[tilespmem:s9+$0xF800] =	vst v0  }
0x1f: {  	[tilespmem:s9+$0xF810] =	vst v0;
	s9 =	simm.s32 $0x0;
	s0 =	rddreg [dreg:$0x4]  }
0x20: {  	[tilespmem:s9], [sflag:$0x9] =	stream.linear.gather [hbm4b:s0+s9], $0x2800, $0x38;
	[tilespmem:$0x1B800] =	vst v63  }
0x21: {  	_ =	swait.ge [sflag:s16], $0x2800  }
0x22: {  	[sflag:s16] =	ssyncset.done $0x0  }
0x23: {  	s10 =	rddreg [dreg:$0x5];
	[sflag:s16] =	ssyncadd.s32 $0xFFFFD800  }
0x24: {  	[tilespmem:s17], [sflag:$0x9] =	stream.linear.gather [hbm4b:s10+s9], $0x2800, $0x38;
	[tilespmem:$0x1B800] =	vst v63  }
0x25: {  	_ =	swait.ge [sflag:s16], $0x2800  }
0x26: {  	[sflag:s16] =	ssyncset.done $0x0  }
0x27: {  	s10 =	simm.s32 $0x5000;
	s11 =	rddreg [dreg:$0x6];
	[sflag:s16] =	ssyncadd.s32 $0xFFFFD800  }
0x28: {  	[tilespmem:s10], [sflag:$0x9] =	stream.linear.gather [hbm4b:s11+s9], $0x2800, $0x38;
	[tilespmem:$0x1B800] =	vst v63  }
0x29: {  	_ =	swait.ge [sflag:s16], $0x2800  }
0x2a: {  	[sflag:s16] =	ssyncset.done $0x0  }
0x2b: {  	[sflag:s16] =	ssyncadd.s32 $0xFFFFD800  }
0x2c: {  	[spmem:s8] =	stream.linear.scatter [tilespmem:s19], [sflag:$0x9], $0x2000, $0x38;
	[tilespmem:$0x1B800] =	vst v63  }
0x2d: {  	_ =	swait.ge [sflag:s16], $0x2000  }
0x2e: {  	[sflag:s16] =	ssyncset.done $0x0  }
0x2f: {  	[sflag:s16] =	ssyncadd.s32 $0xFFFFE000  }
0x30: {  	[spmem:s12] =	stream.linear.scatter [tilespmem:s19], [sflag:$0x9], $0x2000, $0x38;
	[tilespmem:$0x1B800] =	vst v63  }
0x31: {  	_ =	swait.ge [sflag:s16], $0x2000  }
0x32: {  	[sflag:s16] =	ssyncset.done $0x0  }
0x33: {  	[sflag:s16] =	ssyncadd.s32 $0xFFFFE000  }
0x34: {  	[spmem:s13] =	stream.linear.scatter [tilespmem:s19], [sflag:$0x9], $0x2000, $0x38;
	[tilespmem:$0x1B800] =	vst v63  }
0x35: {  	_ =	swait.ge [sflag:s16], $0x2000  }
0x36: {  	[sflag:s16] =	ssyncset.done $0x0  }
0x37: {  	[sflag:s16] =	ssyncadd.s32 $0xFFFFE000  }
0x38: {  	[spmem:s14] =	stream.linear.scatter [tilespmem:s19], [sflag:$0x9], $0x2000, $0x38;
	[tilespmem:$0x1B800] =	vst v63  }
0x39: {  	_ =	swait.ge [sflag:s16], $0x2000  }
0x3a: {  	[sflag:s16] =	ssyncset.done $0x0  }
0x3b: {  	[sflag:s16] =	ssyncadd.s32 $0xFFFFE000  }
0x3c: {  	[spmem:s15] =	stream.linear.scatter [tilespmem:s19], [sflag:$0x9], $0x2000, $0x38;
	[tilespmem:$0x1B800] =	vst v63  }
0x3d: {  	_ =	swait.ge [sflag:s16], $0x2000  }
0x3e: {  	[sflag:s16] =	ssyncset.done $0x0  }
0x3f: {  	[sflag:s16] =	ssyncadd.s32 $0xFFFFE000  }
0x40: {  	[bflag:$0x0] =	sbarrier.arrive $0xFFFF  }
0x41: {  	[tilespmem:s21], [sflag:$0x1] =	stream.indirect.gather [hbm4b:s4+s20], $0x40, s9, s20, $0xb8;
	[tilespmem:$0x1B800] =	vst v63  }
0x42: {  	_ = 	snop  }
0x43: {  	[tilespmem:s22], [sflag:$0x2] =	stream.indirect.gather [hbm4b:s4+s20], $0x40, s20, s20, $0xb8;
	[tilespmem:$0x1B800] =	vst v63  }
0x44: {  	s9 =	simm.s32 $0x100  }
0x45: {  	[tilespmem:s24], [sflag:$0x3] =	stream.indirect.gather [hbm4b:s4+s20], $0x40, s9, s20, $0xb8;
	[tilespmem:$0x1B800] =	vst v63  }
0x46: {  	s10 =	simm.s32 $0x180  }
0x47: {  	[tilespmem:s26], [sflag:$0x4] =	stream.indirect.gather [hbm4b:s4+s20], $0x40, s10, s20, $0xb8;
	[tilespmem:$0x1B800] =	vst v63  }
0x48: {  	_ =	swait.ge [sflag:s28], $0x2000  }
0x49: {  	[sflag:s28] =	ssyncset.done $0x0  }
0x4a: {  	s11 =	simm.s32 $0x5000;
	[sflag:s28] =	ssyncadd.s32 $0xFFFFE000  }
0x4b: {  	[spmem:s2] =	stream.indirect.scatter.add.f32 [tilespmem:s21], [sflag:$0x5], $0x40, s11, s20, $0xb8;
	[tilespmem:$0x1B800] =	vst v63  }
0x4c: {  	_ =	swait.ge [sflag:s29], $0x2000  }
0x4d: {  	[sflag:s29] =	ssyncset.done $0x0  }
0x4e: {  	s0 =	simm.s32 $0x5080;
	[sflag:s29] =	ssyncadd.s32 $0xFFFFE000  }
0x4f: {  	[spmem:s2] =	stream.indirect.scatter.add.f32 [tilespmem:s22], [sflag:$0x6], $0x40, s0, s20, $0xb8;
	[tilespmem:$0x1B800] =	vst v63  }
0x50: {  	_ =	swait.ge [sflag:s30], $0x2000  }
0x51: {  	[sflag:s30] =	ssyncset.done $0x0  }
0x52: {  	s10 =	simm.s32 $0x5100;
	[sflag:s30] =	ssyncadd.s32 $0xFFFFE000  }
0x53: {  	[spmem:s2] =	stream.indirect.scatter.add.f32 [tilespmem:s24], [sflag:$0x7], $0x40, s10, s20, $0xb8;
	[tilespmem:$0x1B800] =	vst v63  }
0x54: {  	_ =	swait.ge [sflag:s31], $0x2000  }
0x55: {  	[sflag:s31] =	ssyncset.done $0x0  }
0x56: {  	s11 =	simm.s32 $0x5180;
	[sflag:s31] =	ssyncadd.s32 $0xFFFFE000  }
0x57: {  	[spmem:s2] =	stream.indirect.scatter.add.f32 [tilespmem:s26], [sflag:$0x8], $0x40, s11, s20, $0xb8;
	[tilespmem:$0x1B800] =	vst v63  }
0x58: {  	_ =	swait.ge [sflag:s1], $0x2000  }
0x59: {  	[sflag:s1] =	ssyncset.done $0x0  }
0x5a: {  	s0 =	simm.s32 $0x200;
	[sflag:s1] =	ssyncadd.s32 $0xFFFFE000  }
0x5b: {  	[tilespmem:s21], [sflag:$0x1] =	stream.indirect.gather [hbm4b:s4+s20], $0x40, s0, s20, $0xb8;
	[tilespmem:$0x1B800] =	vst v63  }
0x5c: {  	_ =	swait.ge [sflag:s18], $0x2000  }
0x5d: {  	[sflag:s18] =	ssyncset.done $0x0  }
0x5e: {  	s10 =	simm.s32 $0x280;
	[sflag:s18] =	ssyncadd.s32 $0xFFFFE000  }
0x5f: {  	[tilespmem:s22], [sflag:$0x2] =	stream.indirect.gather [hbm4b:s4+s20], $0x40, s10, s20, $0xb8;
	[tilespmem:$0x1B800] =	vst v63  }
0x60: {  	_ =	swait.ge [sflag:s23], $0x2000  }
0x61: {  	[sflag:s23] =	ssyncset.done $0x0  }
0x62: {  	s11 =	simm.s32 $0x300;
	[sflag:s23] =	ssyncadd.s32 $0xFFFFE000  }
0x63: {  	[tilespmem:s24], [sflag:$0x3] =	stream.indirect.gather [hbm4b:s4+s20], $0x40, s11, s20, $0xb8;
	[tilespmem:$0x1B800] =	vst v63  }
0x64: {  	_ =	swait.ge [sflag:s25], $0x2000  }
0x65: {  	[sflag:s25] =	ssyncset.done $0x0  }
0x66: {  	s9 =	simm.s32 $0x800;
	s10 =	simm.s32 $0x380;
	[sflag:s25] =	ssyncadd.s32 $0xFFFFE000  }
.LBB2_4:
0x67: {  	[tilespmem:s26], [sflag:$0x4] =	stream.indirect.gather [hbm4b:s4+s20], $0x40, s10, s20, $0xb8;
	[tilespmem:$0x1B800] =	vst v63  }
0x68: {  	s10 =	smov.u32 s9  }
0x69: {  	p0 =	sne.s32 s9, $0x9000;
	s9 =	sadd.s32 $0x800, s9;
	_ =	swait.ge [sflag:s28], $0x2000  }
0x6a: {  	s10 =	sshra.s32 s10, $0x2;
	[sflag:s28] =	ssyncset.done $0x0  }
0x6b: {  	s11 =	sadd.s32 $0x5000, s10;
	[sflag:s28] =	ssyncadd.s32 $0xFFFFE000  }
0x6c: {  	[spmem:s2] =	stream.indirect.scatter.add.f32 [tilespmem:s21], [sflag:$0x5], $0x40, s11, s20, $0xb8;
	[tilespmem:$0x1B800] =	vst v63  }
0x6d: {  	_ =	swait.ge [sflag:s29], $0x2000  }
0x6e: {  	[sflag:s29] =	ssyncset.done $0x0  }
0x6f: {  	s11 =	sadd.s32 $0x5080, s10;
	[sflag:s29] =	ssyncadd.s32 $0xFFFFE000  }
0x70: {  	[spmem:s2] =	stream.indirect.scatter.add.f32 [tilespmem:s22], [sflag:$0x6], $0x40, s11, s20, $0xb8;
	[tilespmem:$0x1B800] =	vst v63  }
0x71: {  	_ =	swait.ge [sflag:s30], $0x2000  }
0x72: {  	[sflag:s30] =	ssyncset.done $0x0  }
0x73: {  	s11 =	sadd.s32 $0x5100, s10;
	[sflag:s30] =	ssyncadd.s32 $0xFFFFE000  }
0x74: {  	[spmem:s2] =	stream.indirect.scatter.add.f32 [tilespmem:s24], [sflag:$0x7], $0x40, s11, s20, $0xb8;
	[tilespmem:$0x1B800] =	vst v63  }
0x75: {  	_ =	swait.ge [sflag:s31], $0x2000  }
0x76: {  	[sflag:s31] =	ssyncset.done $0x0  }
0x77: {  	s11 =	sadd.s32 $0x5180, s10;
	[sflag:s31] =	ssyncadd.s32 $0xFFFFE000  }
0x78: {  	[spmem:s2] =	stream.indirect.scatter.add.f32 [tilespmem:s26], [sflag:$0x8], $0x40, s11, s20, $0xb8;
	[tilespmem:$0x1B800] =	vst v63  }
0x79: {  	_ =	swait.ge [sflag:s1], $0x2000  }
0x7a: {  	[sflag:s1] =	ssyncset.done $0x0  }
0x7b: {  	s11 =	sadd.s32 $0x200, s10;
	[sflag:s1] =	ssyncadd.s32 $0xFFFFE000  }
0x7c: {  	[tilespmem:s21], [sflag:$0x1] =	stream.indirect.gather [hbm4b:s4+s20], $0x40, s11, s20, $0xb8;
	[tilespmem:$0x1B800] =	vst v63  }
0x7d: {  	_ =	swait.ge [sflag:s18], $0x2000  }
0x7e: {  	[sflag:s18] =	ssyncset.done $0x0  }
0x7f: {  	s11 =	sadd.s32 $0x280, s10;
	[sflag:s18] =	ssyncadd.s32 $0xFFFFE000  }
0x80: {  	[tilespmem:s22], [sflag:$0x2] =	stream.indirect.gather [hbm4b:s4+s20], $0x40, s11, s20, $0xb8;
	[tilespmem:$0x1B800] =	vst v63  }
0x81: {  	_ =	swait.ge [sflag:s23], $0x2000  }
0x82: {  	[sflag:s23] =	ssyncset.done $0x0  }
.Ltmp1:
0x83: {  	s11 =	sadd.s32 $0x300, s10;
	[sflag:s23] =	ssyncadd.s32 $0xFFFFE000;
	(pc) =	sbr.rel @p0 .LBB2_4-.Ltmp1, $4  }
0x84: {  	[tilespmem:s24], [sflag:$0x3] =	stream.indirect.gather [hbm4b:s4+s20], $0x40, s11, s20, $0xb8;
	[tilespmem:$0x1B800] =	vst v63  }
0x85: {  	_ =	swait.ge [sflag:s25], $0x2000  }
0x86: {  	[sflag:s25] =	ssyncset.done $0x0  }
0x87: {  	s10 =	sadd.s32 $0x380, s10;
	[sflag:s25] =	ssyncadd.s32 $0xFFFFE000  }
0x88: {  	[tilespmem:s26], [sflag:$0x4] =	stream.indirect.gather [hbm4b:s4+s20], $0x40, s10, s20, $0xb8;
	[tilespmem:$0x1B800] =	vst v63  }
0x89: {  	_ =	swait.ge [sflag:s28], $0x2000  }
0x8a: {  	[sflag:s28] =	ssyncset.done $0x0  }
0x8b: {  	s0 =	simm.s32 $0x7600;
	[sflag:s28] =	ssyncadd.s32 $0xFFFFE000  }
0x8c: {  	[spmem:s2] =	stream.indirect.scatter.add.f32 [tilespmem:s21], [sflag:$0x5], $0x40, s0, s20, $0xb8;
	[tilespmem:$0x1B800] =	vst v63  }
0x8d: {  	_ =	swait.ge [sflag:s29], $0x2000  }
0x8e: {  	[sflag:s29] =	ssyncset.done $0x0  }
0x8f: {  	[sflag:s29] =	ssyncadd.s32 $0xFFFFE000  }
0x90: {  	[spmem:s2] =	stream.indirect.scatter.add.f32 [tilespmem:s22], [sflag:$0x6], $0x40, s5, s20, $0xb8;
	[tilespmem:$0x1B800] =	vst v63  }
0x91: {  	_ =	swait.ge [sflag:s30], $0x2000  }
0x92: {  	[sflag:s30] =	ssyncset.done $0x0  }
0x93: {  	[sflag:s30] =	ssyncadd.s32 $0xFFFFE000  }
0x94: {  	[spmem:s2] =	stream.indirect.scatter.add.f32 [tilespmem:s24], [sflag:$0x7], $0x40, s6, s20, $0xb8;
	[tilespmem:$0x1B800] =	vst v63  }
0x95: {  	_ =	swait.ge [sflag:s31], $0x2000  }
0x96: {  	[sflag:s31] =	ssyncset.done $0x0  }
0x97: {  	[sflag:s31] =	ssyncadd.s32 $0xFFFFE000  }
0x98: {  	[spmem:s2] =	stream.indirect.scatter.add.f32 [tilespmem:s26], [sflag:$0x8], $0x40, s7, s20, $0xb8;
	[tilespmem:$0x1B800] =	vst v63  }
0x99: {  	_ =	swait.ge [sflag:s1], $0x2000  }
0x9a: {  	[sflag:s1] =	ssyncset.done $0x0  }
0x9b: {  	[sflag:s1] =	ssyncadd.s32 $0xFFFFE000  }
0x9c: {  	_ =	swait.ge [sflag:s18], $0x2000  }
0x9d: {  	[sflag:s18] =	ssyncset.done $0x0  }
0x9e: {  	[sflag:s18] =	ssyncadd.s32 $0xFFFFE000  }
0x9f: {  	_ =	swait.ge [sflag:s23], $0x2000  }
0xa0: {  	[sflag:s23] =	ssyncset.done $0x0  }
0xa1: {  	[sflag:s23] =	ssyncadd.s32 $0xFFFFE000  }
0xa2: {  	_ =	swait.ge [sflag:s25], $0x2000  }
0xa3: {  	[sflag:s25] =	ssyncset.done $0x0  }
0xa4: {  	s10 =	stileid.u32;
	[sflag:s25] =	ssyncadd.s32 $0xFFFFE000  }
0xa5: {  	s9 =	sshll.u32 s10, $0x6;
	[bflag:$0x0] =	sbarrier.arrive $0xFFFF  }
0xa6: {  	s10 =	sshrl.u32 s8, $0x3;
	s9 =	sor.u32 $0x1C09, s9;
	s11 =	rddreg [dreg:$0x7]  }
0xa7: {  	[hbm:s11], [sflag:s9] =	dma.local [spmem:s10], $0x1400  }
0xa8: {  	_ =	swait.ge [sflag:s16], $0x1400  }
0xa9: {  	[sflag:s16] =	ssyncset.done $0x0  }
0xaa: {  	[sflag:s16] =	ssyncadd.s32 $0xFFFFEC00  }
0xab: {  	[bflag:$0x0] =	sbarrier.arrive $0xFFFF  }
0xac: {  	[spmem:s8] =	stream.linear.scatter [tilespmem:s19], [sflag:$0x9], $0x2000, $0x38;
	[tilespmem:$0x1B800] =	vst v63  }
0xad: {  	_ =	swait.ge [sflag:s16], $0x2000  }
0xae: {  	[sflag:s16] =	ssyncset.done $0x0  }
0xaf: {  	[sflag:s16] =	ssyncadd.s32 $0xFFFFE000  }
0xb0: {  	[spmem:s12] =	stream.linear.scatter [tilespmem:s19], [sflag:$0x9], $0x2000, $0x38;
	[tilespmem:$0x1B800] =	vst v63  }
0xb1: {  	_ =	swait.ge [sflag:s16], $0x2000  }
0xb2: {  	[sflag:s16] =	ssyncset.done $0x0  }
0xb3: {  	[sflag:s16] =	ssyncadd.s32 $0xFFFFE000  }
0xb4: {  	[spmem:s13] =	stream.linear.scatter [tilespmem:s19], [sflag:$0x9], $0x2000, $0x38;
	[tilespmem:$0x1B800] =	vst v63  }
0xb5: {  	_ =	swait.ge [sflag:s16], $0x2000  }
0xb6: {  	[sflag:s16] =	ssyncset.done $0x0  }
0xb7: {  	[sflag:s16] =	ssyncadd.s32 $0xFFFFE000  }
0xb8: {  	[spmem:s14] =	stream.linear.scatter [tilespmem:s19], [sflag:$0x9], $0x2000, $0x38;
	[tilespmem:$0x1B800] =	vst v63  }
0xb9: {  	_ =	swait.ge [sflag:s16], $0x2000  }
0xba: {  	[sflag:s16] =	ssyncset.done $0x0  }
0xbb: {  	[sflag:s16] =	ssyncadd.s32 $0xFFFFE000  }
0xbc: {  	[spmem:s15] =	stream.linear.scatter [tilespmem:s19], [sflag:$0x9], $0x2000, $0x38;
	[tilespmem:$0x1B800] =	vst v63  }
0xbd: {  	_ =	swait.ge [sflag:s16], $0x2000  }
0xbe: {  	[sflag:s16] =	ssyncset.done $0x0  }
0xbf: {  	[sflag:s16] =	ssyncadd.s32 $0xFFFFE000  }
0xc0: {  	[bflag:$0x0] =	sbarrier.arrive $0xFFFF  }
0xc1: {  	[tilespmem:s21], [sflag:$0x1] =	stream.indirect.gather [hbm4b:s4+s20], $0x40, s17, s20, $0xb8;
	[tilespmem:$0x1B800] =	vst v63  }
0xc2: {  	s17 =	simm.s32 $0x2880  }
0xc3: {  	[tilespmem:s22], [sflag:$0x2] =	stream.indirect.gather [hbm4b:s4+s20], $0x40, s17, s20, $0xb8;
	[tilespmem:$0x1B800] =	vst v63  }
0xc4: {  	s11 =	simm.s32 $0x2900  }
0xc5: {  	[tilespmem:s24], [sflag:$0x3] =	stream.indirect.gather [hbm4b:s4+s20], $0x40, s11, s20, $0xb8;
	[tilespmem:$0x1B800] =	vst v63  }
0xc6: {  	s17 =	simm.s32 $0x2980  }
0xc7: {  	[tilespmem:s26], [sflag:$0x4] =	stream.indirect.gather [hbm4b:s4+s20], $0x40, s17, s20, $0xb8;
	[tilespmem:$0x1B800] =	vst v63  }
0xc8: {  	_ =	swait.ge [sflag:s28], $0x2000  }
0xc9: {  	[sflag:s28] =	ssyncset.done $0x0  }
0xca: {  	s11 =	simm.s32 $0x5000;
	[sflag:s28] =	ssyncadd.s32 $0xFFFFE000  }
0xcb: {  	[spmem:s2] =	stream.indirect.scatter.add.f32 [tilespmem:s21], [sflag:$0x5], $0x40, s11, s20, $0xb8;
	[tilespmem:$0x1B800] =	vst v63  }
0xcc: {  	_ =	swait.ge [sflag:s29], $0x2000  }
0xcd: {  	[sflag:s29] =	ssyncset.done $0x0  }
0xce: {  	s0 =	simm.s32 $0x5080;
	[sflag:s29] =	ssyncadd.s32 $0xFFFFE000  }
0xcf: {  	[spmem:s2] =	stream.indirect.scatter.add.f32 [tilespmem:s22], [sflag:$0x6], $0x40, s0, s20, $0xb8;
	[tilespmem:$0x1B800] =	vst v63  }
0xd0: {  	_ =	swait.ge [sflag:s30], $0x2000  }
0xd1: {  	[sflag:s30] =	ssyncset.done $0x0  }
0xd2: {  	s17 =	simm.s32 $0x5100;
	[sflag:s30] =	ssyncadd.s32 $0xFFFFE000  }
0xd3: {  	[spmem:s2] =	stream.indirect.scatter.add.f32 [tilespmem:s24], [sflag:$0x7], $0x40, s17, s20, $0xb8;
	[tilespmem:$0x1B800] =	vst v63  }
0xd4: {  	_ =	swait.ge [sflag:s31], $0x2000  }
0xd5: {  	[sflag:s31] =	ssyncset.done $0x0  }
0xd6: {  	s0 =	simm.s32 $0x5180;
	[sflag:s31] =	ssyncadd.s32 $0xFFFFE000  }
0xd7: {  	[spmem:s2] =	stream.indirect.scatter.add.f32 [tilespmem:s26], [sflag:$0x8], $0x40, s0, s20, $0xb8;
	[tilespmem:$0x1B800] =	vst v63  }
0xd8: {  	_ =	swait.ge [sflag:s1], $0x2000  }
0xd9: {  	[sflag:s1] =	ssyncset.done $0x0  }
0xda: {  	s17 =	simm.s32 $0x2A00;
	[sflag:s1] =	ssyncadd.s32 $0xFFFFE000  }
0xdb: {  	[tilespmem:s21], [sflag:$0x1] =	stream.indirect.gather [hbm4b:s4+s20], $0x40, s17, s20, $0xb8;
	[tilespmem:$0x1B800] =	vst v63  }
0xdc: {  	_ =	swait.ge [sflag:s18], $0x2000  }
0xdd: {  	[sflag:s18] =	ssyncset.done $0x0  }
0xde: {  	s0 =	simm.s32 $0x2A80;
	[sflag:s18] =	ssyncadd.s32 $0xFFFFE000  }
0xdf: {  	[tilespmem:s22], [sflag:$0x2] =	stream.indirect.gather [hbm4b:s4+s20], $0x40, s0, s20, $0xb8;
	[tilespmem:$0x1B800] =	vst v63  }
0xe0: {  	_ =	swait.ge [sflag:s23], $0x2000  }
0xe1: {  	[sflag:s23] =	ssyncset.done $0x0  }
0xe2: {  	s17 =	simm.s32 $0x2B00;
	[sflag:s23] =	ssyncadd.s32 $0xFFFFE000  }
0xe3: {  	[tilespmem:s24], [sflag:$0x3] =	stream.indirect.gather [hbm4b:s4+s20], $0x40, s17, s20, $0xb8;
	[tilespmem:$0x1B800] =	vst v63  }
0xe4: {  	_ =	swait.ge [sflag:s25], $0x2000  }
0xe5: {  	[sflag:s25] =	ssyncset.done $0x0  }
0xe6: {  	s11 =	simm.s32 $0x2B80;
	s17 =	simm.s32 $0x800;
	[sflag:s25] =	ssyncadd.s32 $0xFFFFE000  }
.LBB2_6:
0xe7: {  	[tilespmem:s26], [sflag:$0x4] =	stream.indirect.gather [hbm4b:s4+s20], $0x40, s11, s20, $0xb8;
	[tilespmem:$0x1B800] =	vst v63  }
0xe8: {  	s11 =	smov.u32 s17  }
0xe9: {  	p0 =	sne.s32 s17, $0x9000;
	s17 =	sadd.s32 $0x800, s17;
	_ =	swait.ge [sflag:s28], $0x2000  }
0xea: {  	s11 =	sshra.s32 s11, $0x2;
	[sflag:s28] =	ssyncset.done $0x0  }
0xeb: {  	s0 =	sadd.s32 $0x5000, s11;
	[sflag:s28] =	ssyncadd.s32 $0xFFFFE000  }
0xec: {  	[spmem:s2] =	stream.indirect.scatter.add.f32 [tilespmem:s21], [sflag:$0x5], $0x40, s0, s20, $0xb8;
	[tilespmem:$0x1B800] =	vst v63  }
0xed: {  	_ =	swait.ge [sflag:s29], $0x2000  }
0xee: {  	[sflag:s29] =	ssyncset.done $0x0  }
0xef: {  	s0 =	sadd.s32 $0x5080, s11;
	[sflag:s29] =	ssyncadd.s32 $0xFFFFE000  }
0xf0: {  	[spmem:s2] =	stream.indirect.scatter.add.f32 [tilespmem:s22], [sflag:$0x6], $0x40, s0, s20, $0xb8;
	[tilespmem:$0x1B800] =	vst v63  }
0xf1: {  	_ =	swait.ge [sflag:s30], $0x2000  }
0xf2: {  	[sflag:s30] =	ssyncset.done $0x0  }
0xf3: {  	s0 =	sadd.s32 $0x5100, s11;
	[sflag:s30] =	ssyncadd.s32 $0xFFFFE000  }
0xf4: {  	[spmem:s2] =	stream.indirect.scatter.add.f32 [tilespmem:s24], [sflag:$0x7], $0x40, s0, s20, $0xb8;
	[tilespmem:$0x1B800] =	vst v63  }
0xf5: {  	_ =	swait.ge [sflag:s31], $0x2000  }
0xf6: {  	[sflag:s31] =	ssyncset.done $0x0  }
0xf7: {  	s0 =	sadd.s32 $0x5180, s11;
	[sflag:s31] =	ssyncadd.s32 $0xFFFFE000  }
0xf8: {  	[spmem:s2] =	stream.indirect.scatter.add.f32 [tilespmem:s26], [sflag:$0x8], $0x40, s0, s20, $0xb8;
	[tilespmem:$0x1B800] =	vst v63  }
0xf9: {  	_ =	swait.ge [sflag:s1], $0x2000  }
0xfa: {  	[sflag:s1] =	ssyncset.done $0x0  }
0xfb: {  	s0 =	sadd.s32 $0x2A00, s11;
	[sflag:s1] =	ssyncadd.s32 $0xFFFFE000  }
0xfc: {  	[tilespmem:s21], [sflag:$0x1] =	stream.indirect.gather [hbm4b:s4+s20], $0x40, s0, s20, $0xb8;
	[tilespmem:$0x1B800] =	vst v63  }
0xfd: {  	_ =	swait.ge [sflag:s18], $0x2000  }
0xfe: {  	[sflag:s18] =	ssyncset.done $0x0  }
0xff: {  	s0 =	sadd.s32 $0x2A80, s11;
	[sflag:s18] =	ssyncadd.s32 $0xFFFFE000  }
0x100: {  	[tilespmem:s22], [sflag:$0x2] =	stream.indirect.gather [hbm4b:s4+s20], $0x40, s0, s20, $0xb8;
	[tilespmem:$0x1B800] =	vst v63  }
0x101: {  	_ =	swait.ge [sflag:s23], $0x2000  }
0x102: {  	[sflag:s23] =	ssyncset.done $0x0  }
.Ltmp2:
0x103: {  	s0 =	sadd.s32 $0x2B00, s11;
	[sflag:s23] =	ssyncadd.s32 $0xFFFFE000;
	(pc) =	sbr.rel @p0 .LBB2_6-.Ltmp2, $4  }
0x104: {  	[tilespmem:s24], [sflag:$0x3] =	stream.indirect.gather [hbm4b:s4+s20], $0x40, s0, s20, $0xb8;
	[tilespmem:$0x1B800] =	vst v63  }
0x105: {  	_ =	swait.ge [sflag:s25], $0x2000  }
0x106: {  	[sflag:s25] =	ssyncset.done $0x0  }
0x107: {  	s11 =	sadd.s32 $0x2B80, s11;
	[sflag:s25] =	ssyncadd.s32 $0xFFFFE000  }
0x108: {  	[tilespmem:s26], [sflag:$0x4] =	stream.indirect.gather [hbm4b:s4+s20], $0x40, s11, s20, $0xb8;
	[tilespmem:$0x1B800] =	vst v63  }
0x109: {  	_ =	swait.ge [sflag:s28], $0x2000  }
0x10a: {  	[sflag:s28] =	ssyncset.done $0x0  }
0x10b: {  	s0 =	simm.s32 $0x7600;
	[sflag:s28] =	ssyncadd.s32 $0xFFFFE000  }
0x10c: {  	[spmem:s2] =	stream.indirect.scatter.add.f32 [tilespmem:s21], [sflag:$0x5], $0x40, s0, s20, $0xb8;
	[tilespmem:$0x1B800] =	vst v63  }
0x10d: {  	_ =	swait.ge [sflag:s29], $0x2000  }
0x10e: {  	[sflag:s29] =	ssyncset.done $0x0  }
0x10f: {  	[sflag:s29] =	ssyncadd.s32 $0xFFFFE000  }
0x110: {  	[spmem:s2] =	stream.indirect.scatter.add.f32 [tilespmem:s22], [sflag:$0x6], $0x40, s5, s20, $0xb8;
	[tilespmem:$0x1B800] =	vst v63  }
0x111: {  	_ =	swait.ge [sflag:s30], $0x2000  }
0x112: {  	[sflag:s30] =	ssyncset.done $0x0  }
0x113: {  	[sflag:s30] =	ssyncadd.s32 $0xFFFFE000  }
0x114: {  	[spmem:s2] =	stream.indirect.scatter.add.f32 [tilespmem:s24], [sflag:$0x7], $0x40, s6, s20, $0xb8;
	[tilespmem:$0x1B800] =	vst v63  }
0x115: {  	_ =	swait.ge [sflag:s31], $0x2000  }
0x116: {  	[sflag:s31] =	ssyncset.done $0x0  }
0x117: {  	[sflag:s31] =	ssyncadd.s32 $0xFFFFE000  }
0x118: {  	[spmem:s2] =	stream.indirect.scatter.add.f32 [tilespmem:s26], [sflag:$0x8], $0x40, s7, s20, $0xb8;
	[tilespmem:$0x1B800] =	vst v63  }
0x119: {  	_ =	swait.ge [sflag:s1], $0x2000  }
0x11a: {  	[sflag:s1] =	ssyncset.done $0x0  }
0x11b: {  	[sflag:s1] =	ssyncadd.s32 $0xFFFFE000  }
0x11c: {  	_ =	swait.ge [sflag:s18], $0x2000  }
0x11d: {  	[sflag:s18] =	ssyncset.done $0x0  }
0x11e: {  	[sflag:s18] =	ssyncadd.s32 $0xFFFFE000  }
0x11f: {  	_ =	swait.ge [sflag:s23], $0x2000  }
0x120: {  	[sflag:s23] =	ssyncset.done $0x0  }
0x121: {  	[sflag:s23] =	ssyncadd.s32 $0xFFFFE000  }
0x122: {  	_ =	swait.ge [sflag:s25], $0x2000  }
0x123: {  	[sflag:s25] =	ssyncset.done $0x0  }
0x124: {  	[sflag:s25] =	ssyncadd.s32 $0xFFFFE000  }
0x125: {  	[bflag:$0x0] =	sbarrier.arrive $0xFFFF  }
0x126: {  	s11 =	rddreg [dreg:$0x8]  }
0x127: {  	[hbm:s11], [sflag:s9] =	dma.local [spmem:s10], $0x1400  }
0x128: {  	_ =	swait.ge [sflag:s16], $0x1400  }
0x129: {  	s3 =	sadd.s32 $0x1, s3;
	s17 =	rddreg [dreg:$0x9]  }
0x12a: {  	p0 =	sne.s32 s3, s17  }
.Ltmp3:
0x12b: {  	_ = 	snop;
	(pc) =	sbr.rel @p0 .LBB2_1-.Ltmp3, $3  }
0x12c: {  	_ =	sdelay $0x1  }
0x12d: {  	[sflag:s16] =	ssyncset.done $0x0  }
0x12e: {  	[sflag:s16] =	ssyncadd.s32 $0xFFFFEC00;
	s17 =	simm.s32 $0x2800  }
0x12f: {  	_ =	sfence.sel $0x180000  }
0x130: {  	[bflag:$0x0] =	sbarrier.arrive $0xFFFF  }
0x131: {  	_ =	strace $0x9000004D  }
0x132: {  	s0 =	stileid.u32;
	[bflag:$0x2] =	sbarrier.arrive $0xFFFF  }
0x133: {  	p0 =	sne.s32 s0, $0x0;
	s0 =	rddreg [dreg:$0x3]  }
0x134: {  	s0 =	sadd.s32 @!p0 $0x100000, s0  }
0x135: {  	[sflag:s0] =	ssyncadd.tile.s32 @!p0 $0x1;
	_ =	shalt  }
.Lfunc_end2:
_tile_overlayer_lowered:
.L_overlay_start_2:
0x136: {  	(tag) =	ssettag $0x2  }
0x137: {  	s0 =	rddreg [dreg:$0x0];
	s2 =	stileid.u32  }
0x138: {  	s1 =	rddreg [dreg:$0x1];
	p0 =	sne.s32 s2, $0x0  }
0x139: {  	s3 =	rddreg [dreg:$0x2];
	[bflag:$0x3] =	sbarrier.arrive $0xFFFF;
	s2 =	simm.s32 @!p0 $0x1C09  }
0x13a: {  	[timem:s3], [sflag:s2] =	dma.local @!p0 [hbm:s0], s1  }
0x13b: {  	s0 =	simm.s32 @!p0 $0x9  }
0x13c: {  	_ =	swait.ge @!p0 [sflag:s0], s1  }
0x13d: {  	s1 =	ssub.s32 @!p0 $0x0, s1;
	[sflag:s0] =	ssyncset.done @!p0 $0x0  }
0x13e: {  	[sflag:s0] =	ssyncadd.s32 @!p0 s1  }
0x13f: {  	[bflag:$0x3] =	sbarrier.arrive $0xFFFF  }
0x140: {  	_ =	shalt  }

// kernel: kernel.19.cloned.1.call-start
scs
__scs_entry_jumppad:
0x0: {  	(pc) =	sbr.rel $0x88, $3  }
0x1: {  	(tag) =	ssettag $0x0;
	lr =	simm.s32 $0x1  }
0x2: {  	[smem:$0x3F95] =	sst lr;
	_ =	strace $0xD0000000  }
0x3: {  	_ = 	snop  }
0x4: {  	_ = 	snop  }
0x5: {  	_ = 	snop  }
0x6: {  	_ = 	snop  }
0x7: {  	_ = 	snop  }
__scs_overlays_trampoline_lowered:
0x8: {  	[smem:$0x3FA4] =	sst s0  }
0x9: {  	[smem:$0x3FA5] =	sst s1  }
0xa: {  	[smem:$0x3FA6] =	sst s2  }
0xb: {  	[smem:$0x3FA7] =	sst s3  }
0xc: {  	[smem:$0x3FA8] =	sst s4  }
0xd: {  	[smem:$0x3FA9] =	sst s5  }
0xe: {  	[smem:$0x3FAA] =	sst s6  }
0xf: {  	[smem:$0x3FAB] =	sst s7  }
0x10: {  	[smem:$0x3FAC] =	sst s8  }
0x11: {  	[smem:$0x3FAD] =	sst s9;
	s0 =	simm.s32 @!p0 $0x0  }
0x12: {  	s1 =	sld [smem:$0x3F93];
	s0 =	simm.s32 @p0 $0x1  }
0x13: {  	[smem:$0x3FAE] =	sst s0;
	s0 =	simm.s32 @!p1 $0x0  }
0x14: {  	s2 =	sld [smem:$0x3F92];
	s0 =	simm.s32 @p1 $0x1  }
0x15: {  	[smem:$0x3FAF] =	sst s0;
	s0 =	simm.s32 @!p2 $0x0  }
0x16: {  	s3 =	sld [smem:$0x3FDB];
	s0 =	simm.s32 @p2 $0x1  }
0x17: {  	s4 =	simm.s32 $0x1BF5;
	[smem:$0x3FB1] =	sst s0  }
0x18: {  	s0 =	sld [smem:$0x3F94];
	_ =	swait.ge [sflag:s4], $0x0  }
0x19: {  	s7 =	sld [smem:$0x3F95]  }
0x1a: {  	s8 =	sadd.s32 $0xFFFFE003, lr  }
0x1b: {  	s9 =	sadd.s32 $0xFFFFFEF7, lr;
	s5 =	simm.s32 $0xFFFFFFFF;
	p2 =	slt.u32 s8, $0xFFFFF086  }
0x1c: {  	p1 =	slt.u32 s9, $0xF7A;
	s5 =	simm.s32 @!p2 $0x0  }
0x1d: {  	s5 =	simm.s32 @p1 $0x1;
	p0 =	seq.s32 s7, s2  }
0x1e: {  	s7 =	smul.u32 @!p0 $0xF7A, s2;
	p2 =	seq.s32 @!p0 s5, $0x0  }
0x1f: {  	s9 =	smul.u32 $0xF7A, s1;
	s8 =	simm.s32 @!p0 $0x1BF5;
	p2 =	por !p2, p0  }
0x20: {  	[sflag:s8] =	ssyncset.s32 @!p0 $0xFFFFF086;
	s6 =	sadd.s32 @!p0 s3, s7;
	s7 =	simm.s32 @!p0 $0x108  }
0x21: {  	s3 =	sadd.s32 s3, s9;
	s6 =	sadd.s32 @!p0 $0x88, s6;
	s7 =	simm.s32 @p2 $0x1082  }
0x22: {  	[simem:s7], [sflag:s8] =	dma.local @!p0 [hbm:s6], $0xF7A  }
0x23: {  	s9 =	sor.u32 $0xD0000000, s2;
	s6 =	simm.s32 $0x108;
	_ =	swait.ge @!p0 [sflag:s8], $0x0  }
0x24: {  	s3 =	sadd.s32 $0x88, s3;
	s6 =	simm.s32 @!p1 $0x1082;
	[sflag:s4] =	ssyncset.s32 $0xFFFFF086  }
0x25: {  	[simem:s6], [sflag:s4] =	dma.local [hbm:s3], $0xF7A  }
0x26: {  	[smem:$0x3F95] =	sst s1;
	(tag) =	ssettag s2;
	_ =	strace s9  }
0x27: {  	s1 =	sld [smem:$0x3FA5]  }
0x28: {  	s2 =	sld [smem:$0x3FA6]  }
0x29: {  	s4 =	sld [smem:$0x3FA8]  }
0x2a: {  	p0 =	seq.s32 s5, $0x0;
	s5 =	sld [smem:$0x3FA9]  }
0x2b: {  	s6 =	sld [smem:$0x3FAA]  }
0x2c: {  	s7 =	sld [smem:$0x3FAB]  }
0x2d: {  	s3 =	simm.s32 $0x108;
	s8 =	sld [smem:$0x3FAC]  }
0x2e: {  	s3 =	simm.s32 @!p0 $0x1082;
	s9 =	sld [smem:$0x3FAD]  }
0x2f: {  	lr =	sadd.s32 s0, s3;
	s0 =	sld [smem:$0x3FA4]  }
0x30: {  	s3 =	sld [smem:$0x3FA7]  }
0x31: {  	[smem:$0x3FB0] =	sst s10  }
0x32: {  	s10 =	sld [smem:$0x3FAE];
	_ =	sdelay $0x3  }
0x33: {  	p0 =	seq.s32 s10, $0x1;
	s10 =	sld [smem:$0x3FB0];
	_ =	sdelay $0x3  }
0x34: {  	[smem:$0x3FB0] =	sst s10  }
0x35: {  	s10 =	sld [smem:$0x3FAF];
	_ =	sdelay $0x3  }
0x36: {  	p1 =	seq.s32 s10, $0x1;
	s10 =	sld [smem:$0x3FB0];
	_ =	sdelay $0x3  }
0x37: {  	[smem:$0x3FB0] =	sst s10  }
0x38: {  	s10 =	sld [smem:$0x3FB1]  }
0x39: {  	_ = 	snop;
	(pc) =	sbr.ind lr, $3  }
0x3a: {  	_ = 	snop  }
0x3b: {  	_ = 	snop  }
0x3c: {  	p2 =	seq.s32 s10, $0x1;
	s10 =	sld [smem:$0x3FB0]  }
0x3d: {  	_ =	shalt  }
0x3e: {  	_ =	shalt  }
0x3f: {  	_ =	shalt  }
0x40: {  	_ =	shalt  }
0x41: {  	_ =	shalt  }
0x42: {  	_ =	shalt  }
0x43: {  	_ =	shalt  }
0x44: {  	_ =	shalt  }
0x45: {  	_ =	shalt  }
0x46: {  	_ =	shalt  }
0x47: {  	_ =	shalt  }
0x48: {  	_ =	shalt  }
0x49: {  	_ =	shalt  }
0x4a: {  	_ =	shalt  }
0x4b: {  	_ =	shalt  }
0x4c: {  	_ =	shalt  }
0x4d: {  	_ =	shalt  }
0x4e: {  	_ =	shalt  }
0x4f: {  	_ =	shalt  }
0x50: {  	_ =	shalt  }
0x51: {  	_ =	shalt  }
0x52: {  	_ =	shalt  }
0x53: {  	_ =	shalt  }
0x54: {  	_ =	shalt  }
0x55: {  	_ =	shalt  }
0x56: {  	_ =	shalt  }
0x57: {  	_ =	shalt  }
0x58: {  	_ =	shalt  }
0x59: {  	_ =	shalt  }
0x5a: {  	_ =	shalt  }
0x5b: {  	_ =	shalt  }
0x5c: {  	_ =	shalt  }
0x5d: {  	_ =	shalt  }
0x5e: {  	_ =	shalt  }
0x5f: {  	_ =	shalt  }
0x60: {  	_ =	shalt  }
0x61: {  	_ =	shalt  }
0x62: {  	_ =	shalt  }
0x63: {  	_ =	shalt  }
0x64: {  	_ =	shalt  }
0x65: {  	_ =	shalt  }
0x66: {  	_ =	shalt  }
0x67: {  	_ =	shalt  }
0x68: {  	_ =	shalt  }
0x69: {  	_ =	shalt  }
0x6a: {  	_ =	shalt  }
0x6b: {  	_ =	shalt  }
0x6c: {  	_ =	shalt  }
0x6d: {  	_ =	shalt  }
0x6e: {  	_ =	shalt  }
0x6f: {  	_ =	shalt  }
0x70: {  	_ =	shalt  }
0x71: {  	_ =	shalt  }
0x72: {  	_ =	shalt  }
0x73: {  	_ =	shalt  }
0x74: {  	_ =	shalt  }
0x75: {  	_ =	shalt  }
0x76: {  	_ =	shalt  }
0x77: {  	_ =	shalt  }
0x78: {  	_ =	shalt  }
0x79: {  	_ =	shalt  }
0x7a: {  	_ =	shalt  }
0x7b: {  	_ =	shalt  }
0x7c: {  	_ =	shalt  }
0x7d: {  	_ =	shalt  }
0x7e: {  	_ =	shalt  }
0x7f: {  	_ =	shalt  }
0x80: {  	_ =	shalt  }
0x81: {  	_ =	shalt  }
0x82: {  	_ =	shalt  }
0x83: {  	_ =	shalt  }
0x84: {  	_ =	shalt  }
0x85: {  	_ =	shalt  }
0x86: {  	_ =	shalt  }
0x87: {  	_ =	shalt  }
.Lfunc_end0:
.L_simem_size_0:
called_computation.3_lowered:
.L_overlay_start_0:
0x88: {  	s2 =	sld [smem:$0x3FD9]  }
0x89: {  	s3 =	sld [smem:$0x3FFE];
	_ =	sdelay $0x1  }
0x8a: {  	s1 =	srdreg.scid  }
0x8b: {  	s0 =	sand.u32 $0x1, s1  }
0x8c: {  	s16 =	sshll.u32 s0, $0xA;
	s2 =	sadd.s32 s3, s2  }
0x8d: {  	s2 =	sadd.s32 s2, s16  }
0x8e: {  	[smem:$0x3FBC] =	sst s2  }
0x8f: {  	_ = 	snop  }
0x90: {  	(tm) =	ssettm $0x1  }
0x91: {  	s17 =	sld [smem:$0x3FFB];
	_ =	sdelay $0x3  }
0x92: {  	_ =	strace s17  }
0x93: {  	s2 =	sld [smem:$0x3FFC];
	_ =	sdelay $0x3  }
0x94: {  	_ =	strace s2  }
0x95: {  	s2 =	sld [smem:$0x3FFD];
	_ =	sdelay $0x3  }
0x96: {  	_ =	strace s2  }
0x97: {  	_ =	strace $0x8FFFFFFF  }
0x98: {  	s18 =	sld [smem:$0x3FDB];
	_ =	sdelay $0x1  }
0x99: {  	s19 =	simm.s32 $_scs_section_size  }
0x9a: {  	s4 =	simm.s32 $_size__tile_overlayer_lowered;
	s5 =	simm.s32 $_tile_overlayer_lowered  }
0x9b: {  	s22 =	simm.s32 $0x1BFF;
	s21 =	sshll.u32 s5, $0x1;
	s2 =	sadd.s32 s19, s18  }
0x9c: {  	s6 =	simm.s32 $0x0;
	s20 =	sshll.u32 s4, $0x1;
	s4 =	sadd.s32 s21, s2  }
0x9d: {  	[timem:s6], [sflag:s22] =	dma.local [hbm:s4], s20  }
0x9e: {  	_ =	swait.ge [sflag:s22], s20  }
0x9f: {  	s3 =	ssub.s32 $0x0, s20;
	[sflag:s22] =	ssyncset.done $0x0  }
0xa0: {  	[sflag:s22] =	ssyncadd.s32 s3;
	_ =	sdelay $0x1  }
0xa1: {  	s23 =	simm.s32 $0x1B8B  }
0xa2: {  	_ =	swait.ge [sflag:s23], $0x1  }
0xa3: {  	[sflag:s23] =	ssyncset.done $0x0  }
0xa4: {  	s25 =	simm.s32 $0x1B8E;
	s24 =	sld [smem:$0x3FFE];
	[sflag:s23] =	ssyncadd.s32 $0xFFFFFFFF  }
0xa5: {  	s26 =	simm.s32 $execute0_lowered;
	[smem:$0x3FD2] =	sst s25  }
0xa6: {  	s4 =	sshll.u32 s26, $0x1;
	_ =	strace $0x8000004F;
	[dreg:$0x1] =	wrdreg $0xFFFFFFFF  }
0xa7: {  	s28 =	simm.s32 $_size_execute0_lowered;
	s2 =	sadd.s32 s2, s4;
	[dreg:$0x0] =	wrdreg $0x0  }
0xa8: {  	s4 =	sshll.u32 s28, $0x1;
	[dreg:$0x2] =	wrdreg s2  }
0xa9: {  	[dreg:$0x3] =	wrdreg s4  }
0xaa: {  	[dreg:$0x4] =	wrdreg $0xC0  }
0xab: {  	_ =	task [dreg:s6], $0x5FFFF  }
0xac: {  	[dreg:$0x1] =	wrdreg $0xFFFFFFFF  }
0xad: {  	[dreg:$0x0] =	wrdreg $0x60  }
0xae: {  	[dreg:$0x2] =	wrdreg s24  }
0xaf: {  	[dreg:$0x3] =	wrdreg $0xC8000  }
0xb0: {  	[dreg:$0x4] =	wrdreg $0x9  }
0xb1: {  	_ =	task.clear_ibuf [dreg:s6], $0x5FFFF;
	_ =	strace $0x9000004F  }
0xb2: {  	s29 =	simm.s32 $0x9;
	_ =	strace $0x80000051  }
0xb3: {  	_ =	swait.ge [sflag:s29], $0x1  }
0xb4: {  	[sflag:s29] =	ssyncadd.s32 $0xFFFFFFFF  }
0xb5: {  	_ =	strace $0x90000051  }
0xb6: {  	_ =	sfence  }
0xb7: {  	s30 =	sld [smem:$0x0];
	_ =	sdelay $0x2  }
0xb8: {  	s31 =	sshll.u32 s1, $0xD;
	s1 =	sshrl.u32 s1, $0x2  }
0xb9: {  	s3 =	sand.u32 $0x4000, s31;
	s1 =	sadd.s32 s1, s30  }
0xba: {  	s0 =	sor.u32 s3, s0;
	s1 =	sshll.u32 s1, $0x11  }
0xbb: {  	s0 =	sor.u32 s1, s0  }
0xbc: {  	s0 =	sadd.s32 $0x8F2B, s0  }
0xbd: {  	[sflag:s0] =	ssyncadd.remote.s32 $0x1  }
0xbe: {  	_ =	sfence.sel $0xFFFF  }
0xbf: {  	[dreg:$0x0] =	wrdreg $0xFFFFFFFF;
	(pc) =	sbr.abs _section_cstart, $3  }
0xc0: {  	[dreg:$0x1] =	wrdreg $0xFFFFFFFF  }
0xc1: {  	_ =	task.clear_ibuf [dreg:s6], $0x2FFFF;
	_ =	strace $0x9FFFFFFF  }
0xc2: {  	(tm) =	ssettm $0x7FFFFFFF  }
0xc3: {  	_ =	shalt  }
tec
execute0_lowered:
.L_overlay_start_1:
0x0: {  	(tag) =	ssettag $0x1  }
0x1: {  	s0 =	rddreg [dreg:$0x0]  }
0x2: {  	s1 =	rddreg [dreg:$0x1]  }
0x3: {  	s2 =	srdreg.scid;
	s3 =	simm.s32 $0x0;
	s8 =	stileid.u32  }
0x4: {  	s14 =	simm.s32 $0x9;
	s16 =	simm.s32 $0xA800;
	s17 =	simm.s32 $0x80  }
0x5: {  	s18 =	simm.s32 $0x2800;
	s19 =	simm.s32 $0x4800;
	s21 =	simm.s32 $0x6800  }
0x6: {  	s23 =	simm.s32 $0x8800;
	s24 =	simm.s32 $0x1;
	s28 =	simm.s32 $0x4  }
0x7: {  	s29 =	simm.s32 $0x5;
	s30 =	simm.s32 $0x6;
	s31 =	simm.s32 $0x7  }
0x8: {  	s22 =	simm.s32 $0x2780;
	s2 =	sand.u32 $0x1, s2;
	s7 =	smul.u32 $0x1400, s8  }
0x9: {  	[smem:$0x7FF] =	sst s3;
	s25 =	smul.u32 $0x28000, s8;
	s4 =	sshll.u32 s2, $0x4  }
0xa: {  	s5 =	smul.u32 $0x14000, s2;
	_ =	strace $0x80000050;
	s2 =	ssub.s32 $0x2, s2  }
0xb: {  	s6 =	sor.u32 s8, s4;
	s4 =	sadd.s32 $0x7600, s0;
	s26 =	sshrl.u32 s2, $0x1  }
0xc: {  	s6 =	smul.u32 $0x280, s6;
	s5 =	sadd.s32 s7, s5;
	s2 =	ssub.s32 s2, s26  }
0xd: {  	s7 =	sshrl.u32 s25, $0x2;
	s25 =	simm.s32 $0x2;
	s26 =	simm.s32 $0x3  }
0xe: {  	s7 =	sadd.s32 s7, s1;
	s9 =	smax.u32 s2, $0x1;
	s6 =	sadd.s32 s6, s0  }
0xf: {  	s0 =	sadd.s32 s5, s0;
	s10 =	sadd.s32 $0x2000, s7;
	s11 =	sadd.s32 $0x4000, s7  }
0x10: {  	s12 =	sadd.s32 $0x6000, s7;
	s13 =	sadd.s32 $0x8000, s7;
	s5 =	sadd.s32 $0x60200, s6  }
0x11: {  	v0 =	vimm.f32 $0.0e+00;
	s6 =	sadd.s32 $0x2600, s6;
	s8 =	sadd.s32 $0x1B000, s0;
	s0 =	simm.s32 $0x8  }
.LBB2_1:
0x12: {  	s15 =	simm.s32 $0x100;
	s2 =	simm.s32 $0x0  }
.LBB2_2:
0x13: {  	p0 =	sne.s32 s15, $0x7F00;
	[tilespmem:s2+$0xA830] =	vst v0;
	s20 =	smov.u32 s15;
	s15 =	sadd.s32 $0x100, s15  }
.Ltmp0:
0x14: {  	[tilespmem:s2+$0xA820] =	vst v0;
	(pc) =	sbr.rel @p0 .LBB2_2-.Ltmp0, $3  }
0x15: {  	[tilespmem:s2+$0xA800] =	vst v0  }
0x16: {  	[tilespmem:s2+$0xA810] =	vst v0;
	_ =	sdelay $0x1  }
0x17: {  	s2 =	sshra.s32 s20, $0x2  }
0x18: {  	[tilespmem:s2+$0xA830] =	vst v0  }
0x19: {  	[tilespmem:s2+$0xA820] =	vst v0  }
0x1a: {  	[tilespmem:s2+$0xA800] =	vst v0  }
0x1b: {  	[tilespmem:s2+$0xA810] =	vst v0;
	s20 =	simm.s32 $0x0  }
0x1c: {  	[tilespmem:s20], [sflag:$0x9] =	stream.linear.gather [hbm4b:s5+s20], $0x1400, $0x38;
	[tilespmem:$0x16800] =	vst v63  }
0x1d: {  	_ =	swait.ge [sflag:s14], $0x1400  }
0x1e: {  	[sflag:s14] =	ssyncset.done $0x0  }
0x1f: {  	s15 =	simm.s32 $0x1400;
	[sflag:s14] =	ssyncadd.s32 $0xFFFFEC00  }
0x20: {  	[tilespmem:s15], [sflag:$0x9] =	stream.linear.gather [hbm4b:s6+s20], $0x1400, $0x38;
	[tilespmem:$0x16800] =	vst v63  }
0x21: {  	_ =	swait.ge [sflag:s14], $0x1400  }
0x22: {  	[sflag:s14] =	ssyncset.done $0x0  }
0x23: {  	[sflag:s14] =	ssyncadd.s32 $0xFFFFEC00  }
0x24: {  	[spmem:s7] =	stream.linear.scatter [tilespmem:s16], [sflag:$0x9], $0x2000, $0x38;
	[tilespmem:$0x16800] =	vst v63  }
0x25: {  	_ =	swait.ge [sflag:s14], $0x2000  }
0x26: {  	[sflag:s14] =	ssyncset.done $0x0  }
0x27: {  	[sflag:s14] =	ssyncadd.s32 $0xFFFFE000  }
0x28: {  	[spmem:s10] =	stream.linear.scatter [tilespmem:s16], [sflag:$0x9], $0x2000, $0x38;
	[tilespmem:$0x16800] =	vst v63  }
0x29: {  	_ =	swait.ge [sflag:s14], $0x2000  }
0x2a: {  	[sflag:s14] =	ssyncset.done $0x0  }
0x2b: {  	[sflag:s14] =	ssyncadd.s32 $0xFFFFE000  }
0x2c: {  	[spmem:s11] =	stream.linear.scatter [tilespmem:s16], [sflag:$0x9], $0x2000, $0x38;
	[tilespmem:$0x16800] =	vst v63  }
0x2d: {  	_ =	swait.ge [sflag:s14], $0x2000  }
0x2e: {  	[sflag:s14] =	ssyncset.done $0x0  }
0x2f: {  	[sflag:s14] =	ssyncadd.s32 $0xFFFFE000  }
0x30: {  	[spmem:s12] =	stream.linear.scatter [tilespmem:s16], [sflag:$0x9], $0x2000, $0x38;
	[tilespmem:$0x16800] =	vst v63  }
0x31: {  	_ =	swait.ge [sflag:s14], $0x2000  }
0x32: {  	[sflag:s14] =	ssyncset.done $0x0  }
0x33: {  	[sflag:s14] =	ssyncadd.s32 $0xFFFFE000  }
0x34: {  	[spmem:s13] =	stream.linear.scatter [tilespmem:s16], [sflag:$0x9], $0x2000, $0x38;
	[tilespmem:$0x16800] =	vst v63  }
0x35: {  	_ =	swait.ge [sflag:s14], $0x2000  }
0x36: {  	[sflag:s14] =	ssyncset.done $0x0  }
0x37: {  	[sflag:s14] =	ssyncadd.s32 $0xFFFFE000  }
0x38: {  	[bflag:$0x0] =	sbarrier.arrive $0xFFFF  }
0x39: {  	[tilespmem:s18], [sflag:$0x1] =	stream.indirect.gather [hbm4b:s4+s17], $0x40, s20, s17, $0xb8;
	[tilespmem:$0x16800] =	vst v63  }
0x3a: {  	_ = 	snop  }
0x3b: {  	[tilespmem:s19], [sflag:$0x2] =	stream.indirect.gather [hbm4b:s4+s17], $0x40, s17, s17, $0xb8;
	[tilespmem:$0x16800] =	vst v63  }
0x3c: {  	s20 =	simm.s32 $0x100  }
0x3d: {  	[tilespmem:s21], [sflag:$0x3] =	stream.indirect.gather [hbm4b:s4+s17], $0x40, s20, s17, $0xb8;
	[tilespmem:$0x16800] =	vst v63  }
0x3e: {  	s15 =	simm.s32 $0x180  }
0x3f: {  	[tilespmem:s23], [sflag:$0x4] =	stream.indirect.gather [hbm4b:s4+s17], $0x40, s15, s17, $0xb8;
	[tilespmem:$0x16800] =	vst v63  }
0x40: {  	_ =	swait.ge [sflag:s24], $0x2000  }
0x41: {  	[sflag:s24] =	ssyncset.done $0x0  }
0x42: {  	s20 =	simm.s32 $0x1400;
	[sflag:s24] =	ssyncadd.s32 $0xFFFFE000  }
0x43: {  	[spmem:s1] =	stream.indirect.scatter.add.f32 [tilespmem:s18], [sflag:$0x5], $0x40, s20, s17, $0xb8;
	[tilespmem:$0x16800] =	vst v63  }
0x44: {  	_ =	swait.ge [sflag:s25], $0x2000  }
0x45: {  	[sflag:s25] =	ssyncset.done $0x0  }
0x46: {  	s15 =	simm.s32 $0x1480;
	[sflag:s25] =	ssyncadd.s32 $0xFFFFE000  }
0x47: {  	[spmem:s1] =	stream.indirect.scatter.add.f32 [tilespmem:s19], [sflag:$0x6], $0x40, s15, s17, $0xb8;
	[tilespmem:$0x16800] =	vst v63  }
0x48: {  	_ =	swait.ge [sflag:s26], $0x2000  }
0x49: {  	[sflag:s26] =	ssyncset.done $0x0  }
0x4a: {  	s20 =	simm.s32 $0x1500;
	[sflag:s26] =	ssyncadd.s32 $0xFFFFE000  }
0x4b: {  	[spmem:s1] =	stream.indirect.scatter.add.f32 [tilespmem:s21], [sflag:$0x7], $0x40, s20, s17, $0xb8;
	[tilespmem:$0x16800] =	vst v63  }
0x4c: {  	_ =	swait.ge [sflag:s28], $0x2000  }
0x4d: {  	[sflag:s28] =	ssyncset.done $0x0  }
0x4e: {  	s15 =	simm.s32 $0x1580;
	[sflag:s28] =	ssyncadd.s32 $0xFFFFE000  }
0x4f: {  	[spmem:s1] =	stream.indirect.scatter.add.f32 [tilespmem:s23], [sflag:$0x8], $0x40, s15, s17, $0xb8;
	[tilespmem:$0x16800] =	vst v63  }
0x50: {  	_ =	swait.ge [sflag:s29], $0x2000  }
0x51: {  	[sflag:s29] =	ssyncset.done $0x0  }
0x52: {  	s20 =	simm.s32 $0x200;
	[sflag:s29] =	ssyncadd.s32 $0xFFFFE000  }
0x53: {  	[tilespmem:s18], [sflag:$0x1] =	stream.indirect.gather [hbm4b:s4+s17], $0x40, s20, s17, $0xb8;
	[tilespmem:$0x16800] =	vst v63  }
0x54: {  	_ =	swait.ge [sflag:s30], $0x2000  }
0x55: {  	[sflag:s30] =	ssyncset.done $0x0  }
0x56: {  	s15 =	simm.s32 $0x280;
	[sflag:s30] =	ssyncadd.s32 $0xFFFFE000  }
0x57: {  	[tilespmem:s19], [sflag:$0x2] =	stream.indirect.gather [hbm4b:s4+s17], $0x40, s15, s17, $0xb8;
	[tilespmem:$0x16800] =	vst v63  }
0x58: {  	_ =	swait.ge [sflag:s31], $0x2000  }
0x59: {  	[sflag:s31] =	ssyncset.done $0x0  }
0x5a: {  	s20 =	simm.s32 $0x300;
	[sflag:s31] =	ssyncadd.s32 $0xFFFFE000  }
0x5b: {  	[tilespmem:s21], [sflag:$0x3] =	stream.indirect.gather [hbm4b:s4+s17], $0x40, s20, s17, $0xb8;
	[tilespmem:$0x16800] =	vst v63  }
0x5c: {  	_ =	swait.ge [sflag:s0], $0x2000  }
0x5d: {  	[sflag:s0] =	ssyncset.done $0x0  }
0x5e: {  	s2 =	simm.s32 $0x380;
	s15 =	simm.s32 $0x800;
	[sflag:s0] =	ssyncadd.s32 $0xFFFFE000  }
.LBB2_4:
0x5f: {  	[tilespmem:s23], [sflag:$0x4] =	stream.indirect.gather [hbm4b:s4+s17], $0x40, s2, s17, $0xb8;
	[tilespmem:$0x16800] =	vst v63  }
0x60: {  	s2 =	smov.u32 s15  }
0x61: {  	p0 =	sne.s32 s15, $0x4000;
	s15 =	sadd.s32 $0x800, s15;
	_ =	swait.ge [sflag:s24], $0x2000  }
0x62: {  	s2 =	sshra.s32 s2, $0x2;
	[sflag:s24] =	ssyncset.done $0x0  }
0x63: {  	s20 =	sadd.s32 $0x1400, s2;
	[sflag:s24] =	ssyncadd.s32 $0xFFFFE000  }
0x64: {  	[spmem:s1] =	stream.indirect.scatter.add.f32 [tilespmem:s18], [sflag:$0x5], $0x40, s20, s17, $0xb8;
	[tilespmem:$0x16800] =	vst v63  }
0x65: {  	_ =	swait.ge [sflag:s25], $0x2000  }
0x66: {  	[sflag:s25] =	ssyncset.done $0x0  }
0x67: {  	s20 =	sadd.s32 $0x1480, s2;
	[sflag:s25] =	ssyncadd.s32 $0xFFFFE000  }
0x68: {  	[spmem:s1] =	stream.indirect.scatter.add.f32 [tilespmem:s19], [sflag:$0x6], $0x40, s20, s17, $0xb8;
	[tilespmem:$0x16800] =	vst v63  }
0x69: {  	_ =	swait.ge [sflag:s26], $0x2000  }
0x6a: {  	[sflag:s26] =	ssyncset.done $0x0  }
0x6b: {  	s20 =	sadd.s32 $0x1500, s2;
	[sflag:s26] =	ssyncadd.s32 $0xFFFFE000  }
0x6c: {  	[spmem:s1] =	stream.indirect.scatter.add.f32 [tilespmem:s21], [sflag:$0x7], $0x40, s20, s17, $0xb8;
	[tilespmem:$0x16800] =	vst v63  }
0x6d: {  	_ =	swait.ge [sflag:s28], $0x2000  }
0x6e: {  	[sflag:s28] =	ssyncset.done $0x0  }
0x6f: {  	s20 =	sadd.s32 $0x1580, s2;
	[sflag:s28] =	ssyncadd.s32 $0xFFFFE000  }
0x70: {  	[spmem:s1] =	stream.indirect.scatter.add.f32 [tilespmem:s23], [sflag:$0x8], $0x40, s20, s17, $0xb8;
	[tilespmem:$0x16800] =	vst v63  }
0x71: {  	_ =	swait.ge [sflag:s29], $0x2000  }
0x72: {  	[sflag:s29] =	ssyncset.done $0x0  }
0x73: {  	s20 =	sadd.s32 $0x200, s2;
	[sflag:s29] =	ssyncadd.s32 $0xFFFFE000  }
0x74: {  	[tilespmem:s18], [sflag:$0x1] =	stream.indirect.gather [hbm4b:s4+s17], $0x40, s20, s17, $0xb8;
	[tilespmem:$0x16800] =	vst v63  }
0x75: {  	_ =	swait.ge [sflag:s30], $0x2000  }
0x76: {  	[sflag:s30] =	ssyncset.done $0x0  }
0x77: {  	s20 =	sadd.s32 $0x280, s2;
	[sflag:s30] =	ssyncadd.s32 $0xFFFFE000  }
0x78: {  	[tilespmem:s19], [sflag:$0x2] =	stream.indirect.gather [hbm4b:s4+s17], $0x40, s20, s17, $0xb8;
	[tilespmem:$0x16800] =	vst v63  }
0x79: {  	_ =	swait.ge [sflag:s31], $0x2000  }
0x7a: {  	[sflag:s31] =	ssyncset.done $0x0  }
.Ltmp1:
0x7b: {  	s20 =	sadd.s32 $0x300, s2;
	[sflag:s31] =	ssyncadd.s32 $0xFFFFE000;
	(pc) =	sbr.rel @p0 .LBB2_4-.Ltmp1, $4  }
0x7c: {  	[tilespmem:s21], [sflag:$0x3] =	stream.indirect.gather [hbm4b:s4+s17], $0x40, s20, s17, $0xb8;
	[tilespmem:$0x16800] =	vst v63  }
0x7d: {  	_ =	swait.ge [sflag:s0], $0x2000  }
0x7e: {  	[sflag:s0] =	ssyncset.done $0x0  }
0x7f: {  	s2 =	sadd.s32 $0x380, s2;
	[sflag:s0] =	ssyncadd.s32 $0xFFFFE000  }
0x80: {  	[tilespmem:s23], [sflag:$0x4] =	stream.indirect.gather [hbm4b:s4+s17], $0x40, s2, s17, $0xb8;
	[tilespmem:$0x16800] =	vst v63  }
0x81: {  	_ =	swait.ge [sflag:s24], $0x2000  }
0x82: {  	[sflag:s24] =	ssyncset.done $0x0  }
0x83: {  	s15 =	simm.s32 $0x2600;
	[sflag:s24] =	ssyncadd.s32 $0xFFFFE000  }
0x84: {  	[spmem:s1] =	stream.indirect.scatter.add.f32 [tilespmem:s18], [sflag:$0x5], $0x40, s15, s17, $0xb8;
	[tilespmem:$0x16800] =	vst v63  }
0x85: {  	_ =	swait.ge [sflag:s25], $0x2000  }
0x86: {  	[sflag:s25] =	ssyncset.done $0x0  }
0x87: {  	s20 =	simm.s32 $0x2680;
	[sflag:s25] =	ssyncadd.s32 $0xFFFFE000  }
0x88: {  	[spmem:s1] =	stream.indirect.scatter.add.f32 [tilespmem:s19], [sflag:$0x6], $0x40, s20, s17, $0xb8;
	[tilespmem:$0x16800] =	vst v63  }
0x89: {  	_ =	swait.ge [sflag:s26], $0x2000  }
0x8a: {  	[sflag:s26] =	ssyncset.done $0x0  }
0x8b: {  	s15 =	simm.s32 $0x2700;
	[sflag:s26] =	ssyncadd.s32 $0xFFFFE000  }
0x8c: {  	[spmem:s1] =	stream.indirect.scatter.add.f32 [tilespmem:s21], [sflag:$0x7], $0x40, s15, s17, $0xb8;
	[tilespmem:$0x16800] =	vst v63  }
0x8d: {  	_ =	swait.ge [sflag:s28], $0x2000  }
0x8e: {  	[sflag:s28] =	ssyncset.done $0x0  }
0x8f: {  	[sflag:s28] =	ssyncadd.s32 $0xFFFFE000  }
0x90: {  	[spmem:s1] =	stream.indirect.scatter.add.f32 [tilespmem:s23], [sflag:$0x8], $0x40, s22, s17, $0xb8;
	[tilespmem:$0x16800] =	vst v63  }
0x91: {  	_ =	swait.ge [sflag:s29], $0x2000  }
0x92: {  	[sflag:s29] =	ssyncset.done $0x0  }
0x93: {  	[sflag:s29] =	ssyncadd.s32 $0xFFFFE000  }
0x94: {  	_ =	swait.ge [sflag:s30], $0x2000  }
0x95: {  	[sflag:s30] =	ssyncset.done $0x0  }
0x96: {  	[sflag:s30] =	ssyncadd.s32 $0xFFFFE000  }
0x97: {  	_ =	swait.ge [sflag:s31], $0x2000  }
0x98: {  	[sflag:s31] =	ssyncset.done $0x0  }
0x99: {  	[sflag:s31] =	ssyncadd.s32 $0xFFFFE000  }
0x9a: {  	s20 =	stileid.u32;
	_ =	swait.ge [sflag:s0], $0x2000  }
0x9b: {  	s3 =	sadd.s32 $0x1, s3;
	s2 =	sshll.u32 s20, $0x6;
	[sflag:s0] =	ssyncset.done $0x0  }
0x9c: {  	p0 =	sne.s32 s3, s9;
	s2 =	sor.u32 $0x1C09, s2;
	[sflag:s0] =	ssyncadd.s32 $0xFFFFE000  }
.Ltmp2:
0x9d: {  	s15 =	sshrl.u32 s7, $0x3;
	[bflag:$0x0] =	sbarrier.arrive $0xFFFF;
	(pc) =	sbr.rel @p0 .LBB2_1-.Ltmp2, $4  }
0x9e: {  	[hbm:s8], [sflag:s2] =	dma.local [spmem:s15], $0x1400  }
0x9f: {  	_ =	swait.ge [sflag:s14], $0x1400  }
0xa0: {  	[sflag:s14] =	ssyncset.done $0x0  }
0xa1: {  	[sflag:s14] =	ssyncadd.s32 $0xFFFFEC00  }
0xa2: {  	_ =	sfence.sel $0x180000  }
0xa3: {  	[bflag:$0x0] =	sbarrier.arrive $0xFFFF  }
0xa4: {  	_ =	strace $0x90000050  }
0xa5: {  	s0 =	stileid.u32;
	[bflag:$0x2] =	sbarrier.arrive $0xFFFF  }
0xa6: {  	p0 =	sne.s32 s0, $0x0;
	s0 =	rddreg [dreg:$0x2]  }
0xa7: {  	s0 =	sadd.s32 @!p0 $0x100000, s0  }
0xa8: {  	[sflag:s0] =	ssyncadd.tile.s32 @!p0 $0x1;
	_ =	shalt  }
.Lfunc_end2:
_tile_overlayer_lowered:
.L_overlay_start_2:
0xa9: {  	(tag) =	ssettag $0x2  }
0xaa: {  	s0 =	rddreg [dreg:$0x0];
	s2 =	stileid.u32  }
0xab: {  	s1 =	rddreg [dreg:$0x1];
	p0 =	sne.s32 s2, $0x0  }
0xac: {  	s3 =	rddreg [dreg:$0x2];
	[bflag:$0x3] =	sbarrier.arrive $0xFFFF;
	s2 =	simm.s32 @!p0 $0x1C09  }
0xad: {  	[timem:s3], [sflag:s2] =	dma.local @!p0 [hbm:s0], s1  }
0xae: {  	s0 =	simm.s32 @!p0 $0x9  }
0xaf: {  	_ =	swait.ge @!p0 [sflag:s0], s1  }
0xb0: {  	s1 =	ssub.s32 @!p0 $0x0, s1;
	[sflag:s0] =	ssyncset.done @!p0 $0x0  }
0xb1: {  	[sflag:s0] =	ssyncadd.s32 @!p0 s1  }
0xb2: {  	[bflag:$0x3] =	sbarrier.arrive $0xFFFF  }
0xb3: {  	_ =	shalt  }

</sc_bundles>
